<compile_context>
chip_gen: v7x
topology: tpu7x:2x2x1
jax: 0.10.2.dev20260603
libtpu: 0.0.44.dev20260713+nightly
codegen_flags: <defaults>
</compile_context>

<pallas_src>
import functools

import jax
import jax.numpy as jnp
from jax import lax
from jax.experimental import pallas as pl
from jax.experimental.pallas import tpu as pltpu
from jax.experimental.pallas import tpu_sc as plsc

N = 10000
E = 320000
NP = 10240
NC = 2
NS = 16
NW = NC * NS
EPT = E // NW
RPT = NP // NS

DK = 80
DCHUNK = EPT // DK
DNB = 5

K = 40
NCHUNK = EPT // K
NBUF = 5


def _sc_mesh():
    return plsc.VectorSubcoreMesh(core_axis_name="c", subcore_axis_name="s",
                                  num_cores=NC, num_subcores=NS)


def _sc_degree(dst, ones_k, zeros_npf):

    @functools.partial(
        pl.kernel,
        out_type=jax.ShapeDtypeStruct((NC * NP, 128), jnp.float32),
        mesh=_sc_mesh(),
        scratch_types=[
            pltpu.VMEM((EPT,), jnp.int32),
            pltpu.VMEM((DK, 128), jnp.float32),
            pltpu.VMEM_SHARED((NP, 128), jnp.float32),
            pltpu.SemaphoreType.DMA,
        ],
    )
    def deg_kernel(dst_hbm, ones_hbm, zeros_hbm, out_hbm, idx_all, ones_v,
                   acc, sem_s):
        c = lax.axis_index("c")
        s = lax.axis_index("s")
        row0 = s * RPT
        wid = c * NS + s
        dz = pltpu.async_copy(zeros_hbm.at[pl.ds(row0, RPT)],
                              acc.at[pl.ds(row0, RPT)], sem_s)
        d1 = pltpu.async_copy(ones_hbm, ones_v, sem_s)
        d2 = pltpu.async_copy(dst_hbm.at[pl.ds(wid * EPT, EPT)], idx_all, sem_s)
        dz.wait()
        d1.wait()
        d2.wait()
        plsc.subcore_barrier()

        def dchunk(j):
            return idx_all.at[pl.ds(j * DK, DK)]

        def body(m, carry):
            @pl.when(m > 1)
            def _():
                for t in range(DNB):
                    pltpu.make_async_copy(
                        ones_v, acc.at[dchunk((m - 2) * DNB + t)], sem_s
                    ).wait()
            for t in range(DNB):
                pltpu.async_copy(ones_v, acc.at[dchunk(m * DNB + t)],
                                 sem_s, add=True)
            return carry

        lax.fori_loop(0, DCHUNK // DNB, body, 0)
        for t in range(2 * DNB):
            pltpu.make_async_copy(
                ones_v, acc.at[dchunk(DCHUNK - 2 * DNB + t)], sem_s).wait()
        plsc.subcore_barrier()
        pltpu.sync_copy(acc.at[pl.ds(row0, RPT)],
                        out_hbm.at[pl.ds(c * NP + row0, RPT)])

    return deg_kernel(dst, ones_k, zeros_npf)


def _sc_segsum(table, src, dst, zeros_npf):

    @functools.partial(
        pl.kernel,
        out_type=jax.ShapeDtypeStruct((NC * NP, 128), jnp.float32),
        mesh=_sc_mesh(),
        scratch_types=[
            pltpu.VMEM((EPT,), jnp.int32),
            pltpu.VMEM((EPT,), jnp.int32),
            pltpu.VMEM((NBUF, K, 128), jnp.float32),
            pltpu.VMEM_SHARED((NP, 128), jnp.float32),
            pltpu.SemaphoreType.DMA,
            pltpu.SemaphoreType.DMA,
            pltpu.SemaphoreType.DMA,
            pltpu.SemaphoreType.DMA,
            pltpu.SemaphoreType.DMA,
            pltpu.SemaphoreType.DMA,
            pltpu.SemaphoreType.DMA,
            pltpu.SemaphoreType.DMA,
            pltpu.SemaphoreType.DMA,
            pltpu.SemaphoreType.DMA,
        ],
    )
    def seg_kernel(table_hbm, src_hbm, dst_hbm, zeros_hbm, out_hbm,
                   idx_s, idx_d, rows, acc,
                   sg0, sg1, sg2, sg3, sg4, ss0, ss1, ss2, ss3, ss4):
        c = lax.axis_index("c")
        s = lax.axis_index("s")
        row0 = s * RPT
        wid = c * NS + s
        dz = pltpu.async_copy(zeros_hbm.at[pl.ds(row0, RPT)],
                              acc.at[pl.ds(row0, RPT)], sg0)
        d1 = pltpu.async_copy(src_hbm.at[pl.ds(wid * EPT, EPT)], idx_s, sg1)
        d2 = pltpu.async_copy(dst_hbm.at[pl.ds(wid * EPT, EPT)], idx_d, sg2)
        dz.wait()
        d1.wait()
        d2.wait()
        plsc.subcore_barrier()
        sgs = [sg0, sg1, sg2, sg3, sg4]
        sss = [ss0, ss1, ss2, ss3, ss4]

        def g_start(r, j):
            pltpu.async_copy(
                table_hbm.at[idx_s.at[pl.ds(j * K, K)]],
                rows.at[r], sgs[r])

        def g_wait(r, j):
            pltpu.make_async_copy(
                table_hbm.at[idx_s.at[pl.ds(j * K, K)]],
                rows.at[r], sgs[r]).wait()

        def s_start(r, j):
            pltpu.async_copy(
                rows.at[r], acc.at[idx_d.at[pl.ds(j * K, K)]],
                sss[r], add=True)

        def s_wait(r, j):
            pltpu.make_async_copy(
                rows.at[r], acc.at[idx_d.at[pl.ds(j * K, K)]],
                sss[r]).wait()

        for r in range(NBUF):
            g_start(r, r)

        def body(m, carry):
            for r in range(NBUF):
                j = NBUF * m + r
                g_wait(r, j)
                s_start(r, j)
            for r in range(NBUF):
                j = NBUF * m + r
                s_wait(r, j)
                g_start(r, j + NBUF)
            return carry

        lax.fori_loop(0, NCHUNK // NBUF - 1, body, 0)
        for r in range(NBUF):
            j = NCHUNK - NBUF + r
            g_wait(r, j)
            s_start(r, j)
        for r in range(NBUF):
            s_wait(r, NCHUNK - NBUF + r)
        plsc.subcore_barrier()
        pltpu.sync_copy(acc.at[pl.ds(row0, RPT)],
                        out_hbm.at[pl.ds(c * NP + row0, RPT)])

    return seg_kernel(table, src, dst, zeros_npf)


def _tc_xw(x_p, W1):

    def body(x_ref, w_ref, xw_ref):
        xw_ref[...] = jnp.dot(x_ref[...], w_ref[...],
                              preferred_element_type=jnp.float32)

    return pl.pallas_call(
        body,
        out_shape=jax.ShapeDtypeStruct((NP, 128), jnp.float32),
    )(x_p, W1)


def _tc_prep(xw, deg_parts):

    def body(xw_ref, deg_ref, t_ref, dis_ref):
        d = deg_ref[0][:, 0:1] + deg_ref[1][:, 0:1] + 1.0
        dis = lax.rsqrt(d)
        t_ref[...] = xw_ref[...] * dis
        dis_ref[...] = dis

    return pl.pallas_call(
        body,
        out_shape=(
            jax.ShapeDtypeStruct((NP, 128), jnp.float32),
            jax.ShapeDtypeStruct((NP, 1), jnp.float32),
        ),
    )(xw, deg_parts)


def _tc_mid(S_parts, dis, T_prev, b_row, Wn):

    def body(s_ref, dis_ref, t_ref, b_ref, w_ref, tn_ref):
        dis = dis_ref[...]
        agg = (s_ref[0] + s_ref[1] + t_ref[...]) * dis + b_ref[...]
        h = jnp.maximum(agg, 0.0)
        xw = jnp.dot(h, w_ref[...], preferred_element_type=jnp.float32)
        tn_ref[...] = xw * dis

    return pl.pallas_call(
        body,
        out_shape=jax.ShapeDtypeStruct((NP, 128), jnp.float32),
    )(S_parts, dis, T_prev, b_row, Wn)


def _tc_final(S_parts, dis, T_prev, b_row):

    def body(s_ref, dis_ref, t_ref, b_ref, out_ref):
        agg = ((s_ref[0] + s_ref[1] + t_ref[...]) * dis_ref[...]
               + b_ref[...])
        out_ref[...] = agg[:N, :16]

    return pl.pallas_call(
        body,
        out_shape=jax.ShapeDtypeStruct((N, 16), jnp.float32),
    )(S_parts, dis, T_prev, b_row)


def _pad_cols(a, width=128):
    return jnp.pad(a, [(0, 0)] * (a.ndim - 1) + [(0, width - a.shape[-1])])


def kernel(x, edge_index, W1, b1, W2, b2, W3, b3, W4, b4):
    src = edge_index[0]
    dst = edge_index[1]
    x_p = jnp.pad(x, ((0, NP - N), (0, 0)))
    ones_k = jnp.ones((DK, 128), jnp.float32)
    zeros_npf = jnp.zeros((NP, 128), jnp.float32)

    W2p = jnp.pad(W2, ((0, 0), (0, 64)))
    W3p = jnp.pad(W3, ((0, 64), (0, 96)))
    W4p = jnp.pad(W4, ((0, 96), (0, 112)))

    xw1 = _tc_xw(x_p, W1)
    deg_flat = _sc_degree(dst, ones_k, zeros_npf)
    deg_parts = deg_flat.reshape(NC, NP, 128)

    T, dis = _tc_prep(xw1, deg_parts)

    for b, Wn in ((b1, W2p), (b2, W3p), (b3, W4p)):
        S_flat = _sc_segsum(T, src, dst, zeros_npf)
        S_parts = S_flat.reshape(NC, NP, 128)
        T = _tc_mid(S_parts, dis, T, _pad_cols(b.reshape(1, -1)), Wn)

    S_flat = _sc_segsum(T, src, dst, zeros_npf)
    S_parts = S_flat.reshape(NC, NP, 128)
    return _tc_final(S_parts, dis, T, _pad_cols(b4.reshape(1, -1)))

# --- scband reference (transcript-rebuilt; emitter-appended) ---
"""Pipeline reference for scband-net-12970801234137 (READ-ONLY COPY).

The authoritative reference and input builder live on the scoring server;
editing this copy changes nothing except your own understanding.
"""

import jax, jax.numpy as jnp
import numpy as np

N = 10000
E = 320000
D = 128
DIMS = [D, 128, 64, 32, 16]


def setup_inputs(seed: int = 0) -> dict:
    key = jax.random.key(seed)
    ks = jax.random.split(key, 12)
    x = jax.random.normal(ks[0], (N, D), dtype=jnp.float32)
    edge_index = jax.random.randint(ks[1], (2, E), 0, N, dtype=jnp.int32)
    inp = {"x": x, "edge_index": edge_index}
    for i in range(4):
        fan_in, fan_out = DIMS[i], DIMS[i + 1]
        scale = (1.0 / fan_in) ** 0.5
        inp[f"W{i+1}"] = jax.random.normal(ks[2 + 2 * i], (fan_in, fan_out), dtype=jnp.float32) * scale
        inp[f"b{i+1}"] = jnp.zeros((fan_out,), dtype=jnp.float32)
    return inp


def _gcn_conv(x, src, dst, norm, W, b):
    # GCNConv: symmetric-normalized aggregation of linearly transformed features
    xw = x @ W
    msg = xw[src] * norm[:, None]
    out = jax.ops.segment_sum(msg, dst, num_segments=N)
    return out + b


def reference(x, edge_index, W1, b1, W2, b2, W3, b3, W4, b4):
    src = edge_index[0]
    dst = edge_index[1]
    # add self loops (GCNConv default)
    loop = jnp.arange(N, dtype=edge_index.dtype)
    src = jnp.concatenate([src, loop])
    dst = jnp.concatenate([dst, loop])
    deg = jnp.zeros((N,), dtype=jnp.float32).at[dst].add(1.0)
    dis = jnp.where(deg > 0, jax.lax.rsqrt(jnp.maximum(deg, 1e-12)), 0.0)
    norm = dis[src] * dis[dst]

    h = _gcn_conv(x, src, dst, norm, W1, b1)
    h = jax.nn.relu(h)
    h = _gcn_conv(h, src, dst, norm, W2, b2)
    h = jax.nn.relu(h)
    h = _gcn_conv(h, src, dst, norm, W3, b3)
    h = jax.nn.relu(h)
    h = _gcn_conv(h, src, dst, norm, W4, b4)
    return h

if __name__ == "__main__":
    import jax
    _d = setup_inputs()
    print(jax.jit(kernel)(*tuple(_d.values())))

</pallas_src>

<mosaic_0001>
#map = affine_map<(d0, d1) -> (0, 0)>
#map1 = affine_map<(d0, d1) -> (0)>
module attributes {stable_mosaic.version = 14 : i64} {
  func.func @seg_kernel(%arg0: i32, %arg1: i32, %arg2: memref<10240x128xf32, #tpu.memory_space<hbm>>, %arg3: memref<320000xi32, #tpu.memory_space<hbm>>, %arg4: memref<320000xi32, #tpu.memory_space<hbm>>, %arg5: memref<10240x128xf32, #tpu.memory_space<hbm>>, %arg6: memref<20480x128xf32, #tpu.memory_space<hbm>>, %arg7: memref<10000xi32, #tpu.memory_space<vmem>>, %arg8: memref<10000xi32, #tpu.memory_space<vmem>>, %arg9: memref<5x40x128xf32, #tpu.memory_space<vmem>>, %arg10: memref<10240x128xf32, #tpu.memory_space<vmem_shared>>, %arg11: memref<!tpu.dma_semaphore, #tpu.memory_space<semaphore_mem>>, %arg12: memref<!tpu.dma_semaphore, #tpu.memory_space<semaphore_mem>>, %arg13: memref<!tpu.dma_semaphore, #tpu.memory_space<semaphore_mem>>, %arg14: memref<!tpu.dma_semaphore, #tpu.memory_space<semaphore_mem>>, %arg15: memref<!tpu.dma_semaphore, #tpu.memory_space<semaphore_mem>>, %arg16: memref<!tpu.dma_semaphore, #tpu.memory_space<semaphore_mem>>, %arg17: memref<!tpu.dma_semaphore, #tpu.memory_space<semaphore_mem>>, %arg18: memref<!tpu.dma_semaphore, #tpu.memory_space<semaphore_mem>>, %arg19: memref<!tpu.dma_semaphore, #tpu.memory_space<semaphore_mem>>, %arg20: memref<!tpu.dma_semaphore, #tpu.memory_space<semaphore_mem>>) attributes {dimension_semantics = [#tpu.dimension_semantics<core_parallel>, #tpu.dimension_semantics<subcore_parallel>], iteration_bounds = array<i64: 2, 16>, scalar_prefetch = 0 : i64, scratch_operands = 14 : i64, tpu.core_type = #tpu.core_type<sc_vector_subcore>, window_params = [{transform_indices = #map}, {transform_indices = #map1}, {transform_indices = #map1}, {transform_indices = #map}, {transform_indices = #map}]} {
    %mul3A = arith.constant 640 : i32
    %mul3A_0 = arith.muli %arg1, %mul3A : i32
    %mul3A_1 = arith.constant 16 : i32
    %mul3A_2 = arith.muli %arg0, %mul3A_1 : i32
    %add3A = arith.addi %mul3A_2, %arg1 : i32
    %dma_start3A = arith.constant 0 : i32
    %dma_start3A_3 = tpu.memref_slice %arg10[%mul3A_0, %dma_start3A] : memref<10240x128xf32, #tpu.memory_space<vmem_shared>> -> memref<640x128xf32, #tpu.memory_space<vmem_shared>>
    %dma_start3A_4 = arith.constant 0 : i32
    %dma_start3A_5 = tpu.memref_slice %arg5[%mul3A_0, %dma_start3A_4] : memref<10240x128xf32, #tpu.memory_space<hbm>> -> memref<640x128xf32, #tpu.memory_space<hbm>>
    tpu.enqueue_dma source(%dma_start3A_5 : memref<640x128xf32, #tpu.memory_space<hbm>>) target(%dma_start3A_3 : memref<640x128xf32, #tpu.memory_space<vmem_shared>>) target_semaphore(%arg11 : memref<!tpu.dma_semaphore, #tpu.memory_space<semaphore_mem>>)
    %mul3A_6 = arith.constant 10000 : i32
    %mul3A_7 = arith.muli %add3A, %mul3A_6 : i32
    %dma_start3A_8 = tpu.memref_slice %arg3[%mul3A_7] : memref<320000xi32, #tpu.memory_space<hbm>> -> memref<10000xi32, #tpu.memory_space<hbm>>
    %dma_start3A_9 = tpu.memref_slice %arg3[%mul3A_7] : memref<320000xi32, #tpu.memory_space<hbm>> -> memref<10000xi32, #tpu.memory_space<hbm>>
    tpu.enqueue_dma source(%dma_start3A_9 : memref<10000xi32, #tpu.memory_space<hbm>>) target(%arg7 : memref<10000xi32, #tpu.memory_space<vmem>>) target_semaphore(%arg12 : memref<!tpu.dma_semaphore, #tpu.memory_space<semaphore_mem>>)
    %mul3A_10 = arith.constant 10000 : i32
    %mul3A_11 = arith.muli %add3A, %mul3A_10 : i32
    %dma_start3A_12 = tpu.memref_slice %arg4[%mul3A_11] : memref<320000xi32, #tpu.memory_space<hbm>> -> memref<10000xi32, #tpu.memory_space<hbm>>
    %dma_start3A_13 = tpu.memref_slice %arg4[%mul3A_11] : memref<320000xi32, #tpu.memory_space<hbm>> -> memref<10000xi32, #tpu.memory_space<hbm>>
    tpu.enqueue_dma source(%dma_start3A_13 : memref<10000xi32, #tpu.memory_space<hbm>>) target(%arg8 : memref<10000xi32, #tpu.memory_space<vmem>>) target_semaphore(%arg13 : memref<!tpu.dma_semaphore, #tpu.memory_space<semaphore_mem>>)
    %dma_wait3A = arith.constant 0 : i32
    %dma_wait3A_14 = tpu.memref_slice %arg10[%mul3A_0, %dma_wait3A] : memref<10240x128xf32, #tpu.memory_space<vmem_shared>> -> memref<640x128xf32, #tpu.memory_space<vmem_shared>>
    %dma_wait3A_15 = arith.constant 0 : i32
    %dma_wait3A_16 = tpu.memref_slice %arg5[%mul3A_0, %dma_wait3A_15] : memref<10240x128xf32, #tpu.memory_space<hbm>> -> memref<640x128xf32, #tpu.memory_space<hbm>>
    tpu.wait_dma2 semaphore(%arg11 : memref<!tpu.dma_semaphore, #tpu.memory_space<semaphore_mem>>) src(%dma_wait3A_16 : memref<640x128xf32, #tpu.memory_space<hbm>>) dst(%dma_wait3A_14 : memref<640x128xf32, #tpu.memory_space<vmem_shared>>)
    %dma_wait3A_17 = tpu.memref_slice %arg3[%mul3A_7] : memref<320000xi32, #tpu.memory_space<hbm>> -> memref<10000xi32, #tpu.memory_space<hbm>>
    %dma_wait3A_18 = tpu.memref_slice %arg3[%mul3A_7] : memref<320000xi32, #tpu.memory_space<hbm>> -> memref<10000xi32, #tpu.memory_space<hbm>>
    tpu.wait_dma2 semaphore(%arg12 : memref<!tpu.dma_semaphore, #tpu.memory_space<semaphore_mem>>) src(%dma_wait3A_18 : memref<10000xi32, #tpu.memory_space<hbm>>) dst(%arg7 : memref<10000xi32, #tpu.memory_space<vmem>>)
    %dma_wait3A_19 = tpu.memref_slice %arg4[%mul3A_11] : memref<320000xi32, #tpu.memory_space<hbm>> -> memref<10000xi32, #tpu.memory_space<hbm>>
    %dma_wait3A_20 = tpu.memref_slice %arg4[%mul3A_11] : memref<320000xi32, #tpu.memory_space<hbm>> -> memref<10000xi32, #tpu.memory_space<hbm>>
    tpu.wait_dma2 semaphore(%arg13 : memref<!tpu.dma_semaphore, #tpu.memory_space<semaphore_mem>>) src(%dma_wait3A_20 : memref<10000xi32, #tpu.memory_space<hbm>>) dst(%arg8 : memref<10000xi32, #tpu.memory_space<vmem>>)
    %barrier3A = arith.constant 0 : index
    tpu.barrier barrier_id(%barrier3A)
    %dma_start3A_21 = arith.constant 0 : i32
    %dma_start3A_22 = arith.constant 0 : i32
    %dma_start3A_23 = arith.constant 0 : i32
    %dma_start3A_24 = tpu.memref_slice %arg9[%dma_start3A_21, %dma_start3A_22, %dma_start3A_23] : memref<5x40x128xf32, #tpu.memory_space<vmem>> -> memref<1x40x128xf32, #tpu.memory_space<vmem>>
    %dma_start3A_25 = tpu.memref_squeeze %dma_start3A_24 : memref<1x40x128xf32, #tpu.memory_space<vmem>> -> memref<40x128xf32, #tpu.memory_space<vmem>>
    %dma_start3A_26 = arith.constant 0 : i32
    %dma_start3A_27 = tpu.memref_slice %arg7[%dma_start3A_26] : memref<10000xi32, #tpu.memory_space<vmem>> -> memref<40xi32, #tpu.memory_space<vmem>>
    %dma_start3A_28 = arith.constant 0 : i32
    %dma_start3A_29 = arith.constant 0 : i32
    %dma_start3A_30 = tpu.memref_slice %arg2[%dma_start3A_28, %dma_start3A_29] : memref<10240x128xf32, #tpu.memory_space<hbm>> -> memref<10240x128xf32, #tpu.memory_space<hbm>>
    tpu.enqueue_indirect_dma source(%dma_start3A_30 : memref<10240x128xf32, #tpu.memory_space<hbm>>) target(%dma_start3A_25 : memref<40x128xf32, #tpu.memory_space<vmem>>) offsets(%dma_start3A_27 : memref<40xi32, #tpu.memory_space<vmem>>) semaphore(%arg11 : memref<!tpu.dma_semaphore, #tpu.memory_space<semaphore_mem>>)
    %dma_start3A_31 = arith.constant 1 : i32
    %dma_start3A_32 = arith.constant 0 : i32
    %dma_start3A_33 = arith.constant 0 : i32
    %dma_start3A_34 = tpu.memref_slice %arg9[%dma_start3A_31, %dma_start3A_32, %dma_start3A_33] : memref<5x40x128xf32, #tpu.memory_space<vmem>> -> memref<1x40x128xf32, #tpu.memory_space<vmem>>
    %dma_start3A_35 = tpu.memref_squeeze %dma_start3A_34 : memref<1x40x128xf32, #tpu.memory_space<vmem>> -> memref<40x128xf32, #tpu.memory_space<vmem>>
    %dma_start3A_36 = arith.constant 40 : i32
    %dma_start3A_37 = tpu.memref_slice %arg7[%dma_start3A_36] : memref<10000xi32, #tpu.memory_space<vmem>> -> memref<40xi32, #tpu.memory_space<vmem>>
    %dma_start3A_38 = arith.constant 0 : i32
    %dma_start3A_39 = arith.constant 0 : i32
    %dma_start3A_40 = tpu.memref_slice %arg2[%dma_start3A_38, %dma_start3A_39] : memref<10240x128xf32, #tpu.memory_space<hbm>> -> memref<10240x128xf32, #tpu.memory_space<hbm>>
    tpu.enqueue_indirect_dma source(%dma_start3A_40 : memref<10240x128xf32, #tpu.memory_space<hbm>>) target(%dma_start3A_35 : memref<40x128xf32, #tpu.memory_space<vmem>>) offsets(%dma_start3A_37 : memref<40xi32, #tpu.memory_space<vmem>>) semaphore(%arg12 : memref<!tpu.dma_semaphore, #tpu.memory_space<semaphore_mem>>)
    %dma_start3A_41 = arith.constant 2 : i32
    %dma_start3A_42 = arith.constant 0 : i32
    %dma_start3A_43 = arith.constant 0 : i32
    %dma_start3A_44 = tpu.memref_slice %arg9[%dma_start3A_41, %dma_start3A_42, %dma_start3A_43] : memref<5x40x128xf32, #tpu.memory_space<vmem>> -> memref<1x40x128xf32, #tpu.memory_space<vmem>>
    %dma_start3A_45 = tpu.memref_squeeze %dma_start3A_44 : memref<1x40x128xf32, #tpu.memory_space<vmem>> -> memref<40x128xf32, #tpu.memory_space<vmem>>
    %dma_start3A_46 = arith.constant 80 : i32
    %dma_start3A_47 = tpu.memref_slice %arg7[%dma_start3A_46] : memref<10000xi32, #tpu.memory_space<vmem>> -> memref<40xi32, #tpu.memory_space<vmem>>
    %dma_start3A_48 = arith.constant 0 : i32
    %dma_start3A_49 = arith.constant 0 : i32
    %dma_start3A_50 = tpu.memref_slice %arg2[%dma_start3A_48, %dma_start3A_49] : memref<10240x128xf32, #tpu.memory_space<hbm>> -> memref<10240x128xf32, #tpu.memory_space<hbm>>
    tpu.enqueue_indirect_dma source(%dma_start3A_50 : memref<10240x128xf32, #tpu.memory_space<hbm>>) target(%dma_start3A_45 : memref<40x128xf32, #tpu.memory_space<vmem>>) offsets(%dma_start3A_47 : memref<40xi32, #tpu.memory_space<vmem>>) semaphore(%arg13 : memref<!tpu.dma_semaphore, #tpu.memory_space<semaphore_mem>>)
    %dma_start3A_51 = arith.constant 3 : i32
    %dma_start3A_52 = arith.constant 0 : i32
    %dma_start3A_53 = arith.constant 0 : i32
    %dma_start3A_54 = tpu.memref_slice %arg9[%dma_start3A_51, %dma_start3A_52, %dma_start3A_53] : memref<5x40x128xf32, #tpu.memory_space<vmem>> -> memref<1x40x128xf32, #tpu.memory_space<vmem>>
    %dma_start3A_55 = tpu.memref_squeeze %dma_start3A_54 : memref<1x40x128xf32, #tpu.memory_space<vmem>> -> memref<40x128xf32, #tpu.memory_space<vmem>>
    %dma_start3A_56 = arith.constant 120 : i32
    %dma_start3A_57 = tpu.memref_slice %arg7[%dma_start3A_56] : memref<10000xi32, #tpu.memory_space<vmem>> -> memref<40xi32, #tpu.memory_space<vmem>>
    %dma_start3A_58 = arith.constant 0 : i32
    %dma_start3A_59 = arith.constant 0 : i32
    %dma_start3A_60 = tpu.memref_slice %arg2[%dma_start3A_58, %dma_start3A_59] : memref<10240x128xf32, #tpu.memory_space<hbm>> -> memref<10240x128xf32, #tpu.memory_space<hbm>>
    tpu.enqueue_indirect_dma source(%dma_start3A_60 : memref<10240x128xf32, #tpu.memory_space<hbm>>) target(%dma_start3A_55 : memref<40x128xf32, #tpu.memory_space<vmem>>) offsets(%dma_start3A_57 : memref<40xi32, #tpu.memory_space<vmem>>) semaphore(%arg14 : memref<!tpu.dma_semaphore, #tpu.memory_space<semaphore_mem>>)
    %dma_start3A_61 = arith.constant 4 : i32
    %dma_start3A_62 = arith.constant 0 : i32
    %dma_start3A_63 = arith.constant 0 : i32
    %dma_start3A_64 = tpu.memref_slice %arg9[%dma_start3A_61, %dma_start3A_62, %dma_start3A_63] : memref<5x40x128xf32, #tpu.memory_space<vmem>> -> memref<1x40x128xf32, #tpu.memory_space<vmem>>
    %dma_start3A_65 = tpu.memref_squeeze %dma_start3A_64 : memref<1x40x128xf32, #tpu.memory_space<vmem>> -> memref<40x128xf32, #tpu.memory_space<vmem>>
    %dma_start3A_66 = arith.constant 160 : i32
    %dma_start3A_67 = tpu.memref_slice %arg7[%dma_start3A_66] : memref<10000xi32, #tpu.memory_space<vmem>> -> memref<40xi32, #tpu.memory_space<vmem>>
    %dma_start3A_68 = arith.constant 0 : i32
    %dma_start3A_69 = arith.constant 0 : i32
    %dma_start3A_70 = tpu.memref_slice %arg2[%dma_start3A_68, %dma_start3A_69] : memref<10240x128xf32, #tpu.memory_space<hbm>> -> memref<10240x128xf32, #tpu.memory_space<hbm>>
    tpu.enqueue_indirect_dma source(%dma_start3A_70 : memref<10240x128xf32, #tpu.memory_space<hbm>>) target(%dma_start3A_65 : memref<40x128xf32, #tpu.memory_space<vmem>>) offsets(%dma_start3A_67 : memref<40xi32, #tpu.memory_space<vmem>>) semaphore(%arg15 : memref<!tpu.dma_semaphore, #tpu.memory_space<semaphore_mem>>)
    %scan3A = arith.constant 0 : i32
    %scan3A_71 = arith.constant 0 : i32
    %scan3A_72 = arith.constant 49 : i32
    %scan3A_73 = arith.addi %scan3A_71, %scan3A_72 : i32
    %scan3A_74 = arith.constant 1 : i32
    scf.for %scan3A_230 = %scan3A_71 to %scan3A_73 step %scan3A_74  : i32 {
      %mul3A_231 = arith.constant 5 : i32
      %mul3A_232 = arith.muli %mul3A_231, %scan3A_230 : i32
      %add3A_233 = arith.constant 0 : i32
      %add3A_234 = arith.addi %mul3A_232, %add3A_233 : i32
      %mul3A_235 = arith.constant 40 : i32
      %mul3A_236 = arith.muli %add3A_234, %mul3A_235 : i32
      %dma_wait3A_237 = arith.constant 0 : i32
      %dma_wait3A_238 = arith.constant 0 : i32
      %dma_wait3A_239 = arith.constant 0 : i32
      %dma_wait3A_240 = tpu.memref_slice %arg9[%dma_wait3A_237, %dma_wait3A_238, %dma_wait3A_239] : memref<5x40x128xf32, #tpu.memory_space<vmem>> -> memref<1x40x128xf32, #tpu.memory_space<vmem>>
      %dma_wait3A_241 = tpu.memref_squeeze %dma_wait3A_240 : memref<1x40x128xf32, #tpu.memory_space<vmem>> -> memref<40x128xf32, #tpu.memory_space<vmem>>
      %dma_wait3A_242 = tpu.memref_slice %arg7[%mul3A_236] : memref<10000xi32, #tpu.memory_space<vmem>> -> memref<40xi32, #tpu.memory_space<vmem>>
      %dma_wait3A_243 = arith.constant 0 : i32
      %dma_wait3A_244 = arith.constant 0 : i32
      %dma_wait3A_245 = tpu.memref_slice %arg2[%dma_wait3A_243, %dma_wait3A_244] : memref<10240x128xf32, #tpu.memory_space<hbm>> -> memref<10240x128xf32, #tpu.memory_space<hbm>>
      tpu.wait_indirect_dma semaphore(%arg11 : memref<!tpu.dma_semaphore, #tpu.memory_space<semaphore_mem>>) src(%dma_wait3A_245 : memref<10240x128xf32, #tpu.memory_space<hbm>>) dst(%dma_wait3A_241 : memref<40x128xf32, #tpu.memory_space<vmem>>)
      %mul3A_246 = arith.constant 40 : i32
      %mul3A_247 = arith.muli %add3A_234, %mul3A_246 : i32
      %dma_start3A_248 = arith.constant 0 : i32
      %dma_start3A_249 = arith.constant 0 : i32
      %dma_start3A_250 = arith.constant 0 : i32
      %dma_start3A_251 = tpu.memref_slice %arg9[%dma_start3A_248, %dma_start3A_249, %dma_start3A_250] : memref<5x40x128xf32, #tpu.memory_space<vmem>> -> memref<1x40x128xf32, #tpu.memory_space<vmem>>
      %dma_start3A_252 = tpu.memref_squeeze %dma_start3A_251 : memref<1x40x128xf32, #tpu.memory_space<vmem>> -> memref<40x128xf32, #tpu.memory_space<vmem>>
      %dma_start3A_253 = tpu.memref_slice %arg8[%mul3A_247] : memref<10000xi32, #tpu.memory_space<vmem>> -> memref<40xi32, #tpu.memory_space<vmem>>
      %dma_start3A_254 = arith.constant 0 : i32
      %dma_start3A_255 = arith.constant 0 : i32
      %dma_start3A_256 = tpu.memref_slice %arg10[%dma_start3A_254, %dma_start3A_255] : memref<10240x128xf32, #tpu.memory_space<vmem_shared>> -> memref<10240x128xf32, #tpu.memory_space<vmem_shared>>
      tpu.enqueue_indirect_dma source(%dma_start3A_252 : memref<40x128xf32, #tpu.memory_space<vmem>>) target(%dma_start3A_256 : memref<10240x128xf32, #tpu.memory_space<vmem_shared>>) offsets(%dma_start3A_253 : memref<40xi32, #tpu.memory_space<vmem>>) semaphore(%arg16 : memref<!tpu.dma_semaphore, #tpu.memory_space<semaphore_mem>>) {add = true}
      %mul3A_257 = arith.constant 5 : i32
      %mul3A_258 = arith.muli %mul3A_257, %scan3A_230 : i32
      %add3A_259 = arith.constant 1 : i32
      %add3A_260 = arith.addi %mul3A_258, %add3A_259 : i32
      %mul3A_261 = arith.constant 40 : i32
      %mul3A_262 = arith.muli %add3A_260, %mul3A_261 : i32
      %dma_wait3A_263 = arith.constant 1 : i32
      %dma_wait3A_264 = arith.constant 0 : i32
      %dma_wait3A_265 = arith.constant 0 : i32
      %dma_wait3A_266 = tpu.memref_slice %arg9[%dma_wait3A_263, %dma_wait3A_264, %dma_wait3A_265] : memref<5x40x128xf32, #tpu.memory_space<vmem>> -> memref<1x40x128xf32, #tpu.memory_space<vmem>>
      %dma_wait3A_267 = tpu.memref_squeeze %dma_wait3A_266 : memref<1x40x128xf32, #tpu.memory_space<vmem>> -> memref<40x128xf32, #tpu.memory_space<vmem>>
      %dma_wait3A_268 = tpu.memref_slice %arg7[%mul3A_262] : memref<10000xi32, #tpu.memory_space<vmem>> -> memref<40xi32, #tpu.memory_space<vmem>>
      %dma_wait3A_269 = arith.constant 0 : i32
      %dma_wait3A_270 = arith.constant 0 : i32
      %dma_wait3A_271 = tpu.memref_slice %arg2[%dma_wait3A_269, %dma_wait3A_270] : memref<10240x128xf32, #tpu.memory_space<hbm>> -> memref<10240x128xf32, #tpu.memory_space<hbm>>
      tpu.wait_indirect_dma semaphore(%arg12 : memref<!tpu.dma_semaphore, #tpu.memory_space<semaphore_mem>>) src(%dma_wait3A_271 : memref<10240x128xf32, #tpu.memory_space<hbm>>) dst(%dma_wait3A_267 : memref<40x128xf32, #tpu.memory_space<vmem>>)
      %mul3A_272 = arith.constant 40 : i32
      %mul3A_273 = arith.muli %add3A_260, %mul3A_272 : i32
      %dma_start3A_274 = arith.constant 1 : i32
      %dma_start3A_275 = arith.constant 0 : i32
      %dma_start3A_276 = arith.constant 0 : i32
      %dma_start3A_277 = tpu.memref_slice %arg9[%dma_start3A_274, %dma_start3A_275, %dma_start3A_276] : memref<5x40x128xf32, #tpu.memory_space<vmem>> -> memref<1x40x128xf32, #tpu.memory_space<vmem>>
      %dma_start3A_278 = tpu.memref_squeeze %dma_start3A_277 : memref<1x40x128xf32, #tpu.memory_space<vmem>> -> memref<40x128xf32, #tpu.memory_space<vmem>>
      %dma_start3A_279 = tpu.memref_slice %arg8[%mul3A_273] : memref<10000xi32, #tpu.memory_space<vmem>> -> memref<40xi32, #tpu.memory_space<vmem>>
      %dma_start3A_280 = arith.constant 0 : i32
      %dma_start3A_281 = arith.constant 0 : i32
      %dma_start3A_282 = tpu.memref_slice %arg10[%dma_start3A_280, %dma_start3A_281] : memref<10240x128xf32, #tpu.memory_space<vmem_shared>> -> memref<10240x128xf32, #tpu.memory_space<vmem_shared>>
      tpu.enqueue_indirect_dma source(%dma_start3A_278 : memref<40x128xf32, #tpu.memory_space<vmem>>) target(%dma_start3A_282 : memref<10240x128xf32, #tpu.memory_space<vmem_shared>>) offsets(%dma_start3A_279 : memref<40xi32, #tpu.memory_space<vmem>>) semaphore(%arg17 : memref<!tpu.dma_semaphore, #tpu.memory_space<semaphore_mem>>) {add = true}
      %mul3A_283 = arith.constant 5 : i32
      %mul3A_284 = arith.muli %mul3A_283, %scan3A_230 : i32
      %add3A_285 = arith.constant 2 : i32
      %add3A_286 = arith.addi %mul3A_284, %add3A_285 : i32
      %mul3A_287 = arith.constant 40 : i32
      %mul3A_288 = arith.muli %add3A_286, %mul3A_287 : i32
      %dma_wait3A_289 = arith.constant 2 : i32
      %dma_wait3A_290 = arith.constant 0 : i32
      %dma_wait3A_291 = arith.constant 0 : i32
      %dma_wait3A_292 = tpu.memref_slice %arg9[%dma_wait3A_289, %dma_wait3A_290, %dma_wait3A_291] : memref<5x40x128xf32, #tpu.memory_space<vmem>> -> memref<1x40x128xf32, #tpu.memory_space<vmem>>
      %dma_wait3A_293 = tpu.memref_squeeze %dma_wait3A_292 : memref<1x40x128xf32, #tpu.memory_space<vmem>> -> memref<40x128xf32, #tpu.memory_space<vmem>>
      %dma_wait3A_294 = tpu.memref_slice %arg7[%mul3A_288] : memref<10000xi32, #tpu.memory_space<vmem>> -> memref<40xi32, #tpu.memory_space<vmem>>
      %dma_wait3A_295 = arith.constant 0 : i32
      %dma_wait3A_296 = arith.constant 0 : i32
      %dma_wait3A_297 = tpu.memref_slice %arg2[%dma_wait3A_295, %dma_wait3A_296] : memref<10240x128xf32, #tpu.memory_space<hbm>> -> memref<10240x128xf32, #tpu.memory_space<hbm>>
      tpu.wait_indirect_dma semaphore(%arg13 : memref<!tpu.dma_semaphore, #tpu.memory_space<semaphore_mem>>) src(%dma_wait3A_297 : memref<10240x128xf32, #tpu.memory_space<hbm>>) dst(%dma_wait3A_293 : memref<40x128xf32, #tpu.memory_space<vmem>>)
      %mul3A_298 = arith.constant 40 : i32
      %mul3A_299 = arith.muli %add3A_286, %mul3A_298 : i32
      %dma_start3A_300 = arith.constant 2 : i32
      %dma_start3A_301 = arith.constant 0 : i32
      %dma_start3A_302 = arith.constant 0 : i32
      %dma_start3A_303 = tpu.memref_slice %arg9[%dma_start3A_300, %dma_start3A_301, %dma_start3A_302] : memref<5x40x128xf32, #tpu.memory_space<vmem>> -> memref<1x40x128xf32, #tpu.memory_space<vmem>>
      %dma_start3A_304 = tpu.memref_squeeze %dma_start3A_303 : memref<1x40x128xf32, #tpu.memory_space<vmem>> -> memref<40x128xf32, #tpu.memory_space<vmem>>
      %dma_start3A_305 = tpu.memref_slice %arg8[%mul3A_299] : memref<10000xi32, #tpu.memory_space<vmem>> -> memref<40xi32, #tpu.memory_space<vmem>>
      %dma_start3A_306 = arith.constant 0 : i32
      %dma_start3A_307 = arith.constant 0 : i32
      %dma_start3A_308 = tpu.memref_slice %arg10[%dma_start3A_306, %dma_start3A_307] : memref<10240x128xf32, #tpu.memory_space<vmem_shared>> -> memref<10240x128xf32, #tpu.memory_space<vmem_shared>>
      tpu.enqueue_indirect_dma source(%dma_start3A_304 : memref<40x128xf32, #tpu.memory_space<vmem>>) target(%dma_start3A_308 : memref<10240x128xf32, #tpu.memory_space<vmem_shared>>) offsets(%dma_start3A_305 : memref<40xi32, #tpu.memory_space<vmem>>) semaphore(%arg18 : memref<!tpu.dma_semaphore, #tpu.memory_space<semaphore_mem>>) {add = true}
      %mul3A_309 = arith.constant 5 : i32
      %mul3A_310 = arith.muli %mul3A_309, %scan3A_230 : i32
      %add3A_311 = arith.constant 3 : i32
      %add3A_312 = arith.addi %mul3A_310, %add3A_311 : i32
      %mul3A_313 = arith.constant 40 : i32
      %mul3A_314 = arith.muli %add3A_312, %mul3A_313 : i32
      %dma_wait3A_315 = arith.constant 3 : i32
      %dma_wait3A_316 = arith.constant 0 : i32
      %dma_wait3A_317 = arith.constant 0 : i32
      %dma_wait3A_318 = tpu.memref_slice %arg9[%dma_wait3A_315, %dma_wait3A_316, %dma_wait3A_317] : memref<5x40x128xf32, #tpu.memory_space<vmem>> -> memref<1x40x128xf32, #tpu.memory_space<vmem>>
      %dma_wait3A_319 = tpu.memref_squeeze %dma_wait3A_318 : memref<1x40x128xf32, #tpu.memory_space<vmem>> -> memref<40x128xf32, #tpu.memory_space<vmem>>
      %dma_wait3A_320 = tpu.memref_slice %arg7[%mul3A_314] : memref<10000xi32, #tpu.memory_space<vmem>> -> memref<40xi32, #tpu.memory_space<vmem>>
      %dma_wait3A_321 = arith.constant 0 : i32
      %dma_wait3A_322 = arith.constant 0 : i32
      %dma_wait3A_323 = tpu.memref_slice %arg2[%dma_wait3A_321, %dma_wait3A_322] : memref<10240x128xf32, #tpu.memory_space<hbm>> -> memref<10240x128xf32, #tpu.memory_space<hbm>>
      tpu.wait_indirect_dma semaphore(%arg14 : memref<!tpu.dma_semaphore, #tpu.memory_space<semaphore_mem>>) src(%dma_wait3A_323 : memref<10240x128xf32, #tpu.memory_space<hbm>>) dst(%dma_wait3A_319 : memref<40x128xf32, #tpu.memory_space<vmem>>)
      %mul3A_324 = arith.constant 40 : i32
      %mul3A_325 = arith.muli %add3A_312, %mul3A_324 : i32
      %dma_start3A_326 = arith.constant 3 : i32
      %dma_start3A_327 = arith.constant 0 : i32
      %dma_start3A_328 = arith.constant 0 : i32
      %dma_start3A_329 = tpu.memref_slice %arg9[%dma_start3A_326, %dma_start3A_327, %dma_start3A_328] : memref<5x40x128xf32, #tpu.memory_space<vmem>> -> memref<1x40x128xf32, #tpu.memory_space<vmem>>
      %dma_start3A_330 = tpu.memref_squeeze %dma_start3A_329 : memref<1x40x128xf32, #tpu.memory_space<vmem>> -> memref<40x128xf32, #tpu.memory_space<vmem>>
      %dma_start3A_331 = tpu.memref_slice %arg8[%mul3A_325] : memref<10000xi32, #tpu.memory_space<vmem>> -> memref<40xi32, #tpu.memory_space<vmem>>
      %dma_start3A_332 = arith.constant 0 : i32
      %dma_start3A_333 = arith.constant 0 : i32
      %dma_start3A_334 = tpu.memref_slice %arg10[%dma_start3A_332, %dma_start3A_333] : memref<10240x128xf32, #tpu.memory_space<vmem_shared>> -> memref<10240x128xf32, #tpu.memory_space<vmem_shared>>
      tpu.enqueue_indirect_dma source(%dma_start3A_330 : memref<40x128xf32, #tpu.memory_space<vmem>>) target(%dma_start3A_334 : memref<10240x128xf32, #tpu.memory_space<vmem_shared>>) offsets(%dma_start3A_331 : memref<40xi32, #tpu.memory_space<vmem>>) semaphore(%arg19 : memref<!tpu.dma_semaphore, #tpu.memory_space<semaphore_mem>>) {add = true}
      %mul3A_335 = arith.constant 5 : i32
      %mul3A_336 = arith.muli %mul3A_335, %scan3A_230 : i32
      %add3A_337 = arith.constant 4 : i32
      %add3A_338 = arith.addi %mul3A_336, %add3A_337 : i32
      %mul3A_339 = arith.constant 40 : i32
      %mul3A_340 = arith.muli %add3A_338, %mul3A_339 : i32
      %dma_wait3A_341 = arith.constant 4 : i32
      %dma_wait3A_342 = arith.constant 0 : i32
      %dma_wait3A_343 = arith.constant 0 : i32
      %dma_wait3A_344 = tpu.memref_slice %arg9[%dma_wait3A_341, %dma_wait3A_342, %dma_wait3A_343] : memref<5x40x128xf32, #tpu.memory_space<vmem>> -> memref<1x40x128xf32, #tpu.memory_space<vmem>>
      %dma_wait3A_345 = tpu.memref_squeeze %dma_wait3A_344 : memref<1x40x128xf32, #tpu.memory_space<vmem>> -> memref<40x128xf32, #tpu.memory_space<vmem>>
      %dma_wait3A_346 = tpu.memref_slice %arg7[%mul3A_340] : memref<10000xi32, #tpu.memory_space<vmem>> -> memref<40xi32, #tpu.memory_space<vmem>>
      %dma_wait3A_347 = arith.constant 0 : i32
      %dma_wait3A_348 = arith.constant 0 : i32
      %dma_wait3A_349 = tpu.memref_slice %arg2[%dma_wait3A_347, %dma_wait3A_348] : memref<10240x128xf32, #tpu.memory_space<hbm>> -> memref<10240x128xf32, #tpu.memory_space<hbm>>
      tpu.wait_indirect_dma semaphore(%arg15 : memref<!tpu.dma_semaphore, #tpu.memory_space<semaphore_mem>>) src(%dma_wait3A_349 : memref<10240x128xf32, #tpu.memory_space<hbm>>) dst(%dma_wait3A_345 : memref<40x128xf32, #tpu.memory_space<vmem>>)
      %mul3A_350 = arith.constant 40 : i32
      %mul3A_351 = arith.muli %add3A_338, %mul3A_350 : i32
      %dma_start3A_352 = arith.constant 4 : i32
      %dma_start3A_353 = arith.constant 0 : i32
      %dma_start3A_354 = arith.constant 0 : i32
      %dma_start3A_355 = tpu.memref_slice %arg9[%dma_start3A_352, %dma_start3A_353, %dma_start3A_354] : memref<5x40x128xf32, #tpu.memory_space<vmem>> -> memref<1x40x128xf32, #tpu.memory_space<vmem>>
      %dma_start3A_356 = tpu.memref_squeeze %dma_start3A_355 : memref<1x40x128xf32, #tpu.memory_space<vmem>> -> memref<40x128xf32, #tpu.memory_space<vmem>>
      %dma_start3A_357 = tpu.memref_slice %arg8[%mul3A_351] : memref<10000xi32, #tpu.memory_space<vmem>> -> memref<40xi32, #tpu.memory_space<vmem>>
      %dma_start3A_358 = arith.constant 0 : i32
      %dma_start3A_359 = arith.constant 0 : i32
      %dma_start3A_360 = tpu.memref_slice %arg10[%dma_start3A_358, %dma_start3A_359] : memref<10240x128xf32, #tpu.memory_space<vmem_shared>> -> memref<10240x128xf32, #tpu.memory_space<vmem_shared>>
      tpu.enqueue_indirect_dma source(%dma_start3A_356 : memref<40x128xf32, #tpu.memory_space<vmem>>) target(%dma_start3A_360 : memref<10240x128xf32, #tpu.memory_space<vmem_shared>>) offsets(%dma_start3A_357 : memref<40xi32, #tpu.memory_space<vmem>>) semaphore(%arg20 : memref<!tpu.dma_semaphore, #tpu.memory_space<semaphore_mem>>) {add = true}
      %mul3A_361 = arith.constant 5 : i32
      %mul3A_362 = arith.muli %mul3A_361, %scan3A_230 : i32
      %add3A_363 = arith.constant 0 : i32
      %add3A_364 = arith.addi %mul3A_362, %add3A_363 : i32
      %mul3A_365 = arith.constant 40 : i32
      %mul3A_366 = arith.muli %add3A_364, %mul3A_365 : i32
      %dma_wait3A_367 = arith.constant 0 : i32
      %dma_wait3A_368 = arith.constant 0 : i32
      %dma_wait3A_369 = arith.constant 0 : i32
      %dma_wait3A_370 = tpu.memref_slice %arg9[%dma_wait3A_367, %dma_wait3A_368, %dma_wait3A_369] : memref<5x40x128xf32, #tpu.memory_space<vmem>> -> memref<1x40x128xf32, #tpu.memory_space<vmem>>
      %dma_wait3A_371 = tpu.memref_squeeze %dma_wait3A_370 : memref<1x40x128xf32, #tpu.memory_space<vmem>> -> memref<40x128xf32, #tpu.memory_space<vmem>>
      %dma_wait3A_372 = tpu.memref_slice %arg8[%mul3A_366] : memref<10000xi32, #tpu.memory_space<vmem>> -> memref<40xi32, #tpu.memory_space<vmem>>
      %dma_wait3A_373 = arith.constant 0 : i32
      %dma_wait3A_374 = arith.constant 0 : i32
      %dma_wait3A_375 = tpu.memref_slice %arg10[%dma_wait3A_373, %dma_wait3A_374] : memref<10240x128xf32, #tpu.memory_space<vmem_shared>> -> memref<10240x128xf32, #tpu.memory_space<vmem_shared>>
      tpu.wait_indirect_dma semaphore(%arg16 : memref<!tpu.dma_semaphore, #tpu.memory_space<semaphore_mem>>) src(%dma_wait3A_371 : memref<40x128xf32, #tpu.memory_space<vmem>>) dst(%dma_wait3A_375 : memref<10240x128xf32, #tpu.memory_space<vmem_shared>>)
      %add3A_376 = arith.constant 5 : i32
      %add3A_377 = arith.addi %add3A_364, %add3A_376 : i32
      %mul3A_378 = arith.constant 40 : i32
      %mul3A_379 = arith.muli %add3A_377, %mul3A_378 : i32
      %dma_start3A_380 = arith.constant 0 : i32
      %dma_start3A_381 = arith.constant 0 : i32
      %dma_start3A_382 = arith.constant 0 : i32
      %dma_start3A_383 = tpu.memref_slice %arg9[%dma_start3A_380, %dma_start3A_381, %dma_start3A_382] : memref<5x40x128xf32, #tpu.memory_space<vmem>> -> memref<1x40x128xf32, #tpu.memory_space<vmem>>
      %dma_start3A_384 = tpu.memref_squeeze %dma_start3A_383 : memref<1x40x128xf32, #tpu.memory_space<vmem>> -> memref<40x128xf32, #tpu.memory_space<vmem>>
      %dma_start3A_385 = tpu.memref_slice %arg7[%mul3A_379] : memref<10000xi32, #tpu.memory_space<vmem>> -> memref<40xi32, #tpu.memory_space<vmem>>
      %dma_start3A_386 = arith.constant 0 : i32
      %dma_start3A_387 = arith.constant 0 : i32
      %dma_start3A_388 = tpu.memref_slice %arg2[%dma_start3A_386, %dma_start3A_387] : memref<10240x128xf32, #tpu.memory_space<hbm>> -> memref<10240x128xf32, #tpu.memory_space<hbm>>
      tpu.enqueue_indirect_dma source(%dma_start3A_388 : memref<10240x128xf32, #tpu.memory_space<hbm>>) target(%dma_start3A_384 : memref<40x128xf32, #tpu.memory_space<vmem>>) offsets(%dma_start3A_385 : memref<40xi32, #tpu.memory_space<vmem>>) semaphore(%arg11 : memref<!tpu.dma_semaphore, #tpu.memory_space<semaphore_mem>>)
      %mul3A_389 = arith.constant 5 : i32
      %mul3A_390 = arith.muli %mul3A_389, %scan3A_230 : i32
      %add3A_391 = arith.constant 1 : i32
      %add3A_392 = arith.addi %mul3A_390, %add3A_391 : i32
      %mul3A_393 = arith.constant 40 : i32
      %mul3A_394 = arith.muli %add3A_392, %mul3A_393 : i32
      %dma_wait3A_395 = arith.constant 1 : i32
      %dma_wait3A_396 = arith.constant 0 : i32
      %dma_wait3A_397 = arith.constant 0 : i32
      %dma_wait3A_398 = tpu.memref_slice %arg9[%dma_wait3A_395, %dma_wait3A_396, %dma_wait3A_397] : memref<5x40x128xf32, #tpu.memory_space<vmem>> -> memref<1x40x128xf32, #tpu.memory_space<vmem>>
      %dma_wait3A_399 = tpu.memref_squeeze %dma_wait3A_398 : memref<1x40x128xf32, #tpu.memory_space<vmem>> -> memref<40x128xf32, #tpu.memory_space<vmem>>
      %dma_wait3A_400 = tpu.memref_slice %arg8[%mul3A_394] : memref<10000xi32, #tpu.memory_space<vmem>> -> memref<40xi32, #tpu.memory_space<vmem>>
      %dma_wait3A_401 = arith.constant 0 : i32
      %dma_wait3A_402 = arith.constant 0 : i32
      %dma_wait3A_403 = tpu.memref_slice %arg10[%dma_wait3A_401, %dma_wait3A_402] : memref<10240x128xf32, #tpu.memory_space<vmem_shared>> -> memref<10240x128xf32, #tpu.memory_space<vmem_shared>>
      tpu.wait_indirect_dma semaphore(%arg17 : memref<!tpu.dma_semaphore, #tpu.memory_space<semaphore_mem>>) src(%dma_wait3A_399 : memref<40x128xf32, #tpu.memory_space<vmem>>) dst(%dma_wait3A_403 : memref<10240x128xf32, #tpu.memory_space<vmem_shared>>)
      %add3A_404 = arith.constant 5 : i32
      %add3A_405 = arith.addi %add3A_392, %add3A_404 : i32
      %mul3A_406 = arith.constant 40 : i32
      %mul3A_407 = arith.muli %add3A_405, %mul3A_406 : i32
      %dma_start3A_408 = arith.constant 1 : i32
      %dma_start3A_409 = arith.constant 0 : i32
      %dma_start3A_410 = arith.constant 0 : i32
      %dma_start3A_411 = tpu.memref_slice %arg9[%dma_start3A_408, %dma_start3A_409, %dma_start3A_410] : memref<5x40x128xf32, #tpu.memory_space<vmem>> -> memref<1x40x128xf32, #tpu.memory_space<vmem>>
      %dma_start3A_412 = tpu.memref_squeeze %dma_start3A_411 : memref<1x40x128xf32, #tpu.memory_space<vmem>> -> memref<40x128xf32, #tpu.memory_space<vmem>>
      %dma_start3A_413 = tpu.memref_slice %arg7[%mul3A_407] : memref<10000xi32, #tpu.memory_space<vmem>> -> memref<40xi32, #tpu.memory_space<vmem>>
      %dma_start3A_414 = arith.constant 0 : i32
      %dma_start3A_415 = arith.constant 0 : i32
      %dma_start3A_416 = tpu.memref_slice %arg2[%dma_start3A_414, %dma_start3A_415] : memref<10240x128xf32, #tpu.memory_space<hbm>> -> memref<10240x128xf32, #tpu.memory_space<hbm>>
      tpu.enqueue_indirect_dma source(%dma_start3A_416 : memref<10240x128xf32, #tpu.memory_space<hbm>>) target(%dma_start3A_412 : memref<40x128xf32, #tpu.memory_space<vmem>>) offsets(%dma_start3A_413 : memref<40xi32, #tpu.memory_space<vmem>>) semaphore(%arg12 : memref<!tpu.dma_semaphore, #tpu.memory_space<semaphore_mem>>)
      %mul3A_417 = arith.constant 5 : i32
      %mul3A_418 = arith.muli %mul3A_417, %scan3A_230 : i32
      %add3A_419 = arith.constant 2 : i32
      %add3A_420 = arith.addi %mul3A_418, %add3A_419 : i32
      %mul3A_421 = arith.constant 40 : i32
      %mul3A_422 = arith.muli %add3A_420, %mul3A_421 : i32
      %dma_wait3A_423 = arith.constant 2 : i32
      %dma_wait3A_424 = arith.constant 0 : i32
      %dma_wait3A_425 = arith.constant 0 : i32
      %dma_wait3A_426 = tpu.memref_slice %arg9[%dma_wait3A_423, %dma_wait3A_424, %dma_wait3A_425] : memref<5x40x128xf32, #tpu.memory_space<vmem>> -> memref<1x40x128xf32, #tpu.memory_space<vmem>>
      %dma_wait3A_427 = tpu.memref_squeeze %dma_wait3A_426 : memref<1x40x128xf32, #tpu.memory_space<vmem>> -> memref<40x128xf32, #tpu.memory_space<vmem>>
      %dma_wait3A_428 = tpu.memref_slice %arg8[%mul3A_422] : memref<10000xi32, #tpu.memory_space<vmem>> -> memref<40xi32, #tpu.memory_space<vmem>>
      %dma_wait3A_429 = arith.constant 0 : i32
      %dma_wait3A_430 = arith.constant 0 : i32
      %dma_wait3A_431 = tpu.memref_slice %arg10[%dma_wait3A_429, %dma_wait3A_430] : memref<10240x128xf32, #tpu.memory_space<vmem_shared>> -> memref<10240x128xf32, #tpu.memory_space<vmem_shared>>
      tpu.wait_indirect_dma semaphore(%arg18 : memref<!tpu.dma_semaphore, #tpu.memory_space<semaphore_mem>>) src(%dma_wait3A_427 : memref<40x128xf32, #tpu.memory_space<vmem>>) dst(%dma_wait3A_431 : memref<10240x128xf32, #tpu.memory_space<vmem_shared>>)
      %add3A_432 = arith.constant 5 : i32
      %add3A_433 = arith.addi %add3A_420, %add3A_432 : i32
      %mul3A_434 = arith.constant 40 : i32
      %mul3A_435 = arith.muli %add3A_433, %mul3A_434 : i32
      %dma_start3A_436 = arith.constant 2 : i32
      %dma_start3A_437 = arith.constant 0 : i32
      %dma_start3A_438 = arith.constant 0 : i32
      %dma_start3A_439 = tpu.memref_slice %arg9[%dma_start3A_436, %dma_start3A_437, %dma_start3A_438] : memref<5x40x128xf32, #tpu.memory_space<vmem>> -> memref<1x40x128xf32, #tpu.memory_space<vmem>>
      %dma_start3A_440 = tpu.memref_squeeze %dma_start3A_439 : memref<1x40x128xf32, #tpu.memory_space<vmem>> -> memref<40x128xf32, #tpu.memory_space<vmem>>
      %dma_start3A_441 = tpu.memref_slice %arg7[%mul3A_435] : memref<10000xi32, #tpu.memory_space<vmem>> -> memref<40xi32, #tpu.memory_space<vmem>>
      %dma_start3A_442 = arith.constant 0 : i32
      %dma_start3A_443 = arith.constant 0 : i32
      %dma_start3A_444 = tpu.memref_slice %arg2[%dma_start3A_442, %dma_start3A_443] : memref<10240x128xf32, #tpu.memory_space<hbm>> -> memref<10240x128xf32, #tpu.memory_space<hbm>>
      tpu.enqueue_indirect_dma source(%dma_start3A_444 : memref<10240x128xf32, #tpu.memory_space<hbm>>) target(%dma_start3A_440 : memref<40x128xf32, #tpu.memory_space<vmem>>) offsets(%dma_start3A_441 : memref<40xi32, #tpu.memory_space<vmem>>) semaphore(%arg13 : memref<!tpu.dma_semaphore, #tpu.memory_space<semaphore_mem>>)
      %mul3A_445 = arith.constant 5 : i32
      %mul3A_446 = arith.muli %mul3A_445, %scan3A_230 : i32
      %add3A_447 = arith.constant 3 : i32
      %add3A_448 = arith.addi %mul3A_446, %add3A_447 : i32
      %mul3A_449 = arith.constant 40 : i32
      %mul3A_450 = arith.muli %add3A_448, %mul3A_449 : i32
      %dma_wait3A_451 = arith.constant 3 : i32
      %dma_wait3A_452 = arith.constant 0 : i32
      %dma_wait3A_453 = arith.constant 0 : i32
      %dma_wait3A_454 = tpu.memref_slice %arg9[%dma_wait3A_451, %dma_wait3A_452, %dma_wait3A_453] : memref<5x40x128xf32, #tpu.memory_space<vmem>> -> memref<1x40x128xf32, #tpu.memory_space<vmem>>
      %dma_wait3A_455 = tpu.memref_squeeze %dma_wait3A_454 : memref<1x40x128xf32, #tpu.memory_space<vmem>> -> memref<40x128xf32, #tpu.memory_space<vmem>>
      %dma_wait3A_456 = tpu.memref_slice %arg8[%mul3A_450] : memref<10000xi32, #tpu.memory_space<vmem>> -> memref<40xi32, #tpu.memory_space<vmem>>
      %dma_wait3A_457 = arith.constant 0 : i32
      %dma_wait3A_458 = arith.constant 0 : i32
      %dma_wait3A_459 = tpu.memref_slice %arg10[%dma_wait3A_457, %dma_wait3A_458] : memref<10240x128xf32, #tpu.memory_space<vmem_shared>> -> memref<10240x128xf32, #tpu.memory_space<vmem_shared>>
      tpu.wait_indirect_dma semaphore(%arg19 : memref<!tpu.dma_semaphore, #tpu.memory_space<semaphore_mem>>) src(%dma_wait3A_455 : memref<40x128xf32, #tpu.memory_space<vmem>>) dst(%dma_wait3A_459 : memref<10240x128xf32, #tpu.memory_space<vmem_shared>>)
      %add3A_460 = arith.constant 5 : i32
      %add3A_461 = arith.addi %add3A_448, %add3A_460 : i32
      %mul3A_462 = arith.constant 40 : i32
      %mul3A_463 = arith.muli %add3A_461, %mul3A_462 : i32
      %dma_start3A_464 = arith.constant 3 : i32
      %dma_start3A_465 = arith.constant 0 : i32
      %dma_start3A_466 = arith.constant 0 : i32
      %dma_start3A_467 = tpu.memref_slice %arg9[%dma_start3A_464, %dma_start3A_465, %dma_start3A_466] : memref<5x40x128xf32, #tpu.memory_space<vmem>> -> memref<1x40x128xf32, #tpu.memory_space<vmem>>
      %dma_start3A_468 = tpu.memref_squeeze %dma_start3A_467 : memref<1x40x128xf32, #tpu.memory_space<vmem>> -> memref<40x128xf32, #tpu.memory_space<vmem>>
      %dma_start3A_469 = tpu.memref_slice %arg7[%mul3A_463] : memref<10000xi32, #tpu.memory_space<vmem>> -> memref<40xi32, #tpu.memory_space<vmem>>
      %dma_start3A_470 = arith.constant 0 : i32
      %dma_start3A_471 = arith.constant 0 : i32
      %dma_start3A_472 = tpu.memref_slice %arg2[%dma_start3A_470, %dma_start3A_471] : memref<10240x128xf32, #tpu.memory_space<hbm>> -> memref<10240x128xf32, #tpu.memory_space<hbm>>
      tpu.enqueue_indirect_dma source(%dma_start3A_472 : memref<10240x128xf32, #tpu.memory_space<hbm>>) target(%dma_start3A_468 : memref<40x128xf32, #tpu.memory_space<vmem>>) offsets(%dma_start3A_469 : memref<40xi32, #tpu.memory_space<vmem>>) semaphore(%arg14 : memref<!tpu.dma_semaphore, #tpu.memory_space<semaphore_mem>>)
      %mul3A_473 = arith.constant 5 : i32
      %mul3A_474 = arith.muli %mul3A_473, %scan3A_230 : i32
      %add3A_475 = arith.constant 4 : i32
      %add3A_476 = arith.addi %mul3A_474, %add3A_475 : i32
      %mul3A_477 = arith.constant 40 : i32
      %mul3A_478 = arith.muli %add3A_476, %mul3A_477 : i32
      %dma_wait3A_479 = arith.constant 4 : i32
      %dma_wait3A_480 = arith.constant 0 : i32
      %dma_wait3A_481 = arith.constant 0 : i32
      %dma_wait3A_482 = tpu.memref_slice %arg9[%dma_wait3A_479, %dma_wait3A_480, %dma_wait3A_481] : memref<5x40x128xf32, #tpu.memory_space<vmem>> -> memref<1x40x128xf32, #tpu.memory_space<vmem>>
      %dma_wait3A_483 = tpu.memref_squeeze %dma_wait3A_482 : memref<1x40x128xf32, #tpu.memory_space<vmem>> -> memref<40x128xf32, #tpu.memory_space<vmem>>
      %dma_wait3A_484 = tpu.memref_slice %arg8[%mul3A_478] : memref<10000xi32, #tpu.memory_space<vmem>> -> memref<40xi32, #tpu.memory_space<vmem>>
      %dma_wait3A_485 = arith.constant 0 : i32
      %dma_wait3A_486 = arith.constant 0 : i32
      %dma_wait3A_487 = tpu.memref_slice %arg10[%dma_wait3A_485, %dma_wait3A_486] : memref<10240x128xf32, #tpu.memory_space<vmem_shared>> -> memref<10240x128xf32, #tpu.memory_space<vmem_shared>>
      tpu.wait_indirect_dma semaphore(%arg20 : memref<!tpu.dma_semaphore, #tpu.memory_space<semaphore_mem>>) src(%dma_wait3A_483 : memref<40x128xf32, #tpu.memory_space<vmem>>) dst(%dma_wait3A_487 : memref<10240x128xf32, #tpu.memory_space<vmem_shared>>)
      %add3A_488 = arith.constant 5 : i32
      %add3A_489 = arith.addi %add3A_476, %add3A_488 : i32
      %mul3A_490 = arith.constant 40 : i32
      %mul3A_491 = arith.muli %add3A_489, %mul3A_490 : i32
      %dma_start3A_492 = arith.constant 4 : i32
      %dma_start3A_493 = arith.constant 0 : i32
      %dma_start3A_494 = arith.constant 0 : i32
      %dma_start3A_495 = tpu.memref_slice %arg9[%dma_start3A_492, %dma_start3A_493, %dma_start3A_494] : memref<5x40x128xf32, #tpu.memory_space<vmem>> -> memref<1x40x128xf32, #tpu.memory_space<vmem>>
      %dma_start3A_496 = tpu.memref_squeeze %dma_start3A_495 : memref<1x40x128xf32, #tpu.memory_space<vmem>> -> memref<40x128xf32, #tpu.memory_space<vmem>>
      %dma_start3A_497 = tpu.memref_slice %arg7[%mul3A_491] : memref<10000xi32, #tpu.memory_space<vmem>> -> memref<40xi32, #tpu.memory_space<vmem>>
      %dma_start3A_498 = arith.constant 0 : i32
      %dma_start3A_499 = arith.constant 0 : i32
      %dma_start3A_500 = tpu.memref_slice %arg2[%dma_start3A_498, %dma_start3A_499] : memref<10240x128xf32, #tpu.memory_space<hbm>> -> memref<10240x128xf32, #tpu.memory_space<hbm>>
      tpu.enqueue_indirect_dma source(%dma_start3A_500 : memref<10240x128xf32, #tpu.memory_space<hbm>>) target(%dma_start3A_496 : memref<40x128xf32, #tpu.memory_space<vmem>>) offsets(%dma_start3A_497 : memref<40xi32, #tpu.memory_space<vmem>>) semaphore(%arg15 : memref<!tpu.dma_semaphore, #tpu.memory_space<semaphore_mem>>)
    }
    %scan3A_75 = arith.constant 49 : i32
    %dma_wait3A_76 = arith.constant 0 : i32
    %dma_wait3A_77 = arith.constant 0 : i32
    %dma_wait3A_78 = arith.constant 0 : i32
    %dma_wait3A_79 = tpu.memref_slice %arg9[%dma_wait3A_76, %dma_wait3A_77, %dma_wait3A_78] : memref<5x40x128xf32, #tpu.memory_space<vmem>> -> memref<1x40x128xf32, #tpu.memory_space<vmem>>
    %dma_wait3A_80 = tpu.memref_squeeze %dma_wait3A_79 : memref<1x40x128xf32, #tpu.memory_space<vmem>> -> memref<40x128xf32, #tpu.memory_space<vmem>>
    %dma_wait3A_81 = arith.constant 9800 : i32
    %dma_wait3A_82 = tpu.memref_slice %arg7[%dma_wait3A_81] : memref<10000xi32, #tpu.memory_space<vmem>> -> memref<40xi32, #tpu.memory_space<vmem>>
    %dma_wait3A_83 = arith.constant 0 : i32
    %dma_wait3A_84 = arith.constant 0 : i32
    %dma_wait3A_85 = tpu.memref_slice %arg2[%dma_wait3A_83, %dma_wait3A_84] : memref<10240x128xf32, #tpu.memory_space<hbm>> -> memref<10240x128xf32, #tpu.memory_space<hbm>>
    tpu.wait_indirect_dma semaphore(%arg11 : memref<!tpu.dma_semaphore, #tpu.memory_space<semaphore_mem>>) src(%dma_wait3A_85 : memref<10240x128xf32, #tpu.memory_space<hbm>>) dst(%dma_wait3A_80 : memref<40x128xf32, #tpu.memory_space<vmem>>)
    %dma_start3A_86 = arith.constant 0 : i32
    %dma_start3A_87 = arith.constant 0 : i32
    %dma_start3A_88 = arith.constant 0 : i32
    %dma_start3A_89 = tpu.memref_slice %arg9[%dma_start3A_86, %dma_start3A_87, %dma_start3A_88] : memref<5x40x128xf32, #tpu.memory_space<vmem>> -> memref<1x40x128xf32, #tpu.memory_space<vmem>>
    %dma_start3A_90 = tpu.memref_squeeze %dma_start3A_89 : memref<1x40x128xf32, #tpu.memory_space<vmem>> -> memref<40x128xf32, #tpu.memory_space<vmem>>
    %dma_start3A_91 = arith.constant 9800 : i32
    %dma_start3A_92 = tpu.memref_slice %arg8[%dma_start3A_91] : memref<10000xi32, #tpu.memory_space<vmem>> -> memref<40xi32, #tpu.memory_space<vmem>>
    %dma_start3A_93 = arith.constant 0 : i32
    %dma_start3A_94 = arith.constant 0 : i32
    %dma_start3A_95 = tpu.memref_slice %arg10[%dma_start3A_93, %dma_start3A_94] : memref<10240x128xf32, #tpu.memory_space<vmem_shared>> -> memref<10240x128xf32, #tpu.memory_space<vmem_shared>>
    tpu.enqueue_indirect_dma source(%dma_start3A_90 : memref<40x128xf32, #tpu.memory_space<vmem>>) target(%dma_start3A_95 : memref<10240x128xf32, #tpu.memory_space<vmem_shared>>) offsets(%dma_start3A_92 : memref<40xi32, #tpu.memory_space<vmem>>) semaphore(%arg16 : memref<!tpu.dma_semaphore, #tpu.memory_space<semaphore_mem>>) {add = true}
    %dma_wait3A_96 = arith.constant 1 : i32
    %dma_wait3A_97 = arith.constant 0 : i32
    %dma_wait3A_98 = arith.constant 0 : i32
    %dma_wait3A_99 = tpu.memref_slice %arg9[%dma_wait3A_96, %dma_wait3A_97, %dma_wait3A_98] : memref<5x40x128xf32, #tpu.memory_space<vmem>> -> memref<1x40x128xf32, #tpu.memory_space<vmem>>
    %dma_wait3A_100 = tpu.memref_squeeze %dma_wait3A_99 : memref<1x40x128xf32, #tpu.memory_space<vmem>> -> memref<40x128xf32, #tpu.memory_space<vmem>>
    %dma_wait3A_101 = arith.constant 9840 : i32
    %dma_wait3A_102 = tpu.memref_slice %arg7[%dma_wait3A_101] : memref<10000xi32, #tpu.memory_space<vmem>> -> memref<40xi32, #tpu.memory_space<vmem>>
    %dma_wait3A_103 = arith.constant 0 : i32
    %dma_wait3A_104 = arith.constant 0 : i32
    %dma_wait3A_105 = tpu.memref_slice %arg2[%dma_wait3A_103, %dma_wait3A_104] : memref<10240x128xf32, #tpu.memory_space<hbm>> -> memref<10240x128xf32, #tpu.memory_space<hbm>>
    tpu.wait_indirect_dma semaphore(%arg12 : memref<!tpu.dma_semaphore, #tpu.memory_space<semaphore_mem>>) src(%dma_wait3A_105 : memref<10240x128xf32, #tpu.memory_space<hbm>>) dst(%dma_wait3A_100 : memref<40x128xf32, #tpu.memory_space<vmem>>)
    %dma_start3A_106 = arith.constant 1 : i32
    %dma_start3A_107 = arith.constant 0 : i32
    %dma_start3A_108 = arith.constant 0 : i32
    %dma_start3A_109 = tpu.memref_slice %arg9[%dma_start3A_106, %dma_start3A_107, %dma_start3A_108] : memref<5x40x128xf32, #tpu.memory_space<vmem>> -> memref<1x40x128xf32, #tpu.memory_space<vmem>>
    %dma_start3A_110 = tpu.memref_squeeze %dma_start3A_109 : memref<1x40x128xf32, #tpu.memory_space<vmem>> -> memref<40x128xf32, #tpu.memory_space<vmem>>
    %dma_start3A_111 = arith.constant 9840 : i32
    %dma_start3A_112 = tpu.memref_slice %arg8[%dma_start3A_111] : memref<10000xi32, #tpu.memory_space<vmem>> -> memref<40xi32, #tpu.memory_space<vmem>>
    %dma_start3A_113 = arith.constant 0 : i32
    %dma_start3A_114 = arith.constant 0 : i32
    %dma_start3A_115 = tpu.memref_slice %arg10[%dma_start3A_113, %dma_start3A_114] : memref<10240x128xf32, #tpu.memory_space<vmem_shared>> -> memref<10240x128xf32, #tpu.memory_space<vmem_shared>>
    tpu.enqueue_indirect_dma source(%dma_start3A_110 : memref<40x128xf32, #tpu.memory_space<vmem>>) target(%dma_start3A_115 : memref<10240x128xf32, #tpu.memory_space<vmem_shared>>) offsets(%dma_start3A_112 : memref<40xi32, #tpu.memory_space<vmem>>) semaphore(%arg17 : memref<!tpu.dma_semaphore, #tpu.memory_space<semaphore_mem>>) {add = true}
    %dma_wait3A_116 = arith.constant 2 : i32
    %dma_wait3A_117 = arith.constant 0 : i32
    %dma_wait3A_118 = arith.constant 0 : i32
    %dma_wait3A_119 = tpu.memref_slice %arg9[%dma_wait3A_116, %dma_wait3A_117, %dma_wait3A_118] : memref<5x40x128xf32, #tpu.memory_space<vmem>> -> memref<1x40x128xf32, #tpu.memory_space<vmem>>
    %dma_wait3A_120 = tpu.memref_squeeze %dma_wait3A_119 : memref<1x40x128xf32, #tpu.memory_space<vmem>> -> memref<40x128xf32, #tpu.memory_space<vmem>>
    %dma_wait3A_121 = arith.constant 9880 : i32
    %dma_wait3A_122 = tpu.memref_slice %arg7[%dma_wait3A_121] : memref<10000xi32, #tpu.memory_space<vmem>> -> memref<40xi32, #tpu.memory_space<vmem>>
    %dma_wait3A_123 = arith.constant 0 : i32
    %dma_wait3A_124 = arith.constant 0 : i32
    %dma_wait3A_125 = tpu.memref_slice %arg2[%dma_wait3A_123, %dma_wait3A_124] : memref<10240x128xf32, #tpu.memory_space<hbm>> -> memref<10240x128xf32, #tpu.memory_space<hbm>>
    tpu.wait_indirect_dma semaphore(%arg13 : memref<!tpu.dma_semaphore, #tpu.memory_space<semaphore_mem>>) src(%dma_wait3A_125 : memref<10240x128xf32, #tpu.memory_space<hbm>>) dst(%dma_wait3A_120 : memref<40x128xf32, #tpu.memory_space<vmem>>)
    %dma_start3A_126 = arith.constant 2 : i32
    %dma_start3A_127 = arith.constant 0 : i32
    %dma_start3A_128 = arith.constant 0 : i32
    %dma_start3A_129 = tpu.memref_slice %arg9[%dma_start3A_126, %dma_start3A_127, %dma_start3A_128] : memref<5x40x128xf32, #tpu.memory_space<vmem>> -> memref<1x40x128xf32, #tpu.memory_space<vmem>>
    %dma_start3A_130 = tpu.memref_squeeze %dma_start3A_129 : memref<1x40x128xf32, #tpu.memory_space<vmem>> -> memref<40x128xf32, #tpu.memory_space<vmem>>
    %dma_start3A_131 = arith.constant 9880 : i32
    %dma_start3A_132 = tpu.memref_slice %arg8[%dma_start3A_131] : memref<10000xi32, #tpu.memory_space<vmem>> -> memref<40xi32, #tpu.memory_space<vmem>>
    %dma_start3A_133 = arith.constant 0 : i32
    %dma_start3A_134 = arith.constant 0 : i32
    %dma_start3A_135 = tpu.memref_slice %arg10[%dma_start3A_133, %dma_start3A_134] : memref<10240x128xf32, #tpu.memory_space<vmem_shared>> -> memref<10240x128xf32, #tpu.memory_space<vmem_shared>>
    tpu.enqueue_indirect_dma source(%dma_start3A_130 : memref<40x128xf32, #tpu.memory_space<vmem>>) target(%dma_start3A_135 : memref<10240x128xf32, #tpu.memory_space<vmem_shared>>) offsets(%dma_start3A_132 : memref<40xi32, #tpu.memory_space<vmem>>) semaphore(%arg18 : memref<!tpu.dma_semaphore, #tpu.memory_space<semaphore_mem>>) {add = true}
    %dma_wait3A_136 = arith.constant 3 : i32
    %dma_wait3A_137 = arith.constant 0 : i32
    %dma_wait3A_138 = arith.constant 0 : i32
    %dma_wait3A_139 = tpu.memref_slice %arg9[%dma_wait3A_136, %dma_wait3A_137, %dma_wait3A_138] : memref<5x40x128xf32, #tpu.memory_space<vmem>> -> memref<1x40x128xf32, #tpu.memory_space<vmem>>
    %dma_wait3A_140 = tpu.memref_squeeze %dma_wait3A_139 : memref<1x40x128xf32, #tpu.memory_space<vmem>> -> memref<40x128xf32, #tpu.memory_space<vmem>>
    %dma_wait3A_141 = arith.constant 9920 : i32
    %dma_wait3A_142 = tpu.memref_slice %arg7[%dma_wait3A_141] : memref<10000xi32, #tpu.memory_space<vmem>> -> memref<40xi32, #tpu.memory_space<vmem>>
    %dma_wait3A_143 = arith.constant 0 : i32
    %dma_wait3A_144 = arith.constant 0 : i32
    %dma_wait3A_145 = tpu.memref_slice %arg2[%dma_wait3A_143, %dma_wait3A_144] : memref<10240x128xf32, #tpu.memory_space<hbm>> -> memref<10240x128xf32, #tpu.memory_space<hbm>>
    tpu.wait_indirect_dma semaphore(%arg14 : memref<!tpu.dma_semaphore, #tpu.memory_space<semaphore_mem>>) src(%dma_wait3A_145 : memref<10240x128xf32, #tpu.memory_space<hbm>>) dst(%dma_wait3A_140 : memref<40x128xf32, #tpu.memory_space<vmem>>)
    %dma_start3A_146 = arith.constant 3 : i32
    %dma_start3A_147 = arith.constant 0 : i32
    %dma_start3A_148 = arith.constant 0 : i32
    %dma_start3A_149 = tpu.memref_slice %arg9[%dma_start3A_146, %dma_start3A_147, %dma_start3A_148] : memref<5x40x128xf32, #tpu.memory_space<vmem>> -> memref<1x40x128xf32, #tpu.memory_space<vmem>>
    %dma_start3A_150 = tpu.memref_squeeze %dma_start3A_149 : memref<1x40x128xf32, #tpu.memory_space<vmem>> -> memref<40x128xf32, #tpu.memory_space<vmem>>
    %dma_start3A_151 = arith.constant 9920 : i32
    %dma_start3A_152 = tpu.memref_slice %arg8[%dma_start3A_151] : memref<10000xi32, #tpu.memory_space<vmem>> -> memref<40xi32, #tpu.memory_space<vmem>>
    %dma_start3A_153 = arith.constant 0 : i32
    %dma_start3A_154 = arith.constant 0 : i32
    %dma_start3A_155 = tpu.memref_slice %arg10[%dma_start3A_153, %dma_start3A_154] : memref<10240x128xf32, #tpu.memory_space<vmem_shared>> -> memref<10240x128xf32, #tpu.memory_space<vmem_shared>>
    tpu.enqueue_indirect_dma source(%dma_start3A_150 : memref<40x128xf32, #tpu.memory_space<vmem>>) target(%dma_start3A_155 : memref<10240x128xf32, #tpu.memory_space<vmem_shared>>) offsets(%dma_start3A_152 : memref<40xi32, #tpu.memory_space<vmem>>) semaphore(%arg19 : memref<!tpu.dma_semaphore, #tpu.memory_space<semaphore_mem>>) {add = true}
    %dma_wait3A_156 = arith.constant 4 : i32
    %dma_wait3A_157 = arith.constant 0 : i32
    %dma_wait3A_158 = arith.constant 0 : i32
    %dma_wait3A_159 = tpu.memref_slice %arg9[%dma_wait3A_156, %dma_wait3A_157, %dma_wait3A_158] : memref<5x40x128xf32, #tpu.memory_space<vmem>> -> memref<1x40x128xf32, #tpu.memory_space<vmem>>
    %dma_wait3A_160 = tpu.memref_squeeze %dma_wait3A_159 : memref<1x40x128xf32, #tpu.memory_space<vmem>> -> memref<40x128xf32, #tpu.memory_space<vmem>>
    %dma_wait3A_161 = arith.constant 9960 : i32
    %dma_wait3A_162 = tpu.memref_slice %arg7[%dma_wait3A_161] : memref<10000xi32, #tpu.memory_space<vmem>> -> memref<40xi32, #tpu.memory_space<vmem>>
    %dma_wait3A_163 = arith.constant 0 : i32
    %dma_wait3A_164 = arith.constant 0 : i32
    %dma_wait3A_165 = tpu.memref_slice %arg2[%dma_wait3A_163, %dma_wait3A_164] : memref<10240x128xf32, #tpu.memory_space<hbm>> -> memref<10240x128xf32, #tpu.memory_space<hbm>>
    tpu.wait_indirect_dma semaphore(%arg15 : memref<!tpu.dma_semaphore, #tpu.memory_space<semaphore_mem>>) src(%dma_wait3A_165 : memref<10240x128xf32, #tpu.memory_space<hbm>>) dst(%dma_wait3A_160 : memref<40x128xf32, #tpu.memory_space<vmem>>)
    %dma_start3A_166 = arith.constant 4 : i32
    %dma_start3A_167 = arith.constant 0 : i32
    %dma_start3A_168 = arith.constant 0 : i32
    %dma_start3A_169 = tpu.memref_slice %arg9[%dma_start3A_166, %dma_start3A_167, %dma_start3A_168] : memref<5x40x128xf32, #tpu.memory_space<vmem>> -> memref<1x40x128xf32, #tpu.memory_space<vmem>>
    %dma_start3A_170 = tpu.memref_squeeze %dma_start3A_169 : memref<1x40x128xf32, #tpu.memory_space<vmem>> -> memref<40x128xf32, #tpu.memory_space<vmem>>
    %dma_start3A_171 = arith.constant 9960 : i32
    %dma_start3A_172 = tpu.memref_slice %arg8[%dma_start3A_171] : memref<10000xi32, #tpu.memory_space<vmem>> -> memref<40xi32, #tpu.memory_space<vmem>>
    %dma_start3A_173 = arith.constant 0 : i32
    %dma_start3A_174 = arith.constant 0 : i32
    %dma_start3A_175 = tpu.memref_slice %arg10[%dma_start3A_173, %dma_start3A_174] : memref<10240x128xf32, #tpu.memory_space<vmem_shared>> -> memref<10240x128xf32, #tpu.memory_space<vmem_shared>>
    tpu.enqueue_indirect_dma source(%dma_start3A_170 : memref<40x128xf32, #tpu.memory_space<vmem>>) target(%dma_start3A_175 : memref<10240x128xf32, #tpu.memory_space<vmem_shared>>) offsets(%dma_start3A_172 : memref<40xi32, #tpu.memory_space<vmem>>) semaphore(%arg20 : memref<!tpu.dma_semaphore, #tpu.memory_space<semaphore_mem>>) {add = true}
    %dma_wait3A_176 = arith.constant 0 : i32
    %dma_wait3A_177 = arith.constant 0 : i32
    %dma_wait3A_178 = arith.constant 0 : i32
    %dma_wait3A_179 = tpu.memref_slice %arg9[%dma_wait3A_176, %dma_wait3A_177, %dma_wait3A_178] : memref<5x40x128xf32, #tpu.memory_space<vmem>> -> memref<1x40x128xf32, #tpu.memory_space<vmem>>
    %dma_wait3A_180 = tpu.memref_squeeze %dma_wait3A_179 : memref<1x40x128xf32, #tpu.memory_space<vmem>> -> memref<40x128xf32, #tpu.memory_space<vmem>>
    %dma_wait3A_181 = arith.constant 9800 : i32
    %dma_wait3A_182 = tpu.memref_slice %arg8[%dma_wait3A_181] : memref<10000xi32, #tpu.memory_space<vmem>> -> memref<40xi32, #tpu.memory_space<vmem>>
    %dma_wait3A_183 = arith.constant 0 : i32
    %dma_wait3A_184 = arith.constant 0 : i32
    %dma_wait3A_185 = tpu.memref_slice %arg10[%dma_wait3A_183, %dma_wait3A_184] : memref<10240x128xf32, #tpu.memory_space<vmem_shared>> -> memref<10240x128xf32, #tpu.memory_space<vmem_shared>>
    tpu.wait_indirect_dma semaphore(%arg16 : memref<!tpu.dma_semaphore, #tpu.memory_space<semaphore_mem>>) src(%dma_wait3A_180 : memref<40x128xf32, #tpu.memory_space<vmem>>) dst(%dma_wait3A_185 : memref<10240x128xf32, #tpu.memory_space<vmem_shared>>)
    %dma_wait3A_186 = arith.constant 1 : i32
    %dma_wait3A_187 = arith.constant 0 : i32
    %dma_wait3A_188 = arith.constant 0 : i32
    %dma_wait3A_189 = tpu.memref_slice %arg9[%dma_wait3A_186, %dma_wait3A_187, %dma_wait3A_188] : memref<5x40x128xf32, #tpu.memory_space<vmem>> -> memref<1x40x128xf32, #tpu.memory_space<vmem>>
    %dma_wait3A_190 = tpu.memref_squeeze %dma_wait3A_189 : memref<1x40x128xf32, #tpu.memory_space<vmem>> -> memref<40x128xf32, #tpu.memory_space<vmem>>
    %dma_wait3A_191 = arith.constant 9840 : i32
    %dma_wait3A_192 = tpu.memref_slice %arg8[%dma_wait3A_191] : memref<10000xi32, #tpu.memory_space<vmem>> -> memref<40xi32, #tpu.memory_space<vmem>>
    %dma_wait3A_193 = arith.constant 0 : i32
    %dma_wait3A_194 = arith.constant 0 : i32
    %dma_wait3A_195 = tpu.memref_slice %arg10[%dma_wait3A_193, %dma_wait3A_194] : memref<10240x128xf32, #tpu.memory_space<vmem_shared>> -> memref<10240x128xf32, #tpu.memory_space<vmem_shared>>
    tpu.wait_indirect_dma semaphore(%arg17 : memref<!tpu.dma_semaphore, #tpu.memory_space<semaphore_mem>>) src(%dma_wait3A_190 : memref<40x128xf32, #tpu.memory_space<vmem>>) dst(%dma_wait3A_195 : memref<10240x128xf32, #tpu.memory_space<vmem_shared>>)
    %dma_wait3A_196 = arith.constant 2 : i32
    %dma_wait3A_197 = arith.constant 0 : i32
    %dma_wait3A_198 = arith.constant 0 : i32
    %dma_wait3A_199 = tpu.memref_slice %arg9[%dma_wait3A_196, %dma_wait3A_197, %dma_wait3A_198] : memref<5x40x128xf32, #tpu.memory_space<vmem>> -> memref<1x40x128xf32, #tpu.memory_space<vmem>>
    %dma_wait3A_200 = tpu.memref_squeeze %dma_wait3A_199 : memref<1x40x128xf32, #tpu.memory_space<vmem>> -> memref<40x128xf32, #tpu.memory_space<vmem>>
    %dma_wait3A_201 = arith.constant 9880 : i32
    %dma_wait3A_202 = tpu.memref_slice %arg8[%dma_wait3A_201] : memref<10000xi32, #tpu.memory_space<vmem>> -> memref<40xi32, #tpu.memory_space<vmem>>
    %dma_wait3A_203 = arith.constant 0 : i32
    %dma_wait3A_204 = arith.constant 0 : i32
    %dma_wait3A_205 = tpu.memref_slice %arg10[%dma_wait3A_203, %dma_wait3A_204] : memref<10240x128xf32, #tpu.memory_space<vmem_shared>> -> memref<10240x128xf32, #tpu.memory_space<vmem_shared>>
    tpu.wait_indirect_dma semaphore(%arg18 : memref<!tpu.dma_semaphore, #tpu.memory_space<semaphore_mem>>) src(%dma_wait3A_200 : memref<40x128xf32, #tpu.memory_space<vmem>>) dst(%dma_wait3A_205 : memref<10240x128xf32, #tpu.memory_space<vmem_shared>>)
    %dma_wait3A_206 = arith.constant 3 : i32
    %dma_wait3A_207 = arith.constant 0 : i32
    %dma_wait3A_208 = arith.constant 0 : i32
    %dma_wait3A_209 = tpu.memref_slice %arg9[%dma_wait3A_206, %dma_wait3A_207, %dma_wait3A_208] : memref<5x40x128xf32, #tpu.memory_space<vmem>> -> memref<1x40x128xf32, #tpu.memory_space<vmem>>
    %dma_wait3A_210 = tpu.memref_squeeze %dma_wait3A_209 : memref<1x40x128xf32, #tpu.memory_space<vmem>> -> memref<40x128xf32, #tpu.memory_space<vmem>>
    %dma_wait3A_211 = arith.constant 9920 : i32
    %dma_wait3A_212 = tpu.memref_slice %arg8[%dma_wait3A_211] : memref<10000xi32, #tpu.memory_space<vmem>> -> memref<40xi32, #tpu.memory_space<vmem>>
    %dma_wait3A_213 = arith.constant 0 : i32
    %dma_wait3A_214 = arith.constant 0 : i32
    %dma_wait3A_215 = tpu.memref_slice %arg10[%dma_wait3A_213, %dma_wait3A_214] : memref<10240x128xf32, #tpu.memory_space<vmem_shared>> -> memref<10240x128xf32, #tpu.memory_space<vmem_shared>>
    tpu.wait_indirect_dma semaphore(%arg19 : memref<!tpu.dma_semaphore, #tpu.memory_space<semaphore_mem>>) src(%dma_wait3A_210 : memref<40x128xf32, #tpu.memory_space<vmem>>) dst(%dma_wait3A_215 : memref<10240x128xf32, #tpu.memory_space<vmem_shared>>)
    %dma_wait3A_216 = arith.constant 4 : i32
    %dma_wait3A_217 = arith.constant 0 : i32
    %dma_wait3A_218 = arith.constant 0 : i32
    %dma_wait3A_219 = tpu.memref_slice %arg9[%dma_wait3A_216, %dma_wait3A_217, %dma_wait3A_218] : memref<5x40x128xf32, #tpu.memory_space<vmem>> -> memref<1x40x128xf32, #tpu.memory_space<vmem>>
    %dma_wait3A_220 = tpu.memref_squeeze %dma_wait3A_219 : memref<1x40x128xf32, #tpu.memory_space<vmem>> -> memref<40x128xf32, #tpu.memory_space<vmem>>
    %dma_wait3A_221 = arith.constant 9960 : i32
    %dma_wait3A_222 = tpu.memref_slice %arg8[%dma_wait3A_221] : memref<10000xi32, #tpu.memory_space<vmem>> -> memref<40xi32, #tpu.memory_space<vmem>>
    %dma_wait3A_223 = arith.constant 0 : i32
    %dma_wait3A_224 = arith.constant 0 : i32
    %dma_wait3A_225 = tpu.memref_slice %arg10[%dma_wait3A_223, %dma_wait3A_224] : memref<10240x128xf32, #tpu.memory_space<vmem_shared>> -> memref<10240x128xf32, #tpu.memory_space<vmem_shared>>
    tpu.wait_indirect_dma semaphore(%arg20 : memref<!tpu.dma_semaphore, #tpu.memory_space<semaphore_mem>>) src(%dma_wait3A_220 : memref<40x128xf32, #tpu.memory_space<vmem>>) dst(%dma_wait3A_225 : memref<10240x128xf32, #tpu.memory_space<vmem_shared>>)
    %barrier3A_226 = arith.constant 0 : index
    tpu.barrier barrier_id(%barrier3A_226)
    %mul3A_227 = arith.constant 10240 : i32
    %mul3A_228 = arith.muli %arg0, %mul3A_227 : i32
    %add3A_229 = arith.addi %mul3A_228, %mul3A_0 : i32
    "tpu.region"() ({
      %run_scoped3A = tpu.sem_alloc : memref<!tpu.dma_semaphore, #tpu.memory_space<semaphore_mem>>
      %dma_start3A_230 = arith.constant 0 : i32
      %dma_start3A_231 = tpu.memref_slice %arg6[%add3A_229, %dma_start3A_230] : memref<20480x128xf32, #tpu.memory_space<hbm>> -> memref<640x128xf32, #tpu.memory_space<hbm>>
      %dma_start3A_232 = arith.constant 0 : i32
      %dma_start3A_233 = tpu.memref_slice %arg10[%mul3A_0, %dma_start3A_232] : memref<10240x128xf32, #tpu.memory_space<vmem_shared>> -> memref<640x128xf32, #tpu.memory_space<vmem_shared>>
      tpu.enqueue_dma source(%dma_start3A_233 : memref<640x128xf32, #tpu.memory_space<vmem_shared>>) target(%dma_start3A_231 : memref<640x128xf32, #tpu.memory_space<hbm>>) target_semaphore(%run_scoped3A : memref<!tpu.dma_semaphore, #tpu.memory_space<semaphore_mem>>)
      %dma_wait3A_234 = arith.constant 0 : i32
      %dma_wait3A_235 = tpu.memref_slice %arg6[%add3A_229, %dma_wait3A_234] : memref<20480x128xf32, #tpu.memory_space<hbm>> -> memref<640x128xf32, #tpu.memory_space<hbm>>
      %dma_wait3A_236 = arith.constant 0 : i32
      %dma_wait3A_237 = tpu.memref_slice %arg10[%mul3A_0, %dma_wait3A_236] : memref<10240x128xf32, #tpu.memory_space<vmem_shared>> -> memref<640x128xf32, #tpu.memory_space<vmem_shared>>
      tpu.wait_dma2 semaphore(%run_scoped3A : memref<!tpu.dma_semaphore, #tpu.memory_space<semaphore_mem>>) src(%dma_wait3A_237 : memref<640x128xf32, #tpu.memory_space<vmem_shared>>) dst(%dma_wait3A_235 : memref<640x128xf32, #tpu.memory_space<hbm>>)
      tpu.yield
    }) : () -> ()
    return
  }
}

#map = affine_map<(d0, d1) -> (0)>
#map1 = affine_map<(d0, d1) -> (0, 0)>
module attributes {stable_mosaic.version = 14 : i64} {
  func.func @deg_kernel(%arg0: i32, %arg1: i32, %arg2: memref<320000xi32, #tpu.memory_space<hbm>>, %arg3: memref<80x128xf32, #tpu.memory_space<hbm>>, %arg4: memref<10240x128xf32, #tpu.memory_space<hbm>>, %arg5: memref<20480x128xf32, #tpu.memory_space<hbm>>, %arg6: memref<10000xi32, #tpu.memory_space<vmem>>, %arg7: memref<80x128xf32, #tpu.memory_space<vmem>>, %arg8: memref<10240x128xf32, #tpu.memory_space<vmem_shared>>, %arg9: memref<!tpu.dma_semaphore, #tpu.memory_space<semaphore_mem>>) attributes {dimension_semantics = [#tpu.dimension_semantics<core_parallel>, #tpu.dimension_semantics<subcore_parallel>], iteration_bounds = array<i64: 2, 16>, scalar_prefetch = 0 : i64, scratch_operands = 4 : i64, tpu.core_type = #tpu.core_type<sc_vector_subcore>, window_params = [{transform_indices = #map}, {transform_indices = #map1}, {transform_indices = #map1}, {transform_indices = #map1}]} {
    %mul3A = arith.constant 640 : i32
    %mul3A_0 = arith.muli %arg1, %mul3A : i32
    %mul3A_1 = arith.constant 16 : i32
    %mul3A_2 = arith.muli %arg0, %mul3A_1 : i32
    %add3A = arith.addi %mul3A_2, %arg1 : i32
    %dma_start3A = arith.constant 0 : i32
    %dma_start3A_3 = tpu.memref_slice %arg8[%mul3A_0, %dma_start3A] : memref<10240x128xf32, #tpu.memory_space<vmem_shared>> -> memref<640x128xf32, #tpu.memory_space<vmem_shared>>
    %dma_start3A_4 = arith.constant 0 : i32
    %dma_start3A_5 = tpu.memref_slice %arg4[%mul3A_0, %dma_start3A_4] : memref<10240x128xf32, #tpu.memory_space<hbm>> -> memref<640x128xf32, #tpu.memory_space<hbm>>
    tpu.enqueue_dma source(%dma_start3A_5 : memref<640x128xf32, #tpu.memory_space<hbm>>) target(%dma_start3A_3 : memref<640x128xf32, #tpu.memory_space<vmem_shared>>) target_semaphore(%arg9 : memref<!tpu.dma_semaphore, #tpu.memory_space<semaphore_mem>>)
    tpu.enqueue_dma source(%arg3 : memref<80x128xf32, #tpu.memory_space<hbm>>) target(%arg7 : memref<80x128xf32, #tpu.memory_space<vmem>>) target_semaphore(%arg9 : memref<!tpu.dma_semaphore, #tpu.memory_space<semaphore_mem>>)
    %mul3A_6 = arith.constant 10000 : i32
    %mul3A_7 = arith.muli %add3A, %mul3A_6 : i32
    %dma_start3A_8 = tpu.memref_slice %arg2[%mul3A_7] : memref<320000xi32, #tpu.memory_space<hbm>> -> memref<10000xi32, #tpu.memory_space<hbm>>
    %dma_start3A_9 = tpu.memref_slice %arg2[%mul3A_7] : memref<320000xi32, #tpu.memory_space<hbm>> -> memref<10000xi32, #tpu.memory_space<hbm>>
    tpu.enqueue_dma source(%dma_start3A_9 : memref<10000xi32, #tpu.memory_space<hbm>>) target(%arg6 : memref<10000xi32, #tpu.memory_space<vmem>>) target_semaphore(%arg9 : memref<!tpu.dma_semaphore, #tpu.memory_space<semaphore_mem>>)
    %dma_wait3A = arith.constant 0 : i32
    %dma_wait3A_10 = tpu.memref_slice %arg8[%mul3A_0, %dma_wait3A] : memref<10240x128xf32, #tpu.memory_space<vmem_shared>> -> memref<640x128xf32, #tpu.memory_space<vmem_shared>>
    %dma_wait3A_11 = arith.constant 0 : i32
    %dma_wait3A_12 = tpu.memref_slice %arg4[%mul3A_0, %dma_wait3A_11] : memref<10240x128xf32, #tpu.memory_space<hbm>> -> memref<640x128xf32, #tpu.memory_space<hbm>>
    tpu.wait_dma2 semaphore(%arg9 : memref<!tpu.dma_semaphore, #tpu.memory_space<semaphore_mem>>) src(%dma_wait3A_12 : memref<640x128xf32, #tpu.memory_space<hbm>>) dst(%dma_wait3A_10 : memref<640x128xf32, #tpu.memory_space<vmem_shared>>)
    tpu.wait_dma2 semaphore(%arg9 : memref<!tpu.dma_semaphore, #tpu.memory_space<semaphore_mem>>) src(%arg3 : memref<80x128xf32, #tpu.memory_space<hbm>>) dst(%arg7 : memref<80x128xf32, #tpu.memory_space<vmem>>)
    %dma_wait3A_13 = tpu.memref_slice %arg2[%mul3A_7] : memref<320000xi32, #tpu.memory_space<hbm>> -> memref<10000xi32, #tpu.memory_space<hbm>>
    %dma_wait3A_14 = tpu.memref_slice %arg2[%mul3A_7] : memref<320000xi32, #tpu.memory_space<hbm>> -> memref<10000xi32, #tpu.memory_space<hbm>>
    tpu.wait_dma2 semaphore(%arg9 : memref<!tpu.dma_semaphore, #tpu.memory_space<semaphore_mem>>) src(%dma_wait3A_14 : memref<10000xi32, #tpu.memory_space<hbm>>) dst(%arg6 : memref<10000xi32, #tpu.memory_space<vmem>>)
    %barrier3A = arith.constant 0 : index
    tpu.barrier barrier_id(%barrier3A)
    %scan3A = arith.constant 0 : i32
    %scan3A_15 = arith.constant 0 : i32
    %scan3A_16 = arith.constant 25 : i32
    %scan3A_17 = arith.addi %scan3A_15, %scan3A_16 : i32
    %scan3A_18 = arith.constant 1 : i32
    scf.for %scan3A_74 = %scan3A_15 to %scan3A_17 step %scan3A_18  : i32 {
      %gt3A = arith.constant 1 : i32
      %gt3A_75 = arith.cmpi sgt, %scan3A_74, %gt3A : i32
      %convert_element_type3A = arith.extui %gt3A_75 : i1 to i32
      %cond3A = arith.constant 0 : i32
      %cond3A_76 = arith.cmpi ne, %convert_element_type3A, %cond3A : i32
      scf.if %cond3A_76 {
        %sub3A = arith.constant 2 : i32
        %sub3A_127 = arith.subi %scan3A_74, %sub3A : i32
        %mul3A_128 = arith.constant 5 : i32
        %mul3A_129 = arith.muli %sub3A_127, %mul3A_128 : i32
        %add3A_130 = arith.constant 0 : i32
        %add3A_131 = arith.addi %mul3A_129, %add3A_130 : i32
        %mul3A_132 = arith.constant 80 : i32
        %mul3A_133 = arith.muli %add3A_131, %mul3A_132 : i32
        %dma_wait3A_134 = tpu.memref_slice %arg6[%mul3A_133] : memref<10000xi32, #tpu.memory_space<vmem>> -> memref<80xi32, #tpu.memory_space<vmem>>
        %dma_wait3A_135 = arith.constant 0 : i32
        %dma_wait3A_136 = arith.constant 0 : i32
        %dma_wait3A_137 = tpu.memref_slice %arg8[%dma_wait3A_135, %dma_wait3A_136] : memref<10240x128xf32, #tpu.memory_space<vmem_shared>> -> memref<10240x128xf32, #tpu.memory_space<vmem_shared>>
        tpu.wait_indirect_dma semaphore(%arg9 : memref<!tpu.dma_semaphore, #tpu.memory_space<semaphore_mem>>) src(%arg7 : memref<80x128xf32, #tpu.memory_space<vmem>>) dst(%dma_wait3A_137 : memref<10240x128xf32, #tpu.memory_space<vmem_shared>>)
        %sub3A_138 = arith.constant 2 : i32
        %sub3A_139 = arith.subi %scan3A_74, %sub3A_138 : i32
        %mul3A_140 = arith.constant 5 : i32
        %mul3A_141 = arith.muli %sub3A_139, %mul3A_140 : i32
        %add3A_142 = arith.constant 1 : i32
        %add3A_143 = arith.addi %mul3A_141, %add3A_142 : i32
        %mul3A_144 = arith.constant 80 : i32
        %mul3A_145 = arith.muli %add3A_143, %mul3A_144 : i32
        %dma_wait3A_146 = tpu.memref_slice %arg6[%mul3A_145] : memref<10000xi32, #tpu.memory_space<vmem>> -> memref<80xi32, #tpu.memory_space<vmem>>
        %dma_wait3A_147 = arith.constant 0 : i32
        %dma_wait3A_148 = arith.constant 0 : i32
        %dma_wait3A_149 = tpu.memref_slice %arg8[%dma_wait3A_147, %dma_wait3A_148] : memref<10240x128xf32, #tpu.memory_space<vmem_shared>> -> memref<10240x128xf32, #tpu.memory_space<vmem_shared>>
        tpu.wait_indirect_dma semaphore(%arg9 : memref<!tpu.dma_semaphore, #tpu.memory_space<semaphore_mem>>) src(%arg7 : memref<80x128xf32, #tpu.memory_space<vmem>>) dst(%dma_wait3A_149 : memref<10240x128xf32, #tpu.memory_space<vmem_shared>>)
        %sub3A_150 = arith.constant 2 : i32
        %sub3A_151 = arith.subi %scan3A_74, %sub3A_150 : i32
        %mul3A_152 = arith.constant 5 : i32
        %mul3A_153 = arith.muli %sub3A_151, %mul3A_152 : i32
        %add3A_154 = arith.constant 2 : i32
        %add3A_155 = arith.addi %mul3A_153, %add3A_154 : i32
        %mul3A_156 = arith.constant 80 : i32
        %mul3A_157 = arith.muli %add3A_155, %mul3A_156 : i32
        %dma_wait3A_158 = tpu.memref_slice %arg6[%mul3A_157] : memref<10000xi32, #tpu.memory_space<vmem>> -> memref<80xi32, #tpu.memory_space<vmem>>
        %dma_wait3A_159 = arith.constant 0 : i32
        %dma_wait3A_160 = arith.constant 0 : i32
        %dma_wait3A_161 = tpu.memref_slice %arg8[%dma_wait3A_159, %dma_wait3A_160] : memref<10240x128xf32, #tpu.memory_space<vmem_shared>> -> memref<10240x128xf32, #tpu.memory_space<vmem_shared>>
        tpu.wait_indirect_dma semaphore(%arg9 : memref<!tpu.dma_semaphore, #tpu.memory_space<semaphore_mem>>) src(%arg7 : memref<80x128xf32, #tpu.memory_space<vmem>>) dst(%dma_wait3A_161 : memref<10240x128xf32, #tpu.memory_space<vmem_shared>>)
        %sub3A_162 = arith.constant 2 : i32
        %sub3A_163 = arith.subi %scan3A_74, %sub3A_162 : i32
        %mul3A_164 = arith.constant 5 : i32
        %mul3A_165 = arith.muli %sub3A_163, %mul3A_164 : i32
        %add3A_166 = arith.constant 3 : i32
        %add3A_167 = arith.addi %mul3A_165, %add3A_166 : i32
        %mul3A_168 = arith.constant 80 : i32
        %mul3A_169 = arith.muli %add3A_167, %mul3A_168 : i32
        %dma_wait3A_170 = tpu.memref_slice %arg6[%mul3A_169] : memref<10000xi32, #tpu.memory_space<vmem>> -> memref<80xi32, #tpu.memory_space<vmem>>
        %dma_wait3A_171 = arith.constant 0 : i32
        %dma_wait3A_172 = arith.constant 0 : i32
        %dma_wait3A_173 = tpu.memref_slice %arg8[%dma_wait3A_171, %dma_wait3A_172] : memref<10240x128xf32, #tpu.memory_space<vmem_shared>> -> memref<10240x128xf32, #tpu.memory_space<vmem_shared>>
        tpu.wait_indirect_dma semaphore(%arg9 : memref<!tpu.dma_semaphore, #tpu.memory_space<semaphore_mem>>) src(%arg7 : memref<80x128xf32, #tpu.memory_space<vmem>>) dst(%dma_wait3A_173 : memref<10240x128xf32, #tpu.memory_space<vmem_shared>>)
        %sub3A_174 = arith.constant 2 : i32
        %sub3A_175 = arith.subi %scan3A_74, %sub3A_174 : i32
        %mul3A_176 = arith.constant 5 : i32
        %mul3A_177 = arith.muli %sub3A_175, %mul3A_176 : i32
        %add3A_178 = arith.constant 4 : i32
        %add3A_179 = arith.addi %mul3A_177, %add3A_178 : i32
        %mul3A_180 = arith.constant 80 : i32
        %mul3A_181 = arith.muli %add3A_179, %mul3A_180 : i32
        %dma_wait3A_182 = tpu.memref_slice %arg6[%mul3A_181] : memref<10000xi32, #tpu.memory_space<vmem>> -> memref<80xi32, #tpu.memory_space<vmem>>
        %dma_wait3A_183 = arith.constant 0 : i32
        %dma_wait3A_184 = arith.constant 0 : i32
        %dma_wait3A_185 = tpu.memref_slice %arg8[%dma_wait3A_183, %dma_wait3A_184] : memref<10240x128xf32, #tpu.memory_space<vmem_shared>> -> memref<10240x128xf32, #tpu.memory_space<vmem_shared>>
        tpu.wait_indirect_dma semaphore(%arg9 : memref<!tpu.dma_semaphore, #tpu.memory_space<semaphore_mem>>) src(%arg7 : memref<80x128xf32, #tpu.memory_space<vmem>>) dst(%dma_wait3A_185 : memref<10240x128xf32, #tpu.memory_space<vmem_shared>>)
      } else {
      }
      %mul3A_77 = arith.constant 5 : i32
      %mul3A_78 = arith.muli %scan3A_74, %mul3A_77 : i32
      %add3A_79 = arith.constant 0 : i32
      %add3A_80 = arith.addi %mul3A_78, %add3A_79 : i32
      %mul3A_81 = arith.constant 80 : i32
      %mul3A_82 = arith.muli %add3A_80, %mul3A_81 : i32
      %dma_start3A_83 = tpu.memref_slice %arg6[%mul3A_82] : memref<10000xi32, #tpu.memory_space<vmem>> -> memref<80xi32, #tpu.memory_space<vmem>>
      %dma_start3A_84 = arith.constant 0 : i32
      %dma_start3A_85 = arith.constant 0 : i32
      %dma_start3A_86 = tpu.memref_slice %arg8[%dma_start3A_84, %dma_start3A_85] : memref<10240x128xf32, #tpu.memory_space<vmem_shared>> -> memref<10240x128xf32, #tpu.memory_space<vmem_shared>>
      tpu.enqueue_indirect_dma source(%arg7 : memref<80x128xf32, #tpu.memory_space<vmem>>) target(%dma_start3A_86 : memref<10240x128xf32, #tpu.memory_space<vmem_shared>>) offsets(%dma_start3A_83 : memref<80xi32, #tpu.memory_space<vmem>>) semaphore(%arg9 : memref<!tpu.dma_semaphore, #tpu.memory_space<semaphore_mem>>) {add = true}
      %mul3A_87 = arith.constant 5 : i32
      %mul3A_88 = arith.muli %scan3A_74, %mul3A_87 : i32
      %add3A_89 = arith.constant 1 : i32
      %add3A_90 = arith.addi %mul3A_88, %add3A_89 : i32
      %mul3A_91 = arith.constant 80 : i32
      %mul3A_92 = arith.muli %add3A_90, %mul3A_91 : i32
      %dma_start3A_93 = tpu.memref_slice %arg6[%mul3A_92] : memref<10000xi32, #tpu.memory_space<vmem>> -> memref<80xi32, #tpu.memory_space<vmem>>
      %dma_start3A_94 = arith.constant 0 : i32
      %dma_start3A_95 = arith.constant 0 : i32
      %dma_start3A_96 = tpu.memref_slice %arg8[%dma_start3A_94, %dma_start3A_95] : memref<10240x128xf32, #tpu.memory_space<vmem_shared>> -> memref<10240x128xf32, #tpu.memory_space<vmem_shared>>
      tpu.enqueue_indirect_dma source(%arg7 : memref<80x128xf32, #tpu.memory_space<vmem>>) target(%dma_start3A_96 : memref<10240x128xf32, #tpu.memory_space<vmem_shared>>) offsets(%dma_start3A_93 : memref<80xi32, #tpu.memory_space<vmem>>) semaphore(%arg9 : memref<!tpu.dma_semaphore, #tpu.memory_space<semaphore_mem>>) {add = true}
      %mul3A_97 = arith.constant 5 : i32
      %mul3A_98 = arith.muli %scan3A_74, %mul3A_97 : i32
      %add3A_99 = arith.constant 2 : i32
      %add3A_100 = arith.addi %mul3A_98, %add3A_99 : i32
      %mul3A_101 = arith.constant 80 : i32
      %mul3A_102 = arith.muli %add3A_100, %mul3A_101 : i32
      %dma_start3A_103 = tpu.memref_slice %arg6[%mul3A_102] : memref<10000xi32, #tpu.memory_space<vmem>> -> memref<80xi32, #tpu.memory_space<vmem>>
      %dma_start3A_104 = arith.constant 0 : i32
      %dma_start3A_105 = arith.constant 0 : i32
      %dma_start3A_106 = tpu.memref_slice %arg8[%dma_start3A_104, %dma_start3A_105] : memref<10240x128xf32, #tpu.memory_space<vmem_shared>> -> memref<10240x128xf32, #tpu.memory_space<vmem_shared>>
      tpu.enqueue_indirect_dma source(%arg7 : memref<80x128xf32, #tpu.memory_space<vmem>>) target(%dma_start3A_106 : memref<10240x128xf32, #tpu.memory_space<vmem_shared>>) offsets(%dma_start3A_103 : memref<80xi32, #tpu.memory_space<vmem>>) semaphore(%arg9 : memref<!tpu.dma_semaphore, #tpu.memory_space<semaphore_mem>>) {add = true}
      %mul3A_107 = arith.constant 5 : i32
      %mul3A_108 = arith.muli %scan3A_74, %mul3A_107 : i32
      %add3A_109 = arith.constant 3 : i32
      %add3A_110 = arith.addi %mul3A_108, %add3A_109 : i32
      %mul3A_111 = arith.constant 80 : i32
      %mul3A_112 = arith.muli %add3A_110, %mul3A_111 : i32
      %dma_start3A_113 = tpu.memref_slice %arg6[%mul3A_112] : memref<10000xi32, #tpu.memory_space<vmem>> -> memref<80xi32, #tpu.memory_space<vmem>>
      %dma_start3A_114 = arith.constant 0 : i32
      %dma_start3A_115 = arith.constant 0 : i32
      %dma_start3A_116 = tpu.memref_slice %arg8[%dma_start3A_114, %dma_start3A_115] : memref<10240x128xf32, #tpu.memory_space<vmem_shared>> -> memref<10240x128xf32, #tpu.memory_space<vmem_shared>>
      tpu.enqueue_indirect_dma source(%arg7 : memref<80x128xf32, #tpu.memory_space<vmem>>) target(%dma_start3A_116 : memref<10240x128xf32, #tpu.memory_space<vmem_shared>>) offsets(%dma_start3A_113 : memref<80xi32, #tpu.memory_space<vmem>>) semaphore(%arg9 : memref<!tpu.dma_semaphore, #tpu.memory_space<semaphore_mem>>) {add = true}
      %mul3A_117 = arith.constant 5 : i32
      %mul3A_118 = arith.muli %scan3A_74, %mul3A_117 : i32
      %add3A_119 = arith.constant 4 : i32
      %add3A_120 = arith.addi %mul3A_118, %add3A_119 : i32
      %mul3A_121 = arith.constant 80 : i32
      %mul3A_122 = arith.muli %add3A_120, %mul3A_121 : i32
      %dma_start3A_123 = tpu.memref_slice %arg6[%mul3A_122] : memref<10000xi32, #tpu.memory_space<vmem>> -> memref<80xi32, #tpu.memory_space<vmem>>
      %dma_start3A_124 = arith.constant 0 : i32
      %dma_start3A_125 = arith.constant 0 : i32
      %dma_start3A_126 = tpu.memref_slice %arg8[%dma_start3A_124, %dma_start3A_125] : memref<10240x128xf32, #tpu.memory_space<vmem_shared>> -> memref<10240x128xf32, #tpu.memory_space<vmem_shared>>
      tpu.enqueue_indirect_dma source(%arg7 : memref<80x128xf32, #tpu.memory_space<vmem>>) target(%dma_start3A_126 : memref<10240x128xf32, #tpu.memory_space<vmem_shared>>) offsets(%dma_start3A_123 : memref<80xi32, #tpu.memory_space<vmem>>) semaphore(%arg9 : memref<!tpu.dma_semaphore, #tpu.memory_space<semaphore_mem>>) {add = true}
    }
    %scan3A_19 = arith.constant 25 : i32
    %dma_wait3A_20 = arith.constant 9200 : i32
    %dma_wait3A_21 = tpu.memref_slice %arg6[%dma_wait3A_20] : memref<10000xi32, #tpu.memory_space<vmem>> -> memref<80xi32, #tpu.memory_space<vmem>>
    %dma_wait3A_22 = arith.constant 0 : i32
    %dma_wait3A_23 = arith.constant 0 : i32
    %dma_wait3A_24 = tpu.memref_slice %arg8[%dma_wait3A_22, %dma_wait3A_23] : memref<10240x128xf32, #tpu.memory_space<vmem_shared>> -> memref<10240x128xf32, #tpu.memory_space<vmem_shared>>
    tpu.wait_indirect_dma semaphore(%arg9 : memref<!tpu.dma_semaphore, #tpu.memory_space<semaphore_mem>>) src(%arg7 : memref<80x128xf32, #tpu.memory_space<vmem>>) dst(%dma_wait3A_24 : memref<10240x128xf32, #tpu.memory_space<vmem_shared>>)
    %dma_wait3A_25 = arith.constant 9280 : i32
    %dma_wait3A_26 = tpu.memref_slice %arg6[%dma_wait3A_25] : memref<10000xi32, #tpu.memory_space<vmem>> -> memref<80xi32, #tpu.memory_space<vmem>>
    %dma_wait3A_27 = arith.constant 0 : i32
    %dma_wait3A_28 = arith.constant 0 : i32
    %dma_wait3A_29 = tpu.memref_slice %arg8[%dma_wait3A_27, %dma_wait3A_28] : memref<10240x128xf32, #tpu.memory_space<vmem_shared>> -> memref<10240x128xf32, #tpu.memory_space<vmem_shared>>
    tpu.wait_indirect_dma semaphore(%arg9 : memref<!tpu.dma_semaphore, #tpu.memory_space<semaphore_mem>>) src(%arg7 : memref<80x128xf32, #tpu.memory_space<vmem>>) dst(%dma_wait3A_29 : memref<10240x128xf32, #tpu.memory_space<vmem_shared>>)
    %dma_wait3A_30 = arith.constant 9360 : i32
    %dma_wait3A_31 = tpu.memref_slice %arg6[%dma_wait3A_30] : memref<10000xi32, #tpu.memory_space<vmem>> -> memref<80xi32, #tpu.memory_space<vmem>>
    %dma_wait3A_32 = arith.constant 0 : i32
    %dma_wait3A_33 = arith.constant 0 : i32
    %dma_wait3A_34 = tpu.memref_slice %arg8[%dma_wait3A_32, %dma_wait3A_33] : memref<10240x128xf32, #tpu.memory_space<vmem_shared>> -> memref<10240x128xf32, #tpu.memory_space<vmem_shared>>
    tpu.wait_indirect_dma semaphore(%arg9 : memref<!tpu.dma_semaphore, #tpu.memory_space<semaphore_mem>>) src(%arg7 : memref<80x128xf32, #tpu.memory_space<vmem>>) dst(%dma_wait3A_34 : memref<10240x128xf32, #tpu.memory_space<vmem_shared>>)
    %dma_wait3A_35 = arith.constant 9440 : i32
    %dma_wait3A_36 = tpu.memref_slice %arg6[%dma_wait3A_35] : memref<10000xi32, #tpu.memory_space<vmem>> -> memref<80xi32, #tpu.memory_space<vmem>>
    %dma_wait3A_37 = arith.constant 0 : i32
    %dma_wait3A_38 = arith.constant 0 : i32
    %dma_wait3A_39 = tpu.memref_slice %arg8[%dma_wait3A_37, %dma_wait3A_38] : memref<10240x128xf32, #tpu.memory_space<vmem_shared>> -> memref<10240x128xf32, #tpu.memory_space<vmem_shared>>
    tpu.wait_indirect_dma semaphore(%arg9 : memref<!tpu.dma_semaphore, #tpu.memory_space<semaphore_mem>>) src(%arg7 : memref<80x128xf32, #tpu.memory_space<vmem>>) dst(%dma_wait3A_39 : memref<10240x128xf32, #tpu.memory_space<vmem_shared>>)
    %dma_wait3A_40 = arith.constant 9520 : i32
    %dma_wait3A_41 = tpu.memref_slice %arg6[%dma_wait3A_40] : memref<10000xi32, #tpu.memory_space<vmem>> -> memref<80xi32, #tpu.memory_space<vmem>>
    %dma_wait3A_42 = arith.constant 0 : i32
    %dma_wait3A_43 = arith.constant 0 : i32
    %dma_wait3A_44 = tpu.memref_slice %arg8[%dma_wait3A_42, %dma_wait3A_43] : memref<10240x128xf32, #tpu.memory_space<vmem_shared>> -> memref<10240x128xf32, #tpu.memory_space<vmem_shared>>
    tpu.wait_indirect_dma semaphore(%arg9 : memref<!tpu.dma_semaphore, #tpu.memory_space<semaphore_mem>>) src(%arg7 : memref<80x128xf32, #tpu.memory_space<vmem>>) dst(%dma_wait3A_44 : memref<10240x128xf32, #tpu.memory_space<vmem_shared>>)
    %dma_wait3A_45 = arith.constant 9600 : i32
    %dma_wait3A_46 = tpu.memref_slice %arg6[%dma_wait3A_45] : memref<10000xi32, #tpu.memory_space<vmem>> -> memref<80xi32, #tpu.memory_space<vmem>>
    %dma_wait3A_47 = arith.constant 0 : i32
    %dma_wait3A_48 = arith.constant 0 : i32
    %dma_wait3A_49 = tpu.memref_slice %arg8[%dma_wait3A_47, %dma_wait3A_48] : memref<10240x128xf32, #tpu.memory_space<vmem_shared>> -> memref<10240x128xf32, #tpu.memory_space<vmem_shared>>
    tpu.wait_indirect_dma semaphore(%arg9 : memref<!tpu.dma_semaphore, #tpu.memory_space<semaphore_mem>>) src(%arg7 : memref<80x128xf32, #tpu.memory_space<vmem>>) dst(%dma_wait3A_49 : memref<10240x128xf32, #tpu.memory_space<vmem_shared>>)
    %dma_wait3A_50 = arith.constant 9680 : i32
    %dma_wait3A_51 = tpu.memref_slice %arg6[%dma_wait3A_50] : memref<10000xi32, #tpu.memory_space<vmem>> -> memref<80xi32, #tpu.memory_space<vmem>>
    %dma_wait3A_52 = arith.constant 0 : i32
    %dma_wait3A_53 = arith.constant 0 : i32
    %dma_wait3A_54 = tpu.memref_slice %arg8[%dma_wait3A_52, %dma_wait3A_53] : memref<10240x128xf32, #tpu.memory_space<vmem_shared>> -> memref<10240x128xf32, #tpu.memory_space<vmem_shared>>
    tpu.wait_indirect_dma semaphore(%arg9 : memref<!tpu.dma_semaphore, #tpu.memory_space<semaphore_mem>>) src(%arg7 : memref<80x128xf32, #tpu.memory_space<vmem>>) dst(%dma_wait3A_54 : memref<10240x128xf32, #tpu.memory_space<vmem_shared>>)
    %dma_wait3A_55 = arith.constant 9760 : i32
    %dma_wait3A_56 = tpu.memref_slice %arg6[%dma_wait3A_55] : memref<10000xi32, #tpu.memory_space<vmem>> -> memref<80xi32, #tpu.memory_space<vmem>>
    %dma_wait3A_57 = arith.constant 0 : i32
    %dma_wait3A_58 = arith.constant 0 : i32
    %dma_wait3A_59 = tpu.memref_slice %arg8[%dma_wait3A_57, %dma_wait3A_58] : memref<10240x128xf32, #tpu.memory_space<vmem_shared>> -> memref<10240x128xf32, #tpu.memory_space<vmem_shared>>
    tpu.wait_indirect_dma semaphore(%arg9 : memref<!tpu.dma_semaphore, #tpu.memory_space<semaphore_mem>>) src(%arg7 : memref<80x128xf32, #tpu.memory_space<vmem>>) dst(%dma_wait3A_59 : memref<10240x128xf32, #tpu.memory_space<vmem_shared>>)
    %dma_wait3A_60 = arith.constant 9840 : i32
    %dma_wait3A_61 = tpu.memref_slice %arg6[%dma_wait3A_60] : memref<10000xi32, #tpu.memory_space<vmem>> -> memref<80xi32, #tpu.memory_space<vmem>>
    %dma_wait3A_62 = arith.constant 0 : i32
    %dma_wait3A_63 = arith.constant 0 : i32
    %dma_wait3A_64 = tpu.memref_slice %arg8[%dma_wait3A_62, %dma_wait3A_63] : memref<10240x128xf32, #tpu.memory_space<vmem_shared>> -> memref<10240x128xf32, #tpu.memory_space<vmem_shared>>
    tpu.wait_indirect_dma semaphore(%arg9 : memref<!tpu.dma_semaphore, #tpu.memory_space<semaphore_mem>>) src(%arg7 : memref<80x128xf32, #tpu.memory_space<vmem>>) dst(%dma_wait3A_64 : memref<10240x128xf32, #tpu.memory_space<vmem_shared>>)
    %dma_wait3A_65 = arith.constant 9920 : i32
    %dma_wait3A_66 = tpu.memref_slice %arg6[%dma_wait3A_65] : memref<10000xi32, #tpu.memory_space<vmem>> -> memref<80xi32, #tpu.memory_space<vmem>>
    %dma_wait3A_67 = arith.constant 0 : i32
    %dma_wait3A_68 = arith.constant 0 : i32
    %dma_wait3A_69 = tpu.memref_slice %arg8[%dma_wait3A_67, %dma_wait3A_68] : memref<10240x128xf32, #tpu.memory_space<vmem_shared>> -> memref<10240x128xf32, #tpu.memory_space<vmem_shared>>
    tpu.wait_indirect_dma semaphore(%arg9 : memref<!tpu.dma_semaphore, #tpu.memory_space<semaphore_mem>>) src(%arg7 : memref<80x128xf32, #tpu.memory_space<vmem>>) dst(%dma_wait3A_69 : memref<10240x128xf32, #tpu.memory_space<vmem_shared>>)
    %barrier3A_70 = arith.constant 0 : index
    tpu.barrier barrier_id(%barrier3A_70)
    %mul3A_71 = arith.constant 10240 : i32
    %mul3A_72 = arith.muli %arg0, %mul3A_71 : i32
    %add3A_73 = arith.addi %mul3A_72, %mul3A_0 : i32
    "tpu.region"() ({
      %run_scoped3A = tpu.sem_alloc : memref<!tpu.dma_semaphore, #tpu.memory_space<semaphore_mem>>
      %dma_start3A_74 = arith.constant 0 : i32
      %dma_start3A_75 = tpu.memref_slice %arg5[%add3A_73, %dma_start3A_74] : memref<20480x128xf32, #tpu.memory_space<hbm>> -> memref<640x128xf32, #tpu.memory_space<hbm>>
      %dma_start3A_76 = arith.constant 0 : i32
      %dma_start3A_77 = tpu.memref_slice %arg8[%mul3A_0, %dma_start3A_76] : memref<10240x128xf32, #tpu.memory_space<vmem_shared>> -> memref<640x128xf32, #tpu.memory_space<vmem_shared>>
      tpu.enqueue_dma source(%dma_start3A_77 : memref<640x128xf32, #tpu.memory_space<vmem_shared>>) target(%dma_start3A_75 : memref<640x128xf32, #tpu.memory_space<hbm>>) target_semaphore(%run_scoped3A : memref<!tpu.dma_semaphore, #tpu.memory_space<semaphore_mem>>)
      %dma_wait3A_78 = arith.constant 0 : i32
      %dma_wait3A_79 = tpu.memref_slice %arg5[%add3A_73, %dma_wait3A_78] : memref<20480x128xf32, #tpu.memory_space<hbm>> -> memref<640x128xf32, #tpu.memory_space<hbm>>
      %dma_wait3A_80 = arith.constant 0 : i32
      %dma_wait3A_81 = tpu.memref_slice %arg8[%mul3A_0, %dma_wait3A_80] : memref<10240x128xf32, #tpu.memory_space<vmem_shared>> -> memref<640x128xf32, #tpu.memory_space<vmem_shared>>
      tpu.wait_dma2 semaphore(%run_scoped3A : memref<!tpu.dma_semaphore, #tpu.memory_space<semaphore_mem>>) src(%dma_wait3A_81 : memref<640x128xf32, #tpu.memory_space<vmem_shared>>) dst(%dma_wait3A_79 : memref<640x128xf32, #tpu.memory_space<hbm>>)
      tpu.yield
    }) : () -> ()
    return
  }
}

#map = affine_map<(d0, d1) -> (0, 0)>
#map1 = affine_map<(d0, d1) -> (0)>
module attributes {stable_mosaic.version = 14 : i64} {
  func.func @seg_kernel(%arg0: i32, %arg1: i32, %arg2: memref<10240x128xf32, #tpu.memory_space<hbm>>, %arg3: memref<320000xi32, #tpu.memory_space<hbm>>, %arg4: memref<320000xi32, #tpu.memory_space<hbm>>, %arg5: memref<10240x128xf32, #tpu.memory_space<hbm>>, %arg6: memref<20480x128xf32, #tpu.memory_space<hbm>>, %arg7: memref<10000xi32, #tpu.memory_space<vmem>>, %arg8: memref<10000xi32, #tpu.memory_space<vmem>>, %arg9: memref<5x40x128xf32, #tpu.memory_space<vmem>>, %arg10: memref<10240x128xf32, #tpu.memory_space<vmem_shared>>, %arg11: memref<!tpu.dma_semaphore, #tpu.memory_space<semaphore_mem>>, %arg12: memref<!tpu.dma_semaphore, #tpu.memory_space<semaphore_mem>>, %arg13: memref<!tpu.dma_semaphore, #tpu.memory_space<semaphore_mem>>, %arg14: memref<!tpu.dma_semaphore, #tpu.memory_space<semaphore_mem>>, %arg15: memref<!tpu.dma_semaphore, #tpu.memory_space<semaphore_mem>>, %arg16: memref<!tpu.dma_semaphore, #tpu.memory_space<semaphore_mem>>, %arg17: memref<!tpu.dma_semaphore, #tpu.memory_space<semaphore_mem>>, %arg18: memref<!tpu.dma_semaphore, #tpu.memory_space<semaphore_mem>>, %arg19: memref<!tpu.dma_semaphore, #tpu.memory_space<semaphore_mem>>, %arg20: memref<!tpu.dma_semaphore, #tpu.memory_space<semaphore_mem>>) attributes {dimension_semantics = [#tpu.dimension_semantics<core_parallel>, #tpu.dimension_semantics<subcore_parallel>], iteration_bounds = array<i64: 2, 16>, scalar_prefetch = 0 : i64, scratch_operands = 14 : i64, tpu.core_type = #tpu.core_type<sc_vector_subcore>, window_params = [{transform_indices = #map}, {transform_indices = #map1}, {transform_indices = #map1}, {transform_indices = #map}, {transform_indices = #map}]} {
    %mul3A = arith.constant 640 : i32
    %mul3A_0 = arith.muli %arg1, %mul3A : i32
    %mul3A_1 = arith.constant 16 : i32
    %mul3A_2 = arith.muli %arg0, %mul3A_1 : i32
    %add3A = arith.addi %mul3A_2, %arg1 : i32
    %dma_start3A = arith.constant 0 : i32
    %dma_start3A_3 = tpu.memref_slice %arg10[%mul3A_0, %dma_start3A] : memref<10240x128xf32, #tpu.memory_space<vmem_shared>> -> memref<640x128xf32, #tpu.memory_space<vmem_shared>>
    %dma_start3A_4 = arith.constant 0 : i32
    %dma_start3A_5 = tpu.memref_slice %arg5[%mul3A_0, %dma_start3A_4] : memref<10240x128xf32, #tpu.memory_space<hbm>> -> memref<640x128xf32, #tpu.memory_space<hbm>>
    tpu.enqueue_dma source(%dma_start3A_5 : memref<640x128xf32, #tpu.memory_space<hbm>>) target(%dma_start3A_3 : memref<640x128xf32, #tpu.memory_space<vmem_shared>>) target_semaphore(%arg11 : memref<!tpu.dma_semaphore, #tpu.memory_space<semaphore_mem>>)
    %mul3A_6 = arith.constant 10000 : i32
    %mul3A_7 = arith.muli %add3A, %mul3A_6 : i32
    %dma_start3A_8 = tpu.memref_slice %arg3[%mul3A_7] : memref<320000xi32, #tpu.memory_space<hbm>> -> memref<10000xi32, #tpu.memory_space<hbm>>
    %dma_start3A_9 = tpu.memref_slice %arg3[%mul3A_7] : memref<320000xi32, #tpu.memory_space<hbm>> -> memref<10000xi32, #tpu.memory_space<hbm>>
    tpu.enqueue_dma source(%dma_start3A_9 : memref<10000xi32, #tpu.memory_space<hbm>>) target(%arg7 : memref<10000xi32, #tpu.memory_space<vmem>>) target_semaphore(%arg12 : memref<!tpu.dma_semaphore, #tpu.memory_space<semaphore_mem>>)
    %mul3A_10 = arith.constant 10000 : i32
    %mul3A_11 = arith.muli %add3A, %mul3A_10 : i32
    %dma_start3A_12 = tpu.memref_slice %arg4[%mul3A_11] : memref<320000xi32, #tpu.memory_space<hbm>> -> memref<10000xi32, #tpu.memory_space<hbm>>
    %dma_start3A_13 = tpu.memref_slice %arg4[%mul3A_11] : memref<320000xi32, #tpu.memory_space<hbm>> -> memref<10000xi32, #tpu.memory_space<hbm>>
    tpu.enqueue_dma source(%dma_start3A_13 : memref<10000xi32, #tpu.memory_space<hbm>>) target(%arg8 : memref<10000xi32, #tpu.memory_space<vmem>>) target_semaphore(%arg13 : memref<!tpu.dma_semaphore, #tpu.memory_space<semaphore_mem>>)
    %dma_wait3A = arith.constant 0 : i32
    %dma_wait3A_14 = tpu.memref_slice %arg10[%mul3A_0, %dma_wait3A] : memref<10240x128xf32, #tpu.memory_space<vmem_shared>> -> memref<640x128xf32, #tpu.memory_space<vmem_shared>>
    %dma_wait3A_15 = arith.constant 0 : i32
    %dma_wait3A_16 = tpu.memref_slice %arg5[%mul3A_0, %dma_wait3A_15] : memref<10240x128xf32, #tpu.memory_space<hbm>> -> memref<640x128xf32, #tpu.memory_space<hbm>>
    tpu.wait_dma2 semaphore(%arg11 : memref<!tpu.dma_semaphore, #tpu.memory_space<semaphore_mem>>) src(%dma_wait3A_16 : memref<640x128xf32, #tpu.memory_space<hbm>>) dst(%dma_wait3A_14 : memref<640x128xf32, #tpu.memory_space<vmem_shared>>)
    %dma_wait3A_17 = tpu.memref_slice %arg3[%mul3A_7] : memref<320000xi32, #tpu.memory_space<hbm>> -> memref<10000xi32, #tpu.memory_space<hbm>>
    %dma_wait3A_18 = tpu.memref_slice %arg3[%mul3A_7] : memref<320000xi32, #tpu.memory_space<hbm>> -> memref<10000xi32, #tpu.memory_space<hbm>>
    tpu.wait_dma2 semaphore(%arg12 : memref<!tpu.dma_semaphore, #tpu.memory_space<semaphore_mem>>) src(%dma_wait3A_18 : memref<10000xi32, #tpu.memory_space<hbm>>) dst(%arg7 : memref<10000xi32, #tpu.memory_space<vmem>>)
    %dma_wait3A_19 = tpu.memref_slice %arg4[%mul3A_11] : memref<320000xi32, #tpu.memory_space<hbm>> -> memref<10000xi32, #tpu.memory_space<hbm>>
    %dma_wait3A_20 = tpu.memref_slice %arg4[%mul3A_11] : memref<320000xi32, #tpu.memory_space<hbm>> -> memref<10000xi32, #tpu.memory_space<hbm>>
    tpu.wait_dma2 semaphore(%arg13 : memref<!tpu.dma_semaphore, #tpu.memory_space<semaphore_mem>>) src(%dma_wait3A_20 : memref<10000xi32, #tpu.memory_space<hbm>>) dst(%arg8 : memref<10000xi32, #tpu.memory_space<vmem>>)
    %barrier3A = arith.constant 0 : index
    tpu.barrier barrier_id(%barrier3A)
    %dma_start3A_21 = arith.constant 0 : i32
    %dma_start3A_22 = arith.constant 0 : i32
    %dma_start3A_23 = arith.constant 0 : i32
    %dma_start3A_24 = tpu.memref_slice %arg9[%dma_start3A_21, %dma_start3A_22, %dma_start3A_23] : memref<5x40x128xf32, #tpu.memory_space<vmem>> -> memref<1x40x128xf32, #tpu.memory_space<vmem>>
    %dma_start3A_25 = tpu.memref_squeeze %dma_start3A_24 : memref<1x40x128xf32, #tpu.memory_space<vmem>> -> memref<40x128xf32, #tpu.memory_space<vmem>>
    %dma_start3A_26 = arith.constant 0 : i32
    %dma_start3A_27 = tpu.memref_slice %arg7[%dma_start3A_26] : memref<10000xi32, #tpu.memory_space<vmem>> -> memref<40xi32, #tpu.memory_space<vmem>>
    %dma_start3A_28 = arith.constant 0 : i32
    %dma_start3A_29 = arith.constant 0 : i32
    %dma_start3A_30 = tpu.memref_slice %arg2[%dma_start3A_28, %dma_start3A_29] : memref<10240x128xf32, #tpu.memory_space<hbm>> -> memref<10240x128xf32, #tpu.memory_space<hbm>>
    tpu.enqueue_indirect_dma source(%dma_start3A_30 : memref<10240x128xf32, #tpu.memory_space<hbm>>) target(%dma_start3A_25 : memref<40x128xf32, #tpu.memory_space<vmem>>) offsets(%dma_start3A_27 : memref<40xi32, #tpu.memory_space<vmem>>) semaphore(%arg11 : memref<!tpu.dma_semaphore, #tpu.memory_space<semaphore_mem>>)
    %dma_start3A_31 = arith.constant 1 : i32
    %dma_start3A_32 = arith.constant 0 : i32
    %dma_start3A_33 = arith.constant 0 : i32
    %dma_start3A_34 = tpu.memref_slice %arg9[%dma_start3A_31, %dma_start3A_32, %dma_start3A_33] : memref<5x40x128xf32, #tpu.memory_space<vmem>> -> memref<1x40x128xf32, #tpu.memory_space<vmem>>
    %dma_start3A_35 = tpu.memref_squeeze %dma_start3A_34 : memref<1x40x128xf32, #tpu.memory_space<vmem>> -> memref<40x128xf32, #tpu.memory_space<vmem>>
    %dma_start3A_36 = arith.constant 40 : i32
    %dma_start3A_37 = tpu.memref_slice %arg7[%dma_start3A_36] : memref<10000xi32, #tpu.memory_space<vmem>> -> memref<40xi32, #tpu.memory_space<vmem>>
    %dma_start3A_38 = arith.constant 0 : i32
    %dma_start3A_39 = arith.constant 0 : i32
    %dma_start3A_40 = tpu.memref_slice %arg2[%dma_start3A_38, %dma_start3A_39] : memref<10240x128xf32, #tpu.memory_space<hbm>> -> memref<10240x128xf32, #tpu.memory_space<hbm>>
    tpu.enqueue_indirect_dma source(%dma_start3A_40 : memref<10240x128xf32, #tpu.memory_space<hbm>>) target(%dma_start3A_35 : memref<40x128xf32, #tpu.memory_space<vmem>>) offsets(%dma_start3A_37 : memref<40xi32, #tpu.memory_space<vmem>>) semaphore(%arg12 : memref<!tpu.dma_semaphore, #tpu.memory_space<semaphore_mem>>)
    %dma_start3A_41 = arith.constant 2 : i32
    %dma_start3A_42 = arith.constant 0 : i32
    %dma_start3A_43 = arith.constant 0 : i32
    %dma_start3A_44 = tpu.memref_slice %arg9[%dma_start3A_41, %dma_start3A_42, %dma_start3A_43] : memref<5x40x128xf32, #tpu.memory_space<vmem>> -> memref<1x40x128xf32, #tpu.memory_space<vmem>>
    %dma_start3A_45 = tpu.memref_squeeze %dma_start3A_44 : memref<1x40x128xf32, #tpu.memory_space<vmem>> -> memref<40x128xf32, #tpu.memory_space<vmem>>
    %dma_start3A_46 = arith.constant 80 : i32
    %dma_start3A_47 = tpu.memref_slice %arg7[%dma_start3A_46] : memref<10000xi32, #tpu.memory_space<vmem>> -> memref<40xi32, #tpu.memory_space<vmem>>
    %dma_start3A_48 = arith.constant 0 : i32
    %dma_start3A_49 = arith.constant 0 : i32
    %dma_start3A_50 = tpu.memref_slice %arg2[%dma_start3A_48, %dma_start3A_49] : memref<10240x128xf32, #tpu.memory_space<hbm>> -> memref<10240x128xf32, #tpu.memory_space<hbm>>
    tpu.enqueue_indirect_dma source(%dma_start3A_50 : memref<10240x128xf32, #tpu.memory_space<hbm>>) target(%dma_start3A_45 : memref<40x128xf32, #tpu.memory_space<vmem>>) offsets(%dma_start3A_47 : memref<40xi32, #tpu.memory_space<vmem>>) semaphore(%arg13 : memref<!tpu.dma_semaphore, #tpu.memory_space<semaphore_mem>>)
    %dma_start3A_51 = arith.constant 3 : i32
    %dma_start3A_52 = arith.constant 0 : i32
    %dma_start3A_53 = arith.constant 0 : i32
    %dma_start3A_54 = tpu.memref_slice %arg9[%dma_start3A_51, %dma_start3A_52, %dma_start3A_53] : memref<5x40x128xf32, #tpu.memory_space<vmem>> -> memref<1x40x128xf32, #tpu.memory_space<vmem>>
    %dma_start3A_55 = tpu.memref_squeeze %dma_start3A_54 : memref<1x40x128xf32, #tpu.memory_space<vmem>> -> memref<40x128xf32, #tpu.memory_space<vmem>>
    %dma_start3A_56 = arith.constant 120 : i32
    %dma_start3A_57 = tpu.memref_slice %arg7[%dma_start3A_56] : memref<10000xi32, #tpu.memory_space<vmem>> -> memref<40xi32, #tpu.memory_space<vmem>>
    %dma_start3A_58 = arith.constant 0 : i32
    %dma_start3A_59 = arith.constant 0 : i32
    %dma_start3A_60 = tpu.memref_slice %arg2[%dma_start3A_58, %dma_start3A_59] : memref<10240x128xf32, #tpu.memory_space<hbm>> -> memref<10240x128xf32, #tpu.memory_space<hbm>>
    tpu.enqueue_indirect_dma source(%dma_start3A_60 : memref<10240x128xf32, #tpu.memory_space<hbm>>) target(%dma_start3A_55 : memref<40x128xf32, #tpu.memory_space<vmem>>) offsets(%dma_start3A_57 : memref<40xi32, #tpu.memory_space<vmem>>) semaphore(%arg14 : memref<!tpu.dma_semaphore, #tpu.memory_space<semaphore_mem>>)
    %dma_start3A_61 = arith.constant 4 : i32
    %dma_start3A_62 = arith.constant 0 : i32
    %dma_start3A_63 = arith.constant 0 : i32
    %dma_start3A_64 = tpu.memref_slice %arg9[%dma_start3A_61, %dma_start3A_62, %dma_start3A_63] : memref<5x40x128xf32, #tpu.memory_space<vmem>> -> memref<1x40x128xf32, #tpu.memory_space<vmem>>
    %dma_start3A_65 = tpu.memref_squeeze %dma_start3A_64 : memref<1x40x128xf32, #tpu.memory_space<vmem>> -> memref<40x128xf32, #tpu.memory_space<vmem>>
    %dma_start3A_66 = arith.constant 160 : i32
    %dma_start3A_67 = tpu.memref_slice %arg7[%dma_start3A_66] : memref<10000xi32, #tpu.memory_space<vmem>> -> memref<40xi32, #tpu.memory_space<vmem>>
    %dma_start3A_68 = arith.constant 0 : i32
    %dma_start3A_69 = arith.constant 0 : i32
    %dma_start3A_70 = tpu.memref_slice %arg2[%dma_start3A_68, %dma_start3A_69] : memref<10240x128xf32, #tpu.memory_space<hbm>> -> memref<10240x128xf32, #tpu.memory_space<hbm>>
    tpu.enqueue_indirect_dma source(%dma_start3A_70 : memref<10240x128xf32, #tpu.memory_space<hbm>>) target(%dma_start3A_65 : memref<40x128xf32, #tpu.memory_space<vmem>>) offsets(%dma_start3A_67 : memref<40xi32, #tpu.memory_space<vmem>>) semaphore(%arg15 : memref<!tpu.dma_semaphore, #tpu.memory_space<semaphore_mem>>)
    %scan3A = arith.constant 0 : i32
    %scan3A_71 = arith.constant 0 : i32
    %scan3A_72 = arith.constant 49 : i32
    %scan3A_73 = arith.addi %scan3A_71, %scan3A_72 : i32
    %scan3A_74 = arith.constant 1 : i32
    scf.for %scan3A_230 = %scan3A_71 to %scan3A_73 step %scan3A_74  : i32 {
      %mul3A_231 = arith.constant 5 : i32
      %mul3A_232 = arith.muli %mul3A_231, %scan3A_230 : i32
      %add3A_233 = arith.constant 0 : i32
      %add3A_234 = arith.addi %mul3A_232, %add3A_233 : i32
      %mul3A_235 = arith.constant 40 : i32
      %mul3A_236 = arith.muli %add3A_234, %mul3A_235 : i32
      %dma_wait3A_237 = arith.constant 0 : i32
      %dma_wait3A_238 = arith.constant 0 : i32
      %dma_wait3A_239 = arith.constant 0 : i32
      %dma_wait3A_240 = tpu.memref_slice %arg9[%dma_wait3A_237, %dma_wait3A_238, %dma_wait3A_239] : memref<5x40x128xf32, #tpu.memory_space<vmem>> -> memref<1x40x128xf32, #tpu.memory_space<vmem>>
      %dma_wait3A_241 = tpu.memref_squeeze %dma_wait3A_240 : memref<1x40x128xf32, #tpu.memory_space<vmem>> -> memref<40x128xf32, #tpu.memory_space<vmem>>
      %dma_wait3A_242 = tpu.memref_slice %arg7[%mul3A_236] : memref<10000xi32, #tpu.memory_space<vmem>> -> memref<40xi32, #tpu.memory_space<vmem>>
      %dma_wait3A_243 = arith.constant 0 : i32
      %dma_wait3A_244 = arith.constant 0 : i32
      %dma_wait3A_245 = tpu.memref_slice %arg2[%dma_wait3A_243, %dma_wait3A_244] : memref<10240x128xf32, #tpu.memory_space<hbm>> -> memref<10240x128xf32, #tpu.memory_space<hbm>>
      tpu.wait_indirect_dma semaphore(%arg11 : memref<!tpu.dma_semaphore, #tpu.memory_space<semaphore_mem>>) src(%dma_wait3A_245 : memref<10240x128xf32, #tpu.memory_space<hbm>>) dst(%dma_wait3A_241 : memref<40x128xf32, #tpu.memory_space<vmem>>)
      %mul3A_246 = arith.constant 40 : i32
      %mul3A_247 = arith.muli %add3A_234, %mul3A_246 : i32
      %dma_start3A_248 = arith.constant 0 : i32
      %dma_start3A_249 = arith.constant 0 : i32
      %dma_start3A_250 = arith.constant 0 : i32
      %dma_start3A_251 = tpu.memref_slice %arg9[%dma_start3A_248, %dma_start3A_249, %dma_start3A_250] : memref<5x40x128xf32, #tpu.memory_space<vmem>> -> memref<1x40x128xf32, #tpu.memory_space<vmem>>
      %dma_start3A_252 = tpu.memref_squeeze %dma_start3A_251 : memref<1x40x128xf32, #tpu.memory_space<vmem>> -> memref<40x128xf32, #tpu.memory_space<vmem>>
      %dma_start3A_253 = tpu.memref_slice %arg8[%mul3A_247] : memref<10000xi32, #tpu.memory_space<vmem>> -> memref<40xi32, #tpu.memory_space<vmem>>
      %dma_start3A_254 = arith.constant 0 : i32
      %dma_start3A_255 = arith.constant 0 : i32
      %dma_start3A_256 = tpu.memref_slice %arg10[%dma_start3A_254, %dma_start3A_255] : memref<10240x128xf32, #tpu.memory_space<vmem_shared>> -> memref<10240x128xf32, #tpu.memory_space<vmem_shared>>
      tpu.enqueue_indirect_dma source(%dma_start3A_252 : memref<40x128xf32, #tpu.memory_space<vmem>>) target(%dma_start3A_256 : memref<10240x128xf32, #tpu.memory_space<vmem_shared>>) offsets(%dma_start3A_253 : memref<40xi32, #tpu.memory_space<vmem>>) semaphore(%arg16 : memref<!tpu.dma_semaphore, #tpu.memory_space<semaphore_mem>>) {add = true}
      %mul3A_257 = arith.constant 5 : i32
      %mul3A_258 = arith.muli %mul3A_257, %scan3A_230 : i32
      %add3A_259 = arith.constant 1 : i32
      %add3A_260 = arith.addi %mul3A_258, %add3A_259 : i32
      %mul3A_261 = arith.constant 40 : i32
      %mul3A_262 = arith.muli %add3A_260, %mul3A_261 : i32
      %dma_wait3A_263 = arith.constant 1 : i32
      %dma_wait3A_264 = arith.constant 0 : i32
      %dma_wait3A_265 = arith.constant 0 : i32
      %dma_wait3A_266 = tpu.memref_slice %arg9[%dma_wait3A_263, %dma_wait3A_264, %dma_wait3A_265] : memref<5x40x128xf32, #tpu.memory_space<vmem>> -> memref<1x40x128xf32, #tpu.memory_space<vmem>>
      %dma_wait3A_267 = tpu.memref_squeeze %dma_wait3A_266 : memref<1x40x128xf32, #tpu.memory_space<vmem>> -> memref<40x128xf32, #tpu.memory_space<vmem>>
      %dma_wait3A_268 = tpu.memref_slice %arg7[%mul3A_262] : memref<10000xi32, #tpu.memory_space<vmem>> -> memref<40xi32, #tpu.memory_space<vmem>>
      %dma_wait3A_269 = arith.constant 0 : i32
      %dma_wait3A_270 = arith.constant 0 : i32
      %dma_wait3A_271 = tpu.memref_slice %arg2[%dma_wait3A_269, %dma_wait3A_270] : memref<10240x128xf32, #tpu.memory_space<hbm>> -> memref<10240x128xf32, #tpu.memory_space<hbm>>
      tpu.wait_indirect_dma semaphore(%arg12 : memref<!tpu.dma_semaphore, #tpu.memory_space<semaphore_mem>>) src(%dma_wait3A_271 : memref<10240x128xf32, #tpu.memory_space<hbm>>) dst(%dma_wait3A_267 : memref<40x128xf32, #tpu.memory_space<vmem>>)
      %mul3A_272 = arith.constant 40 : i32
      %mul3A_273 = arith.muli %add3A_260, %mul3A_272 : i32
      %dma_start3A_274 = arith.constant 1 : i32
      %dma_start3A_275 = arith.constant 0 : i32
      %dma_start3A_276 = arith.constant 0 : i32
      %dma_start3A_277 = tpu.memref_slice %arg9[%dma_start3A_274, %dma_start3A_275, %dma_start3A_276] : memref<5x40x128xf32, #tpu.memory_space<vmem>> -> memref<1x40x128xf32, #tpu.memory_space<vmem>>
      %dma_start3A_278 = tpu.memref_squeeze %dma_start3A_277 : memref<1x40x128xf32, #tpu.memory_space<vmem>> -> memref<40x128xf32, #tpu.memory_space<vmem>>
      %dma_start3A_279 = tpu.memref_slice %arg8[%mul3A_273] : memref<10000xi32, #tpu.memory_space<vmem>> -> memref<40xi32, #tpu.memory_space<vmem>>
      %dma_start3A_280 = arith.constant 0 : i32
      %dma_start3A_281 = arith.constant 0 : i32
      %dma_start3A_282 = tpu.memref_slice %arg10[%dma_start3A_280, %dma_start3A_281] : memref<10240x128xf32, #tpu.memory_space<vmem_shared>> -> memref<10240x128xf32, #tpu.memory_space<vmem_shared>>
      tpu.enqueue_indirect_dma source(%dma_start3A_278 : memref<40x128xf32, #tpu.memory_space<vmem>>) target(%dma_start3A_282 : memref<10240x128xf32, #tpu.memory_space<vmem_shared>>) offsets(%dma_start3A_279 : memref<40xi32, #tpu.memory_space<vmem>>) semaphore(%arg17 : memref<!tpu.dma_semaphore, #tpu.memory_space<semaphore_mem>>) {add = true}
      %mul3A_283 = arith.constant 5 : i32
      %mul3A_284 = arith.muli %mul3A_283, %scan3A_230 : i32
      %add3A_285 = arith.constant 2 : i32
      %add3A_286 = arith.addi %mul3A_284, %add3A_285 : i32
      %mul3A_287 = arith.constant 40 : i32
      %mul3A_288 = arith.muli %add3A_286, %mul3A_287 : i32
      %dma_wait3A_289 = arith.constant 2 : i32
      %dma_wait3A_290 = arith.constant 0 : i32
      %dma_wait3A_291 = arith.constant 0 : i32
      %dma_wait3A_292 = tpu.memref_slice %arg9[%dma_wait3A_289, %dma_wait3A_290, %dma_wait3A_291] : memref<5x40x128xf32, #tpu.memory_space<vmem>> -> memref<1x40x128xf32, #tpu.memory_space<vmem>>
      %dma_wait3A_293 = tpu.memref_squeeze %dma_wait3A_292 : memref<1x40x128xf32, #tpu.memory_space<vmem>> -> memref<40x128xf32, #tpu.memory_space<vmem>>
      %dma_wait3A_294 = tpu.memref_slice %arg7[%mul3A_288] : memref<10000xi32, #tpu.memory_space<vmem>> -> memref<40xi32, #tpu.memory_space<vmem>>
      %dma_wait3A_295 = arith.constant 0 : i32
      %dma_wait3A_296 = arith.constant 0 : i32
      %dma_wait3A_297 = tpu.memref_slice %arg2[%dma_wait3A_295, %dma_wait3A_296] : memref<10240x128xf32, #tpu.memory_space<hbm>> -> memref<10240x128xf32, #tpu.memory_space<hbm>>
      tpu.wait_indirect_dma semaphore(%arg13 : memref<!tpu.dma_semaphore, #tpu.memory_space<semaphore_mem>>) src(%dma_wait3A_297 : memref<10240x128xf32, #tpu.memory_space<hbm>>) dst(%dma_wait3A_293 : memref<40x128xf32, #tpu.memory_space<vmem>>)
      %mul3A_298 = arith.constant 40 : i32
      %mul3A_299 = arith.muli %add3A_286, %mul3A_298 : i32
      %dma_start3A_300 = arith.constant 2 : i32
      %dma_start3A_301 = arith.constant 0 : i32
      %dma_start3A_302 = arith.constant 0 : i32
      %dma_start3A_303 = tpu.memref_slice %arg9[%dma_start3A_300, %dma_start3A_301, %dma_start3A_302] : memref<5x40x128xf32, #tpu.memory_space<vmem>> -> memref<1x40x128xf32, #tpu.memory_space<vmem>>
      %dma_start3A_304 = tpu.memref_squeeze %dma_start3A_303 : memref<1x40x128xf32, #tpu.memory_space<vmem>> -> memref<40x128xf32, #tpu.memory_space<vmem>>
      %dma_start3A_305 = tpu.memref_slice %arg8[%mul3A_299] : memref<10000xi32, #tpu.memory_space<vmem>> -> memref<40xi32, #tpu.memory_space<vmem>>
      %dma_start3A_306 = arith.constant 0 : i32
      %dma_start3A_307 = arith.constant 0 : i32
      %dma_start3A_308 = tpu.memref_slice %arg10[%dma_start3A_306, %dma_start3A_307] : memref<10240x128xf32, #tpu.memory_space<vmem_shared>> -> memref<10240x128xf32, #tpu.memory_space<vmem_shared>>
      tpu.enqueue_indirect_dma source(%dma_start3A_304 : memref<40x128xf32, #tpu.memory_space<vmem>>) target(%dma_start3A_308 : memref<10240x128xf32, #tpu.memory_space<vmem_shared>>) offsets(%dma_start3A_305 : memref<40xi32, #tpu.memory_space<vmem>>) semaphore(%arg18 : memref<!tpu.dma_semaphore, #tpu.memory_space<semaphore_mem>>) {add = true}
      %mul3A_309 = arith.constant 5 : i32
      %mul3A_310 = arith.muli %mul3A_309, %scan3A_230 : i32
      %add3A_311 = arith.constant 3 : i32
      %add3A_312 = arith.addi %mul3A_310, %add3A_311 : i32
      %mul3A_313 = arith.constant 40 : i32
      %mul3A_314 = arith.muli %add3A_312, %mul3A_313 : i32
      %dma_wait3A_315 = arith.constant 3 : i32
      %dma_wait3A_316 = arith.constant 0 : i32
      %dma_wait3A_317 = arith.constant 0 : i32
      %dma_wait3A_318 = tpu.memref_slice %arg9[%dma_wait3A_315, %dma_wait3A_316, %dma_wait3A_317] : memref<5x40x128xf32, #tpu.memory_space<vmem>> -> memref<1x40x128xf32, #tpu.memory_space<vmem>>
      %dma_wait3A_319 = tpu.memref_squeeze %dma_wait3A_318 : memref<1x40x128xf32, #tpu.memory_space<vmem>> -> memref<40x128xf32, #tpu.memory_space<vmem>>
      %dma_wait3A_320 = tpu.memref_slice %arg7[%mul3A_314] : memref<10000xi32, #tpu.memory_space<vmem>> -> memref<40xi32, #tpu.memory_space<vmem>>
      %dma_wait3A_321 = arith.constant 0 : i32
      %dma_wait3A_322 = arith.constant 0 : i32
      %dma_wait3A_323 = tpu.memref_slice %arg2[%dma_wait3A_321, %dma_wait3A_322] : memref<10240x128xf32, #tpu.memory_space<hbm>> -> memref<10240x128xf32, #tpu.memory_space<hbm>>
      tpu.wait_indirect_dma semaphore(%arg14 : memref<!tpu.dma_semaphore, #tpu.memory_space<semaphore_mem>>) src(%dma_wait3A_323 : memref<10240x128xf32, #tpu.memory_space<hbm>>) dst(%dma_wait3A_319 : memref<40x128xf32, #tpu.memory_space<vmem>>)
      %mul3A_324 = arith.constant 40 : i32
      %mul3A_325 = arith.muli %add3A_312, %mul3A_324 : i32
      %dma_start3A_326 = arith.constant 3 : i32
      %dma_start3A_327 = arith.constant 0 : i32
      %dma_start3A_328 = arith.constant 0 : i32
      %dma_start3A_329 = tpu.memref_slice %arg9[%dma_start3A_326, %dma_start3A_327, %dma_start3A_328] : memref<5x40x128xf32, #tpu.memory_space<vmem>> -> memref<1x40x128xf32, #tpu.memory_space<vmem>>
      %dma_start3A_330 = tpu.memref_squeeze %dma_start3A_329 : memref<1x40x128xf32, #tpu.memory_space<vmem>> -> memref<40x128xf32, #tpu.memory_space<vmem>>
      %dma_start3A_331 = tpu.memref_slice %arg8[%mul3A_325] : memref<10000xi32, #tpu.memory_space<vmem>> -> memref<40xi32, #tpu.memory_space<vmem>>
      %dma_start3A_332 = arith.constant 0 : i32
      %dma_start3A_333 = arith.constant 0 : i32
      %dma_start3A_334 = tpu.memref_slice %arg10[%dma_start3A_332, %dma_start3A_333] : memref<10240x128xf32, #tpu.memory_space<vmem_shared>> -> memref<10240x128xf32, #tpu.memory_space<vmem_shared>>
      tpu.enqueue_indirect_dma source(%dma_start3A_330 : memref<40x128xf32, #tpu.memory_space<vmem>>) target(%dma_start3A_334 : memref<10240x128xf32, #tpu.memory_space<vmem_shared>>) offsets(%dma_start3A_331 : memref<40xi32, #tpu.memory_space<vmem>>) semaphore(%arg19 : memref<!tpu.dma_semaphore, #tpu.memory_space<semaphore_mem>>) {add = true}
      %mul3A_335 = arith.constant 5 : i32
      %mul3A_336 = arith.muli %mul3A_335, %scan3A_230 : i32
      %add3A_337 = arith.constant 4 : i32
      %add3A_338 = arith.addi %mul3A_336, %add3A_337 : i32
      %mul3A_339 = arith.constant 40 : i32
      %mul3A_340 = arith.muli %add3A_338, %mul3A_339 : i32
      %dma_wait3A_341 = arith.constant 4 : i32
      %dma_wait3A_342 = arith.constant 0 : i32
      %dma_wait3A_343 = arith.constant 0 : i32
      %dma_wait3A_344 = tpu.memref_slice %arg9[%dma_wait3A_341, %dma_wait3A_342, %dma_wait3A_343] : memref<5x40x128xf32, #tpu.memory_space<vmem>> -> memref<1x40x128xf32, #tpu.memory_space<vmem>>
      %dma_wait3A_345 = tpu.memref_squeeze %dma_wait3A_344 : memref<1x40x128xf32, #tpu.memory_space<vmem>> -> memref<40x128xf32, #tpu.memory_space<vmem>>
      %dma_wait3A_346 = tpu.memref_slice %arg7[%mul3A_340] : memref<10000xi32, #tpu.memory_space<vmem>> -> memref<40xi32, #tpu.memory_space<vmem>>
      %dma_wait3A_347 = arith.constant 0 : i32
      %dma_wait3A_348 = arith.constant 0 : i32
      %dma_wait3A_349 = tpu.memref_slice %arg2[%dma_wait3A_347, %dma_wait3A_348] : memref<10240x128xf32, #tpu.memory_space<hbm>> -> memref<10240x128xf32, #tpu.memory_space<hbm>>
      tpu.wait_indirect_dma semaphore(%arg15 : memref<!tpu.dma_semaphore, #tpu.memory_space<semaphore_mem>>) src(%dma_wait3A_349 : memref<10240x128xf32, #tpu.memory_space<hbm>>) dst(%dma_wait3A_345 : memref<40x128xf32, #tpu.memory_space<vmem>>)
      %mul3A_350 = arith.constant 40 : i32
      %mul3A_351 = arith.muli %add3A_338, %mul3A_350 : i32
      %dma_start3A_352 = arith.constant 4 : i32
      %dma_start3A_353 = arith.constant 0 : i32
      %dma_start3A_354 = arith.constant 0 : i32
      %dma_start3A_355 = tpu.memref_slice %arg9[%dma_start3A_352, %dma_start3A_353, %dma_start3A_354] : memref<5x40x128xf32, #tpu.memory_space<vmem>> -> memref<1x40x128xf32, #tpu.memory_space<vmem>>
      %dma_start3A_356 = tpu.memref_squeeze %dma_start3A_355 : memref<1x40x128xf32, #tpu.memory_space<vmem>> -> memref<40x128xf32, #tpu.memory_space<vmem>>
      %dma_start3A_357 = tpu.memref_slice %arg8[%mul3A_351] : memref<10000xi32, #tpu.memory_space<vmem>> -> memref<40xi32, #tpu.memory_space<vmem>>
      %dma_start3A_358 = arith.constant 0 : i32
      %dma_start3A_359 = arith.constant 0 : i32
      %dma_start3A_360 = tpu.memref_slice %arg10[%dma_start3A_358, %dma_start3A_359] : memref<10240x128xf32, #tpu.memory_space<vmem_shared>> -> memref<10240x128xf32, #tpu.memory_space<vmem_shared>>
      tpu.enqueue_indirect_dma source(%dma_start3A_356 : memref<40x128xf32, #tpu.memory_space<vmem>>) target(%dma_start3A_360 : memref<10240x128xf32, #tpu.memory_space<vmem_shared>>) offsets(%dma_start3A_357 : memref<40xi32, #tpu.memory_space<vmem>>) semaphore(%arg20 : memref<!tpu.dma_semaphore, #tpu.memory_space<semaphore_mem>>) {add = true}
      %mul3A_361 = arith.constant 5 : i32
      %mul3A_362 = arith.muli %mul3A_361, %scan3A_230 : i32
      %add3A_363 = arith.constant 0 : i32
      %add3A_364 = arith.addi %mul3A_362, %add3A_363 : i32
      %mul3A_365 = arith.constant 40 : i32
      %mul3A_366 = arith.muli %add3A_364, %mul3A_365 : i32
      %dma_wait3A_367 = arith.constant 0 : i32
      %dma_wait3A_368 = arith.constant 0 : i32
      %dma_wait3A_369 = arith.constant 0 : i32
      %dma_wait3A_370 = tpu.memref_slice %arg9[%dma_wait3A_367, %dma_wait3A_368, %dma_wait3A_369] : memref<5x40x128xf32, #tpu.memory_space<vmem>> -> memref<1x40x128xf32, #tpu.memory_space<vmem>>
      %dma_wait3A_371 = tpu.memref_squeeze %dma_wait3A_370 : memref<1x40x128xf32, #tpu.memory_space<vmem>> -> memref<40x128xf32, #tpu.memory_space<vmem>>
      %dma_wait3A_372 = tpu.memref_slice %arg8[%mul3A_366] : memref<10000xi32, #tpu.memory_space<vmem>> -> memref<40xi32, #tpu.memory_space<vmem>>
      %dma_wait3A_373 = arith.constant 0 : i32
      %dma_wait3A_374 = arith.constant 0 : i32
      %dma_wait3A_375 = tpu.memref_slice %arg10[%dma_wait3A_373, %dma_wait3A_374] : memref<10240x128xf32, #tpu.memory_space<vmem_shared>> -> memref<10240x128xf32, #tpu.memory_space<vmem_shared>>
      tpu.wait_indirect_dma semaphore(%arg16 : memref<!tpu.dma_semaphore, #tpu.memory_space<semaphore_mem>>) src(%dma_wait3A_371 : memref<40x128xf32, #tpu.memory_space<vmem>>) dst(%dma_wait3A_375 : memref<10240x128xf32, #tpu.memory_space<vmem_shared>>)
      %add3A_376 = arith.constant 5 : i32
      %add3A_377 = arith.addi %add3A_364, %add3A_376 : i32
      %mul3A_378 = arith.constant 40 : i32
      %mul3A_379 = arith.muli %add3A_377, %mul3A_378 : i32
      %dma_start3A_380 = arith.constant 0 : i32
      %dma_start3A_381 = arith.constant 0 : i32
      %dma_start3A_382 = arith.constant 0 : i32
      %dma_start3A_383 = tpu.memref_slice %arg9[%dma_start3A_380, %dma_start3A_381, %dma_start3A_382] : memref<5x40x128xf32, #tpu.memory_space<vmem>> -> memref<1x40x128xf32, #tpu.memory_space<vmem>>
      %dma_start3A_384 = tpu.memref_squeeze %dma_start3A_383 : memref<1x40x128xf32, #tpu.memory_space<vmem>> -> memref<40x128xf32, #tpu.memory_space<vmem>>
      %dma_start3A_385 = tpu.memref_slice %arg7[%mul3A_379] : memref<10000xi32, #tpu.memory_space<vmem>> -> memref<40xi32, #tpu.memory_space<vmem>>
      %dma_start3A_386 = arith.constant 0 : i32
      %dma_start3A_387 = arith.constant 0 : i32
      %dma_start3A_388 = tpu.memref_slice %arg2[%dma_start3A_386, %dma_start3A_387] : memref<10240x128xf32, #tpu.memory_space<hbm>> -> memref<10240x128xf32, #tpu.memory_space<hbm>>
      tpu.enqueue_indirect_dma source(%dma_start3A_388 : memref<10240x128xf32, #tpu.memory_space<hbm>>) target(%dma_start3A_384 : memref<40x128xf32, #tpu.memory_space<vmem>>) offsets(%dma_start3A_385 : memref<40xi32, #tpu.memory_space<vmem>>) semaphore(%arg11 : memref<!tpu.dma_semaphore, #tpu.memory_space<semaphore_mem>>)
      %mul3A_389 = arith.constant 5 : i32
      %mul3A_390 = arith.muli %mul3A_389, %scan3A_230 : i32
      %add3A_391 = arith.constant 1 : i32
      %add3A_392 = arith.addi %mul3A_390, %add3A_391 : i32
      %mul3A_393 = arith.constant 40 : i32
      %mul3A_394 = arith.muli %add3A_392, %mul3A_393 : i32
      %dma_wait3A_395 = arith.constant 1 : i32
      %dma_wait3A_396 = arith.constant 0 : i32
      %dma_wait3A_397 = arith.constant 0 : i32
      %dma_wait3A_398 = tpu.memref_slice %arg9[%dma_wait3A_395, %dma_wait3A_396, %dma_wait3A_397] : memref<5x40x128xf32, #tpu.memory_space<vmem>> -> memref<1x40x128xf32, #tpu.memory_space<vmem>>
      %dma_wait3A_399 = tpu.memref_squeeze %dma_wait3A_398 : memref<1x40x128xf32, #tpu.memory_space<vmem>> -> memref<40x128xf32, #tpu.memory_space<vmem>>
      %dma_wait3A_400 = tpu.memref_slice %arg8[%mul3A_394] : memref<10000xi32, #tpu.memory_space<vmem>> -> memref<40xi32, #tpu.memory_space<vmem>>
      %dma_wait3A_401 = arith.constant 0 : i32
      %dma_wait3A_402 = arith.constant 0 : i32
      %dma_wait3A_403 = tpu.memref_slice %arg10[%dma_wait3A_401, %dma_wait3A_402] : memref<10240x128xf32, #tpu.memory_space<vmem_shared>> -> memref<10240x128xf32, #tpu.memory_space<vmem_shared>>
      tpu.wait_indirect_dma semaphore(%arg17 : memref<!tpu.dma_semaphore, #tpu.memory_space<semaphore_mem>>) src(%dma_wait3A_399 : memref<40x128xf32, #tpu.memory_space<vmem>>) dst(%dma_wait3A_403 : memref<10240x128xf32, #tpu.memory_space<vmem_shared>>)
      %add3A_404 = arith.constant 5 : i32
      %add3A_405 = arith.addi %add3A_392, %add3A_404 : i32
      %mul3A_406 = arith.constant 40 : i32
      %mul3A_407 = arith.muli %add3A_405, %mul3A_406 : i32
      %dma_start3A_408 = arith.constant 1 : i32
      %dma_start3A_409 = arith.constant 0 : i32
      %dma_start3A_410 = arith.constant 0 : i32
      %dma_start3A_411 = tpu.memref_slice %arg9[%dma_start3A_408, %dma_start3A_409, %dma_start3A_410] : memref<5x40x128xf32, #tpu.memory_space<vmem>> -> memref<1x40x128xf32, #tpu.memory_space<vmem>>
      %dma_start3A_412 = tpu.memref_squeeze %dma_start3A_411 : memref<1x40x128xf32, #tpu.memory_space<vmem>> -> memref<40x128xf32, #tpu.memory_space<vmem>>
      %dma_start3A_413 = tpu.memref_slice %arg7[%mul3A_407] : memref<10000xi32, #tpu.memory_space<vmem>> -> memref<40xi32, #tpu.memory_space<vmem>>
      %dma_start3A_414 = arith.constant 0 : i32
      %dma_start3A_415 = arith.constant 0 : i32
      %dma_start3A_416 = tpu.memref_slice %arg2[%dma_start3A_414, %dma_start3A_415] : memref<10240x128xf32, #tpu.memory_space<hbm>> -> memref<10240x128xf32, #tpu.memory_space<hbm>>
      tpu.enqueue_indirect_dma source(%dma_start3A_416 : memref<10240x128xf32, #tpu.memory_space<hbm>>) target(%dma_start3A_412 : memref<40x128xf32, #tpu.memory_space<vmem>>) offsets(%dma_start3A_413 : memref<40xi32, #tpu.memory_space<vmem>>) semaphore(%arg12 : memref<!tpu.dma_semaphore, #tpu.memory_space<semaphore_mem>>)
      %mul3A_417 = arith.constant 5 : i32
      %mul3A_418 = arith.muli %mul3A_417, %scan3A_230 : i32
      %add3A_419 = arith.constant 2 : i32
      %add3A_420 = arith.addi %mul3A_418, %add3A_419 : i32
      %mul3A_421 = arith.constant 40 : i32
      %mul3A_422 = arith.muli %add3A_420, %mul3A_421 : i32
      %dma_wait3A_423 = arith.constant 2 : i32
      %dma_wait3A_424 = arith.constant 0 : i32
      %dma_wait3A_425 = arith.constant 0 : i32
      %dma_wait3A_426 = tpu.memref_slice %arg9[%dma_wait3A_423, %dma_wait3A_424, %dma_wait3A_425] : memref<5x40x128xf32, #tpu.memory_space<vmem>> -> memref<1x40x128xf32, #tpu.memory_space<vmem>>
      %dma_wait3A_427 = tpu.memref_squeeze %dma_wait3A_426 : memref<1x40x128xf32, #tpu.memory_space<vmem>> -> memref<40x128xf32, #tpu.memory_space<vmem>>
      %dma_wait3A_428 = tpu.memref_slice %arg8[%mul3A_422] : memref<10000xi32, #tpu.memory_space<vmem>> -> memref<40xi32, #tpu.memory_space<vmem>>
      %dma_wait3A_429 = arith.constant 0 : i32
      %dma_wait3A_430 = arith.constant 0 : i32
      %dma_wait3A_431 = tpu.memref_slice %arg10[%dma_wait3A_429, %dma_wait3A_430] : memref<10240x128xf32, #tpu.memory_space<vmem_shared>> -> memref<10240x128xf32, #tpu.memory_space<vmem_shared>>
      tpu.wait_indirect_dma semaphore(%arg18 : memref<!tpu.dma_semaphore, #tpu.memory_space<semaphore_mem>>) src(%dma_wait3A_427 : memref<40x128xf32, #tpu.memory_space<vmem>>) dst(%dma_wait3A_431 : memref<10240x128xf32, #tpu.memory_space<vmem_shared>>)
      %add3A_432 = arith.constant 5 : i32
      %add3A_433 = arith.addi %add3A_420, %add3A_432 : i32
      %mul3A_434 = arith.constant 40 : i32
      %mul3A_435 = arith.muli %add3A_433, %mul3A_434 : i32
      %dma_start3A_436 = arith.constant 2 : i32
      %dma_start3A_437 = arith.constant 0 : i32
      %dma_start3A_438 = arith.constant 0 : i32
      %dma_start3A_439 = tpu.memref_slice %arg9[%dma_start3A_436, %dma_start3A_437, %dma_start3A_438] : memref<5x40x128xf32, #tpu.memory_space<vmem>> -> memref<1x40x128xf32, #tpu.memory_space<vmem>>
      %dma_start3A_440 = tpu.memref_squeeze %dma_start3A_439 : memref<1x40x128xf32, #tpu.memory_space<vmem>> -> memref<40x128xf32, #tpu.memory_space<vmem>>
      %dma_start3A_441 = tpu.memref_slice %arg7[%mul3A_435] : memref<10000xi32, #tpu.memory_space<vmem>> -> memref<40xi32, #tpu.memory_space<vmem>>
      %dma_start3A_442 = arith.constant 0 : i32
      %dma_start3A_443 = arith.constant 0 : i32
      %dma_start3A_444 = tpu.memref_slice %arg2[%dma_start3A_442, %dma_start3A_443] : memref<10240x128xf32, #tpu.memory_space<hbm>> -> memref<10240x128xf32, #tpu.memory_space<hbm>>
      tpu.enqueue_indirect_dma source(%dma_start3A_444 : memref<10240x128xf32, #tpu.memory_space<hbm>>) target(%dma_start3A_440 : memref<40x128xf32, #tpu.memory_space<vmem>>) offsets(%dma_start3A_441 : memref<40xi32, #tpu.memory_space<vmem>>) semaphore(%arg13 : memref<!tpu.dma_semaphore, #tpu.memory_space<semaphore_mem>>)
      %mul3A_445 = arith.constant 5 : i32
      %mul3A_446 = arith.muli %mul3A_445, %scan3A_230 : i32
      %add3A_447 = arith.constant 3 : i32
      %add3A_448 = arith.addi %mul3A_446, %add3A_447 : i32
      %mul3A_449 = arith.constant 40 : i32
      %mul3A_450 = arith.muli %add3A_448, %mul3A_449 : i32
      %dma_wait3A_451 = arith.constant 3 : i32
      %dma_wait3A_452 = arith.constant 0 : i32
      %dma_wait3A_453 = arith.constant 0 : i32
      %dma_wait3A_454 = tpu.memref_slice %arg9[%dma_wait3A_451, %dma_wait3A_452, %dma_wait3A_453] : memref<5x40x128xf32, #tpu.memory_space<vmem>> -> memref<1x40x128xf32, #tpu.memory_space<vmem>>
      %dma_wait3A_455 = tpu.memref_squeeze %dma_wait3A_454 : memref<1x40x128xf32, #tpu.memory_space<vmem>> -> memref<40x128xf32, #tpu.memory_space<vmem>>
      %dma_wait3A_456 = tpu.memref_slice %arg8[%mul3A_450] : memref<10000xi32, #tpu.memory_space<vmem>> -> memref<40xi32, #tpu.memory_space<vmem>>
      %dma_wait3A_457 = arith.constant 0 : i32
      %dma_wait3A_458 = arith.constant 0 : i32
      %dma_wait3A_459 = tpu.memref_slice %arg10[%dma_wait3A_457, %dma_wait3A_458] : memref<10240x128xf32, #tpu.memory_space<vmem_shared>> -> memref<10240x128xf32, #tpu.memory_space<vmem_shared>>
      tpu.wait_indirect_dma semaphore(%arg19 : memref<!tpu.dma_semaphore, #tpu.memory_space<semaphore_mem>>) src(%dma_wait3A_455 : memref<40x128xf32, #tpu.memory_space<vmem>>) dst(%dma_wait3A_459 : memref<10240x128xf32, #tpu.memory_space<vmem_shared>>)
      %add3A_460 = arith.constant 5 : i32
      %add3A_461 = arith.addi %add3A_448, %add3A_460 : i32
      %mul3A_462 = arith.constant 40 : i32
      %mul3A_463 = arith.muli %add3A_461, %mul3A_462 : i32
      %dma_start3A_464 = arith.constant 3 : i32
      %dma_start3A_465 = arith.constant 0 : i32
      %dma_start3A_466 = arith.constant 0 : i32
      %dma_start3A_467 = tpu.memref_slice %arg9[%dma_start3A_464, %dma_start3A_465, %dma_start3A_466] : memref<5x40x128xf32, #tpu.memory_space<vmem>> -> memref<1x40x128xf32, #tpu.memory_space<vmem>>
      %dma_start3A_468 = tpu.memref_squeeze %dma_start3A_467 : memref<1x40x128xf32, #tpu.memory_space<vmem>> -> memref<40x128xf32, #tpu.memory_space<vmem>>
      %dma_start3A_469 = tpu.memref_slice %arg7[%mul3A_463] : memref<10000xi32, #tpu.memory_space<vmem>> -> memref<40xi32, #tpu.memory_space<vmem>>
      %dma_start3A_470 = arith.constant 0 : i32
      %dma_start3A_471 = arith.constant 0 : i32
      %dma_start3A_472 = tpu.memref_slice %arg2[%dma_start3A_470, %dma_start3A_471] : memref<10240x128xf32, #tpu.memory_space<hbm>> -> memref<10240x128xf32, #tpu.memory_space<hbm>>
      tpu.enqueue_indirect_dma source(%dma_start3A_472 : memref<10240x128xf32, #tpu.memory_space<hbm>>) target(%dma_start3A_468 : memref<40x128xf32, #tpu.memory_space<vmem>>) offsets(%dma_start3A_469 : memref<40xi32, #tpu.memory_space<vmem>>) semaphore(%arg14 : memref<!tpu.dma_semaphore, #tpu.memory_space<semaphore_mem>>)
      %mul3A_473 = arith.constant 5 : i32
      %mul3A_474 = arith.muli %mul3A_473, %scan3A_230 : i32
      %add3A_475 = arith.constant 4 : i32
      %add3A_476 = arith.addi %mul3A_474, %add3A_475 : i32
      %mul3A_477 = arith.constant 40 : i32
      %mul3A_478 = arith.muli %add3A_476, %mul3A_477 : i32
      %dma_wait3A_479 = arith.constant 4 : i32
      %dma_wait3A_480 = arith.constant 0 : i32
      %dma_wait3A_481 = arith.constant 0 : i32
      %dma_wait3A_482 = tpu.memref_slice %arg9[%dma_wait3A_479, %dma_wait3A_480, %dma_wait3A_481] : memref<5x40x128xf32, #tpu.memory_space<vmem>> -> memref<1x40x128xf32, #tpu.memory_space<vmem>>
      %dma_wait3A_483 = tpu.memref_squeeze %dma_wait3A_482 : memref<1x40x128xf32, #tpu.memory_space<vmem>> -> memref<40x128xf32, #tpu.memory_space<vmem>>
      %dma_wait3A_484 = tpu.memref_slice %arg8[%mul3A_478] : memref<10000xi32, #tpu.memory_space<vmem>> -> memref<40xi32, #tpu.memory_space<vmem>>
      %dma_wait3A_485 = arith.constant 0 : i32
      %dma_wait3A_486 = arith.constant 0 : i32
      %dma_wait3A_487 = tpu.memref_slice %arg10[%dma_wait3A_485, %dma_wait3A_486] : memref<10240x128xf32, #tpu.memory_space<vmem_shared>> -> memref<10240x128xf32, #tpu.memory_space<vmem_shared>>
      tpu.wait_indirect_dma semaphore(%arg20 : memref<!tpu.dma_semaphore, #tpu.memory_space<semaphore_mem>>) src(%dma_wait3A_483 : memref<40x128xf32, #tpu.memory_space<vmem>>) dst(%dma_wait3A_487 : memref<10240x128xf32, #tpu.memory_space<vmem_shared>>)
      %add3A_488 = arith.constant 5 : i32
      %add3A_489 = arith.addi %add3A_476, %add3A_488 : i32
      %mul3A_490 = arith.constant 40 : i32
      %mul3A_491 = arith.muli %add3A_489, %mul3A_490 : i32
      %dma_start3A_492 = arith.constant 4 : i32
      %dma_start3A_493 = arith.constant 0 : i32
      %dma_start3A_494 = arith.constant 0 : i32
      %dma_start3A_495 = tpu.memref_slice %arg9[%dma_start3A_492, %dma_start3A_493, %dma_start3A_494] : memref<5x40x128xf32, #tpu.memory_space<vmem>> -> memref<1x40x128xf32, #tpu.memory_space<vmem>>
      %dma_start3A_496 = tpu.memref_squeeze %dma_start3A_495 : memref<1x40x128xf32, #tpu.memory_space<vmem>> -> memref<40x128xf32, #tpu.memory_space<vmem>>
      %dma_start3A_497 = tpu.memref_slice %arg7[%mul3A_491] : memref<10000xi32, #tpu.memory_space<vmem>> -> memref<40xi32, #tpu.memory_space<vmem>>
      %dma_start3A_498 = arith.constant 0 : i32
      %dma_start3A_499 = arith.constant 0 : i32
      %dma_start3A_500 = tpu.memref_slice %arg2[%dma_start3A_498, %dma_start3A_499] : memref<10240x128xf32, #tpu.memory_space<hbm>> -> memref<10240x128xf32, #tpu.memory_space<hbm>>
      tpu.enqueue_indirect_dma source(%dma_start3A_500 : memref<10240x128xf32, #tpu.memory_space<hbm>>) target(%dma_start3A_496 : memref<40x128xf32, #tpu.memory_space<vmem>>) offsets(%dma_start3A_497 : memref<40xi32, #tpu.memory_space<vmem>>) semaphore(%arg15 : memref<!tpu.dma_semaphore, #tpu.memory_space<semaphore_mem>>)
    }
    %scan3A_75 = arith.constant 49 : i32
    %dma_wait3A_76 = arith.constant 0 : i32
    %dma_wait3A_77 = arith.constant 0 : i32
    %dma_wait3A_78 = arith.constant 0 : i32
    %dma_wait3A_79 = tpu.memref_slice %arg9[%dma_wait3A_76, %dma_wait3A_77, %dma_wait3A_78] : memref<5x40x128xf32, #tpu.memory_space<vmem>> -> memref<1x40x128xf32, #tpu.memory_space<vmem>>
    %dma_wait3A_80 = tpu.memref_squeeze %dma_wait3A_79 : memref<1x40x128xf32, #tpu.memory_space<vmem>> -> memref<40x128xf32, #tpu.memory_space<vmem>>
    %dma_wait3A_81 = arith.constant 9800 : i32
    %dma_wait3A_82 = tpu.memref_slice %arg7[%dma_wait3A_81] : memref<10000xi32, #tpu.memory_space<vmem>> -> memref<40xi32, #tpu.memory_space<vmem>>
    %dma_wait3A_83 = arith.constant 0 : i32
    %dma_wait3A_84 = arith.constant 0 : i32
    %dma_wait3A_85 = tpu.memref_slice %arg2[%dma_wait3A_83, %dma_wait3A_84] : memref<10240x128xf32, #tpu.memory_space<hbm>> -> memref<10240x128xf32, #tpu.memory_space<hbm>>
    tpu.wait_indirect_dma semaphore(%arg11 : memref<!tpu.dma_semaphore, #tpu.memory_space<semaphore_mem>>) src(%dma_wait3A_85 : memref<10240x128xf32, #tpu.memory_space<hbm>>) dst(%dma_wait3A_80 : memref<40x128xf32, #tpu.memory_space<vmem>>)
    %dma_start3A_86 = arith.constant 0 : i32
    %dma_start3A_87 = arith.constant 0 : i32
    %dma_start3A_88 = arith.constant 0 : i32
    %dma_start3A_89 = tpu.memref_slice %arg9[%dma_start3A_86, %dma_start3A_87, %dma_start3A_88] : memref<5x40x128xf32, #tpu.memory_space<vmem>> -> memref<1x40x128xf32, #tpu.memory_space<vmem>>
    %dma_start3A_90 = tpu.memref_squeeze %dma_start3A_89 : memref<1x40x128xf32, #tpu.memory_space<vmem>> -> memref<40x128xf32, #tpu.memory_space<vmem>>
    %dma_start3A_91 = arith.constant 9800 : i32
    %dma_start3A_92 = tpu.memref_slice %arg8[%dma_start3A_91] : memref<10000xi32, #tpu.memory_space<vmem>> -> memref<40xi32, #tpu.memory_space<vmem>>
    %dma_start3A_93 = arith.constant 0 : i32
    %dma_start3A_94 = arith.constant 0 : i32
    %dma_start3A_95 = tpu.memref_slice %arg10[%dma_start3A_93, %dma_start3A_94] : memref<10240x128xf32, #tpu.memory_space<vmem_shared>> -> memref<10240x128xf32, #tpu.memory_space<vmem_shared>>
    tpu.enqueue_indirect_dma source(%dma_start3A_90 : memref<40x128xf32, #tpu.memory_space<vmem>>) target(%dma_start3A_95 : memref<10240x128xf32, #tpu.memory_space<vmem_shared>>) offsets(%dma_start3A_92 : memref<40xi32, #tpu.memory_space<vmem>>) semaphore(%arg16 : memref<!tpu.dma_semaphore, #tpu.memory_space<semaphore_mem>>) {add = true}
    %dma_wait3A_96 = arith.constant 1 : i32
    %dma_wait3A_97 = arith.constant 0 : i32
    %dma_wait3A_98 = arith.constant 0 : i32
    %dma_wait3A_99 = tpu.memref_slice %arg9[%dma_wait3A_96, %dma_wait3A_97, %dma_wait3A_98] : memref<5x40x128xf32, #tpu.memory_space<vmem>> -> memref<1x40x128xf32, #tpu.memory_space<vmem>>
    %dma_wait3A_100 = tpu.memref_squeeze %dma_wait3A_99 : memref<1x40x128xf32, #tpu.memory_space<vmem>> -> memref<40x128xf32, #tpu.memory_space<vmem>>
    %dma_wait3A_101 = arith.constant 9840 : i32
    %dma_wait3A_102 = tpu.memref_slice %arg7[%dma_wait3A_101] : memref<10000xi32, #tpu.memory_space<vmem>> -> memref<40xi32, #tpu.memory_space<vmem>>
    %dma_wait3A_103 = arith.constant 0 : i32
    %dma_wait3A_104 = arith.constant 0 : i32
    %dma_wait3A_105 = tpu.memref_slice %arg2[%dma_wait3A_103, %dma_wait3A_104] : memref<10240x128xf32, #tpu.memory_space<hbm>> -> memref<10240x128xf32, #tpu.memory_space<hbm>>
    tpu.wait_indirect_dma semaphore(%arg12 : memref<!tpu.dma_semaphore, #tpu.memory_space<semaphore_mem>>) src(%dma_wait3A_105 : memref<10240x128xf32, #tpu.memory_space<hbm>>) dst(%dma_wait3A_100 : memref<40x128xf32, #tpu.memory_space<vmem>>)
    %dma_start3A_106 = arith.constant 1 : i32
    %dma_start3A_107 = arith.constant 0 : i32
    %dma_start3A_108 = arith.constant 0 : i32
    %dma_start3A_109 = tpu.memref_slice %arg9[%dma_start3A_106, %dma_start3A_107, %dma_start3A_108] : memref<5x40x128xf32, #tpu.memory_space<vmem>> -> memref<1x40x128xf32, #tpu.memory_space<vmem>>
    %dma_start3A_110 = tpu.memref_squeeze %dma_start3A_109 : memref<1x40x128xf32, #tpu.memory_space<vmem>> -> memref<40x128xf32, #tpu.memory_space<vmem>>
    %dma_start3A_111 = arith.constant 9840 : i32
    %dma_start3A_112 = tpu.memref_slice %arg8[%dma_start3A_111] : memref<10000xi32, #tpu.memory_space<vmem>> -> memref<40xi32, #tpu.memory_space<vmem>>
    %dma_start3A_113 = arith.constant 0 : i32
    %dma_start3A_114 = arith.constant 0 : i32
    %dma_start3A_115 = tpu.memref_slice %arg10[%dma_start3A_113, %dma_start3A_114] : memref<10240x128xf32, #tpu.memory_space<vmem_shared>> -> memref<10240x128xf32, #tpu.memory_space<vmem_shared>>
    tpu.enqueue_indirect_dma source(%dma_start3A_110 : memref<40x128xf32, #tpu.memory_space<vmem>>) target(%dma_start3A_115 : memref<10240x128xf32, #tpu.memory_space<vmem_shared>>) offsets(%dma_start3A_112 : memref<40xi32, #tpu.memory_space<vmem>>) semaphore(%arg17 : memref<!tpu.dma_semaphore, #tpu.memory_space<semaphore_mem>>) {add = true}
    %dma_wait3A_116 = arith.constant 2 : i32
    %dma_wait3A_117 = arith.constant 0 : i32
    %dma_wait3A_118 = arith.constant 0 : i32
    %dma_wait3A_119 = tpu.memref_slice %arg9[%dma_wait3A_116, %dma_wait3A_117, %dma_wait3A_118] : memref<5x40x128xf32, #tpu.memory_space<vmem>> -> memref<1x40x128xf32, #tpu.memory_space<vmem>>
    %dma_wait3A_120 = tpu.memref_squeeze %dma_wait3A_119 : memref<1x40x128xf32, #tpu.memory_space<vmem>> -> memref<40x128xf32, #tpu.memory_space<vmem>>
    %dma_wait3A_121 = arith.constant 9880 : i32
    %dma_wait3A_122 = tpu.memref_slice %arg7[%dma_wait3A_121] : memref<10000xi32, #tpu.memory_space<vmem>> -> memref<40xi32, #tpu.memory_space<vmem>>
    %dma_wait3A_123 = arith.constant 0 : i32
    %dma_wait3A_124 = arith.constant 0 : i32
    %dma_wait3A_125 = tpu.memref_slice %arg2[%dma_wait3A_123, %dma_wait3A_124] : memref<10240x128xf32, #tpu.memory_space<hbm>> -> memref<10240x128xf32, #tpu.memory_space<hbm>>
    tpu.wait_indirect_dma semaphore(%arg13 : memref<!tpu.dma_semaphore, #tpu.memory_space<semaphore_mem>>) src(%dma_wait3A_125 : memref<10240x128xf32, #tpu.memory_space<hbm>>) dst(%dma_wait3A_120 : memref<40x128xf32, #tpu.memory_space<vmem>>)
    %dma_start3A_126 = arith.constant 2 : i32
    %dma_start3A_127 = arith.constant 0 : i32
    %dma_start3A_128 = arith.constant 0 : i32
    %dma_start3A_129 = tpu.memref_slice %arg9[%dma_start3A_126, %dma_start3A_127, %dma_start3A_128] : memref<5x40x128xf32, #tpu.memory_space<vmem>> -> memref<1x40x128xf32, #tpu.memory_space<vmem>>
    %dma_start3A_130 = tpu.memref_squeeze %dma_start3A_129 : memref<1x40x128xf32, #tpu.memory_space<vmem>> -> memref<40x128xf32, #tpu.memory_space<vmem>>
    %dma_start3A_131 = arith.constant 9880 : i32
    %dma_start3A_132 = tpu.memref_slice %arg8[%dma_start3A_131] : memref<10000xi32, #tpu.memory_space<vmem>> -> memref<40xi32, #tpu.memory_space<vmem>>
    %dma_start3A_133 = arith.constant 0 : i32
    %dma_start3A_134 = arith.constant 0 : i32
    %dma_start3A_135 = tpu.memref_slice %arg10[%dma_start3A_133, %dma_start3A_134] : memref<10240x128xf32, #tpu.memory_space<vmem_shared>> -> memref<10240x128xf32, #tpu.memory_space<vmem_shared>>
    tpu.enqueue_indirect_dma source(%dma_start3A_130 : memref<40x128xf32, #tpu.memory_space<vmem>>) target(%dma_start3A_135 : memref<10240x128xf32, #tpu.memory_space<vmem_shared>>) offsets(%dma_start3A_132 : memref<40xi32, #tpu.memory_space<vmem>>) semaphore(%arg18 : memref<!tpu.dma_semaphore, #tpu.memory_space<semaphore_mem>>) {add = true}
    %dma_wait3A_136 = arith.constant 3 : i32
    %dma_wait3A_137 = arith.constant 0 : i32
    %dma_wait3A_138 = arith.constant 0 : i32
    %dma_wait3A_139 = tpu.memref_slice %arg9[%dma_wait3A_136, %dma_wait3A_137, %dma_wait3A_138] : memref<5x40x128xf32, #tpu.memory_space<vmem>> -> memref<1x40x128xf32, #tpu.memory_space<vmem>>
    %dma_wait3A_140 = tpu.memref_squeeze %dma_wait3A_139 : memref<1x40x128xf32, #tpu.memory_space<vmem>> -> memref<40x128xf32, #tpu.memory_space<vmem>>
    %dma_wait3A_141 = arith.constant 9920 : i32
    %dma_wait3A_142 = tpu.memref_slice %arg7[%dma_wait3A_141] : memref<10000xi32, #tpu.memory_space<vmem>> -> memref<40xi32, #tpu.memory_space<vmem>>
    %dma_wait3A_143 = arith.constant 0 : i32
    %dma_wait3A_144 = arith.constant 0 : i32
    %dma_wait3A_145 = tpu.memref_slice %arg2[%dma_wait3A_143, %dma_wait3A_144] : memref<10240x128xf32, #tpu.memory_space<hbm>> -> memref<10240x128xf32, #tpu.memory_space<hbm>>
    tpu.wait_indirect_dma semaphore(%arg14 : memref<!tpu.dma_semaphore, #tpu.memory_space<semaphore_mem>>) src(%dma_wait3A_145 : memref<10240x128xf32, #tpu.memory_space<hbm>>) dst(%dma_wait3A_140 : memref<40x128xf32, #tpu.memory_space<vmem>>)
    %dma_start3A_146 = arith.constant 3 : i32
    %dma_start3A_147 = arith.constant 0 : i32
    %dma_start3A_148 = arith.constant 0 : i32
    %dma_start3A_149 = tpu.memref_slice %arg9[%dma_start3A_146, %dma_start3A_147, %dma_start3A_148] : memref<5x40x128xf32, #tpu.memory_space<vmem>> -> memref<1x40x128xf32, #tpu.memory_space<vmem>>
    %dma_start3A_150 = tpu.memref_squeeze %dma_start3A_149 : memref<1x40x128xf32, #tpu.memory_space<vmem>> -> memref<40x128xf32, #tpu.memory_space<vmem>>
    %dma_start3A_151 = arith.constant 9920 : i32
    %dma_start3A_152 = tpu.memref_slice %arg8[%dma_start3A_151] : memref<10000xi32, #tpu.memory_space<vmem>> -> memref<40xi32, #tpu.memory_space<vmem>>
    %dma_start3A_153 = arith.constant 0 : i32
    %dma_start3A_154 = arith.constant 0 : i32
    %dma_start3A_155 = tpu.memref_slice %arg10[%dma_start3A_153, %dma_start3A_154] : memref<10240x128xf32, #tpu.memory_space<vmem_shared>> -> memref<10240x128xf32, #tpu.memory_space<vmem_shared>>
    tpu.enqueue_indirect_dma source(%dma_start3A_150 : memref<40x128xf32, #tpu.memory_space<vmem>>) target(%dma_start3A_155 : memref<10240x128xf32, #tpu.memory_space<vmem_shared>>) offsets(%dma_start3A_152 : memref<40xi32, #tpu.memory_space<vmem>>) semaphore(%arg19 : memref<!tpu.dma_semaphore, #tpu.memory_space<semaphore_mem>>) {add = true}
    %dma_wait3A_156 = arith.constant 4 : i32
    %dma_wait3A_157 = arith.constant 0 : i32
    %dma_wait3A_158 = arith.constant 0 : i32
    %dma_wait3A_159 = tpu.memref_slice %arg9[%dma_wait3A_156, %dma_wait3A_157, %dma_wait3A_158] : memref<5x40x128xf32, #tpu.memory_space<vmem>> -> memref<1x40x128xf32, #tpu.memory_space<vmem>>
    %dma_wait3A_160 = tpu.memref_squeeze %dma_wait3A_159 : memref<1x40x128xf32, #tpu.memory_space<vmem>> -> memref<40x128xf32, #tpu.memory_space<vmem>>
    %dma_wait3A_161 = arith.constant 9960 : i32
    %dma_wait3A_162 = tpu.memref_slice %arg7[%dma_wait3A_161] : memref<10000xi32, #tpu.memory_space<vmem>> -> memref<40xi32, #tpu.memory_space<vmem>>
    %dma_wait3A_163 = arith.constant 0 : i32
    %dma_wait3A_164 = arith.constant 0 : i32
    %dma_wait3A_165 = tpu.memref_slice %arg2[%dma_wait3A_163, %dma_wait3A_164] : memref<10240x128xf32, #tpu.memory_space<hbm>> -> memref<10240x128xf32, #tpu.memory_space<hbm>>
    tpu.wait_indirect_dma semaphore(%arg15 : memref<!tpu.dma_semaphore, #tpu.memory_space<semaphore_mem>>) src(%dma_wait3A_165 : memref<10240x128xf32, #tpu.memory_space<hbm>>) dst(%dma_wait3A_160 : memref<40x128xf32, #tpu.memory_space<vmem>>)
    %dma_start3A_166 = arith.constant 4 : i32
    %dma_start3A_167 = arith.constant 0 : i32
    %dma_start3A_168 = arith.constant 0 : i32
    %dma_start3A_169 = tpu.memref_slice %arg9[%dma_start3A_166, %dma_start3A_167, %dma_start3A_168] : memref<5x40x128xf32, #tpu.memory_space<vmem>> -> memref<1x40x128xf32, #tpu.memory_space<vmem>>
    %dma_start3A_170 = tpu.memref_squeeze %dma_start3A_169 : memref<1x40x128xf32, #tpu.memory_space<vmem>> -> memref<40x128xf32, #tpu.memory_space<vmem>>
    %dma_start3A_171 = arith.constant 9960 : i32
    %dma_start3A_172 = tpu.memref_slice %arg8[%dma_start3A_171] : memref<10000xi32, #tpu.memory_space<vmem>> -> memref<40xi32, #tpu.memory_space<vmem>>
    %dma_start3A_173 = arith.constant 0 : i32
    %dma_start3A_174 = arith.constant 0 : i32
    %dma_start3A_175 = tpu.memref_slice %arg10[%dma_start3A_173, %dma_start3A_174] : memref<10240x128xf32, #tpu.memory_space<vmem_shared>> -> memref<10240x128xf32, #tpu.memory_space<vmem_shared>>
    tpu.enqueue_indirect_dma source(%dma_start3A_170 : memref<40x128xf32, #tpu.memory_space<vmem>>) target(%dma_start3A_175 : memref<10240x128xf32, #tpu.memory_space<vmem_shared>>) offsets(%dma_start3A_172 : memref<40xi32, #tpu.memory_space<vmem>>) semaphore(%arg20 : memref<!tpu.dma_semaphore, #tpu.memory_space<semaphore_mem>>) {add = true}
    %dma_wait3A_176 = arith.constant 0 : i32
    %dma_wait3A_177 = arith.constant 0 : i32
    %dma_wait3A_178 = arith.constant 0 : i32
    %dma_wait3A_179 = tpu.memref_slice %arg9[%dma_wait3A_176, %dma_wait3A_177, %dma_wait3A_178] : memref<5x40x128xf32, #tpu.memory_space<vmem>> -> memref<1x40x128xf32, #tpu.memory_space<vmem>>
    %dma_wait3A_180 = tpu.memref_squeeze %dma_wait3A_179 : memref<1x40x128xf32, #tpu.memory_space<vmem>> -> memref<40x128xf32, #tpu.memory_space<vmem>>
    %dma_wait3A_181 = arith.constant 9800 : i32
    %dma_wait3A_182 = tpu.memref_slice %arg8[%dma_wait3A_181] : memref<10000xi32, #tpu.memory_space<vmem>> -> memref<40xi32, #tpu.memory_space<vmem>>
    %dma_wait3A_183 = arith.constant 0 : i32
    %dma_wait3A_184 = arith.constant 0 : i32
    %dma_wait3A_185 = tpu.memref_slice %arg10[%dma_wait3A_183, %dma_wait3A_184] : memref<10240x128xf32, #tpu.memory_space<vmem_shared>> -> memref<10240x128xf32, #tpu.memory_space<vmem_shared>>
    tpu.wait_indirect_dma semaphore(%arg16 : memref<!tpu.dma_semaphore, #tpu.memory_space<semaphore_mem>>) src(%dma_wait3A_180 : memref<40x128xf32, #tpu.memory_space<vmem>>) dst(%dma_wait3A_185 : memref<10240x128xf32, #tpu.memory_space<vmem_shared>>)
    %dma_wait3A_186 = arith.constant 1 : i32
    %dma_wait3A_187 = arith.constant 0 : i32
    %dma_wait3A_188 = arith.constant 0 : i32
    %dma_wait3A_189 = tpu.memref_slice %arg9[%dma_wait3A_186, %dma_wait3A_187, %dma_wait3A_188] : memref<5x40x128xf32, #tpu.memory_space<vmem>> -> memref<1x40x128xf32, #tpu.memory_space<vmem>>
    %dma_wait3A_190 = tpu.memref_squeeze %dma_wait3A_189 : memref<1x40x128xf32, #tpu.memory_space<vmem>> -> memref<40x128xf32, #tpu.memory_space<vmem>>
    %dma_wait3A_191 = arith.constant 9840 : i32
    %dma_wait3A_192 = tpu.memref_slice %arg8[%dma_wait3A_191] : memref<10000xi32, #tpu.memory_space<vmem>> -> memref<40xi32, #tpu.memory_space<vmem>>
    %dma_wait3A_193 = arith.constant 0 : i32
    %dma_wait3A_194 = arith.constant 0 : i32
    %dma_wait3A_195 = tpu.memref_slice %arg10[%dma_wait3A_193, %dma_wait3A_194] : memref<10240x128xf32, #tpu.memory_space<vmem_shared>> -> memref<10240x128xf32, #tpu.memory_space<vmem_shared>>
    tpu.wait_indirect_dma semaphore(%arg17 : memref<!tpu.dma_semaphore, #tpu.memory_space<semaphore_mem>>) src(%dma_wait3A_190 : memref<40x128xf32, #tpu.memory_space<vmem>>) dst(%dma_wait3A_195 : memref<10240x128xf32, #tpu.memory_space<vmem_shared>>)
    %dma_wait3A_196 = arith.constant 2 : i32
    %dma_wait3A_197 = arith.constant 0 : i32
    %dma_wait3A_198 = arith.constant 0 : i32
    %dma_wait3A_199 = tpu.memref_slice %arg9[%dma_wait3A_196, %dma_wait3A_197, %dma_wait3A_198] : memref<5x40x128xf32, #tpu.memory_space<vmem>> -> memref<1x40x128xf32, #tpu.memory_space<vmem>>
    %dma_wait3A_200 = tpu.memref_squeeze %dma_wait3A_199 : memref<1x40x128xf32, #tpu.memory_space<vmem>> -> memref<40x128xf32, #tpu.memory_space<vmem>>
    %dma_wait3A_201 = arith.constant 9880 : i32
    %dma_wait3A_202 = tpu.memref_slice %arg8[%dma_wait3A_201] : memref<10000xi32, #tpu.memory_space<vmem>> -> memref<40xi32, #tpu.memory_space<vmem>>
    %dma_wait3A_203 = arith.constant 0 : i32
    %dma_wait3A_204 = arith.constant 0 : i32
    %dma_wait3A_205 = tpu.memref_slice %arg10[%dma_wait3A_203, %dma_wait3A_204] : memref<10240x128xf32, #tpu.memory_space<vmem_shared>> -> memref<10240x128xf32, #tpu.memory_space<vmem_shared>>
    tpu.wait_indirect_dma semaphore(%arg18 : memref<!tpu.dma_semaphore, #tpu.memory_space<semaphore_mem>>) src(%dma_wait3A_200 : memref<40x128xf32, #tpu.memory_space<vmem>>) dst(%dma_wait3A_205 : memref<10240x128xf32, #tpu.memory_space<vmem_shared>>)
    %dma_wait3A_206 = arith.constant 3 : i32
    %dma_wait3A_207 = arith.constant 0 : i32
    %dma_wait3A_208 = arith.constant 0 : i32
    %dma_wait3A_209 = tpu.memref_slice %arg9[%dma_wait3A_206, %dma_wait3A_207, %dma_wait3A_208] : memref<5x40x128xf32, #tpu.memory_space<vmem>> -> memref<1x40x128xf32, #tpu.memory_space<vmem>>
    %dma_wait3A_210 = tpu.memref_squeeze %dma_wait3A_209 : memref<1x40x128xf32, #tpu.memory_space<vmem>> -> memref<40x128xf32, #tpu.memory_space<vmem>>
    %dma_wait3A_211 = arith.constant 9920 : i32
    %dma_wait3A_212 = tpu.memref_slice %arg8[%dma_wait3A_211] : memref<10000xi32, #tpu.memory_space<vmem>> -> memref<40xi32, #tpu.memory_space<vmem>>
    %dma_wait3A_213 = arith.constant 0 : i32
    %dma_wait3A_214 = arith.constant 0 : i32
    %dma_wait3A_215 = tpu.memref_slice %arg10[%dma_wait3A_213, %dma_wait3A_214] : memref<10240x128xf32, #tpu.memory_space<vmem_shared>> -> memref<10240x128xf32, #tpu.memory_space<vmem_shared>>
    tpu.wait_indirect_dma semaphore(%arg19 : memref<!tpu.dma_semaphore, #tpu.memory_space<semaphore_mem>>) src(%dma_wait3A_210 : memref<40x128xf32, #tpu.memory_space<vmem>>) dst(%dma_wait3A_215 : memref<10240x128xf32, #tpu.memory_space<vmem_shared>>)
    %dma_wait3A_216 = arith.constant 4 : i32
    %dma_wait3A_217 = arith.constant 0 : i32
    %dma_wait3A_218 = arith.constant 0 : i32
    %dma_wait3A_219 = tpu.memref_slice %arg9[%dma_wait3A_216, %dma_wait3A_217, %dma_wait3A_218] : memref<5x40x128xf32, #tpu.memory_space<vmem>> -> memref<1x40x128xf32, #tpu.memory_space<vmem>>
    %dma_wait3A_220 = tpu.memref_squeeze %dma_wait3A_219 : memref<1x40x128xf32, #tpu.memory_space<vmem>> -> memref<40x128xf32, #tpu.memory_space<vmem>>
    %dma_wait3A_221 = arith.constant 9960 : i32
    %dma_wait3A_222 = tpu.memref_slice %arg8[%dma_wait3A_221] : memref<10000xi32, #tpu.memory_space<vmem>> -> memref<40xi32, #tpu.memory_space<vmem>>
    %dma_wait3A_223 = arith.constant 0 : i32
    %dma_wait3A_224 = arith.constant 0 : i32
    %dma_wait3A_225 = tpu.memref_slice %arg10[%dma_wait3A_223, %dma_wait3A_224] : memref<10240x128xf32, #tpu.memory_space<vmem_shared>> -> memref<10240x128xf32, #tpu.memory_space<vmem_shared>>
    tpu.wait_indirect_dma semaphore(%arg20 : memref<!tpu.dma_semaphore, #tpu.memory_space<semaphore_mem>>) src(%dma_wait3A_220 : memref<40x128xf32, #tpu.memory_space<vmem>>) dst(%dma_wait3A_225 : memref<10240x128xf32, #tpu.memory_space<vmem_shared>>)
    %barrier3A_226 = arith.constant 0 : index
    tpu.barrier barrier_id(%barrier3A_226)
    %mul3A_227 = arith.constant 10240 : i32
    %mul3A_228 = arith.muli %arg0, %mul3A_227 : i32
    %add3A_229 = arith.addi %mul3A_228, %mul3A_0 : i32
    "tpu.region"() ({
      %run_scoped3A = tpu.sem_alloc : memref<!tpu.dma_semaphore, #tpu.memory_space<semaphore_mem>>
      %dma_start3A_230 = arith.constant 0 : i32
      %dma_start3A_231 = tpu.memref_slice %arg6[%add3A_229, %dma_start3A_230] : memref<20480x128xf32, #tpu.memory_space<hbm>> -> memref<640x128xf32, #tpu.memory_space<hbm>>
      %dma_start3A_232 = arith.constant 0 : i32
      %dma_start3A_233 = tpu.memref_slice %arg10[%mul3A_0, %dma_start3A_232] : memref<10240x128xf32, #tpu.memory_space<vmem_shared>> -> memref<640x128xf32, #tpu.memory_space<vmem_shared>>
      tpu.enqueue_dma source(%dma_start3A_233 : memref<640x128xf32, #tpu.memory_space<vmem_shared>>) target(%dma_start3A_231 : memref<640x128xf32, #tpu.memory_space<hbm>>) target_semaphore(%run_scoped3A : memref<!tpu.dma_semaphore, #tpu.memory_space<semaphore_mem>>)
      %dma_wait3A_234 = arith.constant 0 : i32
      %dma_wait3A_235 = tpu.memref_slice %arg6[%add3A_229, %dma_wait3A_234] : memref<20480x128xf32, #tpu.memory_space<hbm>> -> memref<640x128xf32, #tpu.memory_space<hbm>>
      %dma_wait3A_236 = arith.constant 0 : i32
      %dma_wait3A_237 = tpu.memref_slice %arg10[%mul3A_0, %dma_wait3A_236] : memref<10240x128xf32, #tpu.memory_space<vmem_shared>> -> memref<640x128xf32, #tpu.memory_space<vmem_shared>>
      tpu.wait_dma2 semaphore(%run_scoped3A : memref<!tpu.dma_semaphore, #tpu.memory_space<semaphore_mem>>) src(%dma_wait3A_237 : memref<640x128xf32, #tpu.memory_space<vmem_shared>>) dst(%dma_wait3A_235 : memref<640x128xf32, #tpu.memory_space<hbm>>)
      tpu.yield
    }) : () -> ()
    return
  }
}

#map = affine_map<(d0, d1) -> (0, 0)>
#map1 = affine_map<(d0, d1) -> (0)>
module attributes {stable_mosaic.version = 14 : i64} {
  func.func @seg_kernel(%arg0: i32, %arg1: i32, %arg2: memref<10240x128xf32, #tpu.memory_space<hbm>>, %arg3: memref<320000xi32, #tpu.memory_space<hbm>>, %arg4: memref<320000xi32, #tpu.memory_space<hbm>>, %arg5: memref<10240x128xf32, #tpu.memory_space<hbm>>, %arg6: memref<20480x128xf32, #tpu.memory_space<hbm>>, %arg7: memref<10000xi32, #tpu.memory_space<vmem>>, %arg8: memref<10000xi32, #tpu.memory_space<vmem>>, %arg9: memref<5x40x128xf32, #tpu.memory_space<vmem>>, %arg10: memref<10240x128xf32, #tpu.memory_space<vmem_shared>>, %arg11: memref<!tpu.dma_semaphore, #tpu.memory_space<semaphore_mem>>, %arg12: memref<!tpu.dma_semaphore, #tpu.memory_space<semaphore_mem>>, %arg13: memref<!tpu.dma_semaphore, #tpu.memory_space<semaphore_mem>>, %arg14: memref<!tpu.dma_semaphore, #tpu.memory_space<semaphore_mem>>, %arg15: memref<!tpu.dma_semaphore, #tpu.memory_space<semaphore_mem>>, %arg16: memref<!tpu.dma_semaphore, #tpu.memory_space<semaphore_mem>>, %arg17: memref<!tpu.dma_semaphore, #tpu.memory_space<semaphore_mem>>, %arg18: memref<!tpu.dma_semaphore, #tpu.memory_space<semaphore_mem>>, %arg19: memref<!tpu.dma_semaphore, #tpu.memory_space<semaphore_mem>>, %arg20: memref<!tpu.dma_semaphore, #tpu.memory_space<semaphore_mem>>) attributes {dimension_semantics = [#tpu.dimension_semantics<core_parallel>, #tpu.dimension_semantics<subcore_parallel>], iteration_bounds = array<i64: 2, 16>, scalar_prefetch = 0 : i64, scratch_operands = 14 : i64, tpu.core_type = #tpu.core_type<sc_vector_subcore>, window_params = [{transform_indices = #map}, {transform_indices = #map1}, {transform_indices = #map1}, {transform_indices = #map}, {transform_indices = #map}]} {
    %mul3A = arith.constant 640 : i32
    %mul3A_0 = arith.muli %arg1, %mul3A : i32
    %mul3A_1 = arith.constant 16 : i32
    %mul3A_2 = arith.muli %arg0, %mul3A_1 : i32
    %add3A = arith.addi %mul3A_2, %arg1 : i32
    %dma_start3A = arith.constant 0 : i32
    %dma_start3A_3 = tpu.memref_slice %arg10[%mul3A_0, %dma_start3A] : memref<10240x128xf32, #tpu.memory_space<vmem_shared>> -> memref<640x128xf32, #tpu.memory_space<vmem_shared>>
    %dma_start3A_4 = arith.constant 0 : i32
    %dma_start3A_5 = tpu.memref_slice %arg5[%mul3A_0, %dma_start3A_4] : memref<10240x128xf32, #tpu.memory_space<hbm>> -> memref<640x128xf32, #tpu.memory_space<hbm>>
    tpu.enqueue_dma source(%dma_start3A_5 : memref<640x128xf32, #tpu.memory_space<hbm>>) target(%dma_start3A_3 : memref<640x128xf32, #tpu.memory_space<vmem_shared>>) target_semaphore(%arg11 : memref<!tpu.dma_semaphore, #tpu.memory_space<semaphore_mem>>)
    %mul3A_6 = arith.constant 10000 : i32
    %mul3A_7 = arith.muli %add3A, %mul3A_6 : i32
    %dma_start3A_8 = tpu.memref_slice %arg3[%mul3A_7] : memref<320000xi32, #tpu.memory_space<hbm>> -> memref<10000xi32, #tpu.memory_space<hbm>>
    %dma_start3A_9 = tpu.memref_slice %arg3[%mul3A_7] : memref<320000xi32, #tpu.memory_space<hbm>> -> memref<10000xi32, #tpu.memory_space<hbm>>
    tpu.enqueue_dma source(%dma_start3A_9 : memref<10000xi32, #tpu.memory_space<hbm>>) target(%arg7 : memref<10000xi32, #tpu.memory_space<vmem>>) target_semaphore(%arg12 : memref<!tpu.dma_semaphore, #tpu.memory_space<semaphore_mem>>)
    %mul3A_10 = arith.constant 10000 : i32
    %mul3A_11 = arith.muli %add3A, %mul3A_10 : i32
    %dma_start3A_12 = tpu.memref_slice %arg4[%mul3A_11] : memref<320000xi32, #tpu.memory_space<hbm>> -> memref<10000xi32, #tpu.memory_space<hbm>>
    %dma_start3A_13 = tpu.memref_slice %arg4[%mul3A_11] : memref<320000xi32, #tpu.memory_space<hbm>> -> memref<10000xi32, #tpu.memory_space<hbm>>
    tpu.enqueue_dma source(%dma_start3A_13 : memref<10000xi32, #tpu.memory_space<hbm>>) target(%arg8 : memref<10000xi32, #tpu.memory_space<vmem>>) target_semaphore(%arg13 : memref<!tpu.dma_semaphore, #tpu.memory_space<semaphore_mem>>)
    %dma_wait3A = arith.constant 0 : i32
    %dma_wait3A_14 = tpu.memref_slice %arg10[%mul3A_0, %dma_wait3A] : memref<10240x128xf32, #tpu.memory_space<vmem_shared>> -> memref<640x128xf32, #tpu.memory_space<vmem_shared>>
    %dma_wait3A_15 = arith.constant 0 : i32
    %dma_wait3A_16 = tpu.memref_slice %arg5[%mul3A_0, %dma_wait3A_15] : memref<10240x128xf32, #tpu.memory_space<hbm>> -> memref<640x128xf32, #tpu.memory_space<hbm>>
    tpu.wait_dma2 semaphore(%arg11 : memref<!tpu.dma_semaphore, #tpu.memory_space<semaphore_mem>>) src(%dma_wait3A_16 : memref<640x128xf32, #tpu.memory_space<hbm>>) dst(%dma_wait3A_14 : memref<640x128xf32, #tpu.memory_space<vmem_shared>>)
    %dma_wait3A_17 = tpu.memref_slice %arg3[%mul3A_7] : memref<320000xi32, #tpu.memory_space<hbm>> -> memref<10000xi32, #tpu.memory_space<hbm>>
    %dma_wait3A_18 = tpu.memref_slice %arg3[%mul3A_7] : memref<320000xi32, #tpu.memory_space<hbm>> -> memref<10000xi32, #tpu.memory_space<hbm>>
    tpu.wait_dma2 semaphore(%arg12 : memref<!tpu.dma_semaphore, #tpu.memory_space<semaphore_mem>>) src(%dma_wait3A_18 : memref<10000xi32, #tpu.memory_space<hbm>>) dst(%arg7 : memref<10000xi32, #tpu.memory_space<vmem>>)
    %dma_wait3A_19 = tpu.memref_slice %arg4[%mul3A_11] : memref<320000xi32, #tpu.memory_space<hbm>> -> memref<10000xi32, #tpu.memory_space<hbm>>
    %dma_wait3A_20 = tpu.memref_slice %arg4[%mul3A_11] : memref<320000xi32, #tpu.memory_space<hbm>> -> memref<10000xi32, #tpu.memory_space<hbm>>
    tpu.wait_dma2 semaphore(%arg13 : memref<!tpu.dma_semaphore, #tpu.memory_space<semaphore_mem>>) src(%dma_wait3A_20 : memref<10000xi32, #tpu.memory_space<hbm>>) dst(%arg8 : memref<10000xi32, #tpu.memory_space<vmem>>)
    %barrier3A = arith.constant 0 : index
    tpu.barrier barrier_id(%barrier3A)
    %dma_start3A_21 = arith.constant 0 : i32
    %dma_start3A_22 = arith.constant 0 : i32
    %dma_start3A_23 = arith.constant 0 : i32
    %dma_start3A_24 = tpu.memref_slice %arg9[%dma_start3A_21, %dma_start3A_22, %dma_start3A_23] : memref<5x40x128xf32, #tpu.memory_space<vmem>> -> memref<1x40x128xf32, #tpu.memory_space<vmem>>
    %dma_start3A_25 = tpu.memref_squeeze %dma_start3A_24 : memref<1x40x128xf32, #tpu.memory_space<vmem>> -> memref<40x128xf32, #tpu.memory_space<vmem>>
    %dma_start3A_26 = arith.constant 0 : i32
    %dma_start3A_27 = tpu.memref_slice %arg7[%dma_start3A_26] : memref<10000xi32, #tpu.memory_space<vmem>> -> memref<40xi32, #tpu.memory_space<vmem>>
    %dma_start3A_28 = arith.constant 0 : i32
    %dma_start3A_29 = arith.constant 0 : i32
    %dma_start3A_30 = tpu.memref_slice %arg2[%dma_start3A_28, %dma_start3A_29] : memref<10240x128xf32, #tpu.memory_space<hbm>> -> memref<10240x128xf32, #tpu.memory_space<hbm>>
    tpu.enqueue_indirect_dma source(%dma_start3A_30 : memref<10240x128xf32, #tpu.memory_space<hbm>>) target(%dma_start3A_25 : memref<40x128xf32, #tpu.memory_space<vmem>>) offsets(%dma_start3A_27 : memref<40xi32, #tpu.memory_space<vmem>>) semaphore(%arg11 : memref<!tpu.dma_semaphore, #tpu.memory_space<semaphore_mem>>)
    %dma_start3A_31 = arith.constant 1 : i32
    %dma_start3A_32 = arith.constant 0 : i32
    %dma_start3A_33 = arith.constant 0 : i32
    %dma_start3A_34 = tpu.memref_slice %arg9[%dma_start3A_31, %dma_start3A_32, %dma_start3A_33] : memref<5x40x128xf32, #tpu.memory_space<vmem>> -> memref<1x40x128xf32, #tpu.memory_space<vmem>>
    %dma_start3A_35 = tpu.memref_squeeze %dma_start3A_34 : memref<1x40x128xf32, #tpu.memory_space<vmem>> -> memref<40x128xf32, #tpu.memory_space<vmem>>
    %dma_start3A_36 = arith.constant 40 : i32
    %dma_start3A_37 = tpu.memref_slice %arg7[%dma_start3A_36] : memref<10000xi32, #tpu.memory_space<vmem>> -> memref<40xi32, #tpu.memory_space<vmem>>
    %dma_start3A_38 = arith.constant 0 : i32
    %dma_start3A_39 = arith.constant 0 : i32
    %dma_start3A_40 = tpu.memref_slice %arg2[%dma_start3A_38, %dma_start3A_39] : memref<10240x128xf32, #tpu.memory_space<hbm>> -> memref<10240x128xf32, #tpu.memory_space<hbm>>
    tpu.enqueue_indirect_dma source(%dma_start3A_40 : memref<10240x128xf32, #tpu.memory_space<hbm>>) target(%dma_start3A_35 : memref<40x128xf32, #tpu.memory_space<vmem>>) offsets(%dma_start3A_37 : memref<40xi32, #tpu.memory_space<vmem>>) semaphore(%arg12 : memref<!tpu.dma_semaphore, #tpu.memory_space<semaphore_mem>>)
    %dma_start3A_41 = arith.constant 2 : i32
    %dma_start3A_42 = arith.constant 0 : i32
    %dma_start3A_43 = arith.constant 0 : i32
    %dma_start3A_44 = tpu.memref_slice %arg9[%dma_start3A_41, %dma_start3A_42, %dma_start3A_43] : memref<5x40x128xf32, #tpu.memory_space<vmem>> -> memref<1x40x128xf32, #tpu.memory_space<vmem>>
    %dma_start3A_45 = tpu.memref_squeeze %dma_start3A_44 : memref<1x40x128xf32, #tpu.memory_space<vmem>> -> memref<40x128xf32, #tpu.memory_space<vmem>>
    %dma_start3A_46 = arith.constant 80 : i32
    %dma_start3A_47 = tpu.memref_slice %arg7[%dma_start3A_46] : memref<10000xi32, #tpu.memory_space<vmem>> -> memref<40xi32, #tpu.memory_space<vmem>>
    %dma_start3A_48 = arith.constant 0 : i32
    %dma_start3A_49 = arith.constant 0 : i32
    %dma_start3A_50 = tpu.memref_slice %arg2[%dma_start3A_48, %dma_start3A_49] : memref<10240x128xf32, #tpu.memory_space<hbm>> -> memref<10240x128xf32, #tpu.memory_space<hbm>>
    tpu.enqueue_indirect_dma source(%dma_start3A_50 : memref<10240x128xf32, #tpu.memory_space<hbm>>) target(%dma_start3A_45 : memref<40x128xf32, #tpu.memory_space<vmem>>) offsets(%dma_start3A_47 : memref<40xi32, #tpu.memory_space<vmem>>) semaphore(%arg13 : memref<!tpu.dma_semaphore, #tpu.memory_space<semaphore_mem>>)
    %dma_start3A_51 = arith.constant 3 : i32
    %dma_start3A_52 = arith.constant 0 : i32
    %dma_start3A_53 = arith.constant 0 : i32
    %dma_start3A_54 = tpu.memref_slice %arg9[%dma_start3A_51, %dma_start3A_52, %dma_start3A_53] : memref<5x40x128xf32, #tpu.memory_space<vmem>> -> memref<1x40x128xf32, #tpu.memory_space<vmem>>
    %dma_start3A_55 = tpu.memref_squeeze %dma_start3A_54 : memref<1x40x128xf32, #tpu.memory_space<vmem>> -> memref<40x128xf32, #tpu.memory_space<vmem>>
    %dma_start3A_56 = arith.constant 120 : i32
    %dma_start3A_57 = tpu.memref_slice %arg7[%dma_start3A_56] : memref<10000xi32, #tpu.memory_space<vmem>> -> memref<40xi32, #tpu.memory_space<vmem>>
    %dma_start3A_58 = arith.constant 0 : i32
    %dma_start3A_59 = arith.constant 0 : i32
    %dma_start3A_60 = tpu.memref_slice %arg2[%dma_start3A_58, %dma_start3A_59] : memref<10240x128xf32, #tpu.memory_space<hbm>> -> memref<10240x128xf32, #tpu.memory_space<hbm>>
    tpu.enqueue_indirect_dma source(%dma_start3A_60 : memref<10240x128xf32, #tpu.memory_space<hbm>>) target(%dma_start3A_55 : memref<40x128xf32, #tpu.memory_space<vmem>>) offsets(%dma_start3A_57 : memref<40xi32, #tpu.memory_space<vmem>>) semaphore(%arg14 : memref<!tpu.dma_semaphore, #tpu.memory_space<semaphore_mem>>)
    %dma_start3A_61 = arith.constant 4 : i32
    %dma_start3A_62 = arith.constant 0 : i32
    %dma_start3A_63 = arith.constant 0 : i32
    %dma_start3A_64 = tpu.memref_slice %arg9[%dma_start3A_61, %dma_start3A_62, %dma_start3A_63] : memref<5x40x128xf32, #tpu.memory_space<vmem>> -> memref<1x40x128xf32, #tpu.memory_space<vmem>>
    %dma_start3A_65 = tpu.memref_squeeze %dma_start3A_64 : memref<1x40x128xf32, #tpu.memory_space<vmem>> -> memref<40x128xf32, #tpu.memory_space<vmem>>
    %dma_start3A_66 = arith.constant 160 : i32
    %dma_start3A_67 = tpu.memref_slice %arg7[%dma_start3A_66] : memref<10000xi32, #tpu.memory_space<vmem>> -> memref<40xi32, #tpu.memory_space<vmem>>
    %dma_start3A_68 = arith.constant 0 : i32
    %dma_start3A_69 = arith.constant 0 : i32
    %dma_start3A_70 = tpu.memref_slice %arg2[%dma_start3A_68, %dma_start3A_69] : memref<10240x128xf32, #tpu.memory_space<hbm>> -> memref<10240x128xf32, #tpu.memory_space<hbm>>
    tpu.enqueue_indirect_dma source(%dma_start3A_70 : memref<10240x128xf32, #tpu.memory_space<hbm>>) target(%dma_start3A_65 : memref<40x128xf32, #tpu.memory_space<vmem>>) offsets(%dma_start3A_67 : memref<40xi32, #tpu.memory_space<vmem>>) semaphore(%arg15 : memref<!tpu.dma_semaphore, #tpu.memory_space<semaphore_mem>>)
    %scan3A = arith.constant 0 : i32
    %scan3A_71 = arith.constant 0 : i32
    %scan3A_72 = arith.constant 49 : i32
    %scan3A_73 = arith.addi %scan3A_71, %scan3A_72 : i32
    %scan3A_74 = arith.constant 1 : i32
    scf.for %scan3A_230 = %scan3A_71 to %scan3A_73 step %scan3A_74  : i32 {
      %mul3A_231 = arith.constant 5 : i32
      %mul3A_232 = arith.muli %mul3A_231, %scan3A_230 : i32
      %add3A_233 = arith.constant 0 : i32
      %add3A_234 = arith.addi %mul3A_232, %add3A_233 : i32
      %mul3A_235 = arith.constant 40 : i32
      %mul3A_236 = arith.muli %add3A_234, %mul3A_235 : i32
      %dma_wait3A_237 = arith.constant 0 : i32
      %dma_wait3A_238 = arith.constant 0 : i32
      %dma_wait3A_239 = arith.constant 0 : i32
      %dma_wait3A_240 = tpu.memref_slice %arg9[%dma_wait3A_237, %dma_wait3A_238, %dma_wait3A_239] : memref<5x40x128xf32, #tpu.memory_space<vmem>> -> memref<1x40x128xf32, #tpu.memory_space<vmem>>
      %dma_wait3A_241 = tpu.memref_squeeze %dma_wait3A_240 : memref<1x40x128xf32, #tpu.memory_space<vmem>> -> memref<40x128xf32, #tpu.memory_space<vmem>>
      %dma_wait3A_242 = tpu.memref_slice %arg7[%mul3A_236] : memref<10000xi32, #tpu.memory_space<vmem>> -> memref<40xi32, #tpu.memory_space<vmem>>
      %dma_wait3A_243 = arith.constant 0 : i32
      %dma_wait3A_244 = arith.constant 0 : i32
      %dma_wait3A_245 = tpu.memref_slice %arg2[%dma_wait3A_243, %dma_wait3A_244] : memref<10240x128xf32, #tpu.memory_space<hbm>> -> memref<10240x128xf32, #tpu.memory_space<hbm>>
      tpu.wait_indirect_dma semaphore(%arg11 : memref<!tpu.dma_semaphore, #tpu.memory_space<semaphore_mem>>) src(%dma_wait3A_245 : memref<10240x128xf32, #tpu.memory_space<hbm>>) dst(%dma_wait3A_241 : memref<40x128xf32, #tpu.memory_space<vmem>>)
      %mul3A_246 = arith.constant 40 : i32
      %mul3A_247 = arith.muli %add3A_234, %mul3A_246 : i32
      %dma_start3A_248 = arith.constant 0 : i32
      %dma_start3A_249 = arith.constant 0 : i32
      %dma_start3A_250 = arith.constant 0 : i32
      %dma_start3A_251 = tpu.memref_slice %arg9[%dma_start3A_248, %dma_start3A_249, %dma_start3A_250] : memref<5x40x128xf32, #tpu.memory_space<vmem>> -> memref<1x40x128xf32, #tpu.memory_space<vmem>>
      %dma_start3A_252 = tpu.memref_squeeze %dma_start3A_251 : memref<1x40x128xf32, #tpu.memory_space<vmem>> -> memref<40x128xf32, #tpu.memory_space<vmem>>
      %dma_start3A_253 = tpu.memref_slice %arg8[%mul3A_247] : memref<10000xi32, #tpu.memory_space<vmem>> -> memref<40xi32, #tpu.memory_space<vmem>>
      %dma_start3A_254 = arith.constant 0 : i32
      %dma_start3A_255 = arith.constant 0 : i32
      %dma_start3A_256 = tpu.memref_slice %arg10[%dma_start3A_254, %dma_start3A_255] : memref<10240x128xf32, #tpu.memory_space<vmem_shared>> -> memref<10240x128xf32, #tpu.memory_space<vmem_shared>>
      tpu.enqueue_indirect_dma source(%dma_start3A_252 : memref<40x128xf32, #tpu.memory_space<vmem>>) target(%dma_start3A_256 : memref<10240x128xf32, #tpu.memory_space<vmem_shared>>) offsets(%dma_start3A_253 : memref<40xi32, #tpu.memory_space<vmem>>) semaphore(%arg16 : memref<!tpu.dma_semaphore, #tpu.memory_space<semaphore_mem>>) {add = true}
      %mul3A_257 = arith.constant 5 : i32
      %mul3A_258 = arith.muli %mul3A_257, %scan3A_230 : i32
      %add3A_259 = arith.constant 1 : i32
      %add3A_260 = arith.addi %mul3A_258, %add3A_259 : i32
      %mul3A_261 = arith.constant 40 : i32
      %mul3A_262 = arith.muli %add3A_260, %mul3A_261 : i32
      %dma_wait3A_263 = arith.constant 1 : i32
      %dma_wait3A_264 = arith.constant 0 : i32
      %dma_wait3A_265 = arith.constant 0 : i32
      %dma_wait3A_266 = tpu.memref_slice %arg9[%dma_wait3A_263, %dma_wait3A_264, %dma_wait3A_265] : memref<5x40x128xf32, #tpu.memory_space<vmem>> -> memref<1x40x128xf32, #tpu.memory_space<vmem>>
      %dma_wait3A_267 = tpu.memref_squeeze %dma_wait3A_266 : memref<1x40x128xf32, #tpu.memory_space<vmem>> -> memref<40x128xf32, #tpu.memory_space<vmem>>
      %dma_wait3A_268 = tpu.memref_slice %arg7[%mul3A_262] : memref<10000xi32, #tpu.memory_space<vmem>> -> memref<40xi32, #tpu.memory_space<vmem>>
      %dma_wait3A_269 = arith.constant 0 : i32
      %dma_wait3A_270 = arith.constant 0 : i32
      %dma_wait3A_271 = tpu.memref_slice %arg2[%dma_wait3A_269, %dma_wait3A_270] : memref<10240x128xf32, #tpu.memory_space<hbm>> -> memref<10240x128xf32, #tpu.memory_space<hbm>>
      tpu.wait_indirect_dma semaphore(%arg12 : memref<!tpu.dma_semaphore, #tpu.memory_space<semaphore_mem>>) src(%dma_wait3A_271 : memref<10240x128xf32, #tpu.memory_space<hbm>>) dst(%dma_wait3A_267 : memref<40x128xf32, #tpu.memory_space<vmem>>)
      %mul3A_272 = arith.constant 40 : i32
      %mul3A_273 = arith.muli %add3A_260, %mul3A_272 : i32
      %dma_start3A_274 = arith.constant 1 : i32
      %dma_start3A_275 = arith.constant 0 : i32
      %dma_start3A_276 = arith.constant 0 : i32
      %dma_start3A_277 = tpu.memref_slice %arg9[%dma_start3A_274, %dma_start3A_275, %dma_start3A_276] : memref<5x40x128xf32, #tpu.memory_space<vmem>> -> memref<1x40x128xf32, #tpu.memory_space<vmem>>
      %dma_start3A_278 = tpu.memref_squeeze %dma_start3A_277 : memref<1x40x128xf32, #tpu.memory_space<vmem>> -> memref<40x128xf32, #tpu.memory_space<vmem>>
      %dma_start3A_279 = tpu.memref_slice %arg8[%mul3A_273] : memref<10000xi32, #tpu.memory_space<vmem>> -> memref<40xi32, #tpu.memory_space<vmem>>
      %dma_start3A_280 = arith.constant 0 : i32
      %dma_start3A_281 = arith.constant 0 : i32
      %dma_start3A_282 = tpu.memref_slice %arg10[%dma_start3A_280, %dma_start3A_281] : memref<10240x128xf32, #tpu.memory_space<vmem_shared>> -> memref<10240x128xf32, #tpu.memory_space<vmem_shared>>
      tpu.enqueue_indirect_dma source(%dma_start3A_278 : memref<40x128xf32, #tpu.memory_space<vmem>>) target(%dma_start3A_282 : memref<10240x128xf32, #tpu.memory_space<vmem_shared>>) offsets(%dma_start3A_279 : memref<40xi32, #tpu.memory_space<vmem>>) semaphore(%arg17 : memref<!tpu.dma_semaphore, #tpu.memory_space<semaphore_mem>>) {add = true}
      %mul3A_283 = arith.constant 5 : i32
      %mul3A_284 = arith.muli %mul3A_283, %scan3A_230 : i32
      %add3A_285 = arith.constant 2 : i32
      %add3A_286 = arith.addi %mul3A_284, %add3A_285 : i32
      %mul3A_287 = arith.constant 40 : i32
      %mul3A_288 = arith.muli %add3A_286, %mul3A_287 : i32
      %dma_wait3A_289 = arith.constant 2 : i32
      %dma_wait3A_290 = arith.constant 0 : i32
      %dma_wait3A_291 = arith.constant 0 : i32
      %dma_wait3A_292 = tpu.memref_slice %arg9[%dma_wait3A_289, %dma_wait3A_290, %dma_wait3A_291] : memref<5x40x128xf32, #tpu.memory_space<vmem>> -> memref<1x40x128xf32, #tpu.memory_space<vmem>>
      %dma_wait3A_293 = tpu.memref_squeeze %dma_wait3A_292 : memref<1x40x128xf32, #tpu.memory_space<vmem>> -> memref<40x128xf32, #tpu.memory_space<vmem>>
      %dma_wait3A_294 = tpu.memref_slice %arg7[%mul3A_288] : memref<10000xi32, #tpu.memory_space<vmem>> -> memref<40xi32, #tpu.memory_space<vmem>>
      %dma_wait3A_295 = arith.constant 0 : i32
      %dma_wait3A_296 = arith.constant 0 : i32
      %dma_wait3A_297 = tpu.memref_slice %arg2[%dma_wait3A_295, %dma_wait3A_296] : memref<10240x128xf32, #tpu.memory_space<hbm>> -> memref<10240x128xf32, #tpu.memory_space<hbm>>
      tpu.wait_indirect_dma semaphore(%arg13 : memref<!tpu.dma_semaphore, #tpu.memory_space<semaphore_mem>>) src(%dma_wait3A_297 : memref<10240x128xf32, #tpu.memory_space<hbm>>) dst(%dma_wait3A_293 : memref<40x128xf32, #tpu.memory_space<vmem>>)
      %mul3A_298 = arith.constant 40 : i32
      %mul3A_299 = arith.muli %add3A_286, %mul3A_298 : i32
      %dma_start3A_300 = arith.constant 2 : i32
      %dma_start3A_301 = arith.constant 0 : i32
      %dma_start3A_302 = arith.constant 0 : i32
      %dma_start3A_303 = tpu.memref_slice %arg9[%dma_start3A_300, %dma_start3A_301, %dma_start3A_302] : memref<5x40x128xf32, #tpu.memory_space<vmem>> -> memref<1x40x128xf32, #tpu.memory_space<vmem>>
      %dma_start3A_304 = tpu.memref_squeeze %dma_start3A_303 : memref<1x40x128xf32, #tpu.memory_space<vmem>> -> memref<40x128xf32, #tpu.memory_space<vmem>>
      %dma_start3A_305 = tpu.memref_slice %arg8[%mul3A_299] : memref<10000xi32, #tpu.memory_space<vmem>> -> memref<40xi32, #tpu.memory_space<vmem>>
      %dma_start3A_306 = arith.constant 0 : i32
      %dma_start3A_307 = arith.constant 0 : i32
      %dma_start3A_308 = tpu.memref_slice %arg10[%dma_start3A_306, %dma_start3A_307] : memref<10240x128xf32, #tpu.memory_space<vmem_shared>> -> memref<10240x128xf32, #tpu.memory_space<vmem_shared>>
      tpu.enqueue_indirect_dma source(%dma_start3A_304 : memref<40x128xf32, #tpu.memory_space<vmem>>) target(%dma_start3A_308 : memref<10240x128xf32, #tpu.memory_space<vmem_shared>>) offsets(%dma_start3A_305 : memref<40xi32, #tpu.memory_space<vmem>>) semaphore(%arg18 : memref<!tpu.dma_semaphore, #tpu.memory_space<semaphore_mem>>) {add = true}
      %mul3A_309 = arith.constant 5 : i32
      %mul3A_310 = arith.muli %mul3A_309, %scan3A_230 : i32
      %add3A_311 = arith.constant 3 : i32
      %add3A_312 = arith.addi %mul3A_310, %add3A_311 : i32
      %mul3A_313 = arith.constant 40 : i32
      %mul3A_314 = arith.muli %add3A_312, %mul3A_313 : i32
      %dma_wait3A_315 = arith.constant 3 : i32
      %dma_wait3A_316 = arith.constant 0 : i32
      %dma_wait3A_317 = arith.constant 0 : i32
      %dma_wait3A_318 = tpu.memref_slice %arg9[%dma_wait3A_315, %dma_wait3A_316, %dma_wait3A_317] : memref<5x40x128xf32, #tpu.memory_space<vmem>> -> memref<1x40x128xf32, #tpu.memory_space<vmem>>
      %dma_wait3A_319 = tpu.memref_squeeze %dma_wait3A_318 : memref<1x40x128xf32, #tpu.memory_space<vmem>> -> memref<40x128xf32, #tpu.memory_space<vmem>>
      %dma_wait3A_320 = tpu.memref_slice %arg7[%mul3A_314] : memref<10000xi32, #tpu.memory_space<vmem>> -> memref<40xi32, #tpu.memory_space<vmem>>
      %dma_wait3A_321 = arith.constant 0 : i32
      %dma_wait3A_322 = arith.constant 0 : i32
      %dma_wait3A_323 = tpu.memref_slice %arg2[%dma_wait3A_321, %dma_wait3A_322] : memref<10240x128xf32, #tpu.memory_space<hbm>> -> memref<10240x128xf32, #tpu.memory_space<hbm>>
      tpu.wait_indirect_dma semaphore(%arg14 : memref<!tpu.dma_semaphore, #tpu.memory_space<semaphore_mem>>) src(%dma_wait3A_323 : memref<10240x128xf32, #tpu.memory_space<hbm>>) dst(%dma_wait3A_319 : memref<40x128xf32, #tpu.memory_space<vmem>>)
      %mul3A_324 = arith.constant 40 : i32
      %mul3A_325 = arith.muli %add3A_312, %mul3A_324 : i32
      %dma_start3A_326 = arith.constant 3 : i32
      %dma_start3A_327 = arith.constant 0 : i32
      %dma_start3A_328 = arith.constant 0 : i32
      %dma_start3A_329 = tpu.memref_slice %arg9[%dma_start3A_326, %dma_start3A_327, %dma_start3A_328] : memref<5x40x128xf32, #tpu.memory_space<vmem>> -> memref<1x40x128xf32, #tpu.memory_space<vmem>>
      %dma_start3A_330 = tpu.memref_squeeze %dma_start3A_329 : memref<1x40x128xf32, #tpu.memory_space<vmem>> -> memref<40x128xf32, #tpu.memory_space<vmem>>
      %dma_start3A_331 = tpu.memref_slice %arg8[%mul3A_325] : memref<10000xi32, #tpu.memory_space<vmem>> -> memref<40xi32, #tpu.memory_space<vmem>>
      %dma_start3A_332 = arith.constant 0 : i32
      %dma_start3A_333 = arith.constant 0 : i32
      %dma_start3A_334 = tpu.memref_slice %arg10[%dma_start3A_332, %dma_start3A_333] : memref<10240x128xf32, #tpu.memory_space<vmem_shared>> -> memref<10240x128xf32, #tpu.memory_space<vmem_shared>>
      tpu.enqueue_indirect_dma source(%dma_start3A_330 : memref<40x128xf32, #tpu.memory_space<vmem>>) target(%dma_start3A_334 : memref<10240x128xf32, #tpu.memory_space<vmem_shared>>) offsets(%dma_start3A_331 : memref<40xi32, #tpu.memory_space<vmem>>) semaphore(%arg19 : memref<!tpu.dma_semaphore, #tpu.memory_space<semaphore_mem>>) {add = true}
      %mul3A_335 = arith.constant 5 : i32
      %mul3A_336 = arith.muli %mul3A_335, %scan3A_230 : i32
      %add3A_337 = arith.constant 4 : i32
      %add3A_338 = arith.addi %mul3A_336, %add3A_337 : i32
      %mul3A_339 = arith.constant 40 : i32
      %mul3A_340 = arith.muli %add3A_338, %mul3A_339 : i32
      %dma_wait3A_341 = arith.constant 4 : i32
      %dma_wait3A_342 = arith.constant 0 : i32
      %dma_wait3A_343 = arith.constant 0 : i32
      %dma_wait3A_344 = tpu.memref_slice %arg9[%dma_wait3A_341, %dma_wait3A_342, %dma_wait3A_343] : memref<5x40x128xf32, #tpu.memory_space<vmem>> -> memref<1x40x128xf32, #tpu.memory_space<vmem>>
      %dma_wait3A_345 = tpu.memref_squeeze %dma_wait3A_344 : memref<1x40x128xf32, #tpu.memory_space<vmem>> -> memref<40x128xf32, #tpu.memory_space<vmem>>
      %dma_wait3A_346 = tpu.memref_slice %arg7[%mul3A_340] : memref<10000xi32, #tpu.memory_space<vmem>> -> memref<40xi32, #tpu.memory_space<vmem>>
      %dma_wait3A_347 = arith.constant 0 : i32
      %dma_wait3A_348 = arith.constant 0 : i32
      %dma_wait3A_349 = tpu.memref_slice %arg2[%dma_wait3A_347, %dma_wait3A_348] : memref<10240x128xf32, #tpu.memory_space<hbm>> -> memref<10240x128xf32, #tpu.memory_space<hbm>>
      tpu.wait_indirect_dma semaphore(%arg15 : memref<!tpu.dma_semaphore, #tpu.memory_space<semaphore_mem>>) src(%dma_wait3A_349 : memref<10240x128xf32, #tpu.memory_space<hbm>>) dst(%dma_wait3A_345 : memref<40x128xf32, #tpu.memory_space<vmem>>)
      %mul3A_350 = arith.constant 40 : i32
      %mul3A_351 = arith.muli %add3A_338, %mul3A_350 : i32
      %dma_start3A_352 = arith.constant 4 : i32
      %dma_start3A_353 = arith.constant 0 : i32
      %dma_start3A_354 = arith.constant 0 : i32
      %dma_start3A_355 = tpu.memref_slice %arg9[%dma_start3A_352, %dma_start3A_353, %dma_start3A_354] : memref<5x40x128xf32, #tpu.memory_space<vmem>> -> memref<1x40x128xf32, #tpu.memory_space<vmem>>
      %dma_start3A_356 = tpu.memref_squeeze %dma_start3A_355 : memref<1x40x128xf32, #tpu.memory_space<vmem>> -> memref<40x128xf32, #tpu.memory_space<vmem>>
      %dma_start3A_357 = tpu.memref_slice %arg8[%mul3A_351] : memref<10000xi32, #tpu.memory_space<vmem>> -> memref<40xi32, #tpu.memory_space<vmem>>
      %dma_start3A_358 = arith.constant 0 : i32
      %dma_start3A_359 = arith.constant 0 : i32
      %dma_start3A_360 = tpu.memref_slice %arg10[%dma_start3A_358, %dma_start3A_359] : memref<10240x128xf32, #tpu.memory_space<vmem_shared>> -> memref<10240x128xf32, #tpu.memory_space<vmem_shared>>
      tpu.enqueue_indirect_dma source(%dma_start3A_356 : memref<40x128xf32, #tpu.memory_space<vmem>>) target(%dma_start3A_360 : memref<10240x128xf32, #tpu.memory_space<vmem_shared>>) offsets(%dma_start3A_357 : memref<40xi32, #tpu.memory_space<vmem>>) semaphore(%arg20 : memref<!tpu.dma_semaphore, #tpu.memory_space<semaphore_mem>>) {add = true}
      %mul3A_361 = arith.constant 5 : i32
      %mul3A_362 = arith.muli %mul3A_361, %scan3A_230 : i32
      %add3A_363 = arith.constant 0 : i32
      %add3A_364 = arith.addi %mul3A_362, %add3A_363 : i32
      %mul3A_365 = arith.constant 40 : i32
      %mul3A_366 = arith.muli %add3A_364, %mul3A_365 : i32
      %dma_wait3A_367 = arith.constant 0 : i32
      %dma_wait3A_368 = arith.constant 0 : i32
      %dma_wait3A_369 = arith.constant 0 : i32
      %dma_wait3A_370 = tpu.memref_slice %arg9[%dma_wait3A_367, %dma_wait3A_368, %dma_wait3A_369] : memref<5x40x128xf32, #tpu.memory_space<vmem>> -> memref<1x40x128xf32, #tpu.memory_space<vmem>>
      %dma_wait3A_371 = tpu.memref_squeeze %dma_wait3A_370 : memref<1x40x128xf32, #tpu.memory_space<vmem>> -> memref<40x128xf32, #tpu.memory_space<vmem>>
      %dma_wait3A_372 = tpu.memref_slice %arg8[%mul3A_366] : memref<10000xi32, #tpu.memory_space<vmem>> -> memref<40xi32, #tpu.memory_space<vmem>>
      %dma_wait3A_373 = arith.constant 0 : i32
      %dma_wait3A_374 = arith.constant 0 : i32
      %dma_wait3A_375 = tpu.memref_slice %arg10[%dma_wait3A_373, %dma_wait3A_374] : memref<10240x128xf32, #tpu.memory_space<vmem_shared>> -> memref<10240x128xf32, #tpu.memory_space<vmem_shared>>
      tpu.wait_indirect_dma semaphore(%arg16 : memref<!tpu.dma_semaphore, #tpu.memory_space<semaphore_mem>>) src(%dma_wait3A_371 : memref<40x128xf32, #tpu.memory_space<vmem>>) dst(%dma_wait3A_375 : memref<10240x128xf32, #tpu.memory_space<vmem_shared>>)
      %add3A_376 = arith.constant 5 : i32
      %add3A_377 = arith.addi %add3A_364, %add3A_376 : i32
      %mul3A_378 = arith.constant 40 : i32
      %mul3A_379 = arith.muli %add3A_377, %mul3A_378 : i32
      %dma_start3A_380 = arith.constant 0 : i32
      %dma_start3A_381 = arith.constant 0 : i32
      %dma_start3A_382 = arith.constant 0 : i32
      %dma_start3A_383 = tpu.memref_slice %arg9[%dma_start3A_380, %dma_start3A_381, %dma_start3A_382] : memref<5x40x128xf32, #tpu.memory_space<vmem>> -> memref<1x40x128xf32, #tpu.memory_space<vmem>>
      %dma_start3A_384 = tpu.memref_squeeze %dma_start3A_383 : memref<1x40x128xf32, #tpu.memory_space<vmem>> -> memref<40x128xf32, #tpu.memory_space<vmem>>
      %dma_start3A_385 = tpu.memref_slice %arg7[%mul3A_379] : memref<10000xi32, #tpu.memory_space<vmem>> -> memref<40xi32, #tpu.memory_space<vmem>>
      %dma_start3A_386 = arith.constant 0 : i32
      %dma_start3A_387 = arith.constant 0 : i32
      %dma_start3A_388 = tpu.memref_slice %arg2[%dma_start3A_386, %dma_start3A_387] : memref<10240x128xf32, #tpu.memory_space<hbm>> -> memref<10240x128xf32, #tpu.memory_space<hbm>>
      tpu.enqueue_indirect_dma source(%dma_start3A_388 : memref<10240x128xf32, #tpu.memory_space<hbm>>) target(%dma_start3A_384 : memref<40x128xf32, #tpu.memory_space<vmem>>) offsets(%dma_start3A_385 : memref<40xi32, #tpu.memory_space<vmem>>) semaphore(%arg11 : memref<!tpu.dma_semaphore, #tpu.memory_space<semaphore_mem>>)
      %mul3A_389 = arith.constant 5 : i32
      %mul3A_390 = arith.muli %mul3A_389, %scan3A_230 : i32
      %add3A_391 = arith.constant 1 : i32
      %add3A_392 = arith.addi %mul3A_390, %add3A_391 : i32
      %mul3A_393 = arith.constant 40 : i32
      %mul3A_394 = arith.muli %add3A_392, %mul3A_393 : i32
      %dma_wait3A_395 = arith.constant 1 : i32
      %dma_wait3A_396 = arith.constant 0 : i32
      %dma_wait3A_397 = arith.constant 0 : i32
      %dma_wait3A_398 = tpu.memref_slice %arg9[%dma_wait3A_395, %dma_wait3A_396, %dma_wait3A_397] : memref<5x40x128xf32, #tpu.memory_space<vmem>> -> memref<1x40x128xf32, #tpu.memory_space<vmem>>
      %dma_wait3A_399 = tpu.memref_squeeze %dma_wait3A_398 : memref<1x40x128xf32, #tpu.memory_space<vmem>> -> memref<40x128xf32, #tpu.memory_space<vmem>>
      %dma_wait3A_400 = tpu.memref_slice %arg8[%mul3A_394] : memref<10000xi32, #tpu.memory_space<vmem>> -> memref<40xi32, #tpu.memory_space<vmem>>
      %dma_wait3A_401 = arith.constant 0 : i32
      %dma_wait3A_402 = arith.constant 0 : i32
      %dma_wait3A_403 = tpu.memref_slice %arg10[%dma_wait3A_401, %dma_wait3A_402] : memref<10240x128xf32, #tpu.memory_space<vmem_shared>> -> memref<10240x128xf32, #tpu.memory_space<vmem_shared>>
      tpu.wait_indirect_dma semaphore(%arg17 : memref<!tpu.dma_semaphore, #tpu.memory_space<semaphore_mem>>) src(%dma_wait3A_399 : memref<40x128xf32, #tpu.memory_space<vmem>>) dst(%dma_wait3A_403 : memref<10240x128xf32, #tpu.memory_space<vmem_shared>>)
      %add3A_404 = arith.constant 5 : i32
      %add3A_405 = arith.addi %add3A_392, %add3A_404 : i32
      %mul3A_406 = arith.constant 40 : i32
      %mul3A_407 = arith.muli %add3A_405, %mul3A_406 : i32
      %dma_start3A_408 = arith.constant 1 : i32
      %dma_start3A_409 = arith.constant 0 : i32
      %dma_start3A_410 = arith.constant 0 : i32
      %dma_start3A_411 = tpu.memref_slice %arg9[%dma_start3A_408, %dma_start3A_409, %dma_start3A_410] : memref<5x40x128xf32, #tpu.memory_space<vmem>> -> memref<1x40x128xf32, #tpu.memory_space<vmem>>
      %dma_start3A_412 = tpu.memref_squeeze %dma_start3A_411 : memref<1x40x128xf32, #tpu.memory_space<vmem>> -> memref<40x128xf32, #tpu.memory_space<vmem>>
      %dma_start3A_413 = tpu.memref_slice %arg7[%mul3A_407] : memref<10000xi32, #tpu.memory_space<vmem>> -> memref<40xi32, #tpu.memory_space<vmem>>
      %dma_start3A_414 = arith.constant 0 : i32
      %dma_start3A_415 = arith.constant 0 : i32
      %dma_start3A_416 = tpu.memref_slice %arg2[%dma_start3A_414, %dma_start3A_415] : memref<10240x128xf32, #tpu.memory_space<hbm>> -> memref<10240x128xf32, #tpu.memory_space<hbm>>
      tpu.enqueue_indirect_dma source(%dma_start3A_416 : memref<10240x128xf32, #tpu.memory_space<hbm>>) target(%dma_start3A_412 : memref<40x128xf32, #tpu.memory_space<vmem>>) offsets(%dma_start3A_413 : memref<40xi32, #tpu.memory_space<vmem>>) semaphore(%arg12 : memref<!tpu.dma_semaphore, #tpu.memory_space<semaphore_mem>>)
      %mul3A_417 = arith.constant 5 : i32
      %mul3A_418 = arith.muli %mul3A_417, %scan3A_230 : i32
      %add3A_419 = arith.constant 2 : i32
      %add3A_420 = arith.addi %mul3A_418, %add3A_419 : i32
      %mul3A_421 = arith.constant 40 : i32
      %mul3A_422 = arith.muli %add3A_420, %mul3A_421 : i32
      %dma_wait3A_423 = arith.constant 2 : i32
      %dma_wait3A_424 = arith.constant 0 : i32
      %dma_wait3A_425 = arith.constant 0 : i32
      %dma_wait3A_426 = tpu.memref_slice %arg9[%dma_wait3A_423, %dma_wait3A_424, %dma_wait3A_425] : memref<5x40x128xf32, #tpu.memory_space<vmem>> -> memref<1x40x128xf32, #tpu.memory_space<vmem>>
      %dma_wait3A_427 = tpu.memref_squeeze %dma_wait3A_426 : memref<1x40x128xf32, #tpu.memory_space<vmem>> -> memref<40x128xf32, #tpu.memory_space<vmem>>
      %dma_wait3A_428 = tpu.memref_slice %arg8[%mul3A_422] : memref<10000xi32, #tpu.memory_space<vmem>> -> memref<40xi32, #tpu.memory_space<vmem>>
      %dma_wait3A_429 = arith.constant 0 : i32
      %dma_wait3A_430 = arith.constant 0 : i32
      %dma_wait3A_431 = tpu.memref_slice %arg10[%dma_wait3A_429, %dma_wait3A_430] : memref<10240x128xf32, #tpu.memory_space<vmem_shared>> -> memref<10240x128xf32, #tpu.memory_space<vmem_shared>>
      tpu.wait_indirect_dma semaphore(%arg18 : memref<!tpu.dma_semaphore, #tpu.memory_space<semaphore_mem>>) src(%dma_wait3A_427 : memref<40x128xf32, #tpu.memory_space<vmem>>) dst(%dma_wait3A_431 : memref<10240x128xf32, #tpu.memory_space<vmem_shared>>)
      %add3A_432 = arith.constant 5 : i32
      %add3A_433 = arith.addi %add3A_420, %add3A_432 : i32
      %mul3A_434 = arith.constant 40 : i32
      %mul3A_435 = arith.muli %add3A_433, %mul3A_434 : i32
      %dma_start3A_436 = arith.constant 2 : i32
      %dma_start3A_437 = arith.constant 0 : i32
      %dma_start3A_438 = arith.constant 0 : i32
      %dma_start3A_439 = tpu.memref_slice %arg9[%dma_start3A_436, %dma_start3A_437, %dma_start3A_438] : memref<5x40x128xf32, #tpu.memory_space<vmem>> -> memref<1x40x128xf32, #tpu.memory_space<vmem>>
      %dma_start3A_440 = tpu.memref_squeeze %dma_start3A_439 : memref<1x40x128xf32, #tpu.memory_space<vmem>> -> memref<40x128xf32, #tpu.memory_space<vmem>>
      %dma_start3A_441 = tpu.memref_slice %arg7[%mul3A_435] : memref<10000xi32, #tpu.memory_space<vmem>> -> memref<40xi32, #tpu.memory_space<vmem>>
      %dma_start3A_442 = arith.constant 0 : i32
      %dma_start3A_443 = arith.constant 0 : i32
      %dma_start3A_444 = tpu.memref_slice %arg2[%dma_start3A_442, %dma_start3A_443] : memref<10240x128xf32, #tpu.memory_space<hbm>> -> memref<10240x128xf32, #tpu.memory_space<hbm>>
      tpu.enqueue_indirect_dma source(%dma_start3A_444 : memref<10240x128xf32, #tpu.memory_space<hbm>>) target(%dma_start3A_440 : memref<40x128xf32, #tpu.memory_space<vmem>>) offsets(%dma_start3A_441 : memref<40xi32, #tpu.memory_space<vmem>>) semaphore(%arg13 : memref<!tpu.dma_semaphore, #tpu.memory_space<semaphore_mem>>)
      %mul3A_445 = arith.constant 5 : i32
      %mul3A_446 = arith.muli %mul3A_445, %scan3A_230 : i32
      %add3A_447 = arith.constant 3 : i32
      %add3A_448 = arith.addi %mul3A_446, %add3A_447 : i32
      %mul3A_449 = arith.constant 40 : i32
      %mul3A_450 = arith.muli %add3A_448, %mul3A_449 : i32
      %dma_wait3A_451 = arith.constant 3 : i32
      %dma_wait3A_452 = arith.constant 0 : i32
      %dma_wait3A_453 = arith.constant 0 : i32
      %dma_wait3A_454 = tpu.memref_slice %arg9[%dma_wait3A_451, %dma_wait3A_452, %dma_wait3A_453] : memref<5x40x128xf32, #tpu.memory_space<vmem>> -> memref<1x40x128xf32, #tpu.memory_space<vmem>>
      %dma_wait3A_455 = tpu.memref_squeeze %dma_wait3A_454 : memref<1x40x128xf32, #tpu.memory_space<vmem>> -> memref<40x128xf32, #tpu.memory_space<vmem>>
      %dma_wait3A_456 = tpu.memref_slice %arg8[%mul3A_450] : memref<10000xi32, #tpu.memory_space<vmem>> -> memref<40xi32, #tpu.memory_space<vmem>>
      %dma_wait3A_457 = arith.constant 0 : i32
      %dma_wait3A_458 = arith.constant 0 : i32
      %dma_wait3A_459 = tpu.memref_slice %arg10[%dma_wait3A_457, %dma_wait3A_458] : memref<10240x128xf32, #tpu.memory_space<vmem_shared>> -> memref<10240x128xf32, #tpu.memory_space<vmem_shared>>
      tpu.wait_indirect_dma semaphore(%arg19 : memref<!tpu.dma_semaphore, #tpu.memory_space<semaphore_mem>>) src(%dma_wait3A_455 : memref<40x128xf32, #tpu.memory_space<vmem>>) dst(%dma_wait3A_459 : memref<10240x128xf32, #tpu.memory_space<vmem_shared>>)
      %add3A_460 = arith.constant 5 : i32
      %add3A_461 = arith.addi %add3A_448, %add3A_460 : i32
      %mul3A_462 = arith.constant 40 : i32
      %mul3A_463 = arith.muli %add3A_461, %mul3A_462 : i32
      %dma_start3A_464 = arith.constant 3 : i32
      %dma_start3A_465 = arith.constant 0 : i32
      %dma_start3A_466 = arith.constant 0 : i32
      %dma_start3A_467 = tpu.memref_slice %arg9[%dma_start3A_464, %dma_start3A_465, %dma_start3A_466] : memref<5x40x128xf32, #tpu.memory_space<vmem>> -> memref<1x40x128xf32, #tpu.memory_space<vmem>>
      %dma_start3A_468 = tpu.memref_squeeze %dma_start3A_467 : memref<1x40x128xf32, #tpu.memory_space<vmem>> -> memref<40x128xf32, #tpu.memory_space<vmem>>
      %dma_start3A_469 = tpu.memref_slice %arg7[%mul3A_463] : memref<10000xi32, #tpu.memory_space<vmem>> -> memref<40xi32, #tpu.memory_space<vmem>>
      %dma_start3A_470 = arith.constant 0 : i32
      %dma_start3A_471 = arith.constant 0 : i32
      %dma_start3A_472 = tpu.memref_slice %arg2[%dma_start3A_470, %dma_start3A_471] : memref<10240x128xf32, #tpu.memory_space<hbm>> -> memref<10240x128xf32, #tpu.memory_space<hbm>>
      tpu.enqueue_indirect_dma source(%dma_start3A_472 : memref<10240x128xf32, #tpu.memory_space<hbm>>) target(%dma_start3A_468 : memref<40x128xf32, #tpu.memory_space<vmem>>) offsets(%dma_start3A_469 : memref<40xi32, #tpu.memory_space<vmem>>) semaphore(%arg14 : memref<!tpu.dma_semaphore, #tpu.memory_space<semaphore_mem>>)
      %mul3A_473 = arith.constant 5 : i32
      %mul3A_474 = arith.muli %mul3A_473, %scan3A_230 : i32
      %add3A_475 = arith.constant 4 : i32
      %add3A_476 = arith.addi %mul3A_474, %add3A_475 : i32
      %mul3A_477 = arith.constant 40 : i32
      %mul3A_478 = arith.muli %add3A_476, %mul3A_477 : i32
      %dma_wait3A_479 = arith.constant 4 : i32
      %dma_wait3A_480 = arith.constant 0 : i32
      %dma_wait3A_481 = arith.constant 0 : i32
      %dma_wait3A_482 = tpu.memref_slice %arg9[%dma_wait3A_479, %dma_wait3A_480, %dma_wait3A_481] : memref<5x40x128xf32, #tpu.memory_space<vmem>> -> memref<1x40x128xf32, #tpu.memory_space<vmem>>
      %dma_wait3A_483 = tpu.memref_squeeze %dma_wait3A_482 : memref<1x40x128xf32, #tpu.memory_space<vmem>> -> memref<40x128xf32, #tpu.memory_space<vmem>>
      %dma_wait3A_484 = tpu.memref_slice %arg8[%mul3A_478] : memref<10000xi32, #tpu.memory_space<vmem>> -> memref<40xi32, #tpu.memory_space<vmem>>
      %dma_wait3A_485 = arith.constant 0 : i32
      %dma_wait3A_486 = arith.constant 0 : i32
      %dma_wait3A_487 = tpu.memref_slice %arg10[%dma_wait3A_485, %dma_wait3A_486] : memref<10240x128xf32, #tpu.memory_space<vmem_shared>> -> memref<10240x128xf32, #tpu.memory_space<vmem_shared>>
      tpu.wait_indirect_dma semaphore(%arg20 : memref<!tpu.dma_semaphore, #tpu.memory_space<semaphore_mem>>) src(%dma_wait3A_483 : memref<40x128xf32, #tpu.memory_space<vmem>>) dst(%dma_wait3A_487 : memref<10240x128xf32, #tpu.memory_space<vmem_shared>>)
      %add3A_488 = arith.constant 5 : i32
      %add3A_489 = arith.addi %add3A_476, %add3A_488 : i32
      %mul3A_490 = arith.constant 40 : i32
      %mul3A_491 = arith.muli %add3A_489, %mul3A_490 : i32
      %dma_start3A_492 = arith.constant 4 : i32
      %dma_start3A_493 = arith.constant 0 : i32
      %dma_start3A_494 = arith.constant 0 : i32
      %dma_start3A_495 = tpu.memref_slice %arg9[%dma_start3A_492, %dma_start3A_493, %dma_start3A_494] : memref<5x40x128xf32, #tpu.memory_space<vmem>> -> memref<1x40x128xf32, #tpu.memory_space<vmem>>
      %dma_start3A_496 = tpu.memref_squeeze %dma_start3A_495 : memref<1x40x128xf32, #tpu.memory_space<vmem>> -> memref<40x128xf32, #tpu.memory_space<vmem>>
      %dma_start3A_497 = tpu.memref_slice %arg7[%mul3A_491] : memref<10000xi32, #tpu.memory_space<vmem>> -> memref<40xi32, #tpu.memory_space<vmem>>
      %dma_start3A_498 = arith.constant 0 : i32
      %dma_start3A_499 = arith.constant 0 : i32
      %dma_start3A_500 = tpu.memref_slice %arg2[%dma_start3A_498, %dma_start3A_499] : memref<10240x128xf32, #tpu.memory_space<hbm>> -> memref<10240x128xf32, #tpu.memory_space<hbm>>
      tpu.enqueue_indirect_dma source(%dma_start3A_500 : memref<10240x128xf32, #tpu.memory_space<hbm>>) target(%dma_start3A_496 : memref<40x128xf32, #tpu.memory_space<vmem>>) offsets(%dma_start3A_497 : memref<40xi32, #tpu.memory_space<vmem>>) semaphore(%arg15 : memref<!tpu.dma_semaphore, #tpu.memory_space<semaphore_mem>>)
    }
    %scan3A_75 = arith.constant 49 : i32
    %dma_wait3A_76 = arith.constant 0 : i32
    %dma_wait3A_77 = arith.constant 0 : i32
    %dma_wait3A_78 = arith.constant 0 : i32
    %dma_wait3A_79 = tpu.memref_slice %arg9[%dma_wait3A_76, %dma_wait3A_77, %dma_wait3A_78] : memref<5x40x128xf32, #tpu.memory_space<vmem>> -> memref<1x40x128xf32, #tpu.memory_space<vmem>>
    %dma_wait3A_80 = tpu.memref_squeeze %dma_wait3A_79 : memref<1x40x128xf32, #tpu.memory_space<vmem>> -> memref<40x128xf32, #tpu.memory_space<vmem>>
    %dma_wait3A_81 = arith.constant 9800 : i32
    %dma_wait3A_82 = tpu.memref_slice %arg7[%dma_wait3A_81] : memref<10000xi32, #tpu.memory_space<vmem>> -> memref<40xi32, #tpu.memory_space<vmem>>
    %dma_wait3A_83 = arith.constant 0 : i32
    %dma_wait3A_84 = arith.constant 0 : i32
    %dma_wait3A_85 = tpu.memref_slice %arg2[%dma_wait3A_83, %dma_wait3A_84] : memref<10240x128xf32, #tpu.memory_space<hbm>> -> memref<10240x128xf32, #tpu.memory_space<hbm>>
    tpu.wait_indirect_dma semaphore(%arg11 : memref<!tpu.dma_semaphore, #tpu.memory_space<semaphore_mem>>) src(%dma_wait3A_85 : memref<10240x128xf32, #tpu.memory_space<hbm>>) dst(%dma_wait3A_80 : memref<40x128xf32, #tpu.memory_space<vmem>>)
    %dma_start3A_86 = arith.constant 0 : i32
    %dma_start3A_87 = arith.constant 0 : i32
    %dma_start3A_88 = arith.constant 0 : i32
    %dma_start3A_89 = tpu.memref_slice %arg9[%dma_start3A_86, %dma_start3A_87, %dma_start3A_88] : memref<5x40x128xf32, #tpu.memory_space<vmem>> -> memref<1x40x128xf32, #tpu.memory_space<vmem>>
    %dma_start3A_90 = tpu.memref_squeeze %dma_start3A_89 : memref<1x40x128xf32, #tpu.memory_space<vmem>> -> memref<40x128xf32, #tpu.memory_space<vmem>>
    %dma_start3A_91 = arith.constant 9800 : i32
    %dma_start3A_92 = tpu.memref_slice %arg8[%dma_start3A_91] : memref<10000xi32, #tpu.memory_space<vmem>> -> memref<40xi32, #tpu.memory_space<vmem>>
    %dma_start3A_93 = arith.constant 0 : i32
    %dma_start3A_94 = arith.constant 0 : i32
    %dma_start3A_95 = tpu.memref_slice %arg10[%dma_start3A_93, %dma_start3A_94] : memref<10240x128xf32, #tpu.memory_space<vmem_shared>> -> memref<10240x128xf32, #tpu.memory_space<vmem_shared>>
    tpu.enqueue_indirect_dma source(%dma_start3A_90 : memref<40x128xf32, #tpu.memory_space<vmem>>) target(%dma_start3A_95 : memref<10240x128xf32, #tpu.memory_space<vmem_shared>>) offsets(%dma_start3A_92 : memref<40xi32, #tpu.memory_space<vmem>>) semaphore(%arg16 : memref<!tpu.dma_semaphore, #tpu.memory_space<semaphore_mem>>) {add = true}
    %dma_wait3A_96 = arith.constant 1 : i32
    %dma_wait3A_97 = arith.constant 0 : i32
    %dma_wait3A_98 = arith.constant 0 : i32
    %dma_wait3A_99 = tpu.memref_slice %arg9[%dma_wait3A_96, %dma_wait3A_97, %dma_wait3A_98] : memref<5x40x128xf32, #tpu.memory_space<vmem>> -> memref<1x40x128xf32, #tpu.memory_space<vmem>>
    %dma_wait3A_100 = tpu.memref_squeeze %dma_wait3A_99 : memref<1x40x128xf32, #tpu.memory_space<vmem>> -> memref<40x128xf32, #tpu.memory_space<vmem>>
    %dma_wait3A_101 = arith.constant 9840 : i32
    %dma_wait3A_102 = tpu.memref_slice %arg7[%dma_wait3A_101] : memref<10000xi32, #tpu.memory_space<vmem>> -> memref<40xi32, #tpu.memory_space<vmem>>
    %dma_wait3A_103 = arith.constant 0 : i32
    %dma_wait3A_104 = arith.constant 0 : i32
    %dma_wait3A_105 = tpu.memref_slice %arg2[%dma_wait3A_103, %dma_wait3A_104] : memref<10240x128xf32, #tpu.memory_space<hbm>> -> memref<10240x128xf32, #tpu.memory_space<hbm>>
    tpu.wait_indirect_dma semaphore(%arg12 : memref<!tpu.dma_semaphore, #tpu.memory_space<semaphore_mem>>) src(%dma_wait3A_105 : memref<10240x128xf32, #tpu.memory_space<hbm>>) dst(%dma_wait3A_100 : memref<40x128xf32, #tpu.memory_space<vmem>>)
    %dma_start3A_106 = arith.constant 1 : i32
    %dma_start3A_107 = arith.constant 0 : i32
    %dma_start3A_108 = arith.constant 0 : i32
    %dma_start3A_109 = tpu.memref_slice %arg9[%dma_start3A_106, %dma_start3A_107, %dma_start3A_108] : memref<5x40x128xf32, #tpu.memory_space<vmem>> -> memref<1x40x128xf32, #tpu.memory_space<vmem>>
    %dma_start3A_110 = tpu.memref_squeeze %dma_start3A_109 : memref<1x40x128xf32, #tpu.memory_space<vmem>> -> memref<40x128xf32, #tpu.memory_space<vmem>>
    %dma_start3A_111 = arith.constant 9840 : i32
    %dma_start3A_112 = tpu.memref_slice %arg8[%dma_start3A_111] : memref<10000xi32, #tpu.memory_space<vmem>> -> memref<40xi32, #tpu.memory_space<vmem>>
    %dma_start3A_113 = arith.constant 0 : i32
    %dma_start3A_114 = arith.constant 0 : i32
    %dma_start3A_115 = tpu.memref_slice %arg10[%dma_start3A_113, %dma_start3A_114] : memref<10240x128xf32, #tpu.memory_space<vmem_shared>> -> memref<10240x128xf32, #tpu.memory_space<vmem_shared>>
    tpu.enqueue_indirect_dma source(%dma_start3A_110 : memref<40x128xf32, #tpu.memory_space<vmem>>) target(%dma_start3A_115 : memref<10240x128xf32, #tpu.memory_space<vmem_shared>>) offsets(%dma_start3A_112 : memref<40xi32, #tpu.memory_space<vmem>>) semaphore(%arg17 : memref<!tpu.dma_semaphore, #tpu.memory_space<semaphore_mem>>) {add = true}
    %dma_wait3A_116 = arith.constant 2 : i32
    %dma_wait3A_117 = arith.constant 0 : i32
    %dma_wait3A_118 = arith.constant 0 : i32
    %dma_wait3A_119 = tpu.memref_slice %arg9[%dma_wait3A_116, %dma_wait3A_117, %dma_wait3A_118] : memref<5x40x128xf32, #tpu.memory_space<vmem>> -> memref<1x40x128xf32, #tpu.memory_space<vmem>>
    %dma_wait3A_120 = tpu.memref_squeeze %dma_wait3A_119 : memref<1x40x128xf32, #tpu.memory_space<vmem>> -> memref<40x128xf32, #tpu.memory_space<vmem>>
    %dma_wait3A_121 = arith.constant 9880 : i32
    %dma_wait3A_122 = tpu.memref_slice %arg7[%dma_wait3A_121] : memref<10000xi32, #tpu.memory_space<vmem>> -> memref<40xi32, #tpu.memory_space<vmem>>
    %dma_wait3A_123 = arith.constant 0 : i32
    %dma_wait3A_124 = arith.constant 0 : i32
    %dma_wait3A_125 = tpu.memref_slice %arg2[%dma_wait3A_123, %dma_wait3A_124] : memref<10240x128xf32, #tpu.memory_space<hbm>> -> memref<10240x128xf32, #tpu.memory_space<hbm>>
    tpu.wait_indirect_dma semaphore(%arg13 : memref<!tpu.dma_semaphore, #tpu.memory_space<semaphore_mem>>) src(%dma_wait3A_125 : memref<10240x128xf32, #tpu.memory_space<hbm>>) dst(%dma_wait3A_120 : memref<40x128xf32, #tpu.memory_space<vmem>>)
    %dma_start3A_126 = arith.constant 2 : i32
    %dma_start3A_127 = arith.constant 0 : i32
    %dma_start3A_128 = arith.constant 0 : i32
    %dma_start3A_129 = tpu.memref_slice %arg9[%dma_start3A_126, %dma_start3A_127, %dma_start3A_128] : memref<5x40x128xf32, #tpu.memory_space<vmem>> -> memref<1x40x128xf32, #tpu.memory_space<vmem>>
    %dma_start3A_130 = tpu.memref_squeeze %dma_start3A_129 : memref<1x40x128xf32, #tpu.memory_space<vmem>> -> memref<40x128xf32, #tpu.memory_space<vmem>>
    %dma_start3A_131 = arith.constant 9880 : i32
    %dma_start3A_132 = tpu.memref_slice %arg8[%dma_start3A_131] : memref<10000xi32, #tpu.memory_space<vmem>> -> memref<40xi32, #tpu.memory_space<vmem>>
    %dma_start3A_133 = arith.constant 0 : i32
    %dma_start3A_134 = arith.constant 0 : i32
    %dma_start3A_135 = tpu.memref_slice %arg10[%dma_start3A_133, %dma_start3A_134] : memref<10240x128xf32, #tpu.memory_space<vmem_shared>> -> memref<10240x128xf32, #tpu.memory_space<vmem_shared>>
    tpu.enqueue_indirect_dma source(%dma_start3A_130 : memref<40x128xf32, #tpu.memory_space<vmem>>) target(%dma_start3A_135 : memref<10240x128xf32, #tpu.memory_space<vmem_shared>>) offsets(%dma_start3A_132 : memref<40xi32, #tpu.memory_space<vmem>>) semaphore(%arg18 : memref<!tpu.dma_semaphore, #tpu.memory_space<semaphore_mem>>) {add = true}
    %dma_wait3A_136 = arith.constant 3 : i32
    %dma_wait3A_137 = arith.constant 0 : i32
    %dma_wait3A_138 = arith.constant 0 : i32
    %dma_wait3A_139 = tpu.memref_slice %arg9[%dma_wait3A_136, %dma_wait3A_137, %dma_wait3A_138] : memref<5x40x128xf32, #tpu.memory_space<vmem>> -> memref<1x40x128xf32, #tpu.memory_space<vmem>>
    %dma_wait3A_140 = tpu.memref_squeeze %dma_wait3A_139 : memref<1x40x128xf32, #tpu.memory_space<vmem>> -> memref<40x128xf32, #tpu.memory_space<vmem>>
    %dma_wait3A_141 = arith.constant 9920 : i32
    %dma_wait3A_142 = tpu.memref_slice %arg7[%dma_wait3A_141] : memref<10000xi32, #tpu.memory_space<vmem>> -> memref<40xi32, #tpu.memory_space<vmem>>
    %dma_wait3A_143 = arith.constant 0 : i32
    %dma_wait3A_144 = arith.constant 0 : i32
    %dma_wait3A_145 = tpu.memref_slice %arg2[%dma_wait3A_143, %dma_wait3A_144] : memref<10240x128xf32, #tpu.memory_space<hbm>> -> memref<10240x128xf32, #tpu.memory_space<hbm>>
    tpu.wait_indirect_dma semaphore(%arg14 : memref<!tpu.dma_semaphore, #tpu.memory_space<semaphore_mem>>) src(%dma_wait3A_145 : memref<10240x128xf32, #tpu.memory_space<hbm>>) dst(%dma_wait3A_140 : memref<40x128xf32, #tpu.memory_space<vmem>>)
    %dma_start3A_146 = arith.constant 3 : i32
    %dma_start3A_147 = arith.constant 0 : i32
    %dma_start3A_148 = arith.constant 0 : i32
    %dma_start3A_149 = tpu.memref_slice %arg9[%dma_start3A_146, %dma_start3A_147, %dma_start3A_148] : memref<5x40x128xf32, #tpu.memory_space<vmem>> -> memref<1x40x128xf32, #tpu.memory_space<vmem>>
    %dma_start3A_150 = tpu.memref_squeeze %dma_start3A_149 : memref<1x40x128xf32, #tpu.memory_space<vmem>> -> memref<40x128xf32, #tpu.memory_space<vmem>>
    %dma_start3A_151 = arith.constant 9920 : i32
    %dma_start3A_152 = tpu.memref_slice %arg8[%dma_start3A_151] : memref<10000xi32, #tpu.memory_space<vmem>> -> memref<40xi32, #tpu.memory_space<vmem>>
    %dma_start3A_153 = arith.constant 0 : i32
    %dma_start3A_154 = arith.constant 0 : i32
    %dma_start3A_155 = tpu.memref_slice %arg10[%dma_start3A_153, %dma_start3A_154] : memref<10240x128xf32, #tpu.memory_space<vmem_shared>> -> memref<10240x128xf32, #tpu.memory_space<vmem_shared>>
    tpu.enqueue_indirect_dma source(%dma_start3A_150 : memref<40x128xf32, #tpu.memory_space<vmem>>) target(%dma_start3A_155 : memref<10240x128xf32, #tpu.memory_space<vmem_shared>>) offsets(%dma_start3A_152 : memref<40xi32, #tpu.memory_space<vmem>>) semaphore(%arg19 : memref<!tpu.dma_semaphore, #tpu.memory_space<semaphore_mem>>) {add = true}
    %dma_wait3A_156 = arith.constant 4 : i32
    %dma_wait3A_157 = arith.constant 0 : i32
    %dma_wait3A_158 = arith.constant 0 : i32
    %dma_wait3A_159 = tpu.memref_slice %arg9[%dma_wait3A_156, %dma_wait3A_157, %dma_wait3A_158] : memref<5x40x128xf32, #tpu.memory_space<vmem>> -> memref<1x40x128xf32, #tpu.memory_space<vmem>>
    %dma_wait3A_160 = tpu.memref_squeeze %dma_wait3A_159 : memref<1x40x128xf32, #tpu.memory_space<vmem>> -> memref<40x128xf32, #tpu.memory_space<vmem>>
    %dma_wait3A_161 = arith.constant 9960 : i32
    %dma_wait3A_162 = tpu.memref_slice %arg7[%dma_wait3A_161] : memref<10000xi32, #tpu.memory_space<vmem>> -> memref<40xi32, #tpu.memory_space<vmem>>
    %dma_wait3A_163 = arith.constant 0 : i32
    %dma_wait3A_164 = arith.constant 0 : i32
    %dma_wait3A_165 = tpu.memref_slice %arg2[%dma_wait3A_163, %dma_wait3A_164] : memref<10240x128xf32, #tpu.memory_space<hbm>> -> memref<10240x128xf32, #tpu.memory_space<hbm>>
    tpu.wait_indirect_dma semaphore(%arg15 : memref<!tpu.dma_semaphore, #tpu.memory_space<semaphore_mem>>) src(%dma_wait3A_165 : memref<10240x128xf32, #tpu.memory_space<hbm>>) dst(%dma_wait3A_160 : memref<40x128xf32, #tpu.memory_space<vmem>>)
    %dma_start3A_166 = arith.constant 4 : i32
    %dma_start3A_167 = arith.constant 0 : i32
    %dma_start3A_168 = arith.constant 0 : i32
    %dma_start3A_169 = tpu.memref_slice %arg9[%dma_start3A_166, %dma_start3A_167, %dma_start3A_168] : memref<5x40x128xf32, #tpu.memory_space<vmem>> -> memref<1x40x128xf32, #tpu.memory_space<vmem>>
    %dma_start3A_170 = tpu.memref_squeeze %dma_start3A_169 : memref<1x40x128xf32, #tpu.memory_space<vmem>> -> memref<40x128xf32, #tpu.memory_space<vmem>>
    %dma_start3A_171 = arith.constant 9960 : i32
    %dma_start3A_172 = tpu.memref_slice %arg8[%dma_start3A_171] : memref<10000xi32, #tpu.memory_space<vmem>> -> memref<40xi32, #tpu.memory_space<vmem>>
    %dma_start3A_173 = arith.constant 0 : i32
    %dma_start3A_174 = arith.constant 0 : i32
    %dma_start3A_175 = tpu.memref_slice %arg10[%dma_start3A_173, %dma_start3A_174] : memref<10240x128xf32, #tpu.memory_space<vmem_shared>> -> memref<10240x128xf32, #tpu.memory_space<vmem_shared>>
    tpu.enqueue_indirect_dma source(%dma_start3A_170 : memref<40x128xf32, #tpu.memory_space<vmem>>) target(%dma_start3A_175 : memref<10240x128xf32, #tpu.memory_space<vmem_shared>>) offsets(%dma_start3A_172 : memref<40xi32, #tpu.memory_space<vmem>>) semaphore(%arg20 : memref<!tpu.dma_semaphore, #tpu.memory_space<semaphore_mem>>) {add = true}
    %dma_wait3A_176 = arith.constant 0 : i32
    %dma_wait3A_177 = arith.constant 0 : i32
    %dma_wait3A_178 = arith.constant 0 : i32
    %dma_wait3A_179 = tpu.memref_slice %arg9[%dma_wait3A_176, %dma_wait3A_177, %dma_wait3A_178] : memref<5x40x128xf32, #tpu.memory_space<vmem>> -> memref<1x40x128xf32, #tpu.memory_space<vmem>>
    %dma_wait3A_180 = tpu.memref_squeeze %dma_wait3A_179 : memref<1x40x128xf32, #tpu.memory_space<vmem>> -> memref<40x128xf32, #tpu.memory_space<vmem>>
    %dma_wait3A_181 = arith.constant 9800 : i32
    %dma_wait3A_182 = tpu.memref_slice %arg8[%dma_wait3A_181] : memref<10000xi32, #tpu.memory_space<vmem>> -> memref<40xi32, #tpu.memory_space<vmem>>
    %dma_wait3A_183 = arith.constant 0 : i32
    %dma_wait3A_184 = arith.constant 0 : i32
    %dma_wait3A_185 = tpu.memref_slice %arg10[%dma_wait3A_183, %dma_wait3A_184] : memref<10240x128xf32, #tpu.memory_space<vmem_shared>> -> memref<10240x128xf32, #tpu.memory_space<vmem_shared>>
    tpu.wait_indirect_dma semaphore(%arg16 : memref<!tpu.dma_semaphore, #tpu.memory_space<semaphore_mem>>) src(%dma_wait3A_180 : memref<40x128xf32, #tpu.memory_space<vmem>>) dst(%dma_wait3A_185 : memref<10240x128xf32, #tpu.memory_space<vmem_shared>>)
    %dma_wait3A_186 = arith.constant 1 : i32
    %dma_wait3A_187 = arith.constant 0 : i32
    %dma_wait3A_188 = arith.constant 0 : i32
    %dma_wait3A_189 = tpu.memref_slice %arg9[%dma_wait3A_186, %dma_wait3A_187, %dma_wait3A_188] : memref<5x40x128xf32, #tpu.memory_space<vmem>> -> memref<1x40x128xf32, #tpu.memory_space<vmem>>
    %dma_wait3A_190 = tpu.memref_squeeze %dma_wait3A_189 : memref<1x40x128xf32, #tpu.memory_space<vmem>> -> memref<40x128xf32, #tpu.memory_space<vmem>>
    %dma_wait3A_191 = arith.constant 9840 : i32
    %dma_wait3A_192 = tpu.memref_slice %arg8[%dma_wait3A_191] : memref<10000xi32, #tpu.memory_space<vmem>> -> memref<40xi32, #tpu.memory_space<vmem>>
    %dma_wait3A_193 = arith.constant 0 : i32
    %dma_wait3A_194 = arith.constant 0 : i32
    %dma_wait3A_195 = tpu.memref_slice %arg10[%dma_wait3A_193, %dma_wait3A_194] : memref<10240x128xf32, #tpu.memory_space<vmem_shared>> -> memref<10240x128xf32, #tpu.memory_space<vmem_shared>>
    tpu.wait_indirect_dma semaphore(%arg17 : memref<!tpu.dma_semaphore, #tpu.memory_space<semaphore_mem>>) src(%dma_wait3A_190 : memref<40x128xf32, #tpu.memory_space<vmem>>) dst(%dma_wait3A_195 : memref<10240x128xf32, #tpu.memory_space<vmem_shared>>)
    %dma_wait3A_196 = arith.constant 2 : i32
    %dma_wait3A_197 = arith.constant 0 : i32
    %dma_wait3A_198 = arith.constant 0 : i32
    %dma_wait3A_199 = tpu.memref_slice %arg9[%dma_wait3A_196, %dma_wait3A_197, %dma_wait3A_198] : memref<5x40x128xf32, #tpu.memory_space<vmem>> -> memref<1x40x128xf32, #tpu.memory_space<vmem>>
    %dma_wait3A_200 = tpu.memref_squeeze %dma_wait3A_199 : memref<1x40x128xf32, #tpu.memory_space<vmem>> -> memref<40x128xf32, #tpu.memory_space<vmem>>
    %dma_wait3A_201 = arith.constant 9880 : i32
    %dma_wait3A_202 = tpu.memref_slice %arg8[%dma_wait3A_201] : memref<10000xi32, #tpu.memory_space<vmem>> -> memref<40xi32, #tpu.memory_space<vmem>>
    %dma_wait3A_203 = arith.constant 0 : i32
    %dma_wait3A_204 = arith.constant 0 : i32
    %dma_wait3A_205 = tpu.memref_slice %arg10[%dma_wait3A_203, %dma_wait3A_204] : memref<10240x128xf32, #tpu.memory_space<vmem_shared>> -> memref<10240x128xf32, #tpu.memory_space<vmem_shared>>
    tpu.wait_indirect_dma semaphore(%arg18 : memref<!tpu.dma_semaphore, #tpu.memory_space<semaphore_mem>>) src(%dma_wait3A_200 : memref<40x128xf32, #tpu.memory_space<vmem>>) dst(%dma_wait3A_205 : memref<10240x128xf32, #tpu.memory_space<vmem_shared>>)
    %dma_wait3A_206 = arith.constant 3 : i32
    %dma_wait3A_207 = arith.constant 0 : i32
    %dma_wait3A_208 = arith.constant 0 : i32
    %dma_wait3A_209 = tpu.memref_slice %arg9[%dma_wait3A_206, %dma_wait3A_207, %dma_wait3A_208] : memref<5x40x128xf32, #tpu.memory_space<vmem>> -> memref<1x40x128xf32, #tpu.memory_space<vmem>>
    %dma_wait3A_210 = tpu.memref_squeeze %dma_wait3A_209 : memref<1x40x128xf32, #tpu.memory_space<vmem>> -> memref<40x128xf32, #tpu.memory_space<vmem>>
    %dma_wait3A_211 = arith.constant 9920 : i32
    %dma_wait3A_212 = tpu.memref_slice %arg8[%dma_wait3A_211] : memref<10000xi32, #tpu.memory_space<vmem>> -> memref<40xi32, #tpu.memory_space<vmem>>
    %dma_wait3A_213 = arith.constant 0 : i32
    %dma_wait3A_214 = arith.constant 0 : i32
    %dma_wait3A_215 = tpu.memref_slice %arg10[%dma_wait3A_213, %dma_wait3A_214] : memref<10240x128xf32, #tpu.memory_space<vmem_shared>> -> memref<10240x128xf32, #tpu.memory_space<vmem_shared>>
    tpu.wait_indirect_dma semaphore(%arg19 : memref<!tpu.dma_semaphore, #tpu.memory_space<semaphore_mem>>) src(%dma_wait3A_210 : memref<40x128xf32, #tpu.memory_space<vmem>>) dst(%dma_wait3A_215 : memref<10240x128xf32, #tpu.memory_space<vmem_shared>>)
    %dma_wait3A_216 = arith.constant 4 : i32
    %dma_wait3A_217 = arith.constant 0 : i32
    %dma_wait3A_218 = arith.constant 0 : i32
    %dma_wait3A_219 = tpu.memref_slice %arg9[%dma_wait3A_216, %dma_wait3A_217, %dma_wait3A_218] : memref<5x40x128xf32, #tpu.memory_space<vmem>> -> memref<1x40x128xf32, #tpu.memory_space<vmem>>
    %dma_wait3A_220 = tpu.memref_squeeze %dma_wait3A_219 : memref<1x40x128xf32, #tpu.memory_space<vmem>> -> memref<40x128xf32, #tpu.memory_space<vmem>>
    %dma_wait3A_221 = arith.constant 9960 : i32
    %dma_wait3A_222 = tpu.memref_slice %arg8[%dma_wait3A_221] : memref<10000xi32, #tpu.memory_space<vmem>> -> memref<40xi32, #tpu.memory_space<vmem>>
    %dma_wait3A_223 = arith.constant 0 : i32
    %dma_wait3A_224 = arith.constant 0 : i32
    %dma_wait3A_225 = tpu.memref_slice %arg10[%dma_wait3A_223, %dma_wait3A_224] : memref<10240x128xf32, #tpu.memory_space<vmem_shared>> -> memref<10240x128xf32, #tpu.memory_space<vmem_shared>>
    tpu.wait_indirect_dma semaphore(%arg20 : memref<!tpu.dma_semaphore, #tpu.memory_space<semaphore_mem>>) src(%dma_wait3A_220 : memref<40x128xf32, #tpu.memory_space<vmem>>) dst(%dma_wait3A_225 : memref<10240x128xf32, #tpu.memory_space<vmem_shared>>)
    %barrier3A_226 = arith.constant 0 : index
    tpu.barrier barrier_id(%barrier3A_226)
    %mul3A_227 = arith.constant 10240 : i32
    %mul3A_228 = arith.muli %arg0, %mul3A_227 : i32
    %add3A_229 = arith.addi %mul3A_228, %mul3A_0 : i32
    "tpu.region"() ({
      %run_scoped3A = tpu.sem_alloc : memref<!tpu.dma_semaphore, #tpu.memory_space<semaphore_mem>>
      %dma_start3A_230 = arith.constant 0 : i32
      %dma_start3A_231 = tpu.memref_slice %arg6[%add3A_229, %dma_start3A_230] : memref<20480x128xf32, #tpu.memory_space<hbm>> -> memref<640x128xf32, #tpu.memory_space<hbm>>
      %dma_start3A_232 = arith.constant 0 : i32
      %dma_start3A_233 = tpu.memref_slice %arg10[%mul3A_0, %dma_start3A_232] : memref<10240x128xf32, #tpu.memory_space<vmem_shared>> -> memref<640x128xf32, #tpu.memory_space<vmem_shared>>
      tpu.enqueue_dma source(%dma_start3A_233 : memref<640x128xf32, #tpu.memory_space<vmem_shared>>) target(%dma_start3A_231 : memref<640x128xf32, #tpu.memory_space<hbm>>) target_semaphore(%run_scoped3A : memref<!tpu.dma_semaphore, #tpu.memory_space<semaphore_mem>>)
      %dma_wait3A_234 = arith.constant 0 : i32
      %dma_wait3A_235 = tpu.memref_slice %arg6[%add3A_229, %dma_wait3A_234] : memref<20480x128xf32, #tpu.memory_space<hbm>> -> memref<640x128xf32, #tpu.memory_space<hbm>>
      %dma_wait3A_236 = arith.constant 0 : i32
      %dma_wait3A_237 = tpu.memref_slice %arg10[%mul3A_0, %dma_wait3A_236] : memref<10240x128xf32, #tpu.memory_space<vmem_shared>> -> memref<640x128xf32, #tpu.memory_space<vmem_shared>>
      tpu.wait_dma2 semaphore(%run_scoped3A : memref<!tpu.dma_semaphore, #tpu.memory_space<semaphore_mem>>) src(%dma_wait3A_237 : memref<640x128xf32, #tpu.memory_space<vmem_shared>>) dst(%dma_wait3A_235 : memref<640x128xf32, #tpu.memory_space<hbm>>)
      tpu.yield
    }) : () -> ()
    return
  }
}

#map = affine_map<(d0, d1) -> (0, 0)>
#map1 = affine_map<(d0, d1) -> (0)>
module attributes {stable_mosaic.version = 14 : i64} {
  func.func @seg_kernel(%arg0: i32, %arg1: i32, %arg2: memref<10240x128xf32, #tpu.memory_space<hbm>>, %arg3: memref<320000xi32, #tpu.memory_space<hbm>>, %arg4: memref<320000xi32, #tpu.memory_space<hbm>>, %arg5: memref<10240x128xf32, #tpu.memory_space<hbm>>, %arg6: memref<20480x128xf32, #tpu.memory_space<hbm>>, %arg7: memref<10000xi32, #tpu.memory_space<vmem>>, %arg8: memref<10000xi32, #tpu.memory_space<vmem>>, %arg9: memref<5x40x128xf32, #tpu.memory_space<vmem>>, %arg10: memref<10240x128xf32, #tpu.memory_space<vmem_shared>>, %arg11: memref<!tpu.dma_semaphore, #tpu.memory_space<semaphore_mem>>, %arg12: memref<!tpu.dma_semaphore, #tpu.memory_space<semaphore_mem>>, %arg13: memref<!tpu.dma_semaphore, #tpu.memory_space<semaphore_mem>>, %arg14: memref<!tpu.dma_semaphore, #tpu.memory_space<semaphore_mem>>, %arg15: memref<!tpu.dma_semaphore, #tpu.memory_space<semaphore_mem>>, %arg16: memref<!tpu.dma_semaphore, #tpu.memory_space<semaphore_mem>>, %arg17: memref<!tpu.dma_semaphore, #tpu.memory_space<semaphore_mem>>, %arg18: memref<!tpu.dma_semaphore, #tpu.memory_space<semaphore_mem>>, %arg19: memref<!tpu.dma_semaphore, #tpu.memory_space<semaphore_mem>>, %arg20: memref<!tpu.dma_semaphore, #tpu.memory_space<semaphore_mem>>) attributes {dimension_semantics = [#tpu.dimension_semantics<core_parallel>, #tpu.dimension_semantics<subcore_parallel>], iteration_bounds = array<i64: 2, 16>, scalar_prefetch = 0 : i64, scratch_operands = 14 : i64, tpu.core_type = #tpu.core_type<sc_vector_subcore>, window_params = [{transform_indices = #map}, {transform_indices = #map1}, {transform_indices = #map1}, {transform_indices = #map}, {transform_indices = #map}]} {
    %mul3A = arith.constant 640 : i32
    %mul3A_0 = arith.muli %arg1, %mul3A : i32
    %mul3A_1 = arith.constant 16 : i32
    %mul3A_2 = arith.muli %arg0, %mul3A_1 : i32
    %add3A = arith.addi %mul3A_2, %arg1 : i32
    %dma_start3A = arith.constant 0 : i32
    %dma_start3A_3 = tpu.memref_slice %arg10[%mul3A_0, %dma_start3A] : memref<10240x128xf32, #tpu.memory_space<vmem_shared>> -> memref<640x128xf32, #tpu.memory_space<vmem_shared>>
    %dma_start3A_4 = arith.constant 0 : i32
    %dma_start3A_5 = tpu.memref_slice %arg5[%mul3A_0, %dma_start3A_4] : memref<10240x128xf32, #tpu.memory_space<hbm>> -> memref<640x128xf32, #tpu.memory_space<hbm>>
    tpu.enqueue_dma source(%dma_start3A_5 : memref<640x128xf32, #tpu.memory_space<hbm>>) target(%dma_start3A_3 : memref<640x128xf32, #tpu.memory_space<vmem_shared>>) target_semaphore(%arg11 : memref<!tpu.dma_semaphore, #tpu.memory_space<semaphore_mem>>)
    %mul3A_6 = arith.constant 10000 : i32
    %mul3A_7 = arith.muli %add3A, %mul3A_6 : i32
    %dma_start3A_8 = tpu.memref_slice %arg3[%mul3A_7] : memref<320000xi32, #tpu.memory_space<hbm>> -> memref<10000xi32, #tpu.memory_space<hbm>>
    %dma_start3A_9 = tpu.memref_slice %arg3[%mul3A_7] : memref<320000xi32, #tpu.memory_space<hbm>> -> memref<10000xi32, #tpu.memory_space<hbm>>
    tpu.enqueue_dma source(%dma_start3A_9 : memref<10000xi32, #tpu.memory_space<hbm>>) target(%arg7 : memref<10000xi32, #tpu.memory_space<vmem>>) target_semaphore(%arg12 : memref<!tpu.dma_semaphore, #tpu.memory_space<semaphore_mem>>)
    %mul3A_10 = arith.constant 10000 : i32
    %mul3A_11 = arith.muli %add3A, %mul3A_10 : i32
    %dma_start3A_12 = tpu.memref_slice %arg4[%mul3A_11] : memref<320000xi32, #tpu.memory_space<hbm>> -> memref<10000xi32, #tpu.memory_space<hbm>>
    %dma_start3A_13 = tpu.memref_slice %arg4[%mul3A_11] : memref<320000xi32, #tpu.memory_space<hbm>> -> memref<10000xi32, #tpu.memory_space<hbm>>
    tpu.enqueue_dma source(%dma_start3A_13 : memref<10000xi32, #tpu.memory_space<hbm>>) target(%arg8 : memref<10000xi32, #tpu.memory_space<vmem>>) target_semaphore(%arg13 : memref<!tpu.dma_semaphore, #tpu.memory_space<semaphore_mem>>)
    %dma_wait3A = arith.constant 0 : i32
    %dma_wait3A_14 = tpu.memref_slice %arg10[%mul3A_0, %dma_wait3A] : memref<10240x128xf32, #tpu.memory_space<vmem_shared>> -> memref<640x128xf32, #tpu.memory_space<vmem_shared>>
    %dma_wait3A_15 = arith.constant 0 : i32
    %dma_wait3A_16 = tpu.memref_slice %arg5[%mul3A_0, %dma_wait3A_15] : memref<10240x128xf32, #tpu.memory_space<hbm>> -> memref<640x128xf32, #tpu.memory_space<hbm>>
    tpu.wait_dma2 semaphore(%arg11 : memref<!tpu.dma_semaphore, #tpu.memory_space<semaphore_mem>>) src(%dma_wait3A_16 : memref<640x128xf32, #tpu.memory_space<hbm>>) dst(%dma_wait3A_14 : memref<640x128xf32, #tpu.memory_space<vmem_shared>>)
    %dma_wait3A_17 = tpu.memref_slice %arg3[%mul3A_7] : memref<320000xi32, #tpu.memory_space<hbm>> -> memref<10000xi32, #tpu.memory_space<hbm>>
    %dma_wait3A_18 = tpu.memref_slice %arg3[%mul3A_7] : memref<320000xi32, #tpu.memory_space<hbm>> -> memref<10000xi32, #tpu.memory_space<hbm>>
    tpu.wait_dma2 semaphore(%arg12 : memref<!tpu.dma_semaphore, #tpu.memory_space<semaphore_mem>>) src(%dma_wait3A_18 : memref<10000xi32, #tpu.memory_space<hbm>>) dst(%arg7 : memref<10000xi32, #tpu.memory_space<vmem>>)
    %dma_wait3A_19 = tpu.memref_slice %arg4[%mul3A_11] : memref<320000xi32, #tpu.memory_space<hbm>> -> memref<10000xi32, #tpu.memory_space<hbm>>
    %dma_wait3A_20 = tpu.memref_slice %arg4[%mul3A_11] : memref<320000xi32, #tpu.memory_space<hbm>> -> memref<10000xi32, #tpu.memory_space<hbm>>
    tpu.wait_dma2 semaphore(%arg13 : memref<!tpu.dma_semaphore, #tpu.memory_space<semaphore_mem>>) src(%dma_wait3A_20 : memref<10000xi32, #tpu.memory_space<hbm>>) dst(%arg8 : memref<10000xi32, #tpu.memory_space<vmem>>)
    %barrier3A = arith.constant 0 : index
    tpu.barrier barrier_id(%barrier3A)
    %dma_start3A_21 = arith.constant 0 : i32
    %dma_start3A_22 = arith.constant 0 : i32
    %dma_start3A_23 = arith.constant 0 : i32
    %dma_start3A_24 = tpu.memref_slice %arg9[%dma_start3A_21, %dma_start3A_22, %dma_start3A_23] : memref<5x40x128xf32, #tpu.memory_space<vmem>> -> memref<1x40x128xf32, #tpu.memory_space<vmem>>
    %dma_start3A_25 = tpu.memref_squeeze %dma_start3A_24 : memref<1x40x128xf32, #tpu.memory_space<vmem>> -> memref<40x128xf32, #tpu.memory_space<vmem>>
    %dma_start3A_26 = arith.constant 0 : i32
    %dma_start3A_27 = tpu.memref_slice %arg7[%dma_start3A_26] : memref<10000xi32, #tpu.memory_space<vmem>> -> memref<40xi32, #tpu.memory_space<vmem>>
    %dma_start3A_28 = arith.constant 0 : i32
    %dma_start3A_29 = arith.constant 0 : i32
    %dma_start3A_30 = tpu.memref_slice %arg2[%dma_start3A_28, %dma_start3A_29] : memref<10240x128xf32, #tpu.memory_space<hbm>> -> memref<10240x128xf32, #tpu.memory_space<hbm>>
    tpu.enqueue_indirect_dma source(%dma_start3A_30 : memref<10240x128xf32, #tpu.memory_space<hbm>>) target(%dma_start3A_25 : memref<40x128xf32, #tpu.memory_space<vmem>>) offsets(%dma_start3A_27 : memref<40xi32, #tpu.memory_space<vmem>>) semaphore(%arg11 : memref<!tpu.dma_semaphore, #tpu.memory_space<semaphore_mem>>)
    %dma_start3A_31 = arith.constant 1 : i32
    %dma_start3A_32 = arith.constant 0 : i32
    %dma_start3A_33 = arith.constant 0 : i32
    %dma_start3A_34 = tpu.memref_slice %arg9[%dma_start3A_31, %dma_start3A_32, %dma_start3A_33] : memref<5x40x128xf32, #tpu.memory_space<vmem>> -> memref<1x40x128xf32, #tpu.memory_space<vmem>>
    %dma_start3A_35 = tpu.memref_squeeze %dma_start3A_34 : memref<1x40x128xf32, #tpu.memory_space<vmem>> -> memref<40x128xf32, #tpu.memory_space<vmem>>
    %dma_start3A_36 = arith.constant 40 : i32
    %dma_start3A_37 = tpu.memref_slice %arg7[%dma_start3A_36] : memref<10000xi32, #tpu.memory_space<vmem>> -> memref<40xi32, #tpu.memory_space<vmem>>
    %dma_start3A_38 = arith.constant 0 : i32
    %dma_start3A_39 = arith.constant 0 : i32
    %dma_start3A_40 = tpu.memref_slice %arg2[%dma_start3A_38, %dma_start3A_39] : memref<10240x128xf32, #tpu.memory_space<hbm>> -> memref<10240x128xf32, #tpu.memory_space<hbm>>
    tpu.enqueue_indirect_dma source(%dma_start3A_40 : memref<10240x128xf32, #tpu.memory_space<hbm>>) target(%dma_start3A_35 : memref<40x128xf32, #tpu.memory_space<vmem>>) offsets(%dma_start3A_37 : memref<40xi32, #tpu.memory_space<vmem>>) semaphore(%arg12 : memref<!tpu.dma_semaphore, #tpu.memory_space<semaphore_mem>>)
    %dma_start3A_41 = arith.constant 2 : i32
    %dma_start3A_42 = arith.constant 0 : i32
    %dma_start3A_43 = arith.constant 0 : i32
    %dma_start3A_44 = tpu.memref_slice %arg9[%dma_start3A_41, %dma_start3A_42, %dma_start3A_43] : memref<5x40x128xf32, #tpu.memory_space<vmem>> -> memref<1x40x128xf32, #tpu.memory_space<vmem>>
    %dma_start3A_45 = tpu.memref_squeeze %dma_start3A_44 : memref<1x40x128xf32, #tpu.memory_space<vmem>> -> memref<40x128xf32, #tpu.memory_space<vmem>>
    %dma_start3A_46 = arith.constant 80 : i32
    %dma_start3A_47 = tpu.memref_slice %arg7[%dma_start3A_46] : memref<10000xi32, #tpu.memory_space<vmem>> -> memref<40xi32, #tpu.memory_space<vmem>>
    %dma_start3A_48 = arith.constant 0 : i32
    %dma_start3A_49 = arith.constant 0 : i32
    %dma_start3A_50 = tpu.memref_slice %arg2[%dma_start3A_48, %dma_start3A_49] : memref<10240x128xf32, #tpu.memory_space<hbm>> -> memref<10240x128xf32, #tpu.memory_space<hbm>>
    tpu.enqueue_indirect_dma source(%dma_start3A_50 : memref<10240x128xf32, #tpu.memory_space<hbm>>) target(%dma_start3A_45 : memref<40x128xf32, #tpu.memory_space<vmem>>) offsets(%dma_start3A_47 : memref<40xi32, #tpu.memory_space<vmem>>) semaphore(%arg13 : memref<!tpu.dma_semaphore, #tpu.memory_space<semaphore_mem>>)
    %dma_start3A_51 = arith.constant 3 : i32
    %dma_start3A_52 = arith.constant 0 : i32
    %dma_start3A_53 = arith.constant 0 : i32
    %dma_start3A_54 = tpu.memref_slice %arg9[%dma_start3A_51, %dma_start3A_52, %dma_start3A_53] : memref<5x40x128xf32, #tpu.memory_space<vmem>> -> memref<1x40x128xf32, #tpu.memory_space<vmem>>
    %dma_start3A_55 = tpu.memref_squeeze %dma_start3A_54 : memref<1x40x128xf32, #tpu.memory_space<vmem>> -> memref<40x128xf32, #tpu.memory_space<vmem>>
    %dma_start3A_56 = arith.constant 120 : i32
    %dma_start3A_57 = tpu.memref_slice %arg7[%dma_start3A_56] : memref<10000xi32, #tpu.memory_space<vmem>> -> memref<40xi32, #tpu.memory_space<vmem>>
    %dma_start3A_58 = arith.constant 0 : i32
    %dma_start3A_59 = arith.constant 0 : i32
    %dma_start3A_60 = tpu.memref_slice %arg2[%dma_start3A_58, %dma_start3A_59] : memref<10240x128xf32, #tpu.memory_space<hbm>> -> memref<10240x128xf32, #tpu.memory_space<hbm>>
    tpu.enqueue_indirect_dma source(%dma_start3A_60 : memref<10240x128xf32, #tpu.memory_space<hbm>>) target(%dma_start3A_55 : memref<40x128xf32, #tpu.memory_space<vmem>>) offsets(%dma_start3A_57 : memref<40xi32, #tpu.memory_space<vmem>>) semaphore(%arg14 : memref<!tpu.dma_semaphore, #tpu.memory_space<semaphore_mem>>)
    %dma_start3A_61 = arith.constant 4 : i32
    %dma_start3A_62 = arith.constant 0 : i32
    %dma_start3A_63 = arith.constant 0 : i32
    %dma_start3A_64 = tpu.memref_slice %arg9[%dma_start3A_61, %dma_start3A_62, %dma_start3A_63] : memref<5x40x128xf32, #tpu.memory_space<vmem>> -> memref<1x40x128xf32, #tpu.memory_space<vmem>>
    %dma_start3A_65 = tpu.memref_squeeze %dma_start3A_64 : memref<1x40x128xf32, #tpu.memory_space<vmem>> -> memref<40x128xf32, #tpu.memory_space<vmem>>
    %dma_start3A_66 = arith.constant 160 : i32
    %dma_start3A_67 = tpu.memref_slice %arg7[%dma_start3A_66] : memref<10000xi32, #tpu.memory_space<vmem>> -> memref<40xi32, #tpu.memory_space<vmem>>
    %dma_start3A_68 = arith.constant 0 : i32
    %dma_start3A_69 = arith.constant 0 : i32
    %dma_start3A_70 = tpu.memref_slice %arg2[%dma_start3A_68, %dma_start3A_69] : memref<10240x128xf32, #tpu.memory_space<hbm>> -> memref<10240x128xf32, #tpu.memory_space<hbm>>
    tpu.enqueue_indirect_dma source(%dma_start3A_70 : memref<10240x128xf32, #tpu.memory_space<hbm>>) target(%dma_start3A_65 : memref<40x128xf32, #tpu.memory_space<vmem>>) offsets(%dma_start3A_67 : memref<40xi32, #tpu.memory_space<vmem>>) semaphore(%arg15 : memref<!tpu.dma_semaphore, #tpu.memory_space<semaphore_mem>>)
    %scan3A = arith.constant 0 : i32
    %scan3A_71 = arith.constant 0 : i32
    %scan3A_72 = arith.constant 49 : i32
    %scan3A_73 = arith.addi %scan3A_71, %scan3A_72 : i32
    %scan3A_74 = arith.constant 1 : i32
    scf.for %scan3A_230 = %scan3A_71 to %scan3A_73 step %scan3A_74  : i32 {
      %mul3A_231 = arith.constant 5 : i32
      %mul3A_232 = arith.muli %mul3A_231, %scan3A_230 : i32
      %add3A_233 = arith.constant 0 : i32
      %add3A_234 = arith.addi %mul3A_232, %add3A_233 : i32
      %mul3A_235 = arith.constant 40 : i32
      %mul3A_236 = arith.muli %add3A_234, %mul3A_235 : i32
      %dma_wait3A_237 = arith.constant 0 : i32
      %dma_wait3A_238 = arith.constant 0 : i32
      %dma_wait3A_239 = arith.constant 0 : i32
      %dma_wait3A_240 = tpu.memref_slice %arg9[%dma_wait3A_237, %dma_wait3A_238, %dma_wait3A_239] : memref<5x40x128xf32, #tpu.memory_space<vmem>> -> memref<1x40x128xf32, #tpu.memory_space<vmem>>
      %dma_wait3A_241 = tpu.memref_squeeze %dma_wait3A_240 : memref<1x40x128xf32, #tpu.memory_space<vmem>> -> memref<40x128xf32, #tpu.memory_space<vmem>>
      %dma_wait3A_242 = tpu.memref_slice %arg7[%mul3A_236] : memref<10000xi32, #tpu.memory_space<vmem>> -> memref<40xi32, #tpu.memory_space<vmem>>
      %dma_wait3A_243 = arith.constant 0 : i32
      %dma_wait3A_244 = arith.constant 0 : i32
      %dma_wait3A_245 = tpu.memref_slice %arg2[%dma_wait3A_243, %dma_wait3A_244] : memref<10240x128xf32, #tpu.memory_space<hbm>> -> memref<10240x128xf32, #tpu.memory_space<hbm>>
      tpu.wait_indirect_dma semaphore(%arg11 : memref<!tpu.dma_semaphore, #tpu.memory_space<semaphore_mem>>) src(%dma_wait3A_245 : memref<10240x128xf32, #tpu.memory_space<hbm>>) dst(%dma_wait3A_241 : memref<40x128xf32, #tpu.memory_space<vmem>>)
      %mul3A_246 = arith.constant 40 : i32
      %mul3A_247 = arith.muli %add3A_234, %mul3A_246 : i32
      %dma_start3A_248 = arith.constant 0 : i32
      %dma_start3A_249 = arith.constant 0 : i32
      %dma_start3A_250 = arith.constant 0 : i32
      %dma_start3A_251 = tpu.memref_slice %arg9[%dma_start3A_248, %dma_start3A_249, %dma_start3A_250] : memref<5x40x128xf32, #tpu.memory_space<vmem>> -> memref<1x40x128xf32, #tpu.memory_space<vmem>>
      %dma_start3A_252 = tpu.memref_squeeze %dma_start3A_251 : memref<1x40x128xf32, #tpu.memory_space<vmem>> -> memref<40x128xf32, #tpu.memory_space<vmem>>
      %dma_start3A_253 = tpu.memref_slice %arg8[%mul3A_247] : memref<10000xi32, #tpu.memory_space<vmem>> -> memref<40xi32, #tpu.memory_space<vmem>>
      %dma_start3A_254 = arith.constant 0 : i32
      %dma_start3A_255 = arith.constant 0 : i32
      %dma_start3A_256 = tpu.memref_slice %arg10[%dma_start3A_254, %dma_start3A_255] : memref<10240x128xf32, #tpu.memory_space<vmem_shared>> -> memref<10240x128xf32, #tpu.memory_space<vmem_shared>>
      tpu.enqueue_indirect_dma source(%dma_start3A_252 : memref<40x128xf32, #tpu.memory_space<vmem>>) target(%dma_start3A_256 : memref<10240x128xf32, #tpu.memory_space<vmem_shared>>) offsets(%dma_start3A_253 : memref<40xi32, #tpu.memory_space<vmem>>) semaphore(%arg16 : memref<!tpu.dma_semaphore, #tpu.memory_space<semaphore_mem>>) {add = true}
      %mul3A_257 = arith.constant 5 : i32
      %mul3A_258 = arith.muli %mul3A_257, %scan3A_230 : i32
      %add3A_259 = arith.constant 1 : i32
      %add3A_260 = arith.addi %mul3A_258, %add3A_259 : i32
      %mul3A_261 = arith.constant 40 : i32
      %mul3A_262 = arith.muli %add3A_260, %mul3A_261 : i32
      %dma_wait3A_263 = arith.constant 1 : i32
      %dma_wait3A_264 = arith.constant 0 : i32
      %dma_wait3A_265 = arith.constant 0 : i32
      %dma_wait3A_266 = tpu.memref_slice %arg9[%dma_wait3A_263, %dma_wait3A_264, %dma_wait3A_265] : memref<5x40x128xf32, #tpu.memory_space<vmem>> -> memref<1x40x128xf32, #tpu.memory_space<vmem>>
      %dma_wait3A_267 = tpu.memref_squeeze %dma_wait3A_266 : memref<1x40x128xf32, #tpu.memory_space<vmem>> -> memref<40x128xf32, #tpu.memory_space<vmem>>
      %dma_wait3A_268 = tpu.memref_slice %arg7[%mul3A_262] : memref<10000xi32, #tpu.memory_space<vmem>> -> memref<40xi32, #tpu.memory_space<vmem>>
      %dma_wait3A_269 = arith.constant 0 : i32
      %dma_wait3A_270 = arith.constant 0 : i32
      %dma_wait3A_271 = tpu.memref_slice %arg2[%dma_wait3A_269, %dma_wait3A_270] : memref<10240x128xf32, #tpu.memory_space<hbm>> -> memref<10240x128xf32, #tpu.memory_space<hbm>>
      tpu.wait_indirect_dma semaphore(%arg12 : memref<!tpu.dma_semaphore, #tpu.memory_space<semaphore_mem>>) src(%dma_wait3A_271 : memref<10240x128xf32, #tpu.memory_space<hbm>>) dst(%dma_wait3A_267 : memref<40x128xf32, #tpu.memory_space<vmem>>)
      %mul3A_272 = arith.constant 40 : i32
      %mul3A_273 = arith.muli %add3A_260, %mul3A_272 : i32
      %dma_start3A_274 = arith.constant 1 : i32
      %dma_start3A_275 = arith.constant 0 : i32
      %dma_start3A_276 = arith.constant 0 : i32
      %dma_start3A_277 = tpu.memref_slice %arg9[%dma_start3A_274, %dma_start3A_275, %dma_start3A_276] : memref<5x40x128xf32, #tpu.memory_space<vmem>> -> memref<1x40x128xf32, #tpu.memory_space<vmem>>
      %dma_start3A_278 = tpu.memref_squeeze %dma_start3A_277 : memref<1x40x128xf32, #tpu.memory_space<vmem>> -> memref<40x128xf32, #tpu.memory_space<vmem>>
      %dma_start3A_279 = tpu.memref_slice %arg8[%mul3A_273] : memref<10000xi32, #tpu.memory_space<vmem>> -> memref<40xi32, #tpu.memory_space<vmem>>
      %dma_start3A_280 = arith.constant 0 : i32
      %dma_start3A_281 = arith.constant 0 : i32
      %dma_start3A_282 = tpu.memref_slice %arg10[%dma_start3A_280, %dma_start3A_281] : memref<10240x128xf32, #tpu.memory_space<vmem_shared>> -> memref<10240x128xf32, #tpu.memory_space<vmem_shared>>
      tpu.enqueue_indirect_dma source(%dma_start3A_278 : memref<40x128xf32, #tpu.memory_space<vmem>>) target(%dma_start3A_282 : memref<10240x128xf32, #tpu.memory_space<vmem_shared>>) offsets(%dma_start3A_279 : memref<40xi32, #tpu.memory_space<vmem>>) semaphore(%arg17 : memref<!tpu.dma_semaphore, #tpu.memory_space<semaphore_mem>>) {add = true}
      %mul3A_283 = arith.constant 5 : i32
      %mul3A_284 = arith.muli %mul3A_283, %scan3A_230 : i32
      %add3A_285 = arith.constant 2 : i32
      %add3A_286 = arith.addi %mul3A_284, %add3A_285 : i32
      %mul3A_287 = arith.constant 40 : i32
      %mul3A_288 = arith.muli %add3A_286, %mul3A_287 : i32
      %dma_wait3A_289 = arith.constant 2 : i32
      %dma_wait3A_290 = arith.constant 0 : i32
      %dma_wait3A_291 = arith.constant 0 : i32
      %dma_wait3A_292 = tpu.memref_slice %arg9[%dma_wait3A_289, %dma_wait3A_290, %dma_wait3A_291] : memref<5x40x128xf32, #tpu.memory_space<vmem>> -> memref<1x40x128xf32, #tpu.memory_space<vmem>>
      %dma_wait3A_293 = tpu.memref_squeeze %dma_wait3A_292 : memref<1x40x128xf32, #tpu.memory_space<vmem>> -> memref<40x128xf32, #tpu.memory_space<vmem>>
      %dma_wait3A_294 = tpu.memref_slice %arg7[%mul3A_288] : memref<10000xi32, #tpu.memory_space<vmem>> -> memref<40xi32, #tpu.memory_space<vmem>>
      %dma_wait3A_295 = arith.constant 0 : i32
      %dma_wait3A_296 = arith.constant 0 : i32
      %dma_wait3A_297 = tpu.memref_slice %arg2[%dma_wait3A_295, %dma_wait3A_296] : memref<10240x128xf32, #tpu.memory_space<hbm>> -> memref<10240x128xf32, #tpu.memory_space<hbm>>
      tpu.wait_indirect_dma semaphore(%arg13 : memref<!tpu.dma_semaphore, #tpu.memory_space<semaphore_mem>>) src(%dma_wait3A_297 : memref<10240x128xf32, #tpu.memory_space<hbm>>) dst(%dma_wait3A_293 : memref<40x128xf32, #tpu.memory_space<vmem>>)
      %mul3A_298 = arith.constant 40 : i32
      %mul3A_299 = arith.muli %add3A_286, %mul3A_298 : i32
      %dma_start3A_300 = arith.constant 2 : i32
      %dma_start3A_301 = arith.constant 0 : i32
      %dma_start3A_302 = arith.constant 0 : i32
      %dma_start3A_303 = tpu.memref_slice %arg9[%dma_start3A_300, %dma_start3A_301, %dma_start3A_302] : memref<5x40x128xf32, #tpu.memory_space<vmem>> -> memref<1x40x128xf32, #tpu.memory_space<vmem>>
      %dma_start3A_304 = tpu.memref_squeeze %dma_start3A_303 : memref<1x40x128xf32, #tpu.memory_space<vmem>> -> memref<40x128xf32, #tpu.memory_space<vmem>>
      %dma_start3A_305 = tpu.memref_slice %arg8[%mul3A_299] : memref<10000xi32, #tpu.memory_space<vmem>> -> memref<40xi32, #tpu.memory_space<vmem>>
      %dma_start3A_306 = arith.constant 0 : i32
      %dma_start3A_307 = arith.constant 0 : i32
      %dma_start3A_308 = tpu.memref_slice %arg10[%dma_start3A_306, %dma_start3A_307] : memref<10240x128xf32, #tpu.memory_space<vmem_shared>> -> memref<10240x128xf32, #tpu.memory_space<vmem_shared>>
      tpu.enqueue_indirect_dma source(%dma_start3A_304 : memref<40x128xf32, #tpu.memory_space<vmem>>) target(%dma_start3A_308 : memref<10240x128xf32, #tpu.memory_space<vmem_shared>>) offsets(%dma_start3A_305 : memref<40xi32, #tpu.memory_space<vmem>>) semaphore(%arg18 : memref<!tpu.dma_semaphore, #tpu.memory_space<semaphore_mem>>) {add = true}
      %mul3A_309 = arith.constant 5 : i32
      %mul3A_310 = arith.muli %mul3A_309, %scan3A_230 : i32
      %add3A_311 = arith.constant 3 : i32
      %add3A_312 = arith.addi %mul3A_310, %add3A_311 : i32
      %mul3A_313 = arith.constant 40 : i32
      %mul3A_314 = arith.muli %add3A_312, %mul3A_313 : i32
      %dma_wait3A_315 = arith.constant 3 : i32
      %dma_wait3A_316 = arith.constant 0 : i32
      %dma_wait3A_317 = arith.constant 0 : i32
      %dma_wait3A_318 = tpu.memref_slice %arg9[%dma_wait3A_315, %dma_wait3A_316, %dma_wait3A_317] : memref<5x40x128xf32, #tpu.memory_space<vmem>> -> memref<1x40x128xf32, #tpu.memory_space<vmem>>
      %dma_wait3A_319 = tpu.memref_squeeze %dma_wait3A_318 : memref<1x40x128xf32, #tpu.memory_space<vmem>> -> memref<40x128xf32, #tpu.memory_space<vmem>>
      %dma_wait3A_320 = tpu.memref_slice %arg7[%mul3A_314] : memref<10000xi32, #tpu.memory_space<vmem>> -> memref<40xi32, #tpu.memory_space<vmem>>
      %dma_wait3A_321 = arith.constant 0 : i32
      %dma_wait3A_322 = arith.constant 0 : i32
      %dma_wait3A_323 = tpu.memref_slice %arg2[%dma_wait3A_321, %dma_wait3A_322] : memref<10240x128xf32, #tpu.memory_space<hbm>> -> memref<10240x128xf32, #tpu.memory_space<hbm>>
      tpu.wait_indirect_dma semaphore(%arg14 : memref<!tpu.dma_semaphore, #tpu.memory_space<semaphore_mem>>) src(%dma_wait3A_323 : memref<10240x128xf32, #tpu.memory_space<hbm>>) dst(%dma_wait3A_319 : memref<40x128xf32, #tpu.memory_space<vmem>>)
      %mul3A_324 = arith.constant 40 : i32
      %mul3A_325 = arith.muli %add3A_312, %mul3A_324 : i32
      %dma_start3A_326 = arith.constant 3 : i32
      %dma_start3A_327 = arith.constant 0 : i32
      %dma_start3A_328 = arith.constant 0 : i32
      %dma_start3A_329 = tpu.memref_slice %arg9[%dma_start3A_326, %dma_start3A_327, %dma_start3A_328] : memref<5x40x128xf32, #tpu.memory_space<vmem>> -> memref<1x40x128xf32, #tpu.memory_space<vmem>>
      %dma_start3A_330 = tpu.memref_squeeze %dma_start3A_329 : memref<1x40x128xf32, #tpu.memory_space<vmem>> -> memref<40x128xf32, #tpu.memory_space<vmem>>
      %dma_start3A_331 = tpu.memref_slice %arg8[%mul3A_325] : memref<10000xi32, #tpu.memory_space<vmem>> -> memref<40xi32, #tpu.memory_space<vmem>>
      %dma_start3A_332 = arith.constant 0 : i32
      %dma_start3A_333 = arith.constant 0 : i32
      %dma_start3A_334 = tpu.memref_slice %arg10[%dma_start3A_332, %dma_start3A_333] : memref<10240x128xf32, #tpu.memory_space<vmem_shared>> -> memref<10240x128xf32, #tpu.memory_space<vmem_shared>>
      tpu.enqueue_indirect_dma source(%dma_start3A_330 : memref<40x128xf32, #tpu.memory_space<vmem>>) target(%dma_start3A_334 : memref<10240x128xf32, #tpu.memory_space<vmem_shared>>) offsets(%dma_start3A_331 : memref<40xi32, #tpu.memory_space<vmem>>) semaphore(%arg19 : memref<!tpu.dma_semaphore, #tpu.memory_space<semaphore_mem>>) {add = true}
      %mul3A_335 = arith.constant 5 : i32
      %mul3A_336 = arith.muli %mul3A_335, %scan3A_230 : i32
      %add3A_337 = arith.constant 4 : i32
      %add3A_338 = arith.addi %mul3A_336, %add3A_337 : i32
      %mul3A_339 = arith.constant 40 : i32
      %mul3A_340 = arith.muli %add3A_338, %mul3A_339 : i32
      %dma_wait3A_341 = arith.constant 4 : i32
      %dma_wait3A_342 = arith.constant 0 : i32
      %dma_wait3A_343 = arith.constant 0 : i32
      %dma_wait3A_344 = tpu.memref_slice %arg9[%dma_wait3A_341, %dma_wait3A_342, %dma_wait3A_343] : memref<5x40x128xf32, #tpu.memory_space<vmem>> -> memref<1x40x128xf32, #tpu.memory_space<vmem>>
      %dma_wait3A_345 = tpu.memref_squeeze %dma_wait3A_344 : memref<1x40x128xf32, #tpu.memory_space<vmem>> -> memref<40x128xf32, #tpu.memory_space<vmem>>
      %dma_wait3A_346 = tpu.memref_slice %arg7[%mul3A_340] : memref<10000xi32, #tpu.memory_space<vmem>> -> memref<40xi32, #tpu.memory_space<vmem>>
      %dma_wait3A_347 = arith.constant 0 : i32
      %dma_wait3A_348 = arith.constant 0 : i32
      %dma_wait3A_349 = tpu.memref_slice %arg2[%dma_wait3A_347, %dma_wait3A_348] : memref<10240x128xf32, #tpu.memory_space<hbm>> -> memref<10240x128xf32, #tpu.memory_space<hbm>>
      tpu.wait_indirect_dma semaphore(%arg15 : memref<!tpu.dma_semaphore, #tpu.memory_space<semaphore_mem>>) src(%dma_wait3A_349 : memref<10240x128xf32, #tpu.memory_space<hbm>>) dst(%dma_wait3A_345 : memref<40x128xf32, #tpu.memory_space<vmem>>)
      %mul3A_350 = arith.constant 40 : i32
      %mul3A_351 = arith.muli %add3A_338, %mul3A_350 : i32
      %dma_start3A_352 = arith.constant 4 : i32
      %dma_start3A_353 = arith.constant 0 : i32
      %dma_start3A_354 = arith.constant 0 : i32
      %dma_start3A_355 = tpu.memref_slice %arg9[%dma_start3A_352, %dma_start3A_353, %dma_start3A_354] : memref<5x40x128xf32, #tpu.memory_space<vmem>> -> memref<1x40x128xf32, #tpu.memory_space<vmem>>
      %dma_start3A_356 = tpu.memref_squeeze %dma_start3A_355 : memref<1x40x128xf32, #tpu.memory_space<vmem>> -> memref<40x128xf32, #tpu.memory_space<vmem>>
      %dma_start3A_357 = tpu.memref_slice %arg8[%mul3A_351] : memref<10000xi32, #tpu.memory_space<vmem>> -> memref<40xi32, #tpu.memory_space<vmem>>
      %dma_start3A_358 = arith.constant 0 : i32
      %dma_start3A_359 = arith.constant 0 : i32
      %dma_start3A_360 = tpu.memref_slice %arg10[%dma_start3A_358, %dma_start3A_359] : memref<10240x128xf32, #tpu.memory_space<vmem_shared>> -> memref<10240x128xf32, #tpu.memory_space<vmem_shared>>
      tpu.enqueue_indirect_dma source(%dma_start3A_356 : memref<40x128xf32, #tpu.memory_space<vmem>>) target(%dma_start3A_360 : memref<10240x128xf32, #tpu.memory_space<vmem_shared>>) offsets(%dma_start3A_357 : memref<40xi32, #tpu.memory_space<vmem>>) semaphore(%arg20 : memref<!tpu.dma_semaphore, #tpu.memory_space<semaphore_mem>>) {add = true}
      %mul3A_361 = arith.constant 5 : i32
      %mul3A_362 = arith.muli %mul3A_361, %scan3A_230 : i32
      %add3A_363 = arith.constant 0 : i32
      %add3A_364 = arith.addi %mul3A_362, %add3A_363 : i32
      %mul3A_365 = arith.constant 40 : i32
      %mul3A_366 = arith.muli %add3A_364, %mul3A_365 : i32
      %dma_wait3A_367 = arith.constant 0 : i32
      %dma_wait3A_368 = arith.constant 0 : i32
      %dma_wait3A_369 = arith.constant 0 : i32
      %dma_wait3A_370 = tpu.memref_slice %arg9[%dma_wait3A_367, %dma_wait3A_368, %dma_wait3A_369] : memref<5x40x128xf32, #tpu.memory_space<vmem>> -> memref<1x40x128xf32, #tpu.memory_space<vmem>>
      %dma_wait3A_371 = tpu.memref_squeeze %dma_wait3A_370 : memref<1x40x128xf32, #tpu.memory_space<vmem>> -> memref<40x128xf32, #tpu.memory_space<vmem>>
      %dma_wait3A_372 = tpu.memref_slice %arg8[%mul3A_366] : memref<10000xi32, #tpu.memory_space<vmem>> -> memref<40xi32, #tpu.memory_space<vmem>>
      %dma_wait3A_373 = arith.constant 0 : i32
      %dma_wait3A_374 = arith.constant 0 : i32
      %dma_wait3A_375 = tpu.memref_slice %arg10[%dma_wait3A_373, %dma_wait3A_374] : memref<10240x128xf32, #tpu.memory_space<vmem_shared>> -> memref<10240x128xf32, #tpu.memory_space<vmem_shared>>
      tpu.wait_indirect_dma semaphore(%arg16 : memref<!tpu.dma_semaphore, #tpu.memory_space<semaphore_mem>>) src(%dma_wait3A_371 : memref<40x128xf32, #tpu.memory_space<vmem>>) dst(%dma_wait3A_375 : memref<10240x128xf32, #tpu.memory_space<vmem_shared>>)
      %add3A_376 = arith.constant 5 : i32
      %add3A_377 = arith.addi %add3A_364, %add3A_376 : i32
      %mul3A_378 = arith.constant 40 : i32
      %mul3A_379 = arith.muli %add3A_377, %mul3A_378 : i32
      %dma_start3A_380 = arith.constant 0 : i32
      %dma_start3A_381 = arith.constant 0 : i32
      %dma_start3A_382 = arith.constant 0 : i32
      %dma_start3A_383 = tpu.memref_slice %arg9[%dma_start3A_380, %dma_start3A_381, %dma_start3A_382] : memref<5x40x128xf32, #tpu.memory_space<vmem>> -> memref<1x40x128xf32, #tpu.memory_space<vmem>>
      %dma_start3A_384 = tpu.memref_squeeze %dma_start3A_383 : memref<1x40x128xf32, #tpu.memory_space<vmem>> -> memref<40x128xf32, #tpu.memory_space<vmem>>
      %dma_start3A_385 = tpu.memref_slice %arg7[%mul3A_379] : memref<10000xi32, #tpu.memory_space<vmem>> -> memref<40xi32, #tpu.memory_space<vmem>>
      %dma_start3A_386 = arith.constant 0 : i32
      %dma_start3A_387 = arith.constant 0 : i32
      %dma_start3A_388 = tpu.memref_slice %arg2[%dma_start3A_386, %dma_start3A_387] : memref<10240x128xf32, #tpu.memory_space<hbm>> -> memref<10240x128xf32, #tpu.memory_space<hbm>>
      tpu.enqueue_indirect_dma source(%dma_start3A_388 : memref<10240x128xf32, #tpu.memory_space<hbm>>) target(%dma_start3A_384 : memref<40x128xf32, #tpu.memory_space<vmem>>) offsets(%dma_start3A_385 : memref<40xi32, #tpu.memory_space<vmem>>) semaphore(%arg11 : memref<!tpu.dma_semaphore, #tpu.memory_space<semaphore_mem>>)
      %mul3A_389 = arith.constant 5 : i32
      %mul3A_390 = arith.muli %mul3A_389, %scan3A_230 : i32
      %add3A_391 = arith.constant 1 : i32
      %add3A_392 = arith.addi %mul3A_390, %add3A_391 : i32
      %mul3A_393 = arith.constant 40 : i32
      %mul3A_394 = arith.muli %add3A_392, %mul3A_393 : i32
      %dma_wait3A_395 = arith.constant 1 : i32
      %dma_wait3A_396 = arith.constant 0 : i32
      %dma_wait3A_397 = arith.constant 0 : i32
      %dma_wait3A_398 = tpu.memref_slice %arg9[%dma_wait3A_395, %dma_wait3A_396, %dma_wait3A_397] : memref<5x40x128xf32, #tpu.memory_space<vmem>> -> memref<1x40x128xf32, #tpu.memory_space<vmem>>
      %dma_wait3A_399 = tpu.memref_squeeze %dma_wait3A_398 : memref<1x40x128xf32, #tpu.memory_space<vmem>> -> memref<40x128xf32, #tpu.memory_space<vmem>>
      %dma_wait3A_400 = tpu.memref_slice %arg8[%mul3A_394] : memref<10000xi32, #tpu.memory_space<vmem>> -> memref<40xi32, #tpu.memory_space<vmem>>
      %dma_wait3A_401 = arith.constant 0 : i32
      %dma_wait3A_402 = arith.constant 0 : i32
      %dma_wait3A_403 = tpu.memref_slice %arg10[%dma_wait3A_401, %dma_wait3A_402] : memref<10240x128xf32, #tpu.memory_space<vmem_shared>> -> memref<10240x128xf32, #tpu.memory_space<vmem_shared>>
      tpu.wait_indirect_dma semaphore(%arg17 : memref<!tpu.dma_semaphore, #tpu.memory_space<semaphore_mem>>) src(%dma_wait3A_399 : memref<40x128xf32, #tpu.memory_space<vmem>>) dst(%dma_wait3A_403 : memref<10240x128xf32, #tpu.memory_space<vmem_shared>>)
      %add3A_404 = arith.constant 5 : i32
      %add3A_405 = arith.addi %add3A_392, %add3A_404 : i32
      %mul3A_406 = arith.constant 40 : i32
      %mul3A_407 = arith.muli %add3A_405, %mul3A_406 : i32
      %dma_start3A_408 = arith.constant 1 : i32
      %dma_start3A_409 = arith.constant 0 : i32
      %dma_start3A_410 = arith.constant 0 : i32
      %dma_start3A_411 = tpu.memref_slice %arg9[%dma_start3A_408, %dma_start3A_409, %dma_start3A_410] : memref<5x40x128xf32, #tpu.memory_space<vmem>> -> memref<1x40x128xf32, #tpu.memory_space<vmem>>
      %dma_start3A_412 = tpu.memref_squeeze %dma_start3A_411 : memref<1x40x128xf32, #tpu.memory_space<vmem>> -> memref<40x128xf32, #tpu.memory_space<vmem>>
      %dma_start3A_413 = tpu.memref_slice %arg7[%mul3A_407] : memref<10000xi32, #tpu.memory_space<vmem>> -> memref<40xi32, #tpu.memory_space<vmem>>
      %dma_start3A_414 = arith.constant 0 : i32
      %dma_start3A_415 = arith.constant 0 : i32
      %dma_start3A_416 = tpu.memref_slice %arg2[%dma_start3A_414, %dma_start3A_415] : memref<10240x128xf32, #tpu.memory_space<hbm>> -> memref<10240x128xf32, #tpu.memory_space<hbm>>
      tpu.enqueue_indirect_dma source(%dma_start3A_416 : memref<10240x128xf32, #tpu.memory_space<hbm>>) target(%dma_start3A_412 : memref<40x128xf32, #tpu.memory_space<vmem>>) offsets(%dma_start3A_413 : memref<40xi32, #tpu.memory_space<vmem>>) semaphore(%arg12 : memref<!tpu.dma_semaphore, #tpu.memory_space<semaphore_mem>>)
      %mul3A_417 = arith.constant 5 : i32
      %mul3A_418 = arith.muli %mul3A_417, %scan3A_230 : i32
      %add3A_419 = arith.constant 2 : i32
      %add3A_420 = arith.addi %mul3A_418, %add3A_419 : i32
      %mul3A_421 = arith.constant 40 : i32
      %mul3A_422 = arith.muli %add3A_420, %mul3A_421 : i32
      %dma_wait3A_423 = arith.constant 2 : i32
      %dma_wait3A_424 = arith.constant 0 : i32
      %dma_wait3A_425 = arith.constant 0 : i32
      %dma_wait3A_426 = tpu.memref_slice %arg9[%dma_wait3A_423, %dma_wait3A_424, %dma_wait3A_425] : memref<5x40x128xf32, #tpu.memory_space<vmem>> -> memref<1x40x128xf32, #tpu.memory_space<vmem>>
      %dma_wait3A_427 = tpu.memref_squeeze %dma_wait3A_426 : memref<1x40x128xf32, #tpu.memory_space<vmem>> -> memref<40x128xf32, #tpu.memory_space<vmem>>
      %dma_wait3A_428 = tpu.memref_slice %arg8[%mul3A_422] : memref<10000xi32, #tpu.memory_space<vmem>> -> memref<40xi32, #tpu.memory_space<vmem>>
      %dma_wait3A_429 = arith.constant 0 : i32
      %dma_wait3A_430 = arith.constant 0 : i32
      %dma_wait3A_431 = tpu.memref_slice %arg10[%dma_wait3A_429, %dma_wait3A_430] : memref<10240x128xf32, #tpu.memory_space<vmem_shared>> -> memref<10240x128xf32, #tpu.memory_space<vmem_shared>>
      tpu.wait_indirect_dma semaphore(%arg18 : memref<!tpu.dma_semaphore, #tpu.memory_space<semaphore_mem>>) src(%dma_wait3A_427 : memref<40x128xf32, #tpu.memory_space<vmem>>) dst(%dma_wait3A_431 : memref<10240x128xf32, #tpu.memory_space<vmem_shared>>)
      %add3A_432 = arith.constant 5 : i32
      %add3A_433 = arith.addi %add3A_420, %add3A_432 : i32
      %mul3A_434 = arith.constant 40 : i32
      %mul3A_435 = arith.muli %add3A_433, %mul3A_434 : i32
      %dma_start3A_436 = arith.constant 2 : i32
      %dma_start3A_437 = arith.constant 0 : i32
      %dma_start3A_438 = arith.constant 0 : i32
      %dma_start3A_439 = tpu.memref_slice %arg9[%dma_start3A_436, %dma_start3A_437, %dma_start3A_438] : memref<5x40x128xf32, #tpu.memory_space<vmem>> -> memref<1x40x128xf32, #tpu.memory_space<vmem>>
      %dma_start3A_440 = tpu.memref_squeeze %dma_start3A_439 : memref<1x40x128xf32, #tpu.memory_space<vmem>> -> memref<40x128xf32, #tpu.memory_space<vmem>>
      %dma_start3A_441 = tpu.memref_slice %arg7[%mul3A_435] : memref<10000xi32, #tpu.memory_space<vmem>> -> memref<40xi32, #tpu.memory_space<vmem>>
      %dma_start3A_442 = arith.constant 0 : i32
      %dma_start3A_443 = arith.constant 0 : i32
      %dma_start3A_444 = tpu.memref_slice %arg2[%dma_start3A_442, %dma_start3A_443] : memref<10240x128xf32, #tpu.memory_space<hbm>> -> memref<10240x128xf32, #tpu.memory_space<hbm>>
      tpu.enqueue_indirect_dma source(%dma_start3A_444 : memref<10240x128xf32, #tpu.memory_space<hbm>>) target(%dma_start3A_440 : memref<40x128xf32, #tpu.memory_space<vmem>>) offsets(%dma_start3A_441 : memref<40xi32, #tpu.memory_space<vmem>>) semaphore(%arg13 : memref<!tpu.dma_semaphore, #tpu.memory_space<semaphore_mem>>)
      %mul3A_445 = arith.constant 5 : i32
      %mul3A_446 = arith.muli %mul3A_445, %scan3A_230 : i32
      %add3A_447 = arith.constant 3 : i32
      %add3A_448 = arith.addi %mul3A_446, %add3A_447 : i32
      %mul3A_449 = arith.constant 40 : i32
      %mul3A_450 = arith.muli %add3A_448, %mul3A_449 : i32
      %dma_wait3A_451 = arith.constant 3 : i32
      %dma_wait3A_452 = arith.constant 0 : i32
      %dma_wait3A_453 = arith.constant 0 : i32
      %dma_wait3A_454 = tpu.memref_slice %arg9[%dma_wait3A_451, %dma_wait3A_452, %dma_wait3A_453] : memref<5x40x128xf32, #tpu.memory_space<vmem>> -> memref<1x40x128xf32, #tpu.memory_space<vmem>>
      %dma_wait3A_455 = tpu.memref_squeeze %dma_wait3A_454 : memref<1x40x128xf32, #tpu.memory_space<vmem>> -> memref<40x128xf32, #tpu.memory_space<vmem>>
      %dma_wait3A_456 = tpu.memref_slice %arg8[%mul3A_450] : memref<10000xi32, #tpu.memory_space<vmem>> -> memref<40xi32, #tpu.memory_space<vmem>>
      %dma_wait3A_457 = arith.constant 0 : i32
      %dma_wait3A_458 = arith.constant 0 : i32
      %dma_wait3A_459 = tpu.memref_slice %arg10[%dma_wait3A_457, %dma_wait3A_458] : memref<10240x128xf32, #tpu.memory_space<vmem_shared>> -> memref<10240x128xf32, #tpu.memory_space<vmem_shared>>
      tpu.wait_indirect_dma semaphore(%arg19 : memref<!tpu.dma_semaphore, #tpu.memory_space<semaphore_mem>>) src(%dma_wait3A_455 : memref<40x128xf32, #tpu.memory_space<vmem>>) dst(%dma_wait3A_459 : memref<10240x128xf32, #tpu.memory_space<vmem_shared>>)
      %add3A_460 = arith.constant 5 : i32
      %add3A_461 = arith.addi %add3A_448, %add3A_460 : i32
      %mul3A_462 = arith.constant 40 : i32
      %mul3A_463 = arith.muli %add3A_461, %mul3A_462 : i32
      %dma_start3A_464 = arith.constant 3 : i32
      %dma_start3A_465 = arith.constant 0 : i32
      %dma_start3A_466 = arith.constant 0 : i32
      %dma_start3A_467 = tpu.memref_slice %arg9[%dma_start3A_464, %dma_start3A_465, %dma_start3A_466] : memref<5x40x128xf32, #tpu.memory_space<vmem>> -> memref<1x40x128xf32, #tpu.memory_space<vmem>>
      %dma_start3A_468 = tpu.memref_squeeze %dma_start3A_467 : memref<1x40x128xf32, #tpu.memory_space<vmem>> -> memref<40x128xf32, #tpu.memory_space<vmem>>
      %dma_start3A_469 = tpu.memref_slice %arg7[%mul3A_463] : memref<10000xi32, #tpu.memory_space<vmem>> -> memref<40xi32, #tpu.memory_space<vmem>>
      %dma_start3A_470 = arith.constant 0 : i32
      %dma_start3A_471 = arith.constant 0 : i32
      %dma_start3A_472 = tpu.memref_slice %arg2[%dma_start3A_470, %dma_start3A_471] : memref<10240x128xf32, #tpu.memory_space<hbm>> -> memref<10240x128xf32, #tpu.memory_space<hbm>>
      tpu.enqueue_indirect_dma source(%dma_start3A_472 : memref<10240x128xf32, #tpu.memory_space<hbm>>) target(%dma_start3A_468 : memref<40x128xf32, #tpu.memory_space<vmem>>) offsets(%dma_start3A_469 : memref<40xi32, #tpu.memory_space<vmem>>) semaphore(%arg14 : memref<!tpu.dma_semaphore, #tpu.memory_space<semaphore_mem>>)
      %mul3A_473 = arith.constant 5 : i32
      %mul3A_474 = arith.muli %mul3A_473, %scan3A_230 : i32
      %add3A_475 = arith.constant 4 : i32
      %add3A_476 = arith.addi %mul3A_474, %add3A_475 : i32
      %mul3A_477 = arith.constant 40 : i32
      %mul3A_478 = arith.muli %add3A_476, %mul3A_477 : i32
      %dma_wait3A_479 = arith.constant 4 : i32
      %dma_wait3A_480 = arith.constant 0 : i32
      %dma_wait3A_481 = arith.constant 0 : i32
      %dma_wait3A_482 = tpu.memref_slice %arg9[%dma_wait3A_479, %dma_wait3A_480, %dma_wait3A_481] : memref<5x40x128xf32, #tpu.memory_space<vmem>> -> memref<1x40x128xf32, #tpu.memory_space<vmem>>
      %dma_wait3A_483 = tpu.memref_squeeze %dma_wait3A_482 : memref<1x40x128xf32, #tpu.memory_space<vmem>> -> memref<40x128xf32, #tpu.memory_space<vmem>>
      %dma_wait3A_484 = tpu.memref_slice %arg8[%mul3A_478] : memref<10000xi32, #tpu.memory_space<vmem>> -> memref<40xi32, #tpu.memory_space<vmem>>
      %dma_wait3A_485 = arith.constant 0 : i32
      %dma_wait3A_486 = arith.constant 0 : i32
      %dma_wait3A_487 = tpu.memref_slice %arg10[%dma_wait3A_485, %dma_wait3A_486] : memref<10240x128xf32, #tpu.memory_space<vmem_shared>> -> memref<10240x128xf32, #tpu.memory_space<vmem_shared>>
      tpu.wait_indirect_dma semaphore(%arg20 : memref<!tpu.dma_semaphore, #tpu.memory_space<semaphore_mem>>) src(%dma_wait3A_483 : memref<40x128xf32, #tpu.memory_space<vmem>>) dst(%dma_wait3A_487 : memref<10240x128xf32, #tpu.memory_space<vmem_shared>>)
      %add3A_488 = arith.constant 5 : i32
      %add3A_489 = arith.addi %add3A_476, %add3A_488 : i32
      %mul3A_490 = arith.constant 40 : i32
      %mul3A_491 = arith.muli %add3A_489, %mul3A_490 : i32
      %dma_start3A_492 = arith.constant 4 : i32
      %dma_start3A_493 = arith.constant 0 : i32
      %dma_start3A_494 = arith.constant 0 : i32
      %dma_start3A_495 = tpu.memref_slice %arg9[%dma_start3A_492, %dma_start3A_493, %dma_start3A_494] : memref<5x40x128xf32, #tpu.memory_space<vmem>> -> memref<1x40x128xf32, #tpu.memory_space<vmem>>
      %dma_start3A_496 = tpu.memref_squeeze %dma_start3A_495 : memref<1x40x128xf32, #tpu.memory_space<vmem>> -> memref<40x128xf32, #tpu.memory_space<vmem>>
      %dma_start3A_497 = tpu.memref_slice %arg7[%mul3A_491] : memref<10000xi32, #tpu.memory_space<vmem>> -> memref<40xi32, #tpu.memory_space<vmem>>
      %dma_start3A_498 = arith.constant 0 : i32
      %dma_start3A_499 = arith.constant 0 : i32
      %dma_start3A_500 = tpu.memref_slice %arg2[%dma_start3A_498, %dma_start3A_499] : memref<10240x128xf32, #tpu.memory_space<hbm>> -> memref<10240x128xf32, #tpu.memory_space<hbm>>
      tpu.enqueue_indirect_dma source(%dma_start3A_500 : memref<10240x128xf32, #tpu.memory_space<hbm>>) target(%dma_start3A_496 : memref<40x128xf32, #tpu.memory_space<vmem>>) offsets(%dma_start3A_497 : memref<40xi32, #tpu.memory_space<vmem>>) semaphore(%arg15 : memref<!tpu.dma_semaphore, #tpu.memory_space<semaphore_mem>>)
    }
    %scan3A_75 = arith.constant 49 : i32
    %dma_wait3A_76 = arith.constant 0 : i32
    %dma_wait3A_77 = arith.constant 0 : i32
    %dma_wait3A_78 = arith.constant 0 : i32
    %dma_wait3A_79 = tpu.memref_slice %arg9[%dma_wait3A_76, %dma_wait3A_77, %dma_wait3A_78] : memref<5x40x128xf32, #tpu.memory_space<vmem>> -> memref<1x40x128xf32, #tpu.memory_space<vmem>>
    %dma_wait3A_80 = tpu.memref_squeeze %dma_wait3A_79 : memref<1x40x128xf32, #tpu.memory_space<vmem>> -> memref<40x128xf32, #tpu.memory_space<vmem>>
    %dma_wait3A_81 = arith.constant 9800 : i32
    %dma_wait3A_82 = tpu.memref_slice %arg7[%dma_wait3A_81] : memref<10000xi32, #tpu.memory_space<vmem>> -> memref<40xi32, #tpu.memory_space<vmem>>
    %dma_wait3A_83 = arith.constant 0 : i32
    %dma_wait3A_84 = arith.constant 0 : i32
    %dma_wait3A_85 = tpu.memref_slice %arg2[%dma_wait3A_83, %dma_wait3A_84] : memref<10240x128xf32, #tpu.memory_space<hbm>> -> memref<10240x128xf32, #tpu.memory_space<hbm>>
    tpu.wait_indirect_dma semaphore(%arg11 : memref<!tpu.dma_semaphore, #tpu.memory_space<semaphore_mem>>) src(%dma_wait3A_85 : memref<10240x128xf32, #tpu.memory_space<hbm>>) dst(%dma_wait3A_80 : memref<40x128xf32, #tpu.memory_space<vmem>>)
    %dma_start3A_86 = arith.constant 0 : i32
    %dma_start3A_87 = arith.constant 0 : i32
    %dma_start3A_88 = arith.constant 0 : i32
    %dma_start3A_89 = tpu.memref_slice %arg9[%dma_start3A_86, %dma_start3A_87, %dma_start3A_88] : memref<5x40x128xf32, #tpu.memory_space<vmem>> -> memref<1x40x128xf32, #tpu.memory_space<vmem>>
    %dma_start3A_90 = tpu.memref_squeeze %dma_start3A_89 : memref<1x40x128xf32, #tpu.memory_space<vmem>> -> memref<40x128xf32, #tpu.memory_space<vmem>>
    %dma_start3A_91 = arith.constant 9800 : i32
    %dma_start3A_92 = tpu.memref_slice %arg8[%dma_start3A_91] : memref<10000xi32, #tpu.memory_space<vmem>> -> memref<40xi32, #tpu.memory_space<vmem>>
    %dma_start3A_93 = arith.constant 0 : i32
    %dma_start3A_94 = arith.constant 0 : i32
    %dma_start3A_95 = tpu.memref_slice %arg10[%dma_start3A_93, %dma_start3A_94] : memref<10240x128xf32, #tpu.memory_space<vmem_shared>> -> memref<10240x128xf32, #tpu.memory_space<vmem_shared>>
    tpu.enqueue_indirect_dma source(%dma_start3A_90 : memref<40x128xf32, #tpu.memory_space<vmem>>) target(%dma_start3A_95 : memref<10240x128xf32, #tpu.memory_space<vmem_shared>>) offsets(%dma_start3A_92 : memref<40xi32, #tpu.memory_space<vmem>>) semaphore(%arg16 : memref<!tpu.dma_semaphore, #tpu.memory_space<semaphore_mem>>) {add = true}
    %dma_wait3A_96 = arith.constant 1 : i32
    %dma_wait3A_97 = arith.constant 0 : i32
    %dma_wait3A_98 = arith.constant 0 : i32
    %dma_wait3A_99 = tpu.memref_slice %arg9[%dma_wait3A_96, %dma_wait3A_97, %dma_wait3A_98] : memref<5x40x128xf32, #tpu.memory_space<vmem>> -> memref<1x40x128xf32, #tpu.memory_space<vmem>>
    %dma_wait3A_100 = tpu.memref_squeeze %dma_wait3A_99 : memref<1x40x128xf32, #tpu.memory_space<vmem>> -> memref<40x128xf32, #tpu.memory_space<vmem>>
    %dma_wait3A_101 = arith.constant 9840 : i32
    %dma_wait3A_102 = tpu.memref_slice %arg7[%dma_wait3A_101] : memref<10000xi32, #tpu.memory_space<vmem>> -> memref<40xi32, #tpu.memory_space<vmem>>
    %dma_wait3A_103 = arith.constant 0 : i32
    %dma_wait3A_104 = arith.constant 0 : i32
    %dma_wait3A_105 = tpu.memref_slice %arg2[%dma_wait3A_103, %dma_wait3A_104] : memref<10240x128xf32, #tpu.memory_space<hbm>> -> memref<10240x128xf32, #tpu.memory_space<hbm>>
    tpu.wait_indirect_dma semaphore(%arg12 : memref<!tpu.dma_semaphore, #tpu.memory_space<semaphore_mem>>) src(%dma_wait3A_105 : memref<10240x128xf32, #tpu.memory_space<hbm>>) dst(%dma_wait3A_100 : memref<40x128xf32, #tpu.memory_space<vmem>>)
    %dma_start3A_106 = arith.constant 1 : i32
    %dma_start3A_107 = arith.constant 0 : i32
    %dma_start3A_108 = arith.constant 0 : i32
    %dma_start3A_109 = tpu.memref_slice %arg9[%dma_start3A_106, %dma_start3A_107, %dma_start3A_108] : memref<5x40x128xf32, #tpu.memory_space<vmem>> -> memref<1x40x128xf32, #tpu.memory_space<vmem>>
    %dma_start3A_110 = tpu.memref_squeeze %dma_start3A_109 : memref<1x40x128xf32, #tpu.memory_space<vmem>> -> memref<40x128xf32, #tpu.memory_space<vmem>>
    %dma_start3A_111 = arith.constant 9840 : i32
    %dma_start3A_112 = tpu.memref_slice %arg8[%dma_start3A_111] : memref<10000xi32, #tpu.memory_space<vmem>> -> memref<40xi32, #tpu.memory_space<vmem>>
    %dma_start3A_113 = arith.constant 0 : i32
    %dma_start3A_114 = arith.constant 0 : i32
    %dma_start3A_115 = tpu.memref_slice %arg10[%dma_start3A_113, %dma_start3A_114] : memref<10240x128xf32, #tpu.memory_space<vmem_shared>> -> memref<10240x128xf32, #tpu.memory_space<vmem_shared>>
    tpu.enqueue_indirect_dma source(%dma_start3A_110 : memref<40x128xf32, #tpu.memory_space<vmem>>) target(%dma_start3A_115 : memref<10240x128xf32, #tpu.memory_space<vmem_shared>>) offsets(%dma_start3A_112 : memref<40xi32, #tpu.memory_space<vmem>>) semaphore(%arg17 : memref<!tpu.dma_semaphore, #tpu.memory_space<semaphore_mem>>) {add = true}
    %dma_wait3A_116 = arith.constant 2 : i32
    %dma_wait3A_117 = arith.constant 0 : i32
    %dma_wait3A_118 = arith.constant 0 : i32
    %dma_wait3A_119 = tpu.memref_slice %arg9[%dma_wait3A_116, %dma_wait3A_117, %dma_wait3A_118] : memref<5x40x128xf32, #tpu.memory_space<vmem>> -> memref<1x40x128xf32, #tpu.memory_space<vmem>>
    %dma_wait3A_120 = tpu.memref_squeeze %dma_wait3A_119 : memref<1x40x128xf32, #tpu.memory_space<vmem>> -> memref<40x128xf32, #tpu.memory_space<vmem>>
    %dma_wait3A_121 = arith.constant 9880 : i32
    %dma_wait3A_122 = tpu.memref_slice %arg7[%dma_wait3A_121] : memref<10000xi32, #tpu.memory_space<vmem>> -> memref<40xi32, #tpu.memory_space<vmem>>
    %dma_wait3A_123 = arith.constant 0 : i32
    %dma_wait3A_124 = arith.constant 0 : i32
    %dma_wait3A_125 = tpu.memref_slice %arg2[%dma_wait3A_123, %dma_wait3A_124] : memref<10240x128xf32, #tpu.memory_space<hbm>> -> memref<10240x128xf32, #tpu.memory_space<hbm>>
    tpu.wait_indirect_dma semaphore(%arg13 : memref<!tpu.dma_semaphore, #tpu.memory_space<semaphore_mem>>) src(%dma_wait3A_125 : memref<10240x128xf32, #tpu.memory_space<hbm>>) dst(%dma_wait3A_120 : memref<40x128xf32, #tpu.memory_space<vmem>>)
    %dma_start3A_126 = arith.constant 2 : i32
    %dma_start3A_127 = arith.constant 0 : i32
    %dma_start3A_128 = arith.constant 0 : i32
    %dma_start3A_129 = tpu.memref_slice %arg9[%dma_start3A_126, %dma_start3A_127, %dma_start3A_128] : memref<5x40x128xf32, #tpu.memory_space<vmem>> -> memref<1x40x128xf32, #tpu.memory_space<vmem>>
    %dma_start3A_130 = tpu.memref_squeeze %dma_start3A_129 : memref<1x40x128xf32, #tpu.memory_space<vmem>> -> memref<40x128xf32, #tpu.memory_space<vmem>>
    %dma_start3A_131 = arith.constant 9880 : i32
    %dma_start3A_132 = tpu.memref_slice %arg8[%dma_start3A_131] : memref<10000xi32, #tpu.memory_space<vmem>> -> memref<40xi32, #tpu.memory_space<vmem>>
    %dma_start3A_133 = arith.constant 0 : i32
    %dma_start3A_134 = arith.constant 0 : i32
    %dma_start3A_135 = tpu.memref_slice %arg10[%dma_start3A_133, %dma_start3A_134] : memref<10240x128xf32, #tpu.memory_space<vmem_shared>> -> memref<10240x128xf32, #tpu.memory_space<vmem_shared>>
    tpu.enqueue_indirect_dma source(%dma_start3A_130 : memref<40x128xf32, #tpu.memory_space<vmem>>) target(%dma_start3A_135 : memref<10240x128xf32, #tpu.memory_space<vmem_shared>>) offsets(%dma_start3A_132 : memref<40xi32, #tpu.memory_space<vmem>>) semaphore(%arg18 : memref<!tpu.dma_semaphore, #tpu.memory_space<semaphore_mem>>) {add = true}
    %dma_wait3A_136 = arith.constant 3 : i32
    %dma_wait3A_137 = arith.constant 0 : i32
    %dma_wait3A_138 = arith.constant 0 : i32
    %dma_wait3A_139 = tpu.memref_slice %arg9[%dma_wait3A_136, %dma_wait3A_137, %dma_wait3A_138] : memref<5x40x128xf32, #tpu.memory_space<vmem>> -> memref<1x40x128xf32, #tpu.memory_space<vmem>>
    %dma_wait3A_140 = tpu.memref_squeeze %dma_wait3A_139 : memref<1x40x128xf32, #tpu.memory_space<vmem>> -> memref<40x128xf32, #tpu.memory_space<vmem>>
    %dma_wait3A_141 = arith.constant 9920 : i32
    %dma_wait3A_142 = tpu.memref_slice %arg7[%dma_wait3A_141] : memref<10000xi32, #tpu.memory_space<vmem>> -> memref<40xi32, #tpu.memory_space<vmem>>
    %dma_wait3A_143 = arith.constant 0 : i32
    %dma_wait3A_144 = arith.constant 0 : i32
    %dma_wait3A_145 = tpu.memref_slice %arg2[%dma_wait3A_143, %dma_wait3A_144] : memref<10240x128xf32, #tpu.memory_space<hbm>> -> memref<10240x128xf32, #tpu.memory_space<hbm>>
    tpu.wait_indirect_dma semaphore(%arg14 : memref<!tpu.dma_semaphore, #tpu.memory_space<semaphore_mem>>) src(%dma_wait3A_145 : memref<10240x128xf32, #tpu.memory_space<hbm>>) dst(%dma_wait3A_140 : memref<40x128xf32, #tpu.memory_space<vmem>>)
    %dma_start3A_146 = arith.constant 3 : i32
    %dma_start3A_147 = arith.constant 0 : i32
    %dma_start3A_148 = arith.constant 0 : i32
    %dma_start3A_149 = tpu.memref_slice %arg9[%dma_start3A_146, %dma_start3A_147, %dma_start3A_148] : memref<5x40x128xf32, #tpu.memory_space<vmem>> -> memref<1x40x128xf32, #tpu.memory_space<vmem>>
    %dma_start3A_150 = tpu.memref_squeeze %dma_start3A_149 : memref<1x40x128xf32, #tpu.memory_space<vmem>> -> memref<40x128xf32, #tpu.memory_space<vmem>>
    %dma_start3A_151 = arith.constant 9920 : i32
    %dma_start3A_152 = tpu.memref_slice %arg8[%dma_start3A_151] : memref<10000xi32, #tpu.memory_space<vmem>> -> memref<40xi32, #tpu.memory_space<vmem>>
    %dma_start3A_153 = arith.constant 0 : i32
    %dma_start3A_154 = arith.constant 0 : i32
    %dma_start3A_155 = tpu.memref_slice %arg10[%dma_start3A_153, %dma_start3A_154] : memref<10240x128xf32, #tpu.memory_space<vmem_shared>> -> memref<10240x128xf32, #tpu.memory_space<vmem_shared>>
    tpu.enqueue_indirect_dma source(%dma_start3A_150 : memref<40x128xf32, #tpu.memory_space<vmem>>) target(%dma_start3A_155 : memref<10240x128xf32, #tpu.memory_space<vmem_shared>>) offsets(%dma_start3A_152 : memref<40xi32, #tpu.memory_space<vmem>>) semaphore(%arg19 : memref<!tpu.dma_semaphore, #tpu.memory_space<semaphore_mem>>) {add = true}
    %dma_wait3A_156 = arith.constant 4 : i32
    %dma_wait3A_157 = arith.constant 0 : i32
    %dma_wait3A_158 = arith.constant 0 : i32
    %dma_wait3A_159 = tpu.memref_slice %arg9[%dma_wait3A_156, %dma_wait3A_157, %dma_wait3A_158] : memref<5x40x128xf32, #tpu.memory_space<vmem>> -> memref<1x40x128xf32, #tpu.memory_space<vmem>>
    %dma_wait3A_160 = tpu.memref_squeeze %dma_wait3A_159 : memref<1x40x128xf32, #tpu.memory_space<vmem>> -> memref<40x128xf32, #tpu.memory_space<vmem>>
    %dma_wait3A_161 = arith.constant 9960 : i32
    %dma_wait3A_162 = tpu.memref_slice %arg7[%dma_wait3A_161] : memref<10000xi32, #tpu.memory_space<vmem>> -> memref<40xi32, #tpu.memory_space<vmem>>
    %dma_wait3A_163 = arith.constant 0 : i32
    %dma_wait3A_164 = arith.constant 0 : i32
    %dma_wait3A_165 = tpu.memref_slice %arg2[%dma_wait3A_163, %dma_wait3A_164] : memref<10240x128xf32, #tpu.memory_space<hbm>> -> memref<10240x128xf32, #tpu.memory_space<hbm>>
    tpu.wait_indirect_dma semaphore(%arg15 : memref<!tpu.dma_semaphore, #tpu.memory_space<semaphore_mem>>) src(%dma_wait3A_165 : memref<10240x128xf32, #tpu.memory_space<hbm>>) dst(%dma_wait3A_160 : memref<40x128xf32, #tpu.memory_space<vmem>>)
    %dma_start3A_166 = arith.constant 4 : i32
    %dma_start3A_167 = arith.constant 0 : i32
    %dma_start3A_168 = arith.constant 0 : i32
    %dma_start3A_169 = tpu.memref_slice %arg9[%dma_start3A_166, %dma_start3A_167, %dma_start3A_168] : memref<5x40x128xf32, #tpu.memory_space<vmem>> -> memref<1x40x128xf32, #tpu.memory_space<vmem>>
    %dma_start3A_170 = tpu.memref_squeeze %dma_start3A_169 : memref<1x40x128xf32, #tpu.memory_space<vmem>> -> memref<40x128xf32, #tpu.memory_space<vmem>>
    %dma_start3A_171 = arith.constant 9960 : i32
    %dma_start3A_172 = tpu.memref_slice %arg8[%dma_start3A_171] : memref<10000xi32, #tpu.memory_space<vmem>> -> memref<40xi32, #tpu.memory_space<vmem>>
    %dma_start3A_173 = arith.constant 0 : i32
    %dma_start3A_174 = arith.constant 0 : i32
    %dma_start3A_175 = tpu.memref_slice %arg10[%dma_start3A_173, %dma_start3A_174] : memref<10240x128xf32, #tpu.memory_space<vmem_shared>> -> memref<10240x128xf32, #tpu.memory_space<vmem_shared>>
    tpu.enqueue_indirect_dma source(%dma_start3A_170 : memref<40x128xf32, #tpu.memory_space<vmem>>) target(%dma_start3A_175 : memref<10240x128xf32, #tpu.memory_space<vmem_shared>>) offsets(%dma_start3A_172 : memref<40xi32, #tpu.memory_space<vmem>>) semaphore(%arg20 : memref<!tpu.dma_semaphore, #tpu.memory_space<semaphore_mem>>) {add = true}
    %dma_wait3A_176 = arith.constant 0 : i32
    %dma_wait3A_177 = arith.constant 0 : i32
    %dma_wait3A_178 = arith.constant 0 : i32
    %dma_wait3A_179 = tpu.memref_slice %arg9[%dma_wait3A_176, %dma_wait3A_177, %dma_wait3A_178] : memref<5x40x128xf32, #tpu.memory_space<vmem>> -> memref<1x40x128xf32, #tpu.memory_space<vmem>>
    %dma_wait3A_180 = tpu.memref_squeeze %dma_wait3A_179 : memref<1x40x128xf32, #tpu.memory_space<vmem>> -> memref<40x128xf32, #tpu.memory_space<vmem>>
    %dma_wait3A_181 = arith.constant 9800 : i32
    %dma_wait3A_182 = tpu.memref_slice %arg8[%dma_wait3A_181] : memref<10000xi32, #tpu.memory_space<vmem>> -> memref<40xi32, #tpu.memory_space<vmem>>
    %dma_wait3A_183 = arith.constant 0 : i32
    %dma_wait3A_184 = arith.constant 0 : i32
    %dma_wait3A_185 = tpu.memref_slice %arg10[%dma_wait3A_183, %dma_wait3A_184] : memref<10240x128xf32, #tpu.memory_space<vmem_shared>> -> memref<10240x128xf32, #tpu.memory_space<vmem_shared>>
    tpu.wait_indirect_dma semaphore(%arg16 : memref<!tpu.dma_semaphore, #tpu.memory_space<semaphore_mem>>) src(%dma_wait3A_180 : memref<40x128xf32, #tpu.memory_space<vmem>>) dst(%dma_wait3A_185 : memref<10240x128xf32, #tpu.memory_space<vmem_shared>>)
    %dma_wait3A_186 = arith.constant 1 : i32
    %dma_wait3A_187 = arith.constant 0 : i32
    %dma_wait3A_188 = arith.constant 0 : i32
    %dma_wait3A_189 = tpu.memref_slice %arg9[%dma_wait3A_186, %dma_wait3A_187, %dma_wait3A_188] : memref<5x40x128xf32, #tpu.memory_space<vmem>> -> memref<1x40x128xf32, #tpu.memory_space<vmem>>
    %dma_wait3A_190 = tpu.memref_squeeze %dma_wait3A_189 : memref<1x40x128xf32, #tpu.memory_space<vmem>> -> memref<40x128xf32, #tpu.memory_space<vmem>>
    %dma_wait3A_191 = arith.constant 9840 : i32
    %dma_wait3A_192 = tpu.memref_slice %arg8[%dma_wait3A_191] : memref<10000xi32, #tpu.memory_space<vmem>> -> memref<40xi32, #tpu.memory_space<vmem>>
    %dma_wait3A_193 = arith.constant 0 : i32
    %dma_wait3A_194 = arith.constant 0 : i32
    %dma_wait3A_195 = tpu.memref_slice %arg10[%dma_wait3A_193, %dma_wait3A_194] : memref<10240x128xf32, #tpu.memory_space<vmem_shared>> -> memref<10240x128xf32, #tpu.memory_space<vmem_shared>>
    tpu.wait_indirect_dma semaphore(%arg17 : memref<!tpu.dma_semaphore, #tpu.memory_space<semaphore_mem>>) src(%dma_wait3A_190 : memref<40x128xf32, #tpu.memory_space<vmem>>) dst(%dma_wait3A_195 : memref<10240x128xf32, #tpu.memory_space<vmem_shared>>)
    %dma_wait3A_196 = arith.constant 2 : i32
    %dma_wait3A_197 = arith.constant 0 : i32
    %dma_wait3A_198 = arith.constant 0 : i32
    %dma_wait3A_199 = tpu.memref_slice %arg9[%dma_wait3A_196, %dma_wait3A_197, %dma_wait3A_198] : memref<5x40x128xf32, #tpu.memory_space<vmem>> -> memref<1x40x128xf32, #tpu.memory_space<vmem>>
    %dma_wait3A_200 = tpu.memref_squeeze %dma_wait3A_199 : memref<1x40x128xf32, #tpu.memory_space<vmem>> -> memref<40x128xf32, #tpu.memory_space<vmem>>
    %dma_wait3A_201 = arith.constant 9880 : i32
    %dma_wait3A_202 = tpu.memref_slice %arg8[%dma_wait3A_201] : memref<10000xi32, #tpu.memory_space<vmem>> -> memref<40xi32, #tpu.memory_space<vmem>>
    %dma_wait3A_203 = arith.constant 0 : i32
    %dma_wait3A_204 = arith.constant 0 : i32
    %dma_wait3A_205 = tpu.memref_slice %arg10[%dma_wait3A_203, %dma_wait3A_204] : memref<10240x128xf32, #tpu.memory_space<vmem_shared>> -> memref<10240x128xf32, #tpu.memory_space<vmem_shared>>
    tpu.wait_indirect_dma semaphore(%arg18 : memref<!tpu.dma_semaphore, #tpu.memory_space<semaphore_mem>>) src(%dma_wait3A_200 : memref<40x128xf32, #tpu.memory_space<vmem>>) dst(%dma_wait3A_205 : memref<10240x128xf32, #tpu.memory_space<vmem_shared>>)
    %dma_wait3A_206 = arith.constant 3 : i32
    %dma_wait3A_207 = arith.constant 0 : i32
    %dma_wait3A_208 = arith.constant 0 : i32
    %dma_wait3A_209 = tpu.memref_slice %arg9[%dma_wait3A_206, %dma_wait3A_207, %dma_wait3A_208] : memref<5x40x128xf32, #tpu.memory_space<vmem>> -> memref<1x40x128xf32, #tpu.memory_space<vmem>>
    %dma_wait3A_210 = tpu.memref_squeeze %dma_wait3A_209 : memref<1x40x128xf32, #tpu.memory_space<vmem>> -> memref<40x128xf32, #tpu.memory_space<vmem>>
    %dma_wait3A_211 = arith.constant 9920 : i32
    %dma_wait3A_212 = tpu.memref_slice %arg8[%dma_wait3A_211] : memref<10000xi32, #tpu.memory_space<vmem>> -> memref<40xi32, #tpu.memory_space<vmem>>
    %dma_wait3A_213 = arith.constant 0 : i32
    %dma_wait3A_214 = arith.constant 0 : i32
    %dma_wait3A_215 = tpu.memref_slice %arg10[%dma_wait3A_213, %dma_wait3A_214] : memref<10240x128xf32, #tpu.memory_space<vmem_shared>> -> memref<10240x128xf32, #tpu.memory_space<vmem_shared>>
    tpu.wait_indirect_dma semaphore(%arg19 : memref<!tpu.dma_semaphore, #tpu.memory_space<semaphore_mem>>) src(%dma_wait3A_210 : memref<40x128xf32, #tpu.memory_space<vmem>>) dst(%dma_wait3A_215 : memref<10240x128xf32, #tpu.memory_space<vmem_shared>>)
    %dma_wait3A_216 = arith.constant 4 : i32
    %dma_wait3A_217 = arith.constant 0 : i32
    %dma_wait3A_218 = arith.constant 0 : i32
    %dma_wait3A_219 = tpu.memref_slice %arg9[%dma_wait3A_216, %dma_wait3A_217, %dma_wait3A_218] : memref<5x40x128xf32, #tpu.memory_space<vmem>> -> memref<1x40x128xf32, #tpu.memory_space<vmem>>
    %dma_wait3A_220 = tpu.memref_squeeze %dma_wait3A_219 : memref<1x40x128xf32, #tpu.memory_space<vmem>> -> memref<40x128xf32, #tpu.memory_space<vmem>>
    %dma_wait3A_221 = arith.constant 9960 : i32
    %dma_wait3A_222 = tpu.memref_slice %arg8[%dma_wait3A_221] : memref<10000xi32, #tpu.memory_space<vmem>> -> memref<40xi32, #tpu.memory_space<vmem>>
    %dma_wait3A_223 = arith.constant 0 : i32
    %dma_wait3A_224 = arith.constant 0 : i32
    %dma_wait3A_225 = tpu.memref_slice %arg10[%dma_wait3A_223, %dma_wait3A_224] : memref<10240x128xf32, #tpu.memory_space<vmem_shared>> -> memref<10240x128xf32, #tpu.memory_space<vmem_shared>>
    tpu.wait_indirect_dma semaphore(%arg20 : memref<!tpu.dma_semaphore, #tpu.memory_space<semaphore_mem>>) src(%dma_wait3A_220 : memref<40x128xf32, #tpu.memory_space<vmem>>) dst(%dma_wait3A_225 : memref<10240x128xf32, #tpu.memory_space<vmem_shared>>)
    %barrier3A_226 = arith.constant 0 : index
    tpu.barrier barrier_id(%barrier3A_226)
    %mul3A_227 = arith.constant 10240 : i32
    %mul3A_228 = arith.muli %arg0, %mul3A_227 : i32
    %add3A_229 = arith.addi %mul3A_228, %mul3A_0 : i32
    "tpu.region"() ({
      %run_scoped3A = tpu.sem_alloc : memref<!tpu.dma_semaphore, #tpu.memory_space<semaphore_mem>>
      %dma_start3A_230 = arith.constant 0 : i32
      %dma_start3A_231 = tpu.memref_slice %arg6[%add3A_229, %dma_start3A_230] : memref<20480x128xf32, #tpu.memory_space<hbm>> -> memref<640x128xf32, #tpu.memory_space<hbm>>
      %dma_start3A_232 = arith.constant 0 : i32
      %dma_start3A_233 = tpu.memref_slice %arg10[%mul3A_0, %dma_start3A_232] : memref<10240x128xf32, #tpu.memory_space<vmem_shared>> -> memref<640x128xf32, #tpu.memory_space<vmem_shared>>
      tpu.enqueue_dma source(%dma_start3A_233 : memref<640x128xf32, #tpu.memory_space<vmem_shared>>) target(%dma_start3A_231 : memref<640x128xf32, #tpu.memory_space<hbm>>) target_semaphore(%run_scoped3A : memref<!tpu.dma_semaphore, #tpu.memory_space<semaphore_mem>>)
      %dma_wait3A_234 = arith.constant 0 : i32
      %dma_wait3A_235 = tpu.memref_slice %arg6[%add3A_229, %dma_wait3A_234] : memref<20480x128xf32, #tpu.memory_space<hbm>> -> memref<640x128xf32, #tpu.memory_space<hbm>>
      %dma_wait3A_236 = arith.constant 0 : i32
      %dma_wait3A_237 = tpu.memref_slice %arg10[%mul3A_0, %dma_wait3A_236] : memref<10240x128xf32, #tpu.memory_space<vmem_shared>> -> memref<640x128xf32, #tpu.memory_space<vmem_shared>>
      tpu.wait_dma2 semaphore(%run_scoped3A : memref<!tpu.dma_semaphore, #tpu.memory_space<semaphore_mem>>) src(%dma_wait3A_237 : memref<640x128xf32, #tpu.memory_space<vmem_shared>>) dst(%dma_wait3A_235 : memref<640x128xf32, #tpu.memory_space<hbm>>)
      tpu.yield
    }) : () -> ()
    return
  }
}

module attributes {stable_mosaic.version = 14 : i64} {
  func.func @body(%arg0: memref<10240x128xf32, #tpu.memory_space<vmem>>, %arg1: memref<2x10240x128xf32, #tpu.memory_space<vmem>>, %arg2: memref<10240x128xf32, #tpu.memory_space<vmem>>, %arg3: memref<10240x1xf32, #tpu.memory_space<vmem>>) attributes {dimension_semantics = [], scalar_prefetch = 0 : i64, scratch_operands = 0 : i64, tpu.core_type = #tpu.core_type<tc>} {
    %get3A = arith.constant 0 : index
    %get3A_0 = arith.constant 0 : index
    %get3A_1 = arith.constant 0 : index
    %get3A_2 = vector.load %arg1[%get3A, %get3A_0, %get3A_1] : memref<2x10240x128xf32, #tpu.memory_space<vmem>>, vector<1x10240x128xf32>
    %get3A_3 = vector.shape_cast %get3A_2 : vector<1x10240x128xf32> to vector<10240x128xf32>
    %slice3A = vector.extract_strided_slice %get3A_3 {offsets = [0, 0], sizes = [10240, 1], strides = [1, 1]} : vector<10240x128xf32> to vector<10240x1xf32>
    %get3A_4 = arith.constant 1 : index
    %get3A_5 = arith.constant 0 : index
    %get3A_6 = arith.constant 0 : index
    %get3A_7 = vector.load %arg1[%get3A_4, %get3A_5, %get3A_6] : memref<2x10240x128xf32, #tpu.memory_space<vmem>>, vector<1x10240x128xf32>
    %get3A_8 = vector.shape_cast %get3A_7 : vector<1x10240x128xf32> to vector<10240x128xf32>
    %slice3A_9 = vector.extract_strided_slice %get3A_8 {offsets = [0, 0], sizes = [10240, 1], strides = [1, 1]} : vector<10240x128xf32> to vector<10240x1xf32>
    %add3A = arith.addf %slice3A, %slice3A_9 : vector<10240x1xf32>
    %add3A_10 = arith.constant 1.000000e+00 : f32
    %add3A_11 = vector.broadcast %add3A_10 : f32 to vector<10240x1xf32>
    %add3A_12 = arith.addf %add3A, %add3A_11 : vector<10240x1xf32>
    %rsqrt3A = math.rsqrt %add3A_12 : vector<10240x1xf32>
    %get3A_13 = arith.constant 0 : index
    %get3A_14 = arith.constant 0 : index
    %get3A_15 = vector.load %arg0[%get3A_13, %get3A_14] : memref<10240x128xf32, #tpu.memory_space<vmem>>, vector<10240x128xf32>
    %mul3A = vector.broadcast %rsqrt3A : vector<10240x1xf32> to vector<10240x128xf32>
    %mul3A_16 = arith.mulf %get3A_15, %mul3A : vector<10240x128xf32>
    %swap3A = arith.constant 0 : index
    %swap3A_17 = arith.constant 0 : index
    %swap3A_18 = vector.load %arg2[%swap3A, %swap3A_17] : memref<10240x128xf32, #tpu.memory_space<vmem>>, vector<10240x128xf32>
    tpu.vector_store %arg2[%swap3A, %swap3A_17], %mul3A_16 {strides = array<i32>} : memref<10240x128xf32, #tpu.memory_space<vmem>>, vector<10240x128xf32>,
    %swap3A_19 = arith.constant 0 : index
    %swap3A_20 = arith.constant 0 : index
    %swap3A_21 = vector.load %arg3[%swap3A_19, %swap3A_20] : memref<10240x1xf32, #tpu.memory_space<vmem>>, vector<10240x1xf32>
    tpu.vector_store %arg3[%swap3A_19, %swap3A_20], %rsqrt3A {strides = array<i32>} : memref<10240x1xf32, #tpu.memory_space<vmem>>, vector<10240x1xf32>,
    return
  }
}

module attributes {stable_mosaic.version = 14 : i64} {
  func.func @body(%arg0: memref<10240x128xf32, #tpu.memory_space<vmem>>, %arg1: memref<128x128xf32, #tpu.memory_space<vmem>>, %arg2: memref<10240x128xf32, #tpu.memory_space<vmem>>) attributes {dimension_semantics = [], scalar_prefetch = 0 : i64, scratch_operands = 0 : i64, tpu.core_type = #tpu.core_type<tc>} {
    %get3A = arith.constant 0 : index
    %get3A_0 = arith.constant 0 : index
    %get3A_1 = vector.load %arg0[%get3A, %get3A_0] : memref<10240x128xf32, #tpu.memory_space<vmem>>, vector<10240x128xf32>
    %get3A_2 = arith.constant 0 : index
    %get3A_3 = arith.constant 0 : index
    %get3A_4 = vector.load %arg1[%get3A_2, %get3A_3] : memref<128x128xf32, #tpu.memory_space<vmem>>, vector<128x128xf32>
    %dot_general3A = arith.constant dense<0.000000e+00> : vector<10240x128xf32>
    %dot_general3A_5 = tpu.matmul %get3A_1, %get3A_4, %dot_general3A {dimension_numbers = #tpu.dot_dimension_numbers<[1], [0], [0], [1], [0, 0, 1, 1], [], []>, transpose_lhs_hint = false} : vector<10240x128xf32>, vector<128x128xf32>, vector<10240x128xf32> -> vector<10240x128xf32>
    %swap3A = arith.constant 0 : index
    %swap3A_6 = arith.constant 0 : index
    %swap3A_7 = vector.load %arg2[%swap3A, %swap3A_6] : memref<10240x128xf32, #tpu.memory_space<vmem>>, vector<10240x128xf32>
    tpu.vector_store %arg2[%swap3A, %swap3A_6], %dot_general3A_5 {strides = array<i32>} : memref<10240x128xf32, #tpu.memory_space<vmem>>, vector<10240x128xf32>,
    return
  }
}

module attributes {stable_mosaic.version = 14 : i64} {
  func.func @body(%arg0: memref<2x10240x128xf32, #tpu.memory_space<vmem>>, %arg1: memref<10240x1xf32, #tpu.memory_space<vmem>>, %arg2: memref<10240x128xf32, #tpu.memory_space<vmem>>, %arg3: memref<1x128xf32, #tpu.memory_space<vmem>>, %arg4: memref<128x128xf32, #tpu.memory_space<vmem>>, %arg5: memref<10240x128xf32, #tpu.memory_space<vmem>>) attributes {dimension_semantics = [], scalar_prefetch = 0 : i64, scratch_operands = 0 : i64, tpu.core_type = #tpu.core_type<tc>} {
    %get3A = arith.constant 0 : index
    %get3A_0 = arith.constant 0 : index
    %get3A_1 = vector.load %arg1[%get3A, %get3A_0] : memref<10240x1xf32, #tpu.memory_space<vmem>>, vector<10240x1xf32>
    %get3A_2 = arith.constant 0 : index
    %get3A_3 = arith.constant 0 : index
    %get3A_4 = arith.constant 0 : index
    %get3A_5 = vector.load %arg0[%get3A_2, %get3A_3, %get3A_4] : memref<2x10240x128xf32, #tpu.memory_space<vmem>>, vector<1x10240x128xf32>
    %get3A_6 = vector.shape_cast %get3A_5 : vector<1x10240x128xf32> to vector<10240x128xf32>
    %get3A_7 = arith.constant 1 : index
    %get3A_8 = arith.constant 0 : index
    %get3A_9 = arith.constant 0 : index
    %get3A_10 = vector.load %arg0[%get3A_7, %get3A_8, %get3A_9] : memref<2x10240x128xf32, #tpu.memory_space<vmem>>, vector<1x10240x128xf32>
    %get3A_11 = vector.shape_cast %get3A_10 : vector<1x10240x128xf32> to vector<10240x128xf32>
    %add3A = arith.addf %get3A_6, %get3A_11 : vector<10240x128xf32>
    %get3A_12 = arith.constant 0 : index
    %get3A_13 = arith.constant 0 : index
    %get3A_14 = vector.load %arg2[%get3A_12, %get3A_13] : memref<10240x128xf32, #tpu.memory_space<vmem>>, vector<10240x128xf32>
    %add3A_15 = arith.addf %add3A, %get3A_14 : vector<10240x128xf32>
    %mul3A = vector.broadcast %get3A_1 : vector<10240x1xf32> to vector<10240x128xf32>
    %mul3A_16 = arith.mulf %add3A_15, %mul3A : vector<10240x128xf32>
    %get3A_17 = arith.constant 0 : index
    %get3A_18 = arith.constant 0 : index
    %get3A_19 = vector.load %arg3[%get3A_17, %get3A_18] : memref<1x128xf32, #tpu.memory_space<vmem>>, vector<1x128xf32>
    %add3A_20 = vector.broadcast %get3A_19 : vector<1x128xf32> to vector<10240x128xf32>
    %add3A_21 = arith.addf %mul3A_16, %add3A_20 : vector<10240x128xf32>
    %max3A = arith.constant 0.000000e+00 : f32
    %max3A_22 = vector.broadcast %max3A : f32 to vector<10240x128xf32>
    %max3A_23 = arith.maximumf %add3A_21, %max3A_22 : vector<10240x128xf32>
    %get3A_24 = arith.constant 0 : index
    %get3A_25 = arith.constant 0 : index
    %get3A_26 = vector.load %arg4[%get3A_24, %get3A_25] : memref<128x128xf32, #tpu.memory_space<vmem>>, vector<128x128xf32>
    %dot_general3A = arith.constant dense<0.000000e+00> : vector<10240x128xf32>
    %dot_general3A_27 = tpu.matmul %max3A_23, %get3A_26, %dot_general3A {dimension_numbers = #tpu.dot_dimension_numbers<[1], [0], [0], [1], [0, 0, 1, 1], [], []>, transpose_lhs_hint = false} : vector<10240x128xf32>, vector<128x128xf32>, vector<10240x128xf32> -> vector<10240x128xf32>
    %mul3A_28 = vector.broadcast %get3A_1 : vector<10240x1xf32> to vector<10240x128xf32>
    %mul3A_29 = arith.mulf %dot_general3A_27, %mul3A_28 : vector<10240x128xf32>
    %swap3A = arith.constant 0 : index
    %swap3A_30 = arith.constant 0 : index
    %swap3A_31 = vector.load %arg5[%swap3A, %swap3A_30] : memref<10240x128xf32, #tpu.memory_space<vmem>>, vector<10240x128xf32>
    tpu.vector_store %arg5[%swap3A, %swap3A_30], %mul3A_29 {strides = array<i32>} : memref<10240x128xf32, #tpu.memory_space<vmem>>, vector<10240x128xf32>,
    return
  }
}

module attributes {stable_mosaic.version = 14 : i64} {
  func.func @body(%arg0: memref<2x10240x128xf32, #tpu.memory_space<vmem>>, %arg1: memref<10240x1xf32, #tpu.memory_space<vmem>>, %arg2: memref<10240x128xf32, #tpu.memory_space<vmem>>, %arg3: memref<1x128xf32, #tpu.memory_space<vmem>>, %arg4: memref<10000x16xf32, #tpu.memory_space<vmem>>) attributes {dimension_semantics = [], scalar_prefetch = 0 : i64, scratch_operands = 0 : i64, tpu.core_type = #tpu.core_type<tc>} {
    %get3A = arith.constant 0 : index
    %get3A_0 = arith.constant 0 : index
    %get3A_1 = arith.constant 0 : index
    %get3A_2 = vector.load %arg0[%get3A, %get3A_0, %get3A_1] : memref<2x10240x128xf32, #tpu.memory_space<vmem>>, vector<1x10240x128xf32>
    %get3A_3 = vector.shape_cast %get3A_2 : vector<1x10240x128xf32> to vector<10240x128xf32>
    %get3A_4 = arith.constant 1 : index
    %get3A_5 = arith.constant 0 : index
    %get3A_6 = arith.constant 0 : index
    %get3A_7 = vector.load %arg0[%get3A_4, %get3A_5, %get3A_6] : memref<2x10240x128xf32, #tpu.memory_space<vmem>>, vector<1x10240x128xf32>
    %get3A_8 = vector.shape_cast %get3A_7 : vector<1x10240x128xf32> to vector<10240x128xf32>
    %add3A = arith.addf %get3A_3, %get3A_8 : vector<10240x128xf32>
    %get3A_9 = arith.constant 0 : index
    %get3A_10 = arith.constant 0 : index
    %get3A_11 = vector.load %arg2[%get3A_9, %get3A_10] : memref<10240x128xf32, #tpu.memory_space<vmem>>, vector<10240x128xf32>
    %add3A_12 = arith.addf %add3A, %get3A_11 : vector<10240x128xf32>
    %get3A_13 = arith.constant 0 : index
    %get3A_14 = arith.constant 0 : index
    %get3A_15 = vector.load %arg1[%get3A_13, %get3A_14] : memref<10240x1xf32, #tpu.memory_space<vmem>>, vector<10240x1xf32>
    %mul3A = vector.broadcast %get3A_15 : vector<10240x1xf32> to vector<10240x128xf32>
    %mul3A_16 = arith.mulf %add3A_12, %mul3A : vector<10240x128xf32>
    %get3A_17 = arith.constant 0 : index
    %get3A_18 = arith.constant 0 : index
    %get3A_19 = vector.load %arg3[%get3A_17, %get3A_18] : memref<1x128xf32, #tpu.memory_space<vmem>>, vector<1x128xf32>
    %add3A_20 = vector.broadcast %get3A_19 : vector<1x128xf32> to vector<10240x128xf32>
    %add3A_21 = arith.addf %mul3A_16, %add3A_20 : vector<10240x128xf32>
    %slice3A = vector.extract_strided_slice %add3A_21 {offsets = [0, 0], sizes = [10000, 16], strides = [1, 1]} : vector<10240x128xf32> to vector<10000x16xf32>
    %swap3A = arith.constant 0 : index
    %swap3A_22 = arith.constant 0 : index
    %swap3A_23 = vector.load %arg4[%swap3A, %swap3A_22] : memref<10000x16xf32, #tpu.memory_space<vmem>>, vector<10000x16xf32>
    tpu.vector_store %arg4[%swap3A, %swap3A_22], %slice3A {strides = array<i32>} : memref<10000x16xf32, #tpu.memory_space<vmem>>, vector<10000x16xf32>,
    return
  }
}

</mosaic_0001>

<sc_bundles>
// kernel: kernel.13.cloned.1.call-start
scs
__scs_entry_jumppad:
0x0: {  	(pc) =	sbr.rel $0x88, $3  }
0x1: {  	(tag) =	ssettag $0x0;
	lr =	simm.s32 $0x1  }
0x2: {  	[smem:$0x3F97] =	sst lr;
	_ =	strace $0xD0000000  }
0x3: {  	_ = 	snop  }
0x4: {  	_ = 	snop  }
0x5: {  	_ = 	snop  }
0x6: {  	_ = 	snop  }
0x7: {  	_ = 	snop  }
__scs_overlays_trampoline_lowered:
0x8: {  	[smem:$0x3FA6] =	sst s0  }
0x9: {  	[smem:$0x3FA7] =	sst s1  }
0xa: {  	[smem:$0x3FA8] =	sst s2  }
0xb: {  	[smem:$0x3FA9] =	sst s3  }
0xc: {  	[smem:$0x3FAA] =	sst s4  }
0xd: {  	[smem:$0x3FAB] =	sst s5  }
0xe: {  	[smem:$0x3FAC] =	sst s6  }
0xf: {  	[smem:$0x3FAD] =	sst s7  }
0x10: {  	[smem:$0x3FAE] =	sst s8  }
0x11: {  	[smem:$0x3FAF] =	sst s9;
	s0 =	simm.s32 @!p0 $0x0  }
0x12: {  	s1 =	sld [smem:$0x3F95];
	s0 =	simm.s32 @p0 $0x1  }
0x13: {  	[smem:$0x3FB0] =	sst s0;
	s0 =	simm.s32 @!p1 $0x0  }
0x14: {  	s2 =	sld [smem:$0x3F94];
	s0 =	simm.s32 @p1 $0x1  }
0x15: {  	[smem:$0x3FB1] =	sst s0;
	s0 =	simm.s32 @!p2 $0x0  }
0x16: {  	s3 =	sld [smem:$0x3FDB];
	s0 =	simm.s32 @p2 $0x1  }
0x17: {  	s4 =	simm.s32 $0x1BF5;
	[smem:$0x3FB3] =	sst s0  }
0x18: {  	s0 =	sld [smem:$0x3F96];
	_ =	swait.ge [sflag:s4], $0x0  }
0x19: {  	s7 =	sld [smem:$0x3F97]  }
0x1a: {  	s8 =	sadd.s32 $0xFFFFE003, lr  }
0x1b: {  	s9 =	sadd.s32 $0xFFFFFEF7, lr;
	s5 =	simm.s32 $0xFFFFFFFF;
	p2 =	slt.u32 s8, $0xFFFFF086  }
0x1c: {  	p1 =	slt.u32 s9, $0xF7A;
	s5 =	simm.s32 @!p2 $0x0  }
0x1d: {  	s5 =	simm.s32 @p1 $0x1;
	p0 =	seq.s32 s7, s2  }
0x1e: {  	s7 =	smul.u32 @!p0 $0xF7A, s2;
	p2 =	seq.s32 @!p0 s5, $0x0  }
0x1f: {  	s9 =	smul.u32 $0xF7A, s1;
	s8 =	simm.s32 @!p0 $0x1BF5;
	p2 =	por !p2, p0  }
0x20: {  	[sflag:s8] =	ssyncset.s32 @!p0 $0xFFFFF086;
	s6 =	sadd.s32 @!p0 s3, s7;
	s7 =	simm.s32 @!p0 $0x108  }
0x21: {  	s3 =	sadd.s32 s3, s9;
	s6 =	sadd.s32 @!p0 $0x88, s6;
	s7 =	simm.s32 @p2 $0x1082  }
0x22: {  	[simem:s7], [sflag:s8] =	dma.local @!p0 [hbm:s6], $0xF7A  }
0x23: {  	s9 =	sor.u32 $0xD0000000, s2;
	s6 =	simm.s32 $0x108;
	_ =	swait.ge @!p0 [sflag:s8], $0x0  }
0x24: {  	s3 =	sadd.s32 $0x88, s3;
	s6 =	simm.s32 @!p1 $0x1082;
	[sflag:s4] =	ssyncset.s32 $0xFFFFF086  }
0x25: {  	[simem:s6], [sflag:s4] =	dma.local [hbm:s3], $0xF7A  }
0x26: {  	[smem:$0x3F97] =	sst s1;
	(tag) =	ssettag s2;
	_ =	strace s9  }
0x27: {  	s1 =	sld [smem:$0x3FA7]  }
0x28: {  	s2 =	sld [smem:$0x3FA8]  }
0x29: {  	s4 =	sld [smem:$0x3FAA]  }
0x2a: {  	p0 =	seq.s32 s5, $0x0;
	s5 =	sld [smem:$0x3FAB]  }
0x2b: {  	s6 =	sld [smem:$0x3FAC]  }
0x2c: {  	s7 =	sld [smem:$0x3FAD]  }
0x2d: {  	s3 =	simm.s32 $0x108;
	s8 =	sld [smem:$0x3FAE]  }
0x2e: {  	s3 =	simm.s32 @!p0 $0x1082;
	s9 =	sld [smem:$0x3FAF]  }
0x2f: {  	lr =	sadd.s32 s0, s3;
	s0 =	sld [smem:$0x3FA6]  }
0x30: {  	s3 =	sld [smem:$0x3FA9]  }
0x31: {  	[smem:$0x3FB2] =	sst s10  }
0x32: {  	s10 =	sld [smem:$0x3FB0];
	_ =	sdelay $0x3  }
0x33: {  	p0 =	seq.s32 s10, $0x1;
	s10 =	sld [smem:$0x3FB2];
	_ =	sdelay $0x3  }
0x34: {  	[smem:$0x3FB2] =	sst s10  }
0x35: {  	s10 =	sld [smem:$0x3FB1];
	_ =	sdelay $0x3  }
0x36: {  	p1 =	seq.s32 s10, $0x1;
	s10 =	sld [smem:$0x3FB2];
	_ =	sdelay $0x3  }
0x37: {  	[smem:$0x3FB2] =	sst s10  }
0x38: {  	s10 =	sld [smem:$0x3FB3]  }
0x39: {  	_ = 	snop;
	(pc) =	sbr.ind lr, $3  }
0x3a: {  	_ = 	snop  }
0x3b: {  	_ = 	snop  }
0x3c: {  	p2 =	seq.s32 s10, $0x1;
	s10 =	sld [smem:$0x3FB2]  }
0x3d: {  	_ =	shalt  }
0x3e: {  	_ =	shalt  }
0x3f: {  	_ =	shalt  }
0x40: {  	_ =	shalt  }
0x41: {  	_ =	shalt  }
0x42: {  	_ =	shalt  }
0x43: {  	_ =	shalt  }
0x44: {  	_ =	shalt  }
0x45: {  	_ =	shalt  }
0x46: {  	_ =	shalt  }
0x47: {  	_ =	shalt  }
0x48: {  	_ =	shalt  }
0x49: {  	_ =	shalt  }
0x4a: {  	_ =	shalt  }
0x4b: {  	_ =	shalt  }
0x4c: {  	_ =	shalt  }
0x4d: {  	_ =	shalt  }
0x4e: {  	_ =	shalt  }
0x4f: {  	_ =	shalt  }
0x50: {  	_ =	shalt  }
0x51: {  	_ =	shalt  }
0x52: {  	_ =	shalt  }
0x53: {  	_ =	shalt  }
0x54: {  	_ =	shalt  }
0x55: {  	_ =	shalt  }
0x56: {  	_ =	shalt  }
0x57: {  	_ =	shalt  }
0x58: {  	_ =	shalt  }
0x59: {  	_ =	shalt  }
0x5a: {  	_ =	shalt  }
0x5b: {  	_ =	shalt  }
0x5c: {  	_ =	shalt  }
0x5d: {  	_ =	shalt  }
0x5e: {  	_ =	shalt  }
0x5f: {  	_ =	shalt  }
0x60: {  	_ =	shalt  }
0x61: {  	_ =	shalt  }
0x62: {  	_ =	shalt  }
0x63: {  	_ =	shalt  }
0x64: {  	_ =	shalt  }
0x65: {  	_ =	shalt  }
0x66: {  	_ =	shalt  }
0x67: {  	_ =	shalt  }
0x68: {  	_ =	shalt  }
0x69: {  	_ =	shalt  }
0x6a: {  	_ =	shalt  }
0x6b: {  	_ =	shalt  }
0x6c: {  	_ =	shalt  }
0x6d: {  	_ =	shalt  }
0x6e: {  	_ =	shalt  }
0x6f: {  	_ =	shalt  }
0x70: {  	_ =	shalt  }
0x71: {  	_ =	shalt  }
0x72: {  	_ =	shalt  }
0x73: {  	_ =	shalt  }
0x74: {  	_ =	shalt  }
0x75: {  	_ =	shalt  }
0x76: {  	_ =	shalt  }
0x77: {  	_ =	shalt  }
0x78: {  	_ =	shalt  }
0x79: {  	_ =	shalt  }
0x7a: {  	_ =	shalt  }
0x7b: {  	_ =	shalt  }
0x7c: {  	_ =	shalt  }
0x7d: {  	_ =	shalt  }
0x7e: {  	_ =	shalt  }
0x7f: {  	_ =	shalt  }
0x80: {  	_ =	shalt  }
0x81: {  	_ =	shalt  }
0x82: {  	_ =	shalt  }
0x83: {  	_ =	shalt  }
0x84: {  	_ =	shalt  }
0x85: {  	_ =	shalt  }
0x86: {  	_ =	shalt  }
0x87: {  	_ =	shalt  }
.Lfunc_end0:
.L_simem_size_0:
called_computation_lowered:
.L_overlay_start_0:
0x88: {  	s2 =	sld [smem:$0x3FD9]  }
0x89: {  	s3 =	sld [smem:$0x3FFE];
	_ =	sdelay $0x1  }
0x8a: {  	s1 =	srdreg.scid  }
0x8b: {  	s0 =	sand.u32 $0x1, s1  }
0x8c: {  	s17 =	sshll.u32 s0, $0xA;
	s2 =	sadd.s32 s3, s2  }
0x8d: {  	s2 =	sadd.s32 s2, s17  }
0x8e: {  	[smem:$0x3FBE] =	sst s2  }
0x8f: {  	_ = 	snop  }
0x90: {  	s2 =	sld [smem:$0x3FD0];
	(tm) =	ssettm $0x1  }
0x91: {  	s18 =	sld [smem:$0x3FFB];
	_ =	sdelay $0x3  }
0x92: {  	_ =	strace s18  }
0x93: {  	s3 =	sld [smem:$0x3FFC];
	_ =	sdelay $0x3  }
0x94: {  	_ =	strace s3  }
0x95: {  	s3 =	sld [smem:$0x3FFD];
	_ =	sdelay $0x3  }
0x96: {  	_ =	strace s3  }
0x97: {  	_ =	strace $0x8FFFFFFF  }
0x98: {  	s19 =	sld [smem:$0x3FDB];
	_ =	sdelay $0x1  }
0x99: {  	s4 =	simm.s32 $_scs_section_size  }
0x9a: {  	s5 =	simm.s32 $_size__tile_overlayer_lowered;
	s6 =	simm.s32 $_tile_overlayer_lowered  }
0x9b: {  	s22 =	simm.s32 $0x1BFF;
	s21 =	sshll.u32 s6, $0x1;
	s3 =	sadd.s32 s4, s19  }
0x9c: {  	s7 =	simm.s32 $0x0;
	s20 =	sshll.u32 s5, $0x1;
	s5 =	sadd.s32 s21, s3  }
0x9d: {  	[timem:s7], [sflag:s22] =	dma.local [hbm:s5], s20  }
0x9e: {  	_ =	swait.ge [sflag:s22], s20  }
0x9f: {  	s4 =	ssub.s32 $0x0, s20;
	[sflag:s22] =	ssyncset.done $0x0  }
0xa0: {  	[sflag:s22] =	ssyncadd.s32 s4;
	_ =	sdelay $0x1  }
0xa1: {  	s23 =	simm.s32 $0x1B8B  }
0xa2: {  	_ =	swait.ge [sflag:s23], $0x1  }
0xa3: {  	[sflag:s23] =	ssyncset.done $0x0  }
0xa4: {  	s25 =	simm.s32 $0x1B8E;
	s24 =	sld [smem:$0x3FFE];
	[sflag:s23] =	ssyncadd.s32 $0xFFFFFFFF  }
0xa5: {  	s26 =	simm.s32 $execute0_lowered;
	[smem:$0x3FD2] =	sst s25  }
0xa6: {  	s5 =	sshll.u32 s26, $0x1;
	_ =	strace $0x80000046;
	[dreg:$0x1] =	wrdreg $0xFFFFFFFF  }
0xa7: {  	s28 =	simm.s32 $_size_execute0_lowered;
	s3 =	sadd.s32 s3, s5;
	[dreg:$0x0] =	wrdreg $0x0  }
0xa8: {  	s5 =	sshll.u32 s28, $0x1;
	[dreg:$0x2] =	wrdreg s3  }
0xa9: {  	[dreg:$0x3] =	wrdreg s5  }
0xaa: {  	[dreg:$0x4] =	wrdreg $0xC0  }
0xab: {  	_ =	task [dreg:s7], $0x5FFFF  }
0xac: {  	[dreg:$0x1] =	wrdreg $0xFFFFFFFF  }
0xad: {  	[dreg:$0x0] =	wrdreg $0x60  }
0xae: {  	[dreg:$0x2] =	wrdreg s24  }
0xaf: {  	[dreg:$0x3] =	wrdreg s2  }
0xb0: {  	[dreg:$0x4] =	wrdreg $0x4F800  }
0xb1: {  	[dreg:$0x5] =	wrdreg $0x9  }
0xb2: {  	_ =	task.clear_ibuf [dreg:s7], $0x6FFFF;
	_ =	strace $0x90000046  }
0xb3: {  	s29 =	simm.s32 $0x9;
	_ =	strace $0x80000048  }
0xb4: {  	_ =	swait.ge [sflag:s29], $0x1  }
0xb5: {  	[sflag:s29] =	ssyncadd.s32 $0xFFFFFFFF  }
0xb6: {  	_ =	strace $0x90000048  }
0xb7: {  	_ =	sfence  }
0xb8: {  	s30 =	sld [smem:$0x0];
	_ =	sdelay $0x2  }
0xb9: {  	s31 =	sshll.u32 s1, $0xD;
	s1 =	sshrl.u32 s1, $0x2  }
0xba: {  	s3 =	sand.u32 $0x4000, s31;
	s1 =	sadd.s32 s1, s30  }
0xbb: {  	s0 =	sor.u32 s3, s0;
	s1 =	sshll.u32 s1, $0x11  }
0xbc: {  	s0 =	sor.u32 s1, s0  }
0xbd: {  	s0 =	sadd.s32 $0x8F2B, s0  }
0xbe: {  	[sflag:s0] =	ssyncadd.remote.s32 $0x1  }
0xbf: {  	_ =	sfence.sel $0xFFFF  }
0xc0: {  	[dreg:$0x0] =	wrdreg $0xFFFFFFFF;
	(pc) =	sbr.abs _section_cstart, $3  }
0xc1: {  	[dreg:$0x1] =	wrdreg $0xFFFFFFFF  }
0xc2: {  	_ =	task.clear_ibuf [dreg:s7], $0x2FFFF;
	_ =	strace $0x9FFFFFFF  }
0xc3: {  	(tm) =	ssettm $0x7FFFFFFF  }
tec
execute0_lowered:
.L_overlay_start_1:
0x0: {  	(tag) =	ssettag $0x1  }
0x1: {  	s6 =	rddreg [dreg:$0x0]  }
0x2: {  	s2 =	rddreg [dreg:$0x1]  }
0x3: {  	s0 =	srdreg.scid;
	s3 =	rddreg [dreg:$0x2]  }
0x4: {  	s4 =	simm.s32 $0x0;
	s12 =	simm.s32 $0x1;
	s13 =	simm.s32 $0x50  }
0x5: {  	s14 =	simm.s32 $0xA0;
	s15 =	simm.s32 $0xF0;
	s16 =	simm.s32 $0x140  }
0x6: {  	s17 =	simm.s32 $0x190;
	s18 =	simm.s32 $0x1E0;
	s19 =	simm.s32 $0x230  }
0x7: {  	s20 =	simm.s32 $0x280;
	s5 =	sand.u32 $0x1, s0;
	s0 =	stileid.u32  }
0x8: {  	s21 =	simm.s32 $0x2D0;
	s23 =	simm.s32 $0x2;
	s8 =	smul.u32 $0x2800, s0  }
0x9: {  	s24 =	simm.s32 $0x0;
	[smem:$0x7FF] =	sst s4;
	s9 =	smul.u32 $0x28000, s5  }
0xa: {  	s1 =	sshll.u32 s5, $0x4;
	s5 =	ssub.s32 $0x2, s5;
	s10 =	smul.u32 $0x50000, s0  }
0xb: {  	s22 =	sshll.u32 s0, $0x6;
	s1 =	sor.u32 s0, s1;
	s30 =	sshrl.u32 s5, $0x1  }
0xc: {  	s7 =	smul.u32 $0x4E2, s1;
	s1 =	rddreg [dreg:$0x3];
	_ =	strace $0x80000047  }
0xd: {  	s9 =	sadd.s32 s8, s9;
	s8 =	sadd.s32 s8, s6;
	s31 =	sshrl.u32 s10, $0x2  }
0xe: {  	s11 =	ssub.s32 s5, s30;
	s9 =	sadd.s32 s9, s6;
	s10 =	sadd.s32 s31, s3  }
0xf: {  	s5 =	sadd.s32 $0x17200, s8;
	s7 =	sadd.s32 s7, s6;
	s6 =	sor.u32 $0x1C01, s22  }
0x10: {  	s8 =	sadd.s32 $0x3F200, s9;
	s9 =	smax.u32 s11, $0x1;
	s10 =	sshrl.u32 s10, $0x3  }
0x11: {  	s11 =	simm.s32 $0x2780;
	s22 =	sor.u32 $0x1C02, s22;
	s7 =	sadd.s32 $0xD400, s7  }
.LBB2_1:
0x12: {  	[spmem:s10], [sflag:s6] =	dma.local [hbm:s5], $0x2800  }
0x13: {  	[tilespmem:s11], [sflag:$0x1] =	stream.linear.gather [hbm4b:s2+s4], $0x2800, $0x38;
	[tilespmem:$0x18F80] =	vst v63  }
0x14: {  	_ = 	snop  }
0x15: {  	[tilespmem:s4], [sflag:$0x1] =	stream.linear.gather [hbm4b:s7+s4], $0x2710, $0x38;
	[tilespmem:$0x18F80] =	vst v63  }
0x16: {  	_ =	swait.ge [sflag:s12], $0x2800  }
0x17: {  	[sflag:s12] =	ssyncset.done $0x0  }
0x18: {  	[sflag:s12] =	ssyncadd.s32 $0xFFFFD800  }
0x19: {  	_ =	swait.ge [sflag:s12], $0x2800  }
0x1a: {  	[sflag:s12] =	ssyncset.done $0x0  }
0x1b: {  	[sflag:s12] =	ssyncadd.s32 $0xFFFFD800  }
0x1c: {  	_ =	swait.ge [sflag:s12], $0x2710  }
0x1d: {  	[sflag:s12] =	ssyncset.done $0x0  }
0x1e: {  	[sflag:s12] =	ssyncadd.s32 $0xFFFFD8F0  }
0x1f: {  	[bflag:$0x0] =	sbarrier.arrive $0xFFFF  }
0x20: {  	[spmem:s3] =	stream.indirect.scatter.add.f32 [tilespmem:s11], [sflag:$0x1], $0x80, s4, s13, $0xb8;
	[tilespmem:$0x18F80] =	vst v63  }
0x21: {  	_ = 	snop  }
0x22: {  	[spmem:s3] =	stream.indirect.scatter.add.f32 [tilespmem:s11], [sflag:$0x1], $0x80, s13, s13, $0xb8;
	[tilespmem:$0x18F80] =	vst v63  }
0x23: {  	_ = 	snop  }
0x24: {  	[spmem:s3] =	stream.indirect.scatter.add.f32 [tilespmem:s11], [sflag:$0x1], $0x80, s14, s13, $0xb8;
	[tilespmem:$0x18F80] =	vst v63  }
0x25: {  	_ = 	snop  }
0x26: {  	[spmem:s3] =	stream.indirect.scatter.add.f32 [tilespmem:s11], [sflag:$0x1], $0x80, s15, s13, $0xb8;
	[tilespmem:$0x18F80] =	vst v63  }
0x27: {  	_ = 	snop  }
0x28: {  	[spmem:s3] =	stream.indirect.scatter.add.f32 [tilespmem:s11], [sflag:$0x1], $0x80, s16, s13, $0xb8;
	[tilespmem:$0x18F80] =	vst v63  }
0x29: {  	_ = 	snop  }
0x2a: {  	[spmem:s3] =	stream.indirect.scatter.add.f32 [tilespmem:s11], [sflag:$0x1], $0x80, s17, s13, $0xb8;
	[tilespmem:$0x18F80] =	vst v63  }
0x2b: {  	_ = 	snop  }
0x2c: {  	[spmem:s3] =	stream.indirect.scatter.add.f32 [tilespmem:s11], [sflag:$0x1], $0x80, s18, s13, $0xb8;
	[tilespmem:$0x18F80] =	vst v63  }
0x2d: {  	_ = 	snop  }
0x2e: {  	[spmem:s3] =	stream.indirect.scatter.add.f32 [tilespmem:s11], [sflag:$0x1], $0x80, s19, s13, $0xb8;
	[tilespmem:$0x18F80] =	vst v63  }
0x2f: {  	_ = 	snop  }
0x30: {  	[spmem:s3] =	stream.indirect.scatter.add.f32 [tilespmem:s11], [sflag:$0x1], $0x80, s20, s13, $0xb8;
	[tilespmem:$0x18F80] =	vst v63  }
0x31: {  	_ = 	snop  }
0x32: {  	[spmem:s3] =	stream.indirect.scatter.add.f32 [tilespmem:s11], [sflag:$0x1], $0x80, s21, s13, $0xb8;
	[tilespmem:$0x18F80] =	vst v63  }
0x33: {  	_ =	swait.ge [sflag:s12], $0x2800  }
0x34: {  	[sflag:s12] =	ssyncset.done $0x0  }
0x35: {  	[sflag:s12] =	ssyncadd.s32 $0xFFFFD800  }
0x36: {  	_ =	swait.ge [sflag:s12], $0x2800  }
0x37: {  	[sflag:s12] =	ssyncset.done $0x0  }
0x38: {  	[sflag:s12] =	ssyncadd.s32 $0xFFFFD800  }
0x39: {  	_ =	swait.ge [sflag:s12], $0x2800  }
0x3a: {  	[sflag:s12] =	ssyncset.done $0x0  }
0x3b: {  	[sflag:s12] =	ssyncadd.s32 $0xFFFFD800  }
0x3c: {  	_ =	swait.ge [sflag:s12], $0x2800  }
0x3d: {  	[sflag:s12] =	ssyncset.done $0x0  }
0x3e: {  	[sflag:s12] =	ssyncadd.s32 $0xFFFFD800  }
0x3f: {  	_ =	swait.ge [sflag:s12], $0x2800  }
0x40: {  	[sflag:s12] =	ssyncset.done $0x0  }
0x41: {  	s25 =	simm.s32 $0x320;
	[sflag:s12] =	ssyncadd.s32 $0xFFFFD800  }
0x42: {  	[spmem:s3] =	stream.indirect.scatter.add.f32 [tilespmem:s11], [sflag:$0x1], $0x80, s25, s13, $0xb8;
	[tilespmem:$0x18F80] =	vst v63  }
0x43: {  	s29 =	simm.s32 $0x370  }
0x44: {  	[spmem:s3] =	stream.indirect.scatter.add.f32 [tilespmem:s11], [sflag:$0x1], $0x80, s29, s13, $0xb8;
	[tilespmem:$0x18F80] =	vst v63  }
0x45: {  	s30 =	simm.s32 $0x3C0  }
0x46: {  	[spmem:s3] =	stream.indirect.scatter.add.f32 [tilespmem:s11], [sflag:$0x1], $0x80, s30, s13, $0xb8;
	[tilespmem:$0x18F80] =	vst v63  }
0x47: {  	s31 =	simm.s32 $0x410;
	s26 =	simm.s32 $0x460;
	s25 =	simm.s32 $0xFFFF7680  }
0x48: {  	[spmem:s3] =	stream.indirect.scatter.add.f32 [tilespmem:s11], [sflag:$0x1], $0x80, s31, s13, $0xb8;
	[tilespmem:$0x18F80] =	vst v63  }
.LBB2_2:
0x49: {  	[spmem:s3] =	stream.indirect.scatter.add.f32 [tilespmem:s11], [sflag:$0x1], $0x80, s26, s13, $0xb8;
	[tilespmem:$0x18F80] =	vst v63  }
0x4a: {  	s26 =	smov.u32 s25  }
0x4b: {  	p0 =	sne.s32 s25, $0xFFFFF9C0;
	s25 =	sadd.s32 $0x640, s25;
	_ =	swait.ge [sflag:s12], $0x2800  }
0x4c: {  	[sflag:s12] =	ssyncset.done $0x0  }
0x4d: {  	[sflag:s12] =	ssyncadd.s32 $0xFFFFD800  }
0x4e: {  	_ =	swait.ge [sflag:s12], $0x2800  }
0x4f: {  	[sflag:s12] =	ssyncset.done $0x0  }
0x50: {  	[sflag:s12] =	ssyncadd.s32 $0xFFFFD800  }
0x51: {  	_ =	swait.ge [sflag:s12], $0x2800  }
0x52: {  	[sflag:s12] =	ssyncset.done $0x0  }
0x53: {  	[sflag:s12] =	ssyncadd.s32 $0xFFFFD800  }
0x54: {  	_ =	swait.ge [sflag:s12], $0x2800  }
0x55: {  	[sflag:s12] =	ssyncset.done $0x0  }
0x56: {  	[sflag:s12] =	ssyncadd.s32 $0xFFFFD800  }
0x57: {  	_ =	swait.ge [sflag:s12], $0x2800  }
0x58: {  	s26 =	sshra.s32 s26, $0x2;
	[sflag:s12] =	ssyncset.done $0x0  }
0x59: {  	s28 =	sadd.s32 $0x2710, s26;
	[sflag:s12] =	ssyncadd.s32 $0xFFFFD800  }
0x5a: {  	[spmem:s3] =	stream.indirect.scatter.add.f32 [tilespmem:s11], [sflag:$0x1], $0x80, s28, s13, $0xb8;
	[tilespmem:$0x18F80] =	vst v63  }
0x5b: {  	s28 =	sadd.s32 $0x2760, s26  }
0x5c: {  	[spmem:s3] =	stream.indirect.scatter.add.f32 [tilespmem:s11], [sflag:$0x1], $0x80, s28, s13, $0xb8;
	[tilespmem:$0x18F80] =	vst v63  }
.Ltmp0:
0x5d: {  	s28 =	sadd.s32 $0x27B0, s26;
	(pc) =	sbr.rel @p0 .LBB2_2-.Ltmp0, $4  }
0x5e: {  	[spmem:s3] =	stream.indirect.scatter.add.f32 [tilespmem:s11], [sflag:$0x1], $0x80, s28, s13, $0xb8;
	[tilespmem:$0x18F80] =	vst v63  }
0x5f: {  	s28 =	sadd.s32 $0x2800, s26  }
0x60: {  	[spmem:s3] =	stream.indirect.scatter.add.f32 [tilespmem:s11], [sflag:$0x1], $0x80, s28, s13, $0xb8;
	[tilespmem:$0x18F80] =	vst v63  }
0x61: {  	s26 =	sadd.s32 $0x2850, s26  }
0x62: {  	[spmem:s3] =	stream.indirect.scatter.add.f32 [tilespmem:s11], [sflag:$0x1], $0x80, s26, s13, $0xb8;
	[tilespmem:$0x18F80] =	vst v63  }
0x63: {  	_ =	swait.ge [sflag:s12], $0x2800  }
0x64: {  	[sflag:s12] =	ssyncset.done $0x0  }
0x65: {  	[sflag:s12] =	ssyncadd.s32 $0xFFFFD800  }
0x66: {  	_ =	swait.ge [sflag:s12], $0x2800  }
0x67: {  	[sflag:s12] =	ssyncset.done $0x0  }
0x68: {  	[sflag:s12] =	ssyncadd.s32 $0xFFFFD800  }
0x69: {  	_ =	swait.ge [sflag:s12], $0x2800  }
0x6a: {  	[sflag:s12] =	ssyncset.done $0x0  }
0x6b: {  	[sflag:s12] =	ssyncadd.s32 $0xFFFFD800  }
0x6c: {  	_ =	swait.ge [sflag:s12], $0x2800  }
0x6d: {  	[sflag:s12] =	ssyncset.done $0x0  }
0x6e: {  	[sflag:s12] =	ssyncadd.s32 $0xFFFFD800  }
0x6f: {  	_ =	swait.ge [sflag:s12], $0x2800  }
0x70: {  	[sflag:s12] =	ssyncset.done $0x0  }
0x71: {  	[sflag:s12] =	ssyncadd.s32 $0xFFFFD800  }
0x72: {  	_ =	swait.ge [sflag:s12], $0x2800  }
0x73: {  	[sflag:s12] =	ssyncset.done $0x0  }
0x74: {  	[sflag:s12] =	ssyncadd.s32 $0xFFFFD800  }
0x75: {  	_ =	swait.ge [sflag:s12], $0x2800  }
0x76: {  	[sflag:s12] =	ssyncset.done $0x0  }
0x77: {  	[sflag:s12] =	ssyncadd.s32 $0xFFFFD800  }
0x78: {  	_ =	swait.ge [sflag:s12], $0x2800  }
0x79: {  	[sflag:s12] =	ssyncset.done $0x0  }
0x7a: {  	[sflag:s12] =	ssyncadd.s32 $0xFFFFD800  }
0x7b: {  	_ =	swait.ge [sflag:s12], $0x2800  }
0x7c: {  	[sflag:s12] =	ssyncset.done $0x0  }
0x7d: {  	[sflag:s12] =	ssyncadd.s32 $0xFFFFD800  }
0x7e: {  	_ =	swait.ge [sflag:s12], $0x2800  }
0x7f: {  	s24 =	sadd.s32 $0x1, s24;
	[sflag:s12] =	ssyncset.done $0x0  }
0x80: {  	p0 =	sne.s32 s24, s9;
	[sflag:s12] =	ssyncadd.s32 $0xFFFFD800  }
.Ltmp1:
0x81: {  	[bflag:$0x0] =	sbarrier.arrive $0xFFFF;
	(pc) =	sbr.rel @p0 .LBB2_1-.Ltmp1, $4  }
0x82: {  	[hbm:s8], [sflag:s22] =	dma.local [spmem:s10], $0x2800  }
0x83: {  	_ =	swait.ge [sflag:s23], $0x2800  }
0x84: {  	[sflag:s23] =	ssyncset.done $0x0  }
0x85: {  	[sflag:s23] =	ssyncadd.s32 $0xFFFFD800  }
0x86: {  	_ =	sfence.sel $0x180000  }
0x87: {  	[bflag:$0x0] =	sbarrier.arrive $0xFFFF  }
0x88: {  	p0 =	sne.s32 s0, $0x0;
	_ =	strace $0x90000047  }
0x89: {  	s0 =	sadd.s32 @!p0 $0x100000, s1;
	[bflag:$0x2] =	sbarrier.arrive $0xFFFF  }
0x8a: {  	[sflag:s0] =	ssyncadd.tile.s32 @!p0 $0x1;
	_ =	shalt  }
.Lfunc_end2:
_tile_overlayer_lowered:
.L_overlay_start_2:
0x8b: {  	(tag) =	ssettag $0x2  }
0x8c: {  	s0 =	rddreg [dreg:$0x0];
	s2 =	stileid.u32  }
0x8d: {  	s1 =	rddreg [dreg:$0x1];
	p0 =	sne.s32 s2, $0x0  }
0x8e: {  	s3 =	rddreg [dreg:$0x2];
	[bflag:$0x3] =	sbarrier.arrive $0xFFFF;
	s2 =	simm.s32 @!p0 $0x1C02  }
0x8f: {  	[timem:s3], [sflag:s2] =	dma.local @!p0 [hbm:s0], s1  }
0x90: {  	s0 =	simm.s32 @!p0 $0x2  }
0x91: {  	_ =	swait.ge @!p0 [sflag:s0], s1  }
0x92: {  	s1 =	ssub.s32 @!p0 $0x0, s1;
	[sflag:s0] =	ssyncset.done @!p0 $0x0  }
0x93: {  	[sflag:s0] =	ssyncadd.s32 @!p0 s1  }
0x94: {  	[bflag:$0x3] =	sbarrier.arrive $0xFFFF  }
0x95: {  	_ =	shalt  }

// kernel: kernel.16.cloned.1.call-start
scs
__scs_entry_jumppad:
0x0: {  	(pc) =	sbr.rel $0x88, $3  }
0x1: {  	(tag) =	ssettag $0x0;
	lr =	simm.s32 $0x1  }
0x2: {  	[smem:$0x3F97] =	sst lr;
	_ =	strace $0xD0000000  }
0x3: {  	_ = 	snop  }
0x4: {  	_ = 	snop  }
0x5: {  	_ = 	snop  }
0x6: {  	_ = 	snop  }
0x7: {  	_ = 	snop  }
__scs_overlays_trampoline_lowered:
0x8: {  	[smem:$0x3FA6] =	sst s0  }
0x9: {  	[smem:$0x3FA7] =	sst s1  }
0xa: {  	[smem:$0x3FA8] =	sst s2  }
0xb: {  	[smem:$0x3FA9] =	sst s3  }
0xc: {  	[smem:$0x3FAA] =	sst s4  }
0xd: {  	[smem:$0x3FAB] =	sst s5  }
0xe: {  	[smem:$0x3FAC] =	sst s6  }
0xf: {  	[smem:$0x3FAD] =	sst s7  }
0x10: {  	[smem:$0x3FAE] =	sst s8  }
0x11: {  	[smem:$0x3FAF] =	sst s9;
	s0 =	simm.s32 @!p0 $0x0  }
0x12: {  	s1 =	sld [smem:$0x3F95];
	s0 =	simm.s32 @p0 $0x1  }
0x13: {  	[smem:$0x3FB0] =	sst s0;
	s0 =	simm.s32 @!p1 $0x0  }
0x14: {  	s2 =	sld [smem:$0x3F94];
	s0 =	simm.s32 @p1 $0x1  }
0x15: {  	[smem:$0x3FB1] =	sst s0;
	s0 =	simm.s32 @!p2 $0x0  }
0x16: {  	s3 =	sld [smem:$0x3FDB];
	s0 =	simm.s32 @p2 $0x1  }
0x17: {  	s4 =	simm.s32 $0x1BF5;
	[smem:$0x3FB3] =	sst s0  }
0x18: {  	s0 =	sld [smem:$0x3F96];
	_ =	swait.ge [sflag:s4], $0x0  }
0x19: {  	s7 =	sld [smem:$0x3F97]  }
0x1a: {  	s8 =	sadd.s32 $0xFFFFE003, lr  }
0x1b: {  	s9 =	sadd.s32 $0xFFFFFEF7, lr;
	s5 =	simm.s32 $0xFFFFFFFF;
	p2 =	slt.u32 s8, $0xFFFFF086  }
0x1c: {  	p1 =	slt.u32 s9, $0xF7A;
	s5 =	simm.s32 @!p2 $0x0  }
0x1d: {  	s5 =	simm.s32 @p1 $0x1;
	p0 =	seq.s32 s7, s2  }
0x1e: {  	s7 =	smul.u32 @!p0 $0xF7A, s2;
	p2 =	seq.s32 @!p0 s5, $0x0  }
0x1f: {  	s9 =	smul.u32 $0xF7A, s1;
	s8 =	simm.s32 @!p0 $0x1BF5;
	p2 =	por !p2, p0  }
0x20: {  	[sflag:s8] =	ssyncset.s32 @!p0 $0xFFFFF086;
	s6 =	sadd.s32 @!p0 s3, s7;
	s7 =	simm.s32 @!p0 $0x108  }
0x21: {  	s3 =	sadd.s32 s3, s9;
	s6 =	sadd.s32 @!p0 $0x88, s6;
	s7 =	simm.s32 @p2 $0x1082  }
0x22: {  	[simem:s7], [sflag:s8] =	dma.local @!p0 [hbm:s6], $0xF7A  }
0x23: {  	s9 =	sor.u32 $0xD0000000, s2;
	s6 =	simm.s32 $0x108;
	_ =	swait.ge @!p0 [sflag:s8], $0x0  }
0x24: {  	s3 =	sadd.s32 $0x88, s3;
	s6 =	simm.s32 @!p1 $0x1082;
	[sflag:s4] =	ssyncset.s32 $0xFFFFF086  }
0x25: {  	[simem:s6], [sflag:s4] =	dma.local [hbm:s3], $0xF7A  }
0x26: {  	[smem:$0x3F97] =	sst s1;
	(tag) =	ssettag s2;
	_ =	strace s9  }
0x27: {  	s1 =	sld [smem:$0x3FA7]  }
0x28: {  	s2 =	sld [smem:$0x3FA8]  }
0x29: {  	s4 =	sld [smem:$0x3FAA]  }
0x2a: {  	p0 =	seq.s32 s5, $0x0;
	s5 =	sld [smem:$0x3FAB]  }
0x2b: {  	s6 =	sld [smem:$0x3FAC]  }
0x2c: {  	s7 =	sld [smem:$0x3FAD]  }
0x2d: {  	s3 =	simm.s32 $0x108;
	s8 =	sld [smem:$0x3FAE]  }
0x2e: {  	s3 =	simm.s32 @!p0 $0x1082;
	s9 =	sld [smem:$0x3FAF]  }
0x2f: {  	lr =	sadd.s32 s0, s3;
	s0 =	sld [smem:$0x3FA6]  }
0x30: {  	s3 =	sld [smem:$0x3FA9]  }
0x31: {  	[smem:$0x3FB2] =	sst s10  }
0x32: {  	s10 =	sld [smem:$0x3FB0];
	_ =	sdelay $0x3  }
0x33: {  	p0 =	seq.s32 s10, $0x1;
	s10 =	sld [smem:$0x3FB2];
	_ =	sdelay $0x3  }
0x34: {  	[smem:$0x3FB2] =	sst s10  }
0x35: {  	s10 =	sld [smem:$0x3FB1];
	_ =	sdelay $0x3  }
0x36: {  	p1 =	seq.s32 s10, $0x1;
	s10 =	sld [smem:$0x3FB2];
	_ =	sdelay $0x3  }
0x37: {  	[smem:$0x3FB2] =	sst s10  }
0x38: {  	s10 =	sld [smem:$0x3FB3]  }
0x39: {  	_ = 	snop;
	(pc) =	sbr.ind lr, $3  }
0x3a: {  	_ = 	snop  }
0x3b: {  	_ = 	snop  }
0x3c: {  	p2 =	seq.s32 s10, $0x1;
	s10 =	sld [smem:$0x3FB2]  }
0x3d: {  	_ =	shalt  }
0x3e: {  	_ =	shalt  }
0x3f: {  	_ =	shalt  }
0x40: {  	_ =	shalt  }
0x41: {  	_ =	shalt  }
0x42: {  	_ =	shalt  }
0x43: {  	_ =	shalt  }
0x44: {  	_ =	shalt  }
0x45: {  	_ =	shalt  }
0x46: {  	_ =	shalt  }
0x47: {  	_ =	shalt  }
0x48: {  	_ =	shalt  }
0x49: {  	_ =	shalt  }
0x4a: {  	_ =	shalt  }
0x4b: {  	_ =	shalt  }
0x4c: {  	_ =	shalt  }
0x4d: {  	_ =	shalt  }
0x4e: {  	_ =	shalt  }
0x4f: {  	_ =	shalt  }
0x50: {  	_ =	shalt  }
0x51: {  	_ =	shalt  }
0x52: {  	_ =	shalt  }
0x53: {  	_ =	shalt  }
0x54: {  	_ =	shalt  }
0x55: {  	_ =	shalt  }
0x56: {  	_ =	shalt  }
0x57: {  	_ =	shalt  }
0x58: {  	_ =	shalt  }
0x59: {  	_ =	shalt  }
0x5a: {  	_ =	shalt  }
0x5b: {  	_ =	shalt  }
0x5c: {  	_ =	shalt  }
0x5d: {  	_ =	shalt  }
0x5e: {  	_ =	shalt  }
0x5f: {  	_ =	shalt  }
0x60: {  	_ =	shalt  }
0x61: {  	_ =	shalt  }
0x62: {  	_ =	shalt  }
0x63: {  	_ =	shalt  }
0x64: {  	_ =	shalt  }
0x65: {  	_ =	shalt  }
0x66: {  	_ =	shalt  }
0x67: {  	_ =	shalt  }
0x68: {  	_ =	shalt  }
0x69: {  	_ =	shalt  }
0x6a: {  	_ =	shalt  }
0x6b: {  	_ =	shalt  }
0x6c: {  	_ =	shalt  }
0x6d: {  	_ =	shalt  }
0x6e: {  	_ =	shalt  }
0x6f: {  	_ =	shalt  }
0x70: {  	_ =	shalt  }
0x71: {  	_ =	shalt  }
0x72: {  	_ =	shalt  }
0x73: {  	_ =	shalt  }
0x74: {  	_ =	shalt  }
0x75: {  	_ =	shalt  }
0x76: {  	_ =	shalt  }
0x77: {  	_ =	shalt  }
0x78: {  	_ =	shalt  }
0x79: {  	_ =	shalt  }
0x7a: {  	_ =	shalt  }
0x7b: {  	_ =	shalt  }
0x7c: {  	_ =	shalt  }
0x7d: {  	_ =	shalt  }
0x7e: {  	_ =	shalt  }
0x7f: {  	_ =	shalt  }
0x80: {  	_ =	shalt  }
0x81: {  	_ =	shalt  }
0x82: {  	_ =	shalt  }
0x83: {  	_ =	shalt  }
0x84: {  	_ =	shalt  }
0x85: {  	_ =	shalt  }
0x86: {  	_ =	shalt  }
0x87: {  	_ =	shalt  }
.Lfunc_end0:
.L_simem_size_0:
called_computation.1_lowered:
.L_overlay_start_0:
0x88: {  	s2 =	sld [smem:$0x3FD9]  }
0x89: {  	s3 =	sld [smem:$0x3FFE];
	_ =	sdelay $0x1  }
0x8a: {  	s1 =	srdreg.scid  }
0x8b: {  	s0 =	sand.u32 $0x1, s1  }
0x8c: {  	s16 =	sshll.u32 s0, $0xA;
	s2 =	sadd.s32 s3, s2  }
0x8d: {  	s2 =	sadd.s32 s2, s16  }
0x8e: {  	[smem:$0x3FBE] =	sst s2  }
0x8f: {  	_ = 	snop  }
0x90: {  	(tm) =	ssettm $0x1  }
0x91: {  	s17 =	sld [smem:$0x3FFB];
	_ =	sdelay $0x3  }
0x92: {  	_ =	strace s17  }
0x93: {  	s2 =	sld [smem:$0x3FFC];
	_ =	sdelay $0x3  }
0x94: {  	_ =	strace s2  }
0x95: {  	s2 =	sld [smem:$0x3FFD];
	_ =	sdelay $0x3  }
0x96: {  	_ =	strace s2  }
0x97: {  	_ =	strace $0x8FFFFFFF  }
0x98: {  	s18 =	sld [smem:$0x3FDB];
	_ =	sdelay $0x1  }
0x99: {  	s19 =	simm.s32 $_scs_section_size  }
0x9a: {  	s4 =	simm.s32 $_size__tile_overlayer_lowered;
	s5 =	simm.s32 $_tile_overlayer_lowered  }
0x9b: {  	s22 =	simm.s32 $0x1BFF;
	s21 =	sshll.u32 s5, $0x1;
	s2 =	sadd.s32 s19, s18  }
0x9c: {  	s6 =	simm.s32 $0x0;
	s20 =	sshll.u32 s4, $0x1;
	s4 =	sadd.s32 s21, s2  }
0x9d: {  	[timem:s6], [sflag:s22] =	dma.local [hbm:s4], s20  }
0x9e: {  	_ =	swait.ge [sflag:s22], s20  }
0x9f: {  	s3 =	ssub.s32 $0x0, s20;
	[sflag:s22] =	ssyncset.done $0x0  }
0xa0: {  	[sflag:s22] =	ssyncadd.s32 s3;
	_ =	sdelay $0x1  }
0xa1: {  	s23 =	simm.s32 $0x1B8B  }
0xa2: {  	_ =	swait.ge [sflag:s23], $0x1  }
0xa3: {  	[sflag:s23] =	ssyncset.done $0x0  }
0xa4: {  	s25 =	simm.s32 $0x1B8E;
	s24 =	sld [smem:$0x3FFE];
	[sflag:s23] =	ssyncadd.s32 $0xFFFFFFFF  }
0xa5: {  	s26 =	simm.s32 $execute0_lowered;
	[smem:$0x3FD2] =	sst s25  }
0xa6: {  	s4 =	sshll.u32 s26, $0x1;
	_ =	strace $0x80000049;
	[dreg:$0x1] =	wrdreg $0xFFFFFFFF  }
0xa7: {  	s28 =	simm.s32 $_size_execute0_lowered;
	s2 =	sadd.s32 s2, s4;
	[dreg:$0x0] =	wrdreg $0x0  }
0xa8: {  	s4 =	sshll.u32 s28, $0x1;
	[dreg:$0x2] =	wrdreg s2  }
0xa9: {  	[dreg:$0x3] =	wrdreg s4  }
0xaa: {  	[dreg:$0x4] =	wrdreg $0xC0  }
0xab: {  	_ =	task [dreg:s6], $0x5FFFF  }
0xac: {  	[dreg:$0x1] =	wrdreg $0xFFFFFFFF  }
0xad: {  	[dreg:$0x0] =	wrdreg $0x60  }
0xae: {  	[dreg:$0x2] =	wrdreg s24  }
0xaf: {  	[dreg:$0x3] =	wrdreg $0xB3000  }
0xb0: {  	[dreg:$0x4] =	wrdreg $0x9  }
0xb1: {  	_ =	task.clear_ibuf [dreg:s6], $0x5FFFF;
	_ =	strace $0x90000049  }
0xb2: {  	s29 =	simm.s32 $0x9;
	_ =	strace $0x8000004B  }
0xb3: {  	_ =	swait.ge [sflag:s29], $0x1  }
0xb4: {  	[sflag:s29] =	ssyncadd.s32 $0xFFFFFFFF  }
0xb5: {  	_ =	strace $0x9000004B  }
0xb6: {  	_ =	sfence  }
0xb7: {  	s30 =	sld [smem:$0x0];
	_ =	sdelay $0x2  }
0xb8: {  	s31 =	sshll.u32 s1, $0xD;
	s1 =	sshrl.u32 s1, $0x2  }
0xb9: {  	s3 =	sand.u32 $0x4000, s31;
	s1 =	sadd.s32 s1, s30  }
0xba: {  	s0 =	sor.u32 s3, s0;
	s1 =	sshll.u32 s1, $0x11  }
0xbb: {  	s0 =	sor.u32 s1, s0  }
0xbc: {  	s0 =	sadd.s32 $0x8F2B, s0  }
0xbd: {  	[sflag:s0] =	ssyncadd.remote.s32 $0x1  }
0xbe: {  	_ =	sfence.sel $0xFFFF  }
0xbf: {  	[dreg:$0x0] =	wrdreg $0xFFFFFFFF;
	(pc) =	sbr.abs _section_cstart, $3  }
0xc0: {  	[dreg:$0x1] =	wrdreg $0xFFFFFFFF  }
0xc1: {  	_ =	task.clear_ibuf [dreg:s6], $0x2FFFF;
	_ =	strace $0x9FFFFFFF  }
0xc2: {  	(tm) =	ssettm $0x7FFFFFFF  }
0xc3: {  	_ =	shalt  }
tec
execute0_lowered:
.L_overlay_start_1:
0x0: {  	(tag) =	ssettag $0x1  }
0x1: {  	s0 =	srdreg.scid  }
0x2: {  	s1 =	rddreg [dreg:$0x0];
	s10 =	stileid.u32  }
0x3: {  	s2 =	rddreg [dreg:$0x1];
	s14 =	simm.s32 $0x1;
	s15 =	simm.s32 $0x2  }
0x4: {  	s16 =	simm.s32 $0x3;
	s17 =	simm.s32 $0x28;
	s18 =	simm.s32 $0x4F00  }
0x5: {  	s19 =	simm.s32 $0x6300;
	s21 =	simm.s32 $0x7700;
	s23 =	simm.s32 $0x8B00  }
0x6: {  	s28 =	simm.s32 $0x5;
	s29 =	simm.s32 $0x6;
	s30 =	simm.s32 $0x7  }
0x7: {  	s31 =	simm.s32 $0x8;
	s20 =	simm.s32 $0xB;
	s6 =	smul.u32 $0x2800, s10  }
0x8: {  	s22 =	simm.s32 $0x0;
	s0 =	sand.u32 $0x1, s0;
	s24 =	smul.u32 $0x50000, s10  }
0x9: {  	s3 =	sshll.u32 s0, $0x4;
	s7 =	smul.u32 $0x28000, s0;
	s0 =	ssub.s32 $0x2, s0  }
0xa: {  	s4 =	sor.u32 s10, s3;
	s3 =	simm.s32 $0x0;
	s8 =	sadd.s32 s6, s1  }
0xb: {  	s25 =	sshrl.u32 s0, $0x1;
	s5 =	smul.u32 $0x4E2, s4;
	[smem:$0x7FF] =	sst s3  }
0xc: {  	s4 =	sadd.s32 $0x3F200, s1;
	s6 =	sadd.s32 s6, s7;
	s0 =	ssub.s32 s0, s25  }
0xd: {  	s26 =	sadd.s32 $0x17200, s8;
	s25 =	simm.s32 $0x9F00;
	_ =	strace $0x8000004A  }
0xe: {  	[dreg:$0x3] =	wrdreg s26;
	s11 =	smax.u32 s0, $0x1;
	s26 =	simm.s32 $0x4  }
0xf: {  	s0 =	simm.s32 $0xA;
	s9 =	sadd.s32 s5, s1;
	s5 =	sshrl.u32 s24, $0x2  }
0x10: {  	s1 =	sadd.s32 s6, s1;
	s6 =	sshll.u32 s10, $0x6;
	s12 =	sadd.s32 s5, s2  }
0x11: {  	s7 =	sor.u32 $0x1C01, s6;
	s8 =	sadd.s32 $0x3600, s9;
	s9 =	sadd.s32 $0xD400, s9  }
0x12: {  	s10 =	sadd.s32 $0x67200, s1;
	s1 =	simm.s32 $0x9;
	s12 =	sshrl.u32 s12, $0x3  }
.LBB2_1:
0x13: {  	s5 =	rddreg [dreg:$0x3]  }
0x14: {  	[spmem:s12], [sflag:s7] =	dma.local [hbm:s5], $0x2800  }
0x15: {  	[tilespmem:s3], [sflag:$0x2] =	stream.linear.gather [hbm4b:s8+s3], $0x2710, $0x38;
	[tilespmem:$0x1F300] =	vst v63  }
0x16: {  	s13 =	simm.s32 $0x2780  }
0x17: {  	[tilespmem:s13], [sflag:$0x3] =	stream.linear.gather [hbm4b:s9+s3], $0x2710, $0x38;
	[tilespmem:$0x1F300] =	vst v63  }
0x18: {  	_ =	swait.ge [sflag:s14], $0x2800  }
0x19: {  	[sflag:s14] =	ssyncset.done $0x0  }
0x1a: {  	[sflag:s14] =	ssyncadd.s32 $0xFFFFD800  }
0x1b: {  	_ =	swait.ge [sflag:s15], $0x2710  }
0x1c: {  	[sflag:s15] =	ssyncset.done $0x0  }
0x1d: {  	[sflag:s15] =	ssyncadd.s32 $0xFFFFD8F0  }
0x1e: {  	_ =	swait.ge [sflag:s16], $0x2710  }
0x1f: {  	[sflag:s16] =	ssyncset.done $0x0  }
0x20: {  	[sflag:s16] =	ssyncadd.s32 $0xFFFFD8F0  }
0x21: {  	[bflag:$0x0] =	sbarrier.arrive $0xFFFF  }
0x22: {  	[tilespmem:s18], [sflag:$0x1] =	stream.indirect.gather [hbm4b:s4+s17], $0x80, s3, s17, $0xb8;
	[tilespmem:$0x1F300] =	vst v63  }
0x23: {  	_ = 	snop  }
0x24: {  	[tilespmem:s19], [sflag:$0x2] =	stream.indirect.gather [hbm4b:s4+s17], $0x80, s17, s17, $0xb8;
	[tilespmem:$0x1F300] =	vst v63  }
0x25: {  	s24 =	simm.s32 $0x50  }
0x26: {  	[tilespmem:s21], [sflag:$0x3] =	stream.indirect.gather [hbm4b:s4+s17], $0x80, s24, s17, $0xb8;
	[tilespmem:$0x1F300] =	vst v63  }
0x27: {  	s13 =	simm.s32 $0x78  }
0x28: {  	[tilespmem:s23], [sflag:$0x4] =	stream.indirect.gather [hbm4b:s4+s17], $0x80, s13, s17, $0xb8;
	[tilespmem:$0x1F300] =	vst v63  }
0x29: {  	s24 =	simm.s32 $0xA0  }
0x2a: {  	[tilespmem:s25], [sflag:$0x5] =	stream.indirect.gather [hbm4b:s4+s17], $0x80, s24, s17, $0xb8;
	[tilespmem:$0x1F300] =	vst v63  }
0x2b: {  	_ =	swait.ge [sflag:s14], $0x1400  }
0x2c: {  	[sflag:s14] =	ssyncset.done $0x0  }
0x2d: {  	s13 =	simm.s32 $0x2780;
	[sflag:s14] =	ssyncadd.s32 $0xFFFFEC00  }
0x2e: {  	[spmem:s2] =	stream.indirect.scatter.add.f32 [tilespmem:s18], [sflag:$0x6], $0x80, s13, s17, $0xb8;
	[tilespmem:$0x1F300] =	vst v63  }
0x2f: {  	_ =	swait.ge [sflag:s15], $0x1400  }
0x30: {  	[sflag:s15] =	ssyncset.done $0x0  }
0x31: {  	s5 =	simm.s32 $0x27A8;
	[sflag:s15] =	ssyncadd.s32 $0xFFFFEC00  }
0x32: {  	[spmem:s2] =	stream.indirect.scatter.add.f32 [tilespmem:s19], [sflag:$0x7], $0x80, s5, s17, $0xb8;
	[tilespmem:$0x1F300] =	vst v63  }
0x33: {  	_ =	swait.ge [sflag:s16], $0x1400  }
0x34: {  	[sflag:s16] =	ssyncset.done $0x0  }
0x35: {  	s24 =	simm.s32 $0x27D0;
	[sflag:s16] =	ssyncadd.s32 $0xFFFFEC00  }
0x36: {  	[spmem:s2] =	stream.indirect.scatter.add.f32 [tilespmem:s21], [sflag:$0x8], $0x80, s24, s17, $0xb8;
	[tilespmem:$0x1F300] =	vst v63  }
0x37: {  	_ =	swait.ge [sflag:s26], $0x1400  }
0x38: {  	[sflag:s26] =	ssyncset.done $0x0  }
0x39: {  	s5 =	simm.s32 $0x27F8;
	[sflag:s26] =	ssyncadd.s32 $0xFFFFEC00  }
0x3a: {  	[spmem:s2] =	stream.indirect.scatter.add.f32 [tilespmem:s23], [sflag:$0x9], $0x80, s5, s17, $0xb8;
	[tilespmem:$0x1F300] =	vst v63  }
0x3b: {  	_ =	swait.ge [sflag:s28], $0x1400  }
0x3c: {  	[sflag:s28] =	ssyncset.done $0x0  }
0x3d: {  	s24 =	simm.s32 $0x2820;
	[sflag:s28] =	ssyncadd.s32 $0xFFFFEC00  }
0x3e: {  	[spmem:s2] =	stream.indirect.scatter.add.f32 [tilespmem:s25], [sflag:$0xA], $0x80, s24, s17, $0xb8;
	[tilespmem:$0x1F300] =	vst v63  }
0x3f: {  	_ =	swait.ge [sflag:s29], $0x1400  }
0x40: {  	[sflag:s29] =	ssyncset.done $0x0  }
0x41: {  	s5 =	simm.s32 $0xC8;
	[sflag:s29] =	ssyncadd.s32 $0xFFFFEC00  }
0x42: {  	[tilespmem:s18], [sflag:$0x1] =	stream.indirect.gather [hbm4b:s4+s17], $0x80, s5, s17, $0xb8;
	[tilespmem:$0x1F300] =	vst v63  }
0x43: {  	_ =	swait.ge [sflag:s30], $0x1400  }
0x44: {  	[sflag:s30] =	ssyncset.done $0x0  }
0x45: {  	s24 =	simm.s32 $0xF0;
	[sflag:s30] =	ssyncadd.s32 $0xFFFFEC00  }
0x46: {  	[tilespmem:s19], [sflag:$0x2] =	stream.indirect.gather [hbm4b:s4+s17], $0x80, s24, s17, $0xb8;
	[tilespmem:$0x1F300] =	vst v63  }
0x47: {  	_ =	swait.ge [sflag:s31], $0x1400  }
0x48: {  	[sflag:s31] =	ssyncset.done $0x0  }
0x49: {  	s5 =	simm.s32 $0x118;
	[sflag:s31] =	ssyncadd.s32 $0xFFFFEC00  }
0x4a: {  	[tilespmem:s21], [sflag:$0x3] =	stream.indirect.gather [hbm4b:s4+s17], $0x80, s5, s17, $0xb8;
	[tilespmem:$0x1F300] =	vst v63  }
0x4b: {  	_ =	swait.ge [sflag:s1], $0x1400  }
0x4c: {  	[sflag:s1] =	ssyncset.done $0x0  }
0x4d: {  	s24 =	simm.s32 $0x140;
	[sflag:s1] =	ssyncadd.s32 $0xFFFFEC00  }
0x4e: {  	[tilespmem:s23], [sflag:$0x4] =	stream.indirect.gather [hbm4b:s4+s17], $0x80, s24, s17, $0xb8;
	[tilespmem:$0x1F300] =	vst v63  }
0x4f: {  	_ =	swait.ge [sflag:s0], $0x1400  }
0x50: {  	[sflag:s0] =	ssyncset.done $0x0  }
0x51: {  	s13 =	simm.s32 $0x168;
	s24 =	simm.s32 $0x320;
	[sflag:s0] =	ssyncadd.s32 $0xFFFFEC00  }
.LBB2_2:
0x52: {  	[tilespmem:s25], [sflag:$0x5] =	stream.indirect.gather [hbm4b:s4+s17], $0x80, s13, s17, $0xb8;
	[tilespmem:$0x1F300] =	vst v63  }
0x53: {  	s13 =	smov.u32 s24  }
0x54: {  	p0 =	sne.s32 s24, $0x9600;
	s24 =	sadd.s32 $0x320, s24;
	_ =	swait.ge [sflag:s14], $0x1400  }
0x55: {  	s13 =	sshra.s32 s13, $0x2;
	[sflag:s14] =	ssyncset.done $0x0  }
0x56: {  	s5 =	sadd.s32 $0x2780, s13;
	[sflag:s14] =	ssyncadd.s32 $0xFFFFEC00  }
0x57: {  	[spmem:s2] =	stream.indirect.scatter.add.f32 [tilespmem:s18], [sflag:$0x6], $0x80, s5, s17, $0xb8;
	[tilespmem:$0x1F300] =	vst v63  }
0x58: {  	_ =	swait.ge [sflag:s15], $0x1400  }
0x59: {  	[sflag:s15] =	ssyncset.done $0x0  }
0x5a: {  	s5 =	sadd.s32 $0x27A8, s13;
	[sflag:s15] =	ssyncadd.s32 $0xFFFFEC00  }
0x5b: {  	[spmem:s2] =	stream.indirect.scatter.add.f32 [tilespmem:s19], [sflag:$0x7], $0x80, s5, s17, $0xb8;
	[tilespmem:$0x1F300] =	vst v63  }
0x5c: {  	_ =	swait.ge [sflag:s16], $0x1400  }
0x5d: {  	[sflag:s16] =	ssyncset.done $0x0  }
0x5e: {  	s5 =	sadd.s32 $0x27D0, s13;
	[sflag:s16] =	ssyncadd.s32 $0xFFFFEC00  }
0x5f: {  	[spmem:s2] =	stream.indirect.scatter.add.f32 [tilespmem:s21], [sflag:$0x8], $0x80, s5, s17, $0xb8;
	[tilespmem:$0x1F300] =	vst v63  }
0x60: {  	_ =	swait.ge [sflag:s26], $0x1400  }
0x61: {  	[sflag:s26] =	ssyncset.done $0x0  }
0x62: {  	s5 =	sadd.s32 $0x27F8, s13;
	[sflag:s26] =	ssyncadd.s32 $0xFFFFEC00  }
0x63: {  	[spmem:s2] =	stream.indirect.scatter.add.f32 [tilespmem:s23], [sflag:$0x9], $0x80, s5, s17, $0xb8;
	[tilespmem:$0x1F300] =	vst v63  }
0x64: {  	_ =	swait.ge [sflag:s28], $0x1400  }
0x65: {  	[sflag:s28] =	ssyncset.done $0x0  }
0x66: {  	s5 =	sadd.s32 $0x2820, s13;
	[sflag:s28] =	ssyncadd.s32 $0xFFFFEC00  }
0x67: {  	[spmem:s2] =	stream.indirect.scatter.add.f32 [tilespmem:s25], [sflag:$0xA], $0x80, s5, s17, $0xb8;
	[tilespmem:$0x1F300] =	vst v63  }
0x68: {  	_ =	swait.ge [sflag:s29], $0x1400  }
0x69: {  	[sflag:s29] =	ssyncset.done $0x0  }
0x6a: {  	s5 =	sadd.s32 $0xC8, s13;
	[sflag:s29] =	ssyncadd.s32 $0xFFFFEC00  }
0x6b: {  	[tilespmem:s18], [sflag:$0x1] =	stream.indirect.gather [hbm4b:s4+s17], $0x80, s5, s17, $0xb8;
	[tilespmem:$0x1F300] =	vst v63  }
0x6c: {  	_ =	swait.ge [sflag:s30], $0x1400  }
0x6d: {  	[sflag:s30] =	ssyncset.done $0x0  }
0x6e: {  	s5 =	sadd.s32 $0xF0, s13;
	[sflag:s30] =	ssyncadd.s32 $0xFFFFEC00  }
0x6f: {  	[tilespmem:s19], [sflag:$0x2] =	stream.indirect.gather [hbm4b:s4+s17], $0x80, s5, s17, $0xb8;
	[tilespmem:$0x1F300] =	vst v63  }
0x70: {  	_ =	swait.ge [sflag:s31], $0x1400  }
0x71: {  	[sflag:s31] =	ssyncset.done $0x0  }
0x72: {  	s5 =	sadd.s32 $0x118, s13;
	[sflag:s31] =	ssyncadd.s32 $0xFFFFEC00  }
0x73: {  	[tilespmem:s21], [sflag:$0x3] =	stream.indirect.gather [hbm4b:s4+s17], $0x80, s5, s17, $0xb8;
	[tilespmem:$0x1F300] =	vst v63  }
0x74: {  	_ =	swait.ge [sflag:s1], $0x1400  }
0x75: {  	[sflag:s1] =	ssyncset.done $0x0  }
.Ltmp0:
0x76: {  	s5 =	sadd.s32 $0x140, s13;
	[sflag:s1] =	ssyncadd.s32 $0xFFFFEC00;
	(pc) =	sbr.rel @p0 .LBB2_2-.Ltmp0, $4  }
0x77: {  	[tilespmem:s23], [sflag:$0x4] =	stream.indirect.gather [hbm4b:s4+s17], $0x80, s5, s17, $0xb8;
	[tilespmem:$0x1F300] =	vst v63  }
0x78: {  	_ =	swait.ge [sflag:s0], $0x1400  }
0x79: {  	[sflag:s0] =	ssyncset.done $0x0  }
0x7a: {  	s13 =	sadd.s32 $0x168, s13;
	[sflag:s0] =	ssyncadd.s32 $0xFFFFEC00  }
0x7b: {  	[tilespmem:s25], [sflag:$0x5] =	stream.indirect.gather [hbm4b:s4+s17], $0x80, s13, s17, $0xb8;
	[tilespmem:$0x1F300] =	vst v63  }
0x7c: {  	_ =	swait.ge [sflag:s14], $0x1400  }
0x7d: {  	[sflag:s14] =	ssyncset.done $0x0  }
0x7e: {  	s5 =	simm.s32 $0x4DC8;
	[sflag:s14] =	ssyncadd.s32 $0xFFFFEC00  }
0x7f: {  	[spmem:s2] =	stream.indirect.scatter.add.f32 [tilespmem:s18], [sflag:$0x6], $0x80, s5, s17, $0xb8;
	[tilespmem:$0x1F300] =	vst v63  }
0x80: {  	_ =	swait.ge [sflag:s15], $0x1400  }
0x81: {  	[sflag:s15] =	ssyncset.done $0x0  }
0x82: {  	s24 =	simm.s32 $0x4DF0;
	[sflag:s15] =	ssyncadd.s32 $0xFFFFEC00  }
0x83: {  	[spmem:s2] =	stream.indirect.scatter.add.f32 [tilespmem:s19], [sflag:$0x7], $0x80, s24, s17, $0xb8;
	[tilespmem:$0x1F300] =	vst v63  }
0x84: {  	_ =	swait.ge [sflag:s16], $0x1400  }
0x85: {  	[sflag:s16] =	ssyncset.done $0x0  }
0x86: {  	s13 =	simm.s32 $0x4E18;
	[sflag:s16] =	ssyncadd.s32 $0xFFFFEC00  }
0x87: {  	[spmem:s2] =	stream.indirect.scatter.add.f32 [tilespmem:s21], [sflag:$0x8], $0x80, s13, s17, $0xb8;
	[tilespmem:$0x1F300] =	vst v63  }
0x88: {  	_ =	swait.ge [sflag:s26], $0x1400  }
0x89: {  	[sflag:s26] =	ssyncset.done $0x0  }
0x8a: {  	s24 =	simm.s32 $0x4E40;
	[sflag:s26] =	ssyncadd.s32 $0xFFFFEC00  }
0x8b: {  	[spmem:s2] =	stream.indirect.scatter.add.f32 [tilespmem:s23], [sflag:$0x9], $0x80, s24, s17, $0xb8;
	[tilespmem:$0x1F300] =	vst v63  }
0x8c: {  	_ =	swait.ge [sflag:s28], $0x1400  }
0x8d: {  	[sflag:s28] =	ssyncset.done $0x0  }
0x8e: {  	s13 =	simm.s32 $0x4E68;
	[sflag:s28] =	ssyncadd.s32 $0xFFFFEC00  }
0x8f: {  	[spmem:s2] =	stream.indirect.scatter.add.f32 [tilespmem:s25], [sflag:$0xA], $0x80, s13, s17, $0xb8;
	[tilespmem:$0x1F300] =	vst v63  }
0x90: {  	_ =	swait.ge [sflag:s29], $0x1400  }
0x91: {  	[sflag:s29] =	ssyncset.done $0x0  }
0x92: {  	[sflag:s29] =	ssyncadd.s32 $0xFFFFEC00  }
0x93: {  	_ =	swait.ge [sflag:s30], $0x1400  }
0x94: {  	[sflag:s30] =	ssyncset.done $0x0  }
0x95: {  	[sflag:s30] =	ssyncadd.s32 $0xFFFFEC00  }
0x96: {  	_ =	swait.ge [sflag:s31], $0x1400  }
0x97: {  	[sflag:s31] =	ssyncset.done $0x0  }
0x98: {  	[sflag:s31] =	ssyncadd.s32 $0xFFFFEC00  }
0x99: {  	_ =	swait.ge [sflag:s1], $0x1400  }
0x9a: {  	[sflag:s1] =	ssyncset.done $0x0  }
0x9b: {  	[sflag:s1] =	ssyncadd.s32 $0xFFFFEC00  }
0x9c: {  	_ =	swait.ge [sflag:s0], $0x1400  }
0x9d: {  	s22 =	sadd.s32 $0x1, s22;
	[sflag:s0] =	ssyncset.done $0x0  }
0x9e: {  	p0 =	sne.s32 s22, s11;
	[sflag:s0] =	ssyncadd.s32 $0xFFFFEC00  }
.Ltmp1:
0x9f: {  	s24 =	sor.u32 $0x1C0B, s6;
	[bflag:$0x0] =	sbarrier.arrive $0xFFFF;
	(pc) =	sbr.rel @p0 .LBB2_1-.Ltmp1, $4  }
0xa0: {  	[hbm:s10], [sflag:s24] =	dma.local [spmem:s12], $0x2800  }
0xa1: {  	_ =	swait.ge [sflag:s20], $0x2800  }
0xa2: {  	[sflag:s20] =	ssyncset.done $0x0  }
0xa3: {  	[sflag:s20] =	ssyncadd.s32 $0xFFFFD800  }
0xa4: {  	_ =	sfence.sel $0x180000  }
0xa5: {  	[bflag:$0x0] =	sbarrier.arrive $0xFFFF  }
0xa6: {  	_ =	strace $0x9000004A  }
0xa7: {  	s0 =	stileid.u32;
	[bflag:$0x2] =	sbarrier.arrive $0xFFFF  }
0xa8: {  	p0 =	sne.s32 s0, $0x0;
	s0 =	rddreg [dreg:$0x2]  }
0xa9: {  	s0 =	sadd.s32 @!p0 $0x100000, s0  }
0xaa: {  	[sflag:s0] =	ssyncadd.tile.s32 @!p0 $0x1;
	_ =	shalt  }
.Lfunc_end2:
_tile_overlayer_lowered:
.L_overlay_start_2:
0xab: {  	(tag) =	ssettag $0x2  }
0xac: {  	s0 =	rddreg [dreg:$0x0];
	s2 =	stileid.u32  }
0xad: {  	s1 =	rddreg [dreg:$0x1];
	p0 =	sne.s32 s2, $0x0  }
0xae: {  	s3 =	rddreg [dreg:$0x2];
	[bflag:$0x3] =	sbarrier.arrive $0xFFFF;
	s2 =	simm.s32 @!p0 $0x1C0B  }
0xaf: {  	[timem:s3], [sflag:s2] =	dma.local @!p0 [hbm:s0], s1  }
0xb0: {  	s0 =	simm.s32 @!p0 $0xB  }
0xb1: {  	_ =	swait.ge @!p0 [sflag:s0], s1  }
0xb2: {  	s1 =	ssub.s32 @!p0 $0x0, s1;
	[sflag:s0] =	ssyncset.done @!p0 $0x0  }
0xb3: {  	[sflag:s0] =	ssyncadd.s32 @!p0 s1  }
0xb4: {  	[bflag:$0x3] =	sbarrier.arrive $0xFFFF  }
0xb5: {  	_ =	shalt  }

// kernel: kernel.19.cloned.1.call-start
scs
__scs_entry_jumppad:
0x0: {  	(pc) =	sbr.rel $0x88, $3  }
0x1: {  	(tag) =	ssettag $0x0;
	lr =	simm.s32 $0x1  }
0x2: {  	[smem:$0x3F97] =	sst lr;
	_ =	strace $0xD0000000  }
0x3: {  	_ = 	snop  }
0x4: {  	_ = 	snop  }
0x5: {  	_ = 	snop  }
0x6: {  	_ = 	snop  }
0x7: {  	_ = 	snop  }
__scs_overlays_trampoline_lowered:
0x8: {  	[smem:$0x3FA6] =	sst s0  }
0x9: {  	[smem:$0x3FA7] =	sst s1  }
0xa: {  	[smem:$0x3FA8] =	sst s2  }
0xb: {  	[smem:$0x3FA9] =	sst s3  }
0xc: {  	[smem:$0x3FAA] =	sst s4  }
0xd: {  	[smem:$0x3FAB] =	sst s5  }
0xe: {  	[smem:$0x3FAC] =	sst s6  }
0xf: {  	[smem:$0x3FAD] =	sst s7  }
0x10: {  	[smem:$0x3FAE] =	sst s8  }
0x11: {  	[smem:$0x3FAF] =	sst s9;
	s0 =	simm.s32 @!p0 $0x0  }
0x12: {  	s1 =	sld [smem:$0x3F95];
	s0 =	simm.s32 @p0 $0x1  }
0x13: {  	[smem:$0x3FB0] =	sst s0;
	s0 =	simm.s32 @!p1 $0x0  }
0x14: {  	s2 =	sld [smem:$0x3F94];
	s0 =	simm.s32 @p1 $0x1  }
0x15: {  	[smem:$0x3FB1] =	sst s0;
	s0 =	simm.s32 @!p2 $0x0  }
0x16: {  	s3 =	sld [smem:$0x3FDB];
	s0 =	simm.s32 @p2 $0x1  }
0x17: {  	s4 =	simm.s32 $0x1BF5;
	[smem:$0x3FB3] =	sst s0  }
0x18: {  	s0 =	sld [smem:$0x3F96];
	_ =	swait.ge [sflag:s4], $0x0  }
0x19: {  	s7 =	sld [smem:$0x3F97]  }
0x1a: {  	s8 =	sadd.s32 $0xFFFFE003, lr  }
0x1b: {  	s9 =	sadd.s32 $0xFFFFFEF7, lr;
	s5 =	simm.s32 $0xFFFFFFFF;
	p2 =	slt.u32 s8, $0xFFFFF086  }
0x1c: {  	p1 =	slt.u32 s9, $0xF7A;
	s5 =	simm.s32 @!p2 $0x0  }
0x1d: {  	s5 =	simm.s32 @p1 $0x1;
	p0 =	seq.s32 s7, s2  }
0x1e: {  	s7 =	smul.u32 @!p0 $0xF7A, s2;
	p2 =	seq.s32 @!p0 s5, $0x0  }
0x1f: {  	s9 =	smul.u32 $0xF7A, s1;
	s8 =	simm.s32 @!p0 $0x1BF5;
	p2 =	por !p2, p0  }
0x20: {  	[sflag:s8] =	ssyncset.s32 @!p0 $0xFFFFF086;
	s6 =	sadd.s32 @!p0 s3, s7;
	s7 =	simm.s32 @!p0 $0x108  }
0x21: {  	s3 =	sadd.s32 s3, s9;
	s6 =	sadd.s32 @!p0 $0x88, s6;
	s7 =	simm.s32 @p2 $0x1082  }
0x22: {  	[simem:s7], [sflag:s8] =	dma.local @!p0 [hbm:s6], $0xF7A  }
0x23: {  	s9 =	sor.u32 $0xD0000000, s2;
	s6 =	simm.s32 $0x108;
	_ =	swait.ge @!p0 [sflag:s8], $0x0  }
0x24: {  	s3 =	sadd.s32 $0x88, s3;
	s6 =	simm.s32 @!p1 $0x1082;
	[sflag:s4] =	ssyncset.s32 $0xFFFFF086  }
0x25: {  	[simem:s6], [sflag:s4] =	dma.local [hbm:s3], $0xF7A  }
0x26: {  	[smem:$0x3F97] =	sst s1;
	(tag) =	ssettag s2;
	_ =	strace s9  }
0x27: {  	s1 =	sld [smem:$0x3FA7]  }
0x28: {  	s2 =	sld [smem:$0x3FA8]  }
0x29: {  	s4 =	sld [smem:$0x3FAA]  }
0x2a: {  	p0 =	seq.s32 s5, $0x0;
	s5 =	sld [smem:$0x3FAB]  }
0x2b: {  	s6 =	sld [smem:$0x3FAC]  }
0x2c: {  	s7 =	sld [smem:$0x3FAD]  }
0x2d: {  	s3 =	simm.s32 $0x108;
	s8 =	sld [smem:$0x3FAE]  }
0x2e: {  	s3 =	simm.s32 @!p0 $0x1082;
	s9 =	sld [smem:$0x3FAF]  }
0x2f: {  	lr =	sadd.s32 s0, s3;
	s0 =	sld [smem:$0x3FA6]  }
0x30: {  	s3 =	sld [smem:$0x3FA9]  }
0x31: {  	[smem:$0x3FB2] =	sst s10  }
0x32: {  	s10 =	sld [smem:$0x3FB0];
	_ =	sdelay $0x3  }
0x33: {  	p0 =	seq.s32 s10, $0x1;
	s10 =	sld [smem:$0x3FB2];
	_ =	sdelay $0x3  }
0x34: {  	[smem:$0x3FB2] =	sst s10  }
0x35: {  	s10 =	sld [smem:$0x3FB1];
	_ =	sdelay $0x3  }
0x36: {  	p1 =	seq.s32 s10, $0x1;
	s10 =	sld [smem:$0x3FB2];
	_ =	sdelay $0x3  }
0x37: {  	[smem:$0x3FB2] =	sst s10  }
0x38: {  	s10 =	sld [smem:$0x3FB3]  }
0x39: {  	_ = 	snop;
	(pc) =	sbr.ind lr, $3  }
0x3a: {  	_ = 	snop  }
0x3b: {  	_ = 	snop  }
0x3c: {  	p2 =	seq.s32 s10, $0x1;
	s10 =	sld [smem:$0x3FB2]  }
0x3d: {  	_ =	shalt  }
0x3e: {  	_ =	shalt  }
0x3f: {  	_ =	shalt  }
0x40: {  	_ =	shalt  }
0x41: {  	_ =	shalt  }
0x42: {  	_ =	shalt  }
0x43: {  	_ =	shalt  }
0x44: {  	_ =	shalt  }
0x45: {  	_ =	shalt  }
0x46: {  	_ =	shalt  }
0x47: {  	_ =	shalt  }
0x48: {  	_ =	shalt  }
0x49: {  	_ =	shalt  }
0x4a: {  	_ =	shalt  }
0x4b: {  	_ =	shalt  }
0x4c: {  	_ =	shalt  }
0x4d: {  	_ =	shalt  }
0x4e: {  	_ =	shalt  }
0x4f: {  	_ =	shalt  }
0x50: {  	_ =	shalt  }
0x51: {  	_ =	shalt  }
0x52: {  	_ =	shalt  }
0x53: {  	_ =	shalt  }
0x54: {  	_ =	shalt  }
0x55: {  	_ =	shalt  }
0x56: {  	_ =	shalt  }
0x57: {  	_ =	shalt  }
0x58: {  	_ =	shalt  }
0x59: {  	_ =	shalt  }
0x5a: {  	_ =	shalt  }
0x5b: {  	_ =	shalt  }
0x5c: {  	_ =	shalt  }
0x5d: {  	_ =	shalt  }
0x5e: {  	_ =	shalt  }
0x5f: {  	_ =	shalt  }
0x60: {  	_ =	shalt  }
0x61: {  	_ =	shalt  }
0x62: {  	_ =	shalt  }
0x63: {  	_ =	shalt  }
0x64: {  	_ =	shalt  }
0x65: {  	_ =	shalt  }
0x66: {  	_ =	shalt  }
0x67: {  	_ =	shalt  }
0x68: {  	_ =	shalt  }
0x69: {  	_ =	shalt  }
0x6a: {  	_ =	shalt  }
0x6b: {  	_ =	shalt  }
0x6c: {  	_ =	shalt  }
0x6d: {  	_ =	shalt  }
0x6e: {  	_ =	shalt  }
0x6f: {  	_ =	shalt  }
0x70: {  	_ =	shalt  }
0x71: {  	_ =	shalt  }
0x72: {  	_ =	shalt  }
0x73: {  	_ =	shalt  }
0x74: {  	_ =	shalt  }
0x75: {  	_ =	shalt  }
0x76: {  	_ =	shalt  }
0x77: {  	_ =	shalt  }
0x78: {  	_ =	shalt  }
0x79: {  	_ =	shalt  }
0x7a: {  	_ =	shalt  }
0x7b: {  	_ =	shalt  }
0x7c: {  	_ =	shalt  }
0x7d: {  	_ =	shalt  }
0x7e: {  	_ =	shalt  }
0x7f: {  	_ =	shalt  }
0x80: {  	_ =	shalt  }
0x81: {  	_ =	shalt  }
0x82: {  	_ =	shalt  }
0x83: {  	_ =	shalt  }
0x84: {  	_ =	shalt  }
0x85: {  	_ =	shalt  }
0x86: {  	_ =	shalt  }
0x87: {  	_ =	shalt  }
.Lfunc_end0:
.L_simem_size_0:
called_computation.2_lowered:
.L_overlay_start_0:
0x88: {  	s2 =	sld [smem:$0x3FD9]  }
0x89: {  	s3 =	sld [smem:$0x3FFE];
	_ =	sdelay $0x1  }
0x8a: {  	s1 =	srdreg.scid  }
0x8b: {  	s0 =	sand.u32 $0x1, s1  }
0x8c: {  	s16 =	sshll.u32 s0, $0xA;
	s2 =	sadd.s32 s3, s2  }
0x8d: {  	s2 =	sadd.s32 s2, s16  }
0x8e: {  	[smem:$0x3FBE] =	sst s2  }
0x8f: {  	_ = 	snop  }
0x90: {  	(tm) =	ssettm $0x1  }
0x91: {  	s17 =	sld [smem:$0x3FFB];
	_ =	sdelay $0x3  }
0x92: {  	_ =	strace s17  }
0x93: {  	s2 =	sld [smem:$0x3FFC];
	_ =	sdelay $0x3  }
0x94: {  	_ =	strace s2  }
0x95: {  	s2 =	sld [smem:$0x3FFD];
	_ =	sdelay $0x3  }
0x96: {  	_ =	strace s2  }
0x97: {  	_ =	strace $0x8FFFFFFF  }
0x98: {  	s18 =	sld [smem:$0x3FDB];
	_ =	sdelay $0x1  }
0x99: {  	s19 =	simm.s32 $_scs_section_size  }
0x9a: {  	s4 =	simm.s32 $_size__tile_overlayer_lowered;
	s5 =	simm.s32 $_tile_overlayer_lowered  }
0x9b: {  	s22 =	simm.s32 $0x1BFF;
	s21 =	sshll.u32 s5, $0x1;
	s2 =	sadd.s32 s19, s18  }
0x9c: {  	s6 =	simm.s32 $0x0;
	s20 =	sshll.u32 s4, $0x1;
	s4 =	sadd.s32 s21, s2  }
0x9d: {  	[timem:s6], [sflag:s22] =	dma.local [hbm:s4], s20  }
0x9e: {  	_ =	swait.ge [sflag:s22], s20  }
0x9f: {  	s3 =	ssub.s32 $0x0, s20;
	[sflag:s22] =	ssyncset.done $0x0  }
0xa0: {  	[sflag:s22] =	ssyncadd.s32 s3;
	_ =	sdelay $0x1  }
0xa1: {  	s23 =	simm.s32 $0x1B8B  }
0xa2: {  	_ =	swait.ge [sflag:s23], $0x1  }
0xa3: {  	[sflag:s23] =	ssyncset.done $0x0  }
0xa4: {  	s25 =	simm.s32 $0x1B8E;
	s24 =	sld [smem:$0x3FFE];
	[sflag:s23] =	ssyncadd.s32 $0xFFFFFFFF  }
0xa5: {  	s26 =	simm.s32 $execute0_lowered;
	[smem:$0x3FD2] =	sst s25  }
0xa6: {  	s4 =	sshll.u32 s26, $0x1;
	_ =	strace $0x8000004C;
	[dreg:$0x1] =	wrdreg $0xFFFFFFFF  }
0xa7: {  	s28 =	simm.s32 $_size_execute0_lowered;
	s2 =	sadd.s32 s2, s4;
	[dreg:$0x0] =	wrdreg $0x0  }
0xa8: {  	s4 =	sshll.u32 s28, $0x1;
	[dreg:$0x2] =	wrdreg s2  }
0xa9: {  	[dreg:$0x3] =	wrdreg s4  }
0xaa: {  	[dreg:$0x4] =	wrdreg $0xC0  }
0xab: {  	_ =	task [dreg:s6], $0x5FFFF  }
0xac: {  	[dreg:$0x1] =	wrdreg $0xFFFFFFFF  }
0xad: {  	[dreg:$0x0] =	wrdreg $0x60  }
0xae: {  	[dreg:$0x2] =	wrdreg s24  }
0xaf: {  	[dreg:$0x3] =	wrdreg $0xB3000  }
0xb0: {  	[dreg:$0x4] =	wrdreg $0x9  }
0xb1: {  	_ =	task.clear_ibuf [dreg:s6], $0x5FFFF;
	_ =	strace $0x9000004C  }
0xb2: {  	s29 =	simm.s32 $0x9;
	_ =	strace $0x8000004E  }
0xb3: {  	_ =	swait.ge [sflag:s29], $0x1  }
0xb4: {  	[sflag:s29] =	ssyncadd.s32 $0xFFFFFFFF  }
0xb5: {  	_ =	strace $0x9000004E  }
0xb6: {  	_ =	sfence  }
0xb7: {  	s30 =	sld [smem:$0x0];
	_ =	sdelay $0x2  }
0xb8: {  	s31 =	sshll.u32 s1, $0xD;
	s1 =	sshrl.u32 s1, $0x2  }
0xb9: {  	s3 =	sand.u32 $0x4000, s31;
	s1 =	sadd.s32 s1, s30  }
0xba: {  	s0 =	sor.u32 s3, s0;
	s1 =	sshll.u32 s1, $0x11  }
0xbb: {  	s0 =	sor.u32 s1, s0  }
0xbc: {  	s0 =	sadd.s32 $0x8F2B, s0  }
0xbd: {  	[sflag:s0] =	ssyncadd.remote.s32 $0x1  }
0xbe: {  	_ =	sfence.sel $0xFFFF  }
0xbf: {  	[dreg:$0x0] =	wrdreg $0xFFFFFFFF;
	(pc) =	sbr.abs _section_cstart, $3  }
0xc0: {  	[dreg:$0x1] =	wrdreg $0xFFFFFFFF  }
0xc1: {  	_ =	task.clear_ibuf [dreg:s6], $0x2FFFF;
	_ =	strace $0x9FFFFFFF  }
0xc2: {  	(tm) =	ssettm $0x7FFFFFFF  }
0xc3: {  	_ =	shalt  }
tec
execute0_lowered:
.L_overlay_start_1:
0x0: {  	(tag) =	ssettag $0x1  }
0x1: {  	s0 =	srdreg.scid  }
0x2: {  	s1 =	rddreg [dreg:$0x0];
	s10 =	stileid.u32  }
0x3: {  	s2 =	rddreg [dreg:$0x1];
	s14 =	simm.s32 $0x1;
	s15 =	simm.s32 $0x2  }
0x4: {  	s16 =	simm.s32 $0x3;
	s17 =	simm.s32 $0x28;
	s18 =	simm.s32 $0x4F00  }
0x5: {  	s19 =	simm.s32 $0x6300;
	s21 =	simm.s32 $0x7700;
	s23 =	simm.s32 $0x8B00  }
0x6: {  	s28 =	simm.s32 $0x5;
	s29 =	simm.s32 $0x6;
	s30 =	simm.s32 $0x7  }
0x7: {  	s31 =	simm.s32 $0x8;
	s20 =	simm.s32 $0xB;
	s6 =	smul.u32 $0x2800, s10  }
0x8: {  	s22 =	simm.s32 $0x0;
	s0 =	sand.u32 $0x1, s0;
	s24 =	smul.u32 $0x50000, s10  }
0x9: {  	s3 =	sshll.u32 s0, $0x4;
	s7 =	smul.u32 $0x28000, s0;
	s0 =	ssub.s32 $0x2, s0  }
0xa: {  	s4 =	sor.u32 s10, s3;
	s3 =	simm.s32 $0x0;
	s8 =	sadd.s32 s6, s1  }
0xb: {  	s25 =	sshrl.u32 s0, $0x1;
	s5 =	smul.u32 $0x4E2, s4;
	[smem:$0x7FF] =	sst s3  }
0xc: {  	s4 =	sadd.s32 $0x3F200, s1;
	s6 =	sadd.s32 s6, s7;
	s0 =	ssub.s32 s0, s25  }
0xd: {  	s26 =	sadd.s32 $0x17200, s8;
	s25 =	simm.s32 $0x9F00;
	_ =	strace $0x8000004D  }
0xe: {  	[dreg:$0x3] =	wrdreg s26;
	s11 =	smax.u32 s0, $0x1;
	s26 =	simm.s32 $0x4  }
0xf: {  	s0 =	simm.s32 $0xA;
	s9 =	sadd.s32 s5, s1;
	s5 =	sshrl.u32 s24, $0x2  }
0x10: {  	s1 =	sadd.s32 s6, s1;
	s6 =	sshll.u32 s10, $0x6;
	s12 =	sadd.s32 s5, s2  }
0x11: {  	s7 =	sor.u32 $0x1C01, s6;
	s8 =	sadd.s32 $0x3600, s9;
	s9 =	sadd.s32 $0xD400, s9  }
0x12: {  	s10 =	sadd.s32 $0x67200, s1;
	s1 =	simm.s32 $0x9;
	s12 =	sshrl.u32 s12, $0x3  }
.LBB2_1:
0x13: {  	s5 =	rddreg [dreg:$0x3]  }
0x14: {  	[spmem:s12], [sflag:s7] =	dma.local [hbm:s5], $0x2800  }
0x15: {  	[tilespmem:s3], [sflag:$0x2] =	stream.linear.gather [hbm4b:s8+s3], $0x2710, $0x38;
	[tilespmem:$0x1F300] =	vst v63  }
0x16: {  	s13 =	simm.s32 $0x2780  }
0x17: {  	[tilespmem:s13], [sflag:$0x3] =	stream.linear.gather [hbm4b:s9+s3], $0x2710, $0x38;
	[tilespmem:$0x1F300] =	vst v63  }
0x18: {  	_ =	swait.ge [sflag:s14], $0x2800  }
0x19: {  	[sflag:s14] =	ssyncset.done $0x0  }
0x1a: {  	[sflag:s14] =	ssyncadd.s32 $0xFFFFD800  }
0x1b: {  	_ =	swait.ge [sflag:s15], $0x2710  }
0x1c: {  	[sflag:s15] =	ssyncset.done $0x0  }
0x1d: {  	[sflag:s15] =	ssyncadd.s32 $0xFFFFD8F0  }
0x1e: {  	_ =	swait.ge [sflag:s16], $0x2710  }
0x1f: {  	[sflag:s16] =	ssyncset.done $0x0  }
0x20: {  	[sflag:s16] =	ssyncadd.s32 $0xFFFFD8F0  }
0x21: {  	[bflag:$0x0] =	sbarrier.arrive $0xFFFF  }
0x22: {  	[tilespmem:s18], [sflag:$0x1] =	stream.indirect.gather [hbm4b:s4+s17], $0x80, s3, s17, $0xb8;
	[tilespmem:$0x1F300] =	vst v63  }
0x23: {  	_ = 	snop  }
0x24: {  	[tilespmem:s19], [sflag:$0x2] =	stream.indirect.gather [hbm4b:s4+s17], $0x80, s17, s17, $0xb8;
	[tilespmem:$0x1F300] =	vst v63  }
0x25: {  	s24 =	simm.s32 $0x50  }
0x26: {  	[tilespmem:s21], [sflag:$0x3] =	stream.indirect.gather [hbm4b:s4+s17], $0x80, s24, s17, $0xb8;
	[tilespmem:$0x1F300] =	vst v63  }
0x27: {  	s13 =	simm.s32 $0x78  }
0x28: {  	[tilespmem:s23], [sflag:$0x4] =	stream.indirect.gather [hbm4b:s4+s17], $0x80, s13, s17, $0xb8;
	[tilespmem:$0x1F300] =	vst v63  }
0x29: {  	s24 =	simm.s32 $0xA0  }
0x2a: {  	[tilespmem:s25], [sflag:$0x5] =	stream.indirect.gather [hbm4b:s4+s17], $0x80, s24, s17, $0xb8;
	[tilespmem:$0x1F300] =	vst v63  }
0x2b: {  	_ =	swait.ge [sflag:s14], $0x1400  }
0x2c: {  	[sflag:s14] =	ssyncset.done $0x0  }
0x2d: {  	s13 =	simm.s32 $0x2780;
	[sflag:s14] =	ssyncadd.s32 $0xFFFFEC00  }
0x2e: {  	[spmem:s2] =	stream.indirect.scatter.add.f32 [tilespmem:s18], [sflag:$0x6], $0x80, s13, s17, $0xb8;
	[tilespmem:$0x1F300] =	vst v63  }
0x2f: {  	_ =	swait.ge [sflag:s15], $0x1400  }
0x30: {  	[sflag:s15] =	ssyncset.done $0x0  }
0x31: {  	s5 =	simm.s32 $0x27A8;
	[sflag:s15] =	ssyncadd.s32 $0xFFFFEC00  }
0x32: {  	[spmem:s2] =	stream.indirect.scatter.add.f32 [tilespmem:s19], [sflag:$0x7], $0x80, s5, s17, $0xb8;
	[tilespmem:$0x1F300] =	vst v63  }
0x33: {  	_ =	swait.ge [sflag:s16], $0x1400  }
0x34: {  	[sflag:s16] =	ssyncset.done $0x0  }
0x35: {  	s24 =	simm.s32 $0x27D0;
	[sflag:s16] =	ssyncadd.s32 $0xFFFFEC00  }
0x36: {  	[spmem:s2] =	stream.indirect.scatter.add.f32 [tilespmem:s21], [sflag:$0x8], $0x80, s24, s17, $0xb8;
	[tilespmem:$0x1F300] =	vst v63  }
0x37: {  	_ =	swait.ge [sflag:s26], $0x1400  }
0x38: {  	[sflag:s26] =	ssyncset.done $0x0  }
0x39: {  	s5 =	simm.s32 $0x27F8;
	[sflag:s26] =	ssyncadd.s32 $0xFFFFEC00  }
0x3a: {  	[spmem:s2] =	stream.indirect.scatter.add.f32 [tilespmem:s23], [sflag:$0x9], $0x80, s5, s17, $0xb8;
	[tilespmem:$0x1F300] =	vst v63  }
0x3b: {  	_ =	swait.ge [sflag:s28], $0x1400  }
0x3c: {  	[sflag:s28] =	ssyncset.done $0x0  }
0x3d: {  	s24 =	simm.s32 $0x2820;
	[sflag:s28] =	ssyncadd.s32 $0xFFFFEC00  }
0x3e: {  	[spmem:s2] =	stream.indirect.scatter.add.f32 [tilespmem:s25], [sflag:$0xA], $0x80, s24, s17, $0xb8;
	[tilespmem:$0x1F300] =	vst v63  }
0x3f: {  	_ =	swait.ge [sflag:s29], $0x1400  }
0x40: {  	[sflag:s29] =	ssyncset.done $0x0  }
0x41: {  	s5 =	simm.s32 $0xC8;
	[sflag:s29] =	ssyncadd.s32 $0xFFFFEC00  }
0x42: {  	[tilespmem:s18], [sflag:$0x1] =	stream.indirect.gather [hbm4b:s4+s17], $0x80, s5, s17, $0xb8;
	[tilespmem:$0x1F300] =	vst v63  }
0x43: {  	_ =	swait.ge [sflag:s30], $0x1400  }
0x44: {  	[sflag:s30] =	ssyncset.done $0x0  }
0x45: {  	s24 =	simm.s32 $0xF0;
	[sflag:s30] =	ssyncadd.s32 $0xFFFFEC00  }
0x46: {  	[tilespmem:s19], [sflag:$0x2] =	stream.indirect.gather [hbm4b:s4+s17], $0x80, s24, s17, $0xb8;
	[tilespmem:$0x1F300] =	vst v63  }
0x47: {  	_ =	swait.ge [sflag:s31], $0x1400  }
0x48: {  	[sflag:s31] =	ssyncset.done $0x0  }
0x49: {  	s5 =	simm.s32 $0x118;
	[sflag:s31] =	ssyncadd.s32 $0xFFFFEC00  }
0x4a: {  	[tilespmem:s21], [sflag:$0x3] =	stream.indirect.gather [hbm4b:s4+s17], $0x80, s5, s17, $0xb8;
	[tilespmem:$0x1F300] =	vst v63  }
0x4b: {  	_ =	swait.ge [sflag:s1], $0x1400  }
0x4c: {  	[sflag:s1] =	ssyncset.done $0x0  }
0x4d: {  	s24 =	simm.s32 $0x140;
	[sflag:s1] =	ssyncadd.s32 $0xFFFFEC00  }
0x4e: {  	[tilespmem:s23], [sflag:$0x4] =	stream.indirect.gather [hbm4b:s4+s17], $0x80, s24, s17, $0xb8;
	[tilespmem:$0x1F300] =	vst v63  }
0x4f: {  	_ =	swait.ge [sflag:s0], $0x1400  }
0x50: {  	[sflag:s0] =	ssyncset.done $0x0  }
0x51: {  	s13 =	simm.s32 $0x168;
	s24 =	simm.s32 $0x320;
	[sflag:s0] =	ssyncadd.s32 $0xFFFFEC00  }
.LBB2_2:
0x52: {  	[tilespmem:s25], [sflag:$0x5] =	stream.indirect.gather [hbm4b:s4+s17], $0x80, s13, s17, $0xb8;
	[tilespmem:$0x1F300] =	vst v63  }
0x53: {  	s13 =	smov.u32 s24  }
0x54: {  	p0 =	sne.s32 s24, $0x9600;
	s24 =	sadd.s32 $0x320, s24;
	_ =	swait.ge [sflag:s14], $0x1400  }
0x55: {  	s13 =	sshra.s32 s13, $0x2;
	[sflag:s14] =	ssyncset.done $0x0  }
0x56: {  	s5 =	sadd.s32 $0x2780, s13;
	[sflag:s14] =	ssyncadd.s32 $0xFFFFEC00  }
0x57: {  	[spmem:s2] =	stream.indirect.scatter.add.f32 [tilespmem:s18], [sflag:$0x6], $0x80, s5, s17, $0xb8;
	[tilespmem:$0x1F300] =	vst v63  }
0x58: {  	_ =	swait.ge [sflag:s15], $0x1400  }
0x59: {  	[sflag:s15] =	ssyncset.done $0x0  }
0x5a: {  	s5 =	sadd.s32 $0x27A8, s13;
	[sflag:s15] =	ssyncadd.s32 $0xFFFFEC00  }
0x5b: {  	[spmem:s2] =	stream.indirect.scatter.add.f32 [tilespmem:s19], [sflag:$0x7], $0x80, s5, s17, $0xb8;
	[tilespmem:$0x1F300] =	vst v63  }
0x5c: {  	_ =	swait.ge [sflag:s16], $0x1400  }
0x5d: {  	[sflag:s16] =	ssyncset.done $0x0  }
0x5e: {  	s5 =	sadd.s32 $0x27D0, s13;
	[sflag:s16] =	ssyncadd.s32 $0xFFFFEC00  }
0x5f: {  	[spmem:s2] =	stream.indirect.scatter.add.f32 [tilespmem:s21], [sflag:$0x8], $0x80, s5, s17, $0xb8;
	[tilespmem:$0x1F300] =	vst v63  }
0x60: {  	_ =	swait.ge [sflag:s26], $0x1400  }
0x61: {  	[sflag:s26] =	ssyncset.done $0x0  }
0x62: {  	s5 =	sadd.s32 $0x27F8, s13;
	[sflag:s26] =	ssyncadd.s32 $0xFFFFEC00  }
0x63: {  	[spmem:s2] =	stream.indirect.scatter.add.f32 [tilespmem:s23], [sflag:$0x9], $0x80, s5, s17, $0xb8;
	[tilespmem:$0x1F300] =	vst v63  }
0x64: {  	_ =	swait.ge [sflag:s28], $0x1400  }
0x65: {  	[sflag:s28] =	ssyncset.done $0x0  }
0x66: {  	s5 =	sadd.s32 $0x2820, s13;
	[sflag:s28] =	ssyncadd.s32 $0xFFFFEC00  }
0x67: {  	[spmem:s2] =	stream.indirect.scatter.add.f32 [tilespmem:s25], [sflag:$0xA], $0x80, s5, s17, $0xb8;
	[tilespmem:$0x1F300] =	vst v63  }
0x68: {  	_ =	swait.ge [sflag:s29], $0x1400  }
0x69: {  	[sflag:s29] =	ssyncset.done $0x0  }
0x6a: {  	s5 =	sadd.s32 $0xC8, s13;
	[sflag:s29] =	ssyncadd.s32 $0xFFFFEC00  }
0x6b: {  	[tilespmem:s18], [sflag:$0x1] =	stream.indirect.gather [hbm4b:s4+s17], $0x80, s5, s17, $0xb8;
	[tilespmem:$0x1F300] =	vst v63  }
0x6c: {  	_ =	swait.ge [sflag:s30], $0x1400  }
0x6d: {  	[sflag:s30] =	ssyncset.done $0x0  }
0x6e: {  	s5 =	sadd.s32 $0xF0, s13;
	[sflag:s30] =	ssyncadd.s32 $0xFFFFEC00  }
0x6f: {  	[tilespmem:s19], [sflag:$0x2] =	stream.indirect.gather [hbm4b:s4+s17], $0x80, s5, s17, $0xb8;
	[tilespmem:$0x1F300] =	vst v63  }
0x70: {  	_ =	swait.ge [sflag:s31], $0x1400  }
0x71: {  	[sflag:s31] =	ssyncset.done $0x0  }
0x72: {  	s5 =	sadd.s32 $0x118, s13;
	[sflag:s31] =	ssyncadd.s32 $0xFFFFEC00  }
0x73: {  	[tilespmem:s21], [sflag:$0x3] =	stream.indirect.gather [hbm4b:s4+s17], $0x80, s5, s17, $0xb8;
	[tilespmem:$0x1F300] =	vst v63  }
0x74: {  	_ =	swait.ge [sflag:s1], $0x1400  }
0x75: {  	[sflag:s1] =	ssyncset.done $0x0  }
.Ltmp0:
0x76: {  	s5 =	sadd.s32 $0x140, s13;
	[sflag:s1] =	ssyncadd.s32 $0xFFFFEC00;
	(pc) =	sbr.rel @p0 .LBB2_2-.Ltmp0, $4  }
0x77: {  	[tilespmem:s23], [sflag:$0x4] =	stream.indirect.gather [hbm4b:s4+s17], $0x80, s5, s17, $0xb8;
	[tilespmem:$0x1F300] =	vst v63  }
0x78: {  	_ =	swait.ge [sflag:s0], $0x1400  }
0x79: {  	[sflag:s0] =	ssyncset.done $0x0  }
0x7a: {  	s13 =	sadd.s32 $0x168, s13;
	[sflag:s0] =	ssyncadd.s32 $0xFFFFEC00  }
0x7b: {  	[tilespmem:s25], [sflag:$0x5] =	stream.indirect.gather [hbm4b:s4+s17], $0x80, s13, s17, $0xb8;
	[tilespmem:$0x1F300] =	vst v63  }
0x7c: {  	_ =	swait.ge [sflag:s14], $0x1400  }
0x7d: {  	[sflag:s14] =	ssyncset.done $0x0  }
0x7e: {  	s5 =	simm.s32 $0x4DC8;
	[sflag:s14] =	ssyncadd.s32 $0xFFFFEC00  }
0x7f: {  	[spmem:s2] =	stream.indirect.scatter.add.f32 [tilespmem:s18], [sflag:$0x6], $0x80, s5, s17, $0xb8;
	[tilespmem:$0x1F300] =	vst v63  }
0x80: {  	_ =	swait.ge [sflag:s15], $0x1400  }
0x81: {  	[sflag:s15] =	ssyncset.done $0x0  }
0x82: {  	s24 =	simm.s32 $0x4DF0;
	[sflag:s15] =	ssyncadd.s32 $0xFFFFEC00  }
0x83: {  	[spmem:s2] =	stream.indirect.scatter.add.f32 [tilespmem:s19], [sflag:$0x7], $0x80, s24, s17, $0xb8;
	[tilespmem:$0x1F300] =	vst v63  }
0x84: {  	_ =	swait.ge [sflag:s16], $0x1400  }
0x85: {  	[sflag:s16] =	ssyncset.done $0x0  }
0x86: {  	s13 =	simm.s32 $0x4E18;
	[sflag:s16] =	ssyncadd.s32 $0xFFFFEC00  }
0x87: {  	[spmem:s2] =	stream.indirect.scatter.add.f32 [tilespmem:s21], [sflag:$0x8], $0x80, s13, s17, $0xb8;
	[tilespmem:$0x1F300] =	vst v63  }
0x88: {  	_ =	swait.ge [sflag:s26], $0x1400  }
0x89: {  	[sflag:s26] =	ssyncset.done $0x0  }
0x8a: {  	s24 =	simm.s32 $0x4E40;
	[sflag:s26] =	ssyncadd.s32 $0xFFFFEC00  }
0x8b: {  	[spmem:s2] =	stream.indirect.scatter.add.f32 [tilespmem:s23], [sflag:$0x9], $0x80, s24, s17, $0xb8;
	[tilespmem:$0x1F300] =	vst v63  }
0x8c: {  	_ =	swait.ge [sflag:s28], $0x1400  }
0x8d: {  	[sflag:s28] =	ssyncset.done $0x0  }
0x8e: {  	s13 =	simm.s32 $0x4E68;
	[sflag:s28] =	ssyncadd.s32 $0xFFFFEC00  }
0x8f: {  	[spmem:s2] =	stream.indirect.scatter.add.f32 [tilespmem:s25], [sflag:$0xA], $0x80, s13, s17, $0xb8;
	[tilespmem:$0x1F300] =	vst v63  }
0x90: {  	_ =	swait.ge [sflag:s29], $0x1400  }
0x91: {  	[sflag:s29] =	ssyncset.done $0x0  }
0x92: {  	[sflag:s29] =	ssyncadd.s32 $0xFFFFEC00  }
0x93: {  	_ =	swait.ge [sflag:s30], $0x1400  }
0x94: {  	[sflag:s30] =	ssyncset.done $0x0  }
0x95: {  	[sflag:s30] =	ssyncadd.s32 $0xFFFFEC00  }
0x96: {  	_ =	swait.ge [sflag:s31], $0x1400  }
0x97: {  	[sflag:s31] =	ssyncset.done $0x0  }
0x98: {  	[sflag:s31] =	ssyncadd.s32 $0xFFFFEC00  }
0x99: {  	_ =	swait.ge [sflag:s1], $0x1400  }
0x9a: {  	[sflag:s1] =	ssyncset.done $0x0  }
0x9b: {  	[sflag:s1] =	ssyncadd.s32 $0xFFFFEC00  }
0x9c: {  	_ =	swait.ge [sflag:s0], $0x1400  }
0x9d: {  	s22 =	sadd.s32 $0x1, s22;
	[sflag:s0] =	ssyncset.done $0x0  }
0x9e: {  	p0 =	sne.s32 s22, s11;
	[sflag:s0] =	ssyncadd.s32 $0xFFFFEC00  }
.Ltmp1:
0x9f: {  	s24 =	sor.u32 $0x1C0B, s6;
	[bflag:$0x0] =	sbarrier.arrive $0xFFFF;
	(pc) =	sbr.rel @p0 .LBB2_1-.Ltmp1, $4  }
0xa0: {  	[hbm:s10], [sflag:s24] =	dma.local [spmem:s12], $0x2800  }
0xa1: {  	_ =	swait.ge [sflag:s20], $0x2800  }
0xa2: {  	[sflag:s20] =	ssyncset.done $0x0  }
0xa3: {  	[sflag:s20] =	ssyncadd.s32 $0xFFFFD800  }
0xa4: {  	_ =	sfence.sel $0x180000  }
0xa5: {  	[bflag:$0x0] =	sbarrier.arrive $0xFFFF  }
0xa6: {  	_ =	strace $0x9000004D  }
0xa7: {  	s0 =	stileid.u32;
	[bflag:$0x2] =	sbarrier.arrive $0xFFFF  }
0xa8: {  	p0 =	sne.s32 s0, $0x0;
	s0 =	rddreg [dreg:$0x2]  }
0xa9: {  	s0 =	sadd.s32 @!p0 $0x100000, s0  }
0xaa: {  	[sflag:s0] =	ssyncadd.tile.s32 @!p0 $0x1;
	_ =	shalt  }
.Lfunc_end2:
_tile_overlayer_lowered:
.L_overlay_start_2:
0xab: {  	(tag) =	ssettag $0x2  }
0xac: {  	s0 =	rddreg [dreg:$0x0];
	s2 =	stileid.u32  }
0xad: {  	s1 =	rddreg [dreg:$0x1];
	p0 =	sne.s32 s2, $0x0  }
0xae: {  	s3 =	rddreg [dreg:$0x2];
	[bflag:$0x3] =	sbarrier.arrive $0xFFFF;
	s2 =	simm.s32 @!p0 $0x1C0B  }
0xaf: {  	[timem:s3], [sflag:s2] =	dma.local @!p0 [hbm:s0], s1  }
0xb0: {  	s0 =	simm.s32 @!p0 $0xB  }
0xb1: {  	_ =	swait.ge @!p0 [sflag:s0], s1  }
0xb2: {  	s1 =	ssub.s32 @!p0 $0x0, s1;
	[sflag:s0] =	ssyncset.done @!p0 $0x0  }
0xb3: {  	[sflag:s0] =	ssyncadd.s32 @!p0 s1  }
0xb4: {  	[bflag:$0x3] =	sbarrier.arrive $0xFFFF  }
0xb5: {  	_ =	shalt  }

// kernel: kernel.22.cloned.1.call-start
scs
__scs_entry_jumppad:
0x0: {  	(pc) =	sbr.rel $0x88, $3  }
0x1: {  	(tag) =	ssettag $0x0;
	lr =	simm.s32 $0x1  }
0x2: {  	[smem:$0x3F97] =	sst lr;
	_ =	strace $0xD0000000  }
0x3: {  	_ = 	snop  }
0x4: {  	_ = 	snop  }
0x5: {  	_ = 	snop  }
0x6: {  	_ = 	snop  }
0x7: {  	_ = 	snop  }
__scs_overlays_trampoline_lowered:
0x8: {  	[smem:$0x3FA6] =	sst s0  }
0x9: {  	[smem:$0x3FA7] =	sst s1  }
0xa: {  	[smem:$0x3FA8] =	sst s2  }
0xb: {  	[smem:$0x3FA9] =	sst s3  }
0xc: {  	[smem:$0x3FAA] =	sst s4  }
0xd: {  	[smem:$0x3FAB] =	sst s5  }
0xe: {  	[smem:$0x3FAC] =	sst s6  }
0xf: {  	[smem:$0x3FAD] =	sst s7  }
0x10: {  	[smem:$0x3FAE] =	sst s8  }
0x11: {  	[smem:$0x3FAF] =	sst s9;
	s0 =	simm.s32 @!p0 $0x0  }
0x12: {  	s1 =	sld [smem:$0x3F95];
	s0 =	simm.s32 @p0 $0x1  }
0x13: {  	[smem:$0x3FB0] =	sst s0;
	s0 =	simm.s32 @!p1 $0x0  }
0x14: {  	s2 =	sld [smem:$0x3F94];
	s0 =	simm.s32 @p1 $0x1  }
0x15: {  	[smem:$0x3FB1] =	sst s0;
	s0 =	simm.s32 @!p2 $0x0  }
0x16: {  	s3 =	sld [smem:$0x3FDB];
	s0 =	simm.s32 @p2 $0x1  }
0x17: {  	s4 =	simm.s32 $0x1BF5;
	[smem:$0x3FB3] =	sst s0  }
0x18: {  	s0 =	sld [smem:$0x3F96];
	_ =	swait.ge [sflag:s4], $0x0  }
0x19: {  	s7 =	sld [smem:$0x3F97]  }
0x1a: {  	s8 =	sadd.s32 $0xFFFFE003, lr  }
0x1b: {  	s9 =	sadd.s32 $0xFFFFFEF7, lr;
	s5 =	simm.s32 $0xFFFFFFFF;
	p2 =	slt.u32 s8, $0xFFFFF086  }
0x1c: {  	p1 =	slt.u32 s9, $0xF7A;
	s5 =	simm.s32 @!p2 $0x0  }
0x1d: {  	s5 =	simm.s32 @p1 $0x1;
	p0 =	seq.s32 s7, s2  }
0x1e: {  	s7 =	smul.u32 @!p0 $0xF7A, s2;
	p2 =	seq.s32 @!p0 s5, $0x0  }
0x1f: {  	s9 =	smul.u32 $0xF7A, s1;
	s8 =	simm.s32 @!p0 $0x1BF5;
	p2 =	por !p2, p0  }
0x20: {  	[sflag:s8] =	ssyncset.s32 @!p0 $0xFFFFF086;
	s6 =	sadd.s32 @!p0 s3, s7;
	s7 =	simm.s32 @!p0 $0x108  }
0x21: {  	s3 =	sadd.s32 s3, s9;
	s6 =	sadd.s32 @!p0 $0x88, s6;
	s7 =	simm.s32 @p2 $0x1082  }
0x22: {  	[simem:s7], [sflag:s8] =	dma.local @!p0 [hbm:s6], $0xF7A  }
0x23: {  	s9 =	sor.u32 $0xD0000000, s2;
	s6 =	simm.s32 $0x108;
	_ =	swait.ge @!p0 [sflag:s8], $0x0  }
0x24: {  	s3 =	sadd.s32 $0x88, s3;
	s6 =	simm.s32 @!p1 $0x1082;
	[sflag:s4] =	ssyncset.s32 $0xFFFFF086  }
0x25: {  	[simem:s6], [sflag:s4] =	dma.local [hbm:s3], $0xF7A  }
0x26: {  	[smem:$0x3F97] =	sst s1;
	(tag) =	ssettag s2;
	_ =	strace s9  }
0x27: {  	s1 =	sld [smem:$0x3FA7]  }
0x28: {  	s2 =	sld [smem:$0x3FA8]  }
0x29: {  	s4 =	sld [smem:$0x3FAA]  }
0x2a: {  	p0 =	seq.s32 s5, $0x0;
	s5 =	sld [smem:$0x3FAB]  }
0x2b: {  	s6 =	sld [smem:$0x3FAC]  }
0x2c: {  	s7 =	sld [smem:$0x3FAD]  }
0x2d: {  	s3 =	simm.s32 $0x108;
	s8 =	sld [smem:$0x3FAE]  }
0x2e: {  	s3 =	simm.s32 @!p0 $0x1082;
	s9 =	sld [smem:$0x3FAF]  }
0x2f: {  	lr =	sadd.s32 s0, s3;
	s0 =	sld [smem:$0x3FA6]  }
0x30: {  	s3 =	sld [smem:$0x3FA9]  }
0x31: {  	[smem:$0x3FB2] =	sst s10  }
0x32: {  	s10 =	sld [smem:$0x3FB0];
	_ =	sdelay $0x3  }
0x33: {  	p0 =	seq.s32 s10, $0x1;
	s10 =	sld [smem:$0x3FB2];
	_ =	sdelay $0x3  }
0x34: {  	[smem:$0x3FB2] =	sst s10  }
0x35: {  	s10 =	sld [smem:$0x3FB1];
	_ =	sdelay $0x3  }
0x36: {  	p1 =	seq.s32 s10, $0x1;
	s10 =	sld [smem:$0x3FB2];
	_ =	sdelay $0x3  }
0x37: {  	[smem:$0x3FB2] =	sst s10  }
0x38: {  	s10 =	sld [smem:$0x3FB3]  }
0x39: {  	_ = 	snop;
	(pc) =	sbr.ind lr, $3  }
0x3a: {  	_ = 	snop  }
0x3b: {  	_ = 	snop  }
0x3c: {  	p2 =	seq.s32 s10, $0x1;
	s10 =	sld [smem:$0x3FB2]  }
0x3d: {  	_ =	shalt  }
0x3e: {  	_ =	shalt  }
0x3f: {  	_ =	shalt  }
0x40: {  	_ =	shalt  }
0x41: {  	_ =	shalt  }
0x42: {  	_ =	shalt  }
0x43: {  	_ =	shalt  }
0x44: {  	_ =	shalt  }
0x45: {  	_ =	shalt  }
0x46: {  	_ =	shalt  }
0x47: {  	_ =	shalt  }
0x48: {  	_ =	shalt  }
0x49: {  	_ =	shalt  }
0x4a: {  	_ =	shalt  }
0x4b: {  	_ =	shalt  }
0x4c: {  	_ =	shalt  }
0x4d: {  	_ =	shalt  }
0x4e: {  	_ =	shalt  }
0x4f: {  	_ =	shalt  }
0x50: {  	_ =	shalt  }
0x51: {  	_ =	shalt  }
0x52: {  	_ =	shalt  }
0x53: {  	_ =	shalt  }
0x54: {  	_ =	shalt  }
0x55: {  	_ =	shalt  }
0x56: {  	_ =	shalt  }
0x57: {  	_ =	shalt  }
0x58: {  	_ =	shalt  }
0x59: {  	_ =	shalt  }
0x5a: {  	_ =	shalt  }
0x5b: {  	_ =	shalt  }
0x5c: {  	_ =	shalt  }
0x5d: {  	_ =	shalt  }
0x5e: {  	_ =	shalt  }
0x5f: {  	_ =	shalt  }
0x60: {  	_ =	shalt  }
0x61: {  	_ =	shalt  }
0x62: {  	_ =	shalt  }
0x63: {  	_ =	shalt  }
0x64: {  	_ =	shalt  }
0x65: {  	_ =	shalt  }
0x66: {  	_ =	shalt  }
0x67: {  	_ =	shalt  }
0x68: {  	_ =	shalt  }
0x69: {  	_ =	shalt  }
0x6a: {  	_ =	shalt  }
0x6b: {  	_ =	shalt  }
0x6c: {  	_ =	shalt  }
0x6d: {  	_ =	shalt  }
0x6e: {  	_ =	shalt  }
0x6f: {  	_ =	shalt  }
0x70: {  	_ =	shalt  }
0x71: {  	_ =	shalt  }
0x72: {  	_ =	shalt  }
0x73: {  	_ =	shalt  }
0x74: {  	_ =	shalt  }
0x75: {  	_ =	shalt  }
0x76: {  	_ =	shalt  }
0x77: {  	_ =	shalt  }
0x78: {  	_ =	shalt  }
0x79: {  	_ =	shalt  }
0x7a: {  	_ =	shalt  }
0x7b: {  	_ =	shalt  }
0x7c: {  	_ =	shalt  }
0x7d: {  	_ =	shalt  }
0x7e: {  	_ =	shalt  }
0x7f: {  	_ =	shalt  }
0x80: {  	_ =	shalt  }
0x81: {  	_ =	shalt  }
0x82: {  	_ =	shalt  }
0x83: {  	_ =	shalt  }
0x84: {  	_ =	shalt  }
0x85: {  	_ =	shalt  }
0x86: {  	_ =	shalt  }
0x87: {  	_ =	shalt  }
.Lfunc_end0:
.L_simem_size_0:
called_computation.3_lowered:
.L_overlay_start_0:
0x88: {  	s2 =	sld [smem:$0x3FD9]  }
0x89: {  	s3 =	sld [smem:$0x3FFE];
	_ =	sdelay $0x1  }
0x8a: {  	s1 =	srdreg.scid  }
0x8b: {  	s0 =	sand.u32 $0x1, s1  }
0x8c: {  	s16 =	sshll.u32 s0, $0xA;
	s2 =	sadd.s32 s3, s2  }
0x8d: {  	s2 =	sadd.s32 s2, s16  }
0x8e: {  	[smem:$0x3FBE] =	sst s2  }
0x8f: {  	_ = 	snop  }
0x90: {  	(tm) =	ssettm $0x1  }
0x91: {  	s17 =	sld [smem:$0x3FFB];
	_ =	sdelay $0x3  }
0x92: {  	_ =	strace s17  }
0x93: {  	s2 =	sld [smem:$0x3FFC];
	_ =	sdelay $0x3  }
0x94: {  	_ =	strace s2  }
0x95: {  	s2 =	sld [smem:$0x3FFD];
	_ =	sdelay $0x3  }
0x96: {  	_ =	strace s2  }
0x97: {  	_ =	strace $0x8FFFFFFF  }
0x98: {  	s18 =	sld [smem:$0x3FDB];
	_ =	sdelay $0x1  }
0x99: {  	s19 =	simm.s32 $_scs_section_size  }
0x9a: {  	s4 =	simm.s32 $_size__tile_overlayer_lowered;
	s5 =	simm.s32 $_tile_overlayer_lowered  }
0x9b: {  	s22 =	simm.s32 $0x1BFF;
	s21 =	sshll.u32 s5, $0x1;
	s2 =	sadd.s32 s19, s18  }
0x9c: {  	s6 =	simm.s32 $0x0;
	s20 =	sshll.u32 s4, $0x1;
	s4 =	sadd.s32 s21, s2  }
0x9d: {  	[timem:s6], [sflag:s22] =	dma.local [hbm:s4], s20  }
0x9e: {  	_ =	swait.ge [sflag:s22], s20  }
0x9f: {  	s3 =	ssub.s32 $0x0, s20;
	[sflag:s22] =	ssyncset.done $0x0  }
0xa0: {  	[sflag:s22] =	ssyncadd.s32 s3;
	_ =	sdelay $0x1  }
0xa1: {  	s23 =	simm.s32 $0x1B8B  }
0xa2: {  	_ =	swait.ge [sflag:s23], $0x1  }
0xa3: {  	[sflag:s23] =	ssyncset.done $0x0  }
0xa4: {  	s25 =	simm.s32 $0x1B8E;
	s24 =	sld [smem:$0x3FFE];
	[sflag:s23] =	ssyncadd.s32 $0xFFFFFFFF  }
0xa5: {  	s26 =	simm.s32 $execute0_lowered;
	[smem:$0x3FD2] =	sst s25  }
0xa6: {  	s4 =	sshll.u32 s26, $0x1;
	_ =	strace $0x8000004F;
	[dreg:$0x1] =	wrdreg $0xFFFFFFFF  }
0xa7: {  	s28 =	simm.s32 $_size_execute0_lowered;
	s2 =	sadd.s32 s2, s4;
	[dreg:$0x0] =	wrdreg $0x0  }
0xa8: {  	s4 =	sshll.u32 s28, $0x1;
	[dreg:$0x2] =	wrdreg s2  }
0xa9: {  	[dreg:$0x3] =	wrdreg s4  }
0xaa: {  	[dreg:$0x4] =	wrdreg $0xC0  }
0xab: {  	_ =	task [dreg:s6], $0x5FFFF  }
0xac: {  	[dreg:$0x1] =	wrdreg $0xFFFFFFFF  }
0xad: {  	[dreg:$0x0] =	wrdreg $0x60  }
0xae: {  	[dreg:$0x2] =	wrdreg s24  }
0xaf: {  	[dreg:$0x3] =	wrdreg $0xB3000  }
0xb0: {  	[dreg:$0x4] =	wrdreg $0x9  }
0xb1: {  	_ =	task.clear_ibuf [dreg:s6], $0x5FFFF;
	_ =	strace $0x9000004F  }
0xb2: {  	s29 =	simm.s32 $0x9;
	_ =	strace $0x80000051  }
0xb3: {  	_ =	swait.ge [sflag:s29], $0x1  }
0xb4: {  	[sflag:s29] =	ssyncadd.s32 $0xFFFFFFFF  }
0xb5: {  	_ =	strace $0x90000051  }
0xb6: {  	_ =	sfence  }
0xb7: {  	s30 =	sld [smem:$0x0];
	_ =	sdelay $0x2  }
0xb8: {  	s31 =	sshll.u32 s1, $0xD;
	s1 =	sshrl.u32 s1, $0x2  }
0xb9: {  	s3 =	sand.u32 $0x4000, s31;
	s1 =	sadd.s32 s1, s30  }
0xba: {  	s0 =	sor.u32 s3, s0;
	s1 =	sshll.u32 s1, $0x11  }
0xbb: {  	s0 =	sor.u32 s1, s0  }
0xbc: {  	s0 =	sadd.s32 $0x8F2B, s0  }
0xbd: {  	[sflag:s0] =	ssyncadd.remote.s32 $0x1  }
0xbe: {  	_ =	sfence.sel $0xFFFF  }
0xbf: {  	[dreg:$0x0] =	wrdreg $0xFFFFFFFF;
	(pc) =	sbr.abs _section_cstart, $3  }
0xc0: {  	[dreg:$0x1] =	wrdreg $0xFFFFFFFF  }
0xc1: {  	_ =	task.clear_ibuf [dreg:s6], $0x2FFFF;
	_ =	strace $0x9FFFFFFF  }
0xc2: {  	(tm) =	ssettm $0x7FFFFFFF  }
0xc3: {  	_ =	shalt  }
tec
execute0_lowered:
.L_overlay_start_1:
0x0: {  	(tag) =	ssettag $0x1  }
0x1: {  	s0 =	srdreg.scid  }
0x2: {  	s1 =	rddreg [dreg:$0x0];
	s10 =	stileid.u32  }
0x3: {  	s2 =	rddreg [dreg:$0x1];
	s14 =	simm.s32 $0x1;
	s15 =	simm.s32 $0x2  }
0x4: {  	s16 =	simm.s32 $0x3;
	s17 =	simm.s32 $0x28;
	s18 =	simm.s32 $0x4F00  }
0x5: {  	s19 =	simm.s32 $0x6300;
	s21 =	simm.s32 $0x7700;
	s23 =	simm.s32 $0x8B00  }
0x6: {  	s28 =	simm.s32 $0x5;
	s29 =	simm.s32 $0x6;
	s30 =	simm.s32 $0x7  }
0x7: {  	s31 =	simm.s32 $0x8;
	s20 =	simm.s32 $0xB;
	s6 =	smul.u32 $0x2800, s10  }
0x8: {  	s22 =	simm.s32 $0x0;
	s0 =	sand.u32 $0x1, s0;
	s24 =	smul.u32 $0x50000, s10  }
0x9: {  	s3 =	sshll.u32 s0, $0x4;
	s7 =	smul.u32 $0x28000, s0;
	s0 =	ssub.s32 $0x2, s0  }
0xa: {  	s4 =	sor.u32 s10, s3;
	s3 =	simm.s32 $0x0;
	s8 =	sadd.s32 s6, s1  }
0xb: {  	s25 =	sshrl.u32 s0, $0x1;
	s5 =	smul.u32 $0x4E2, s4;
	[smem:$0x7FF] =	sst s3  }
0xc: {  	s4 =	sadd.s32 $0x3F200, s1;
	s6 =	sadd.s32 s6, s7;
	s0 =	ssub.s32 s0, s25  }
0xd: {  	s26 =	sadd.s32 $0x17200, s8;
	s25 =	simm.s32 $0x9F00;
	_ =	strace $0x80000050  }
0xe: {  	[dreg:$0x3] =	wrdreg s26;
	s11 =	smax.u32 s0, $0x1;
	s26 =	simm.s32 $0x4  }
0xf: {  	s0 =	simm.s32 $0xA;
	s9 =	sadd.s32 s5, s1;
	s5 =	sshrl.u32 s24, $0x2  }
0x10: {  	s1 =	sadd.s32 s6, s1;
	s6 =	sshll.u32 s10, $0x6;
	s12 =	sadd.s32 s5, s2  }
0x11: {  	s7 =	sor.u32 $0x1C01, s6;
	s8 =	sadd.s32 $0x3600, s9;
	s9 =	sadd.s32 $0xD400, s9  }
0x12: {  	s10 =	sadd.s32 $0x67200, s1;
	s1 =	simm.s32 $0x9;
	s12 =	sshrl.u32 s12, $0x3  }
.LBB2_1:
0x13: {  	s5 =	rddreg [dreg:$0x3]  }
0x14: {  	[spmem:s12], [sflag:s7] =	dma.local [hbm:s5], $0x2800  }
0x15: {  	[tilespmem:s3], [sflag:$0x2] =	stream.linear.gather [hbm4b:s8+s3], $0x2710, $0x38;
	[tilespmem:$0x1F300] =	vst v63  }
0x16: {  	s13 =	simm.s32 $0x2780  }
0x17: {  	[tilespmem:s13], [sflag:$0x3] =	stream.linear.gather [hbm4b:s9+s3], $0x2710, $0x38;
	[tilespmem:$0x1F300] =	vst v63  }
0x18: {  	_ =	swait.ge [sflag:s14], $0x2800  }
0x19: {  	[sflag:s14] =	ssyncset.done $0x0  }
0x1a: {  	[sflag:s14] =	ssyncadd.s32 $0xFFFFD800  }
0x1b: {  	_ =	swait.ge [sflag:s15], $0x2710  }
0x1c: {  	[sflag:s15] =	ssyncset.done $0x0  }
0x1d: {  	[sflag:s15] =	ssyncadd.s32 $0xFFFFD8F0  }
0x1e: {  	_ =	swait.ge [sflag:s16], $0x2710  }
0x1f: {  	[sflag:s16] =	ssyncset.done $0x0  }
0x20: {  	[sflag:s16] =	ssyncadd.s32 $0xFFFFD8F0  }
0x21: {  	[bflag:$0x0] =	sbarrier.arrive $0xFFFF  }
0x22: {  	[tilespmem:s18], [sflag:$0x1] =	stream.indirect.gather [hbm4b:s4+s17], $0x80, s3, s17, $0xb8;
	[tilespmem:$0x1F300] =	vst v63  }
0x23: {  	_ = 	snop  }
0x24: {  	[tilespmem:s19], [sflag:$0x2] =	stream.indirect.gather [hbm4b:s4+s17], $0x80, s17, s17, $0xb8;
	[tilespmem:$0x1F300] =	vst v63  }
0x25: {  	s24 =	simm.s32 $0x50  }
0x26: {  	[tilespmem:s21], [sflag:$0x3] =	stream.indirect.gather [hbm4b:s4+s17], $0x80, s24, s17, $0xb8;
	[tilespmem:$0x1F300] =	vst v63  }
0x27: {  	s13 =	simm.s32 $0x78  }
0x28: {  	[tilespmem:s23], [sflag:$0x4] =	stream.indirect.gather [hbm4b:s4+s17], $0x80, s13, s17, $0xb8;
	[tilespmem:$0x1F300] =	vst v63  }
0x29: {  	s24 =	simm.s32 $0xA0  }
0x2a: {  	[tilespmem:s25], [sflag:$0x5] =	stream.indirect.gather [hbm4b:s4+s17], $0x80, s24, s17, $0xb8;
	[tilespmem:$0x1F300] =	vst v63  }
0x2b: {  	_ =	swait.ge [sflag:s14], $0x1400  }
0x2c: {  	[sflag:s14] =	ssyncset.done $0x0  }
0x2d: {  	s13 =	simm.s32 $0x2780;
	[sflag:s14] =	ssyncadd.s32 $0xFFFFEC00  }
0x2e: {  	[spmem:s2] =	stream.indirect.scatter.add.f32 [tilespmem:s18], [sflag:$0x6], $0x80, s13, s17, $0xb8;
	[tilespmem:$0x1F300] =	vst v63  }
0x2f: {  	_ =	swait.ge [sflag:s15], $0x1400  }
0x30: {  	[sflag:s15] =	ssyncset.done $0x0  }
0x31: {  	s5 =	simm.s32 $0x27A8;
	[sflag:s15] =	ssyncadd.s32 $0xFFFFEC00  }
0x32: {  	[spmem:s2] =	stream.indirect.scatter.add.f32 [tilespmem:s19], [sflag:$0x7], $0x80, s5, s17, $0xb8;
	[tilespmem:$0x1F300] =	vst v63  }
0x33: {  	_ =	swait.ge [sflag:s16], $0x1400  }
0x34: {  	[sflag:s16] =	ssyncset.done $0x0  }
0x35: {  	s24 =	simm.s32 $0x27D0;
	[sflag:s16] =	ssyncadd.s32 $0xFFFFEC00  }
0x36: {  	[spmem:s2] =	stream.indirect.scatter.add.f32 [tilespmem:s21], [sflag:$0x8], $0x80, s24, s17, $0xb8;
	[tilespmem:$0x1F300] =	vst v63  }
0x37: {  	_ =	swait.ge [sflag:s26], $0x1400  }
0x38: {  	[sflag:s26] =	ssyncset.done $0x0  }
0x39: {  	s5 =	simm.s32 $0x27F8;
	[sflag:s26] =	ssyncadd.s32 $0xFFFFEC00  }
0x3a: {  	[spmem:s2] =	stream.indirect.scatter.add.f32 [tilespmem:s23], [sflag:$0x9], $0x80, s5, s17, $0xb8;
	[tilespmem:$0x1F300] =	vst v63  }
0x3b: {  	_ =	swait.ge [sflag:s28], $0x1400  }
0x3c: {  	[sflag:s28] =	ssyncset.done $0x0  }
0x3d: {  	s24 =	simm.s32 $0x2820;
	[sflag:s28] =	ssyncadd.s32 $0xFFFFEC00  }
0x3e: {  	[spmem:s2] =	stream.indirect.scatter.add.f32 [tilespmem:s25], [sflag:$0xA], $0x80, s24, s17, $0xb8;
	[tilespmem:$0x1F300] =	vst v63  }
0x3f: {  	_ =	swait.ge [sflag:s29], $0x1400  }
0x40: {  	[sflag:s29] =	ssyncset.done $0x0  }
0x41: {  	s5 =	simm.s32 $0xC8;
	[sflag:s29] =	ssyncadd.s32 $0xFFFFEC00  }
0x42: {  	[tilespmem:s18], [sflag:$0x1] =	stream.indirect.gather [hbm4b:s4+s17], $0x80, s5, s17, $0xb8;
	[tilespmem:$0x1F300] =	vst v63  }
0x43: {  	_ =	swait.ge [sflag:s30], $0x1400  }
0x44: {  	[sflag:s30] =	ssyncset.done $0x0  }
0x45: {  	s24 =	simm.s32 $0xF0;
	[sflag:s30] =	ssyncadd.s32 $0xFFFFEC00  }
0x46: {  	[tilespmem:s19], [sflag:$0x2] =	stream.indirect.gather [hbm4b:s4+s17], $0x80, s24, s17, $0xb8;
	[tilespmem:$0x1F300] =	vst v63  }
0x47: {  	_ =	swait.ge [sflag:s31], $0x1400  }
0x48: {  	[sflag:s31] =	ssyncset.done $0x0  }
0x49: {  	s5 =	simm.s32 $0x118;
	[sflag:s31] =	ssyncadd.s32 $0xFFFFEC00  }
0x4a: {  	[tilespmem:s21], [sflag:$0x3] =	stream.indirect.gather [hbm4b:s4+s17], $0x80, s5, s17, $0xb8;
	[tilespmem:$0x1F300] =	vst v63  }
0x4b: {  	_ =	swait.ge [sflag:s1], $0x1400  }
0x4c: {  	[sflag:s1] =	ssyncset.done $0x0  }
0x4d: {  	s24 =	simm.s32 $0x140;
	[sflag:s1] =	ssyncadd.s32 $0xFFFFEC00  }
0x4e: {  	[tilespmem:s23], [sflag:$0x4] =	stream.indirect.gather [hbm4b:s4+s17], $0x80, s24, s17, $0xb8;
	[tilespmem:$0x1F300] =	vst v63  }
0x4f: {  	_ =	swait.ge [sflag:s0], $0x1400  }
0x50: {  	[sflag:s0] =	ssyncset.done $0x0  }
0x51: {  	s13 =	simm.s32 $0x168;
	s24 =	simm.s32 $0x320;
	[sflag:s0] =	ssyncadd.s32 $0xFFFFEC00  }
.LBB2_2:
0x52: {  	[tilespmem:s25], [sflag:$0x5] =	stream.indirect.gather [hbm4b:s4+s17], $0x80, s13, s17, $0xb8;
	[tilespmem:$0x1F300] =	vst v63  }
0x53: {  	s13 =	smov.u32 s24  }
0x54: {  	p0 =	sne.s32 s24, $0x9600;
	s24 =	sadd.s32 $0x320, s24;
	_ =	swait.ge [sflag:s14], $0x1400  }
0x55: {  	s13 =	sshra.s32 s13, $0x2;
	[sflag:s14] =	ssyncset.done $0x0  }
0x56: {  	s5 =	sadd.s32 $0x2780, s13;
	[sflag:s14] =	ssyncadd.s32 $0xFFFFEC00  }
0x57: {  	[spmem:s2] =	stream.indirect.scatter.add.f32 [tilespmem:s18], [sflag:$0x6], $0x80, s5, s17, $0xb8;
	[tilespmem:$0x1F300] =	vst v63  }
0x58: {  	_ =	swait.ge [sflag:s15], $0x1400  }
0x59: {  	[sflag:s15] =	ssyncset.done $0x0  }
0x5a: {  	s5 =	sadd.s32 $0x27A8, s13;
	[sflag:s15] =	ssyncadd.s32 $0xFFFFEC00  }
0x5b: {  	[spmem:s2] =	stream.indirect.scatter.add.f32 [tilespmem:s19], [sflag:$0x7], $0x80, s5, s17, $0xb8;
	[tilespmem:$0x1F300] =	vst v63  }
0x5c: {  	_ =	swait.ge [sflag:s16], $0x1400  }
0x5d: {  	[sflag:s16] =	ssyncset.done $0x0  }
0x5e: {  	s5 =	sadd.s32 $0x27D0, s13;
	[sflag:s16] =	ssyncadd.s32 $0xFFFFEC00  }
0x5f: {  	[spmem:s2] =	stream.indirect.scatter.add.f32 [tilespmem:s21], [sflag:$0x8], $0x80, s5, s17, $0xb8;
	[tilespmem:$0x1F300] =	vst v63  }
0x60: {  	_ =	swait.ge [sflag:s26], $0x1400  }
0x61: {  	[sflag:s26] =	ssyncset.done $0x0  }
0x62: {  	s5 =	sadd.s32 $0x27F8, s13;
	[sflag:s26] =	ssyncadd.s32 $0xFFFFEC00  }
0x63: {  	[spmem:s2] =	stream.indirect.scatter.add.f32 [tilespmem:s23], [sflag:$0x9], $0x80, s5, s17, $0xb8;
	[tilespmem:$0x1F300] =	vst v63  }
0x64: {  	_ =	swait.ge [sflag:s28], $0x1400  }
0x65: {  	[sflag:s28] =	ssyncset.done $0x0  }
0x66: {  	s5 =	sadd.s32 $0x2820, s13;
	[sflag:s28] =	ssyncadd.s32 $0xFFFFEC00  }
0x67: {  	[spmem:s2] =	stream.indirect.scatter.add.f32 [tilespmem:s25], [sflag:$0xA], $0x80, s5, s17, $0xb8;
	[tilespmem:$0x1F300] =	vst v63  }
0x68: {  	_ =	swait.ge [sflag:s29], $0x1400  }
0x69: {  	[sflag:s29] =	ssyncset.done $0x0  }
0x6a: {  	s5 =	sadd.s32 $0xC8, s13;
	[sflag:s29] =	ssyncadd.s32 $0xFFFFEC00  }
0x6b: {  	[tilespmem:s18], [sflag:$0x1] =	stream.indirect.gather [hbm4b:s4+s17], $0x80, s5, s17, $0xb8;
	[tilespmem:$0x1F300] =	vst v63  }
0x6c: {  	_ =	swait.ge [sflag:s30], $0x1400  }
0x6d: {  	[sflag:s30] =	ssyncset.done $0x0  }
0x6e: {  	s5 =	sadd.s32 $0xF0, s13;
	[sflag:s30] =	ssyncadd.s32 $0xFFFFEC00  }
0x6f: {  	[tilespmem:s19], [sflag:$0x2] =	stream.indirect.gather [hbm4b:s4+s17], $0x80, s5, s17, $0xb8;
	[tilespmem:$0x1F300] =	vst v63  }
0x70: {  	_ =	swait.ge [sflag:s31], $0x1400  }
0x71: {  	[sflag:s31] =	ssyncset.done $0x0  }
0x72: {  	s5 =	sadd.s32 $0x118, s13;
	[sflag:s31] =	ssyncadd.s32 $0xFFFFEC00  }
0x73: {  	[tilespmem:s21], [sflag:$0x3] =	stream.indirect.gather [hbm4b:s4+s17], $0x80, s5, s17, $0xb8;
	[tilespmem:$0x1F300] =	vst v63  }
0x74: {  	_ =	swait.ge [sflag:s1], $0x1400  }
0x75: {  	[sflag:s1] =	ssyncset.done $0x0  }
.Ltmp0:
0x76: {  	s5 =	sadd.s32 $0x140, s13;
	[sflag:s1] =	ssyncadd.s32 $0xFFFFEC00;
	(pc) =	sbr.rel @p0 .LBB2_2-.Ltmp0, $4  }
0x77: {  	[tilespmem:s23], [sflag:$0x4] =	stream.indirect.gather [hbm4b:s4+s17], $0x80, s5, s17, $0xb8;
	[tilespmem:$0x1F300] =	vst v63  }
0x78: {  	_ =	swait.ge [sflag:s0], $0x1400  }
0x79: {  	[sflag:s0] =	ssyncset.done $0x0  }
0x7a: {  	s13 =	sadd.s32 $0x168, s13;
	[sflag:s0] =	ssyncadd.s32 $0xFFFFEC00  }
0x7b: {  	[tilespmem:s25], [sflag:$0x5] =	stream.indirect.gather [hbm4b:s4+s17], $0x80, s13, s17, $0xb8;
	[tilespmem:$0x1F300] =	vst v63  }
0x7c: {  	_ =	swait.ge [sflag:s14], $0x1400  }
0x7d: {  	[sflag:s14] =	ssyncset.done $0x0  }
0x7e: {  	s5 =	simm.s32 $0x4DC8;
	[sflag:s14] =	ssyncadd.s32 $0xFFFFEC00  }
0x7f: {  	[spmem:s2] =	stream.indirect.scatter.add.f32 [tilespmem:s18], [sflag:$0x6], $0x80, s5, s17, $0xb8;
	[tilespmem:$0x1F300] =	vst v63  }
0x80: {  	_ =	swait.ge [sflag:s15], $0x1400  }
0x81: {  	[sflag:s15] =	ssyncset.done $0x0  }
0x82: {  	s24 =	simm.s32 $0x4DF0;
	[sflag:s15] =	ssyncadd.s32 $0xFFFFEC00  }
0x83: {  	[spmem:s2] =	stream.indirect.scatter.add.f32 [tilespmem:s19], [sflag:$0x7], $0x80, s24, s17, $0xb8;
	[tilespmem:$0x1F300] =	vst v63  }
0x84: {  	_ =	swait.ge [sflag:s16], $0x1400  }
0x85: {  	[sflag:s16] =	ssyncset.done $0x0  }
0x86: {  	s13 =	simm.s32 $0x4E18;
	[sflag:s16] =	ssyncadd.s32 $0xFFFFEC00  }
0x87: {  	[spmem:s2] =	stream.indirect.scatter.add.f32 [tilespmem:s21], [sflag:$0x8], $0x80, s13, s17, $0xb8;
	[tilespmem:$0x1F300] =	vst v63  }
0x88: {  	_ =	swait.ge [sflag:s26], $0x1400  }
0x89: {  	[sflag:s26] =	ssyncset.done $0x0  }
0x8a: {  	s24 =	simm.s32 $0x4E40;
	[sflag:s26] =	ssyncadd.s32 $0xFFFFEC00  }
0x8b: {  	[spmem:s2] =	stream.indirect.scatter.add.f32 [tilespmem:s23], [sflag:$0x9], $0x80, s24, s17, $0xb8;
	[tilespmem:$0x1F300] =	vst v63  }
0x8c: {  	_ =	swait.ge [sflag:s28], $0x1400  }
0x8d: {  	[sflag:s28] =	ssyncset.done $0x0  }
0x8e: {  	s13 =	simm.s32 $0x4E68;
	[sflag:s28] =	ssyncadd.s32 $0xFFFFEC00  }
0x8f: {  	[spmem:s2] =	stream.indirect.scatter.add.f32 [tilespmem:s25], [sflag:$0xA], $0x80, s13, s17, $0xb8;
	[tilespmem:$0x1F300] =	vst v63  }
0x90: {  	_ =	swait.ge [sflag:s29], $0x1400  }
0x91: {  	[sflag:s29] =	ssyncset.done $0x0  }
0x92: {  	[sflag:s29] =	ssyncadd.s32 $0xFFFFEC00  }
0x93: {  	_ =	swait.ge [sflag:s30], $0x1400  }
0x94: {  	[sflag:s30] =	ssyncset.done $0x0  }
0x95: {  	[sflag:s30] =	ssyncadd.s32 $0xFFFFEC00  }
0x96: {  	_ =	swait.ge [sflag:s31], $0x1400  }
0x97: {  	[sflag:s31] =	ssyncset.done $0x0  }
0x98: {  	[sflag:s31] =	ssyncadd.s32 $0xFFFFEC00  }
0x99: {  	_ =	swait.ge [sflag:s1], $0x1400  }
0x9a: {  	[sflag:s1] =	ssyncset.done $0x0  }
0x9b: {  	[sflag:s1] =	ssyncadd.s32 $0xFFFFEC00  }
0x9c: {  	_ =	swait.ge [sflag:s0], $0x1400  }
0x9d: {  	s22 =	sadd.s32 $0x1, s22;
	[sflag:s0] =	ssyncset.done $0x0  }
0x9e: {  	p0 =	sne.s32 s22, s11;
	[sflag:s0] =	ssyncadd.s32 $0xFFFFEC00  }
.Ltmp1:
0x9f: {  	s24 =	sor.u32 $0x1C0B, s6;
	[bflag:$0x0] =	sbarrier.arrive $0xFFFF;
	(pc) =	sbr.rel @p0 .LBB2_1-.Ltmp1, $4  }
0xa0: {  	[hbm:s10], [sflag:s24] =	dma.local [spmem:s12], $0x2800  }
0xa1: {  	_ =	swait.ge [sflag:s20], $0x2800  }
0xa2: {  	[sflag:s20] =	ssyncset.done $0x0  }
0xa3: {  	[sflag:s20] =	ssyncadd.s32 $0xFFFFD800  }
0xa4: {  	_ =	sfence.sel $0x180000  }
0xa5: {  	[bflag:$0x0] =	sbarrier.arrive $0xFFFF  }
0xa6: {  	_ =	strace $0x90000050  }
0xa7: {  	s0 =	stileid.u32;
	[bflag:$0x2] =	sbarrier.arrive $0xFFFF  }
0xa8: {  	p0 =	sne.s32 s0, $0x0;
	s0 =	rddreg [dreg:$0x2]  }
0xa9: {  	s0 =	sadd.s32 @!p0 $0x100000, s0  }
0xaa: {  	[sflag:s0] =	ssyncadd.tile.s32 @!p0 $0x1;
	_ =	shalt  }
.Lfunc_end2:
_tile_overlayer_lowered:
.L_overlay_start_2:
0xab: {  	(tag) =	ssettag $0x2  }
0xac: {  	s0 =	rddreg [dreg:$0x0];
	s2 =	stileid.u32  }
0xad: {  	s1 =	rddreg [dreg:$0x1];
	p0 =	sne.s32 s2, $0x0  }
0xae: {  	s3 =	rddreg [dreg:$0x2];
	[bflag:$0x3] =	sbarrier.arrive $0xFFFF;
	s2 =	simm.s32 @!p0 $0x1C0B  }
0xaf: {  	[timem:s3], [sflag:s2] =	dma.local @!p0 [hbm:s0], s1  }
0xb0: {  	s0 =	simm.s32 @!p0 $0xB  }
0xb1: {  	_ =	swait.ge @!p0 [sflag:s0], s1  }
0xb2: {  	s1 =	ssub.s32 @!p0 $0x0, s1;
	[sflag:s0] =	ssyncset.done @!p0 $0x0  }
0xb3: {  	[sflag:s0] =	ssyncadd.s32 @!p0 s1  }
0xb4: {  	[bflag:$0x3] =	sbarrier.arrive $0xFFFF  }
0xb5: {  	_ =	shalt  }

// kernel: kernel.25.cloned.1.call-start
scs
__scs_entry_jumppad:
0x0: {  	(pc) =	sbr.rel $0x88, $3  }
0x1: {  	(tag) =	ssettag $0x0;
	lr =	simm.s32 $0x1  }
0x2: {  	[smem:$0x3F97] =	sst lr;
	_ =	strace $0xD0000000  }
0x3: {  	_ = 	snop  }
0x4: {  	_ = 	snop  }
0x5: {  	_ = 	snop  }
0x6: {  	_ = 	snop  }
0x7: {  	_ = 	snop  }
__scs_overlays_trampoline_lowered:
0x8: {  	[smem:$0x3FA6] =	sst s0  }
0x9: {  	[smem:$0x3FA7] =	sst s1  }
0xa: {  	[smem:$0x3FA8] =	sst s2  }
0xb: {  	[smem:$0x3FA9] =	sst s3  }
0xc: {  	[smem:$0x3FAA] =	sst s4  }
0xd: {  	[smem:$0x3FAB] =	sst s5  }
0xe: {  	[smem:$0x3FAC] =	sst s6  }
0xf: {  	[smem:$0x3FAD] =	sst s7  }
0x10: {  	[smem:$0x3FAE] =	sst s8  }
0x11: {  	[smem:$0x3FAF] =	sst s9;
	s0 =	simm.s32 @!p0 $0x0  }
0x12: {  	s1 =	sld [smem:$0x3F95];
	s0 =	simm.s32 @p0 $0x1  }
0x13: {  	[smem:$0x3FB0] =	sst s0;
	s0 =	simm.s32 @!p1 $0x0  }
0x14: {  	s2 =	sld [smem:$0x3F94];
	s0 =	simm.s32 @p1 $0x1  }
0x15: {  	[smem:$0x3FB1] =	sst s0;
	s0 =	simm.s32 @!p2 $0x0  }
0x16: {  	s3 =	sld [smem:$0x3FDB];
	s0 =	simm.s32 @p2 $0x1  }
0x17: {  	s4 =	simm.s32 $0x1BF5;
	[smem:$0x3FB3] =	sst s0  }
0x18: {  	s0 =	sld [smem:$0x3F96];
	_ =	swait.ge [sflag:s4], $0x0  }
0x19: {  	s7 =	sld [smem:$0x3F97]  }
0x1a: {  	s8 =	sadd.s32 $0xFFFFE003, lr  }
0x1b: {  	s9 =	sadd.s32 $0xFFFFFEF7, lr;
	s5 =	simm.s32 $0xFFFFFFFF;
	p2 =	slt.u32 s8, $0xFFFFF086  }
0x1c: {  	p1 =	slt.u32 s9, $0xF7A;
	s5 =	simm.s32 @!p2 $0x0  }
0x1d: {  	s5 =	simm.s32 @p1 $0x1;
	p0 =	seq.s32 s7, s2  }
0x1e: {  	s7 =	smul.u32 @!p0 $0xF7A, s2;
	p2 =	seq.s32 @!p0 s5, $0x0  }
0x1f: {  	s9 =	smul.u32 $0xF7A, s1;
	s8 =	simm.s32 @!p0 $0x1BF5;
	p2 =	por !p2, p0  }
0x20: {  	[sflag:s8] =	ssyncset.s32 @!p0 $0xFFFFF086;
	s6 =	sadd.s32 @!p0 s3, s7;
	s7 =	simm.s32 @!p0 $0x108  }
0x21: {  	s3 =	sadd.s32 s3, s9;
	s6 =	sadd.s32 @!p0 $0x88, s6;
	s7 =	simm.s32 @p2 $0x1082  }
0x22: {  	[simem:s7], [sflag:s8] =	dma.local @!p0 [hbm:s6], $0xF7A  }
0x23: {  	s9 =	sor.u32 $0xD0000000, s2;
	s6 =	simm.s32 $0x108;
	_ =	swait.ge @!p0 [sflag:s8], $0x0  }
0x24: {  	s3 =	sadd.s32 $0x88, s3;
	s6 =	simm.s32 @!p1 $0x1082;
	[sflag:s4] =	ssyncset.s32 $0xFFFFF086  }
0x25: {  	[simem:s6], [sflag:s4] =	dma.local [hbm:s3], $0xF7A  }
0x26: {  	[smem:$0x3F97] =	sst s1;
	(tag) =	ssettag s2;
	_ =	strace s9  }
0x27: {  	s1 =	sld [smem:$0x3FA7]  }
0x28: {  	s2 =	sld [smem:$0x3FA8]  }
0x29: {  	s4 =	sld [smem:$0x3FAA]  }
0x2a: {  	p0 =	seq.s32 s5, $0x0;
	s5 =	sld [smem:$0x3FAB]  }
0x2b: {  	s6 =	sld [smem:$0x3FAC]  }
0x2c: {  	s7 =	sld [smem:$0x3FAD]  }
0x2d: {  	s3 =	simm.s32 $0x108;
	s8 =	sld [smem:$0x3FAE]  }
0x2e: {  	s3 =	simm.s32 @!p0 $0x1082;
	s9 =	sld [smem:$0x3FAF]  }
0x2f: {  	lr =	sadd.s32 s0, s3;
	s0 =	sld [smem:$0x3FA6]  }
0x30: {  	s3 =	sld [smem:$0x3FA9]  }
0x31: {  	[smem:$0x3FB2] =	sst s10  }
0x32: {  	s10 =	sld [smem:$0x3FB0];
	_ =	sdelay $0x3  }
0x33: {  	p0 =	seq.s32 s10, $0x1;
	s10 =	sld [smem:$0x3FB2];
	_ =	sdelay $0x3  }
0x34: {  	[smem:$0x3FB2] =	sst s10  }
0x35: {  	s10 =	sld [smem:$0x3FB1];
	_ =	sdelay $0x3  }
0x36: {  	p1 =	seq.s32 s10, $0x1;
	s10 =	sld [smem:$0x3FB2];
	_ =	sdelay $0x3  }
0x37: {  	[smem:$0x3FB2] =	sst s10  }
0x38: {  	s10 =	sld [smem:$0x3FB3]  }
0x39: {  	_ = 	snop;
	(pc) =	sbr.ind lr, $3  }
0x3a: {  	_ = 	snop  }
0x3b: {  	_ = 	snop  }
0x3c: {  	p2 =	seq.s32 s10, $0x1;
	s10 =	sld [smem:$0x3FB2]  }
0x3d: {  	_ =	shalt  }
0x3e: {  	_ =	shalt  }
0x3f: {  	_ =	shalt  }
0x40: {  	_ =	shalt  }
0x41: {  	_ =	shalt  }
0x42: {  	_ =	shalt  }
0x43: {  	_ =	shalt  }
0x44: {  	_ =	shalt  }
0x45: {  	_ =	shalt  }
0x46: {  	_ =	shalt  }
0x47: {  	_ =	shalt  }
0x48: {  	_ =	shalt  }
0x49: {  	_ =	shalt  }
0x4a: {  	_ =	shalt  }
0x4b: {  	_ =	shalt  }
0x4c: {  	_ =	shalt  }
0x4d: {  	_ =	shalt  }
0x4e: {  	_ =	shalt  }
0x4f: {  	_ =	shalt  }
0x50: {  	_ =	shalt  }
0x51: {  	_ =	shalt  }
0x52: {  	_ =	shalt  }
0x53: {  	_ =	shalt  }
0x54: {  	_ =	shalt  }
0x55: {  	_ =	shalt  }
0x56: {  	_ =	shalt  }
0x57: {  	_ =	shalt  }
0x58: {  	_ =	shalt  }
0x59: {  	_ =	shalt  }
0x5a: {  	_ =	shalt  }
0x5b: {  	_ =	shalt  }
0x5c: {  	_ =	shalt  }
0x5d: {  	_ =	shalt  }
0x5e: {  	_ =	shalt  }
0x5f: {  	_ =	shalt  }
0x60: {  	_ =	shalt  }
0x61: {  	_ =	shalt  }
0x62: {  	_ =	shalt  }
0x63: {  	_ =	shalt  }
0x64: {  	_ =	shalt  }
0x65: {  	_ =	shalt  }
0x66: {  	_ =	shalt  }
0x67: {  	_ =	shalt  }
0x68: {  	_ =	shalt  }
0x69: {  	_ =	shalt  }
0x6a: {  	_ =	shalt  }
0x6b: {  	_ =	shalt  }
0x6c: {  	_ =	shalt  }
0x6d: {  	_ =	shalt  }
0x6e: {  	_ =	shalt  }
0x6f: {  	_ =	shalt  }
0x70: {  	_ =	shalt  }
0x71: {  	_ =	shalt  }
0x72: {  	_ =	shalt  }
0x73: {  	_ =	shalt  }
0x74: {  	_ =	shalt  }
0x75: {  	_ =	shalt  }
0x76: {  	_ =	shalt  }
0x77: {  	_ =	shalt  }
0x78: {  	_ =	shalt  }
0x79: {  	_ =	shalt  }
0x7a: {  	_ =	shalt  }
0x7b: {  	_ =	shalt  }
0x7c: {  	_ =	shalt  }
0x7d: {  	_ =	shalt  }
0x7e: {  	_ =	shalt  }
0x7f: {  	_ =	shalt  }
0x80: {  	_ =	shalt  }
0x81: {  	_ =	shalt  }
0x82: {  	_ =	shalt  }
0x83: {  	_ =	shalt  }
0x84: {  	_ =	shalt  }
0x85: {  	_ =	shalt  }
0x86: {  	_ =	shalt  }
0x87: {  	_ =	shalt  }
.Lfunc_end0:
.L_simem_size_0:
called_computation.4_lowered:
.L_overlay_start_0:
0x88: {  	s2 =	sld [smem:$0x3FD9]  }
0x89: {  	s3 =	sld [smem:$0x3FFE];
	_ =	sdelay $0x1  }
0x8a: {  	s1 =	srdreg.scid  }
0x8b: {  	s0 =	sand.u32 $0x1, s1  }
0x8c: {  	s16 =	sshll.u32 s0, $0xA;
	s2 =	sadd.s32 s3, s2  }
0x8d: {  	s2 =	sadd.s32 s2, s16  }
0x8e: {  	[smem:$0x3FBE] =	sst s2  }
0x8f: {  	_ = 	snop  }
0x90: {  	(tm) =	ssettm $0x1  }
0x91: {  	s17 =	sld [smem:$0x3FFB];
	_ =	sdelay $0x3  }
0x92: {  	_ =	strace s17  }
0x93: {  	s2 =	sld [smem:$0x3FFC];
	_ =	sdelay $0x3  }
0x94: {  	_ =	strace s2  }
0x95: {  	s2 =	sld [smem:$0x3FFD];
	_ =	sdelay $0x3  }
0x96: {  	_ =	strace s2  }
0x97: {  	_ =	strace $0x8FFFFFFF  }
0x98: {  	s18 =	sld [smem:$0x3FDB];
	_ =	sdelay $0x1  }
0x99: {  	s19 =	simm.s32 $_scs_section_size  }
0x9a: {  	s4 =	simm.s32 $_size__tile_overlayer_lowered;
	s5 =	simm.s32 $_tile_overlayer_lowered  }
0x9b: {  	s22 =	simm.s32 $0x1BFF;
	s21 =	sshll.u32 s5, $0x1;
	s2 =	sadd.s32 s19, s18  }
0x9c: {  	s6 =	simm.s32 $0x0;
	s20 =	sshll.u32 s4, $0x1;
	s4 =	sadd.s32 s21, s2  }
0x9d: {  	[timem:s6], [sflag:s22] =	dma.local [hbm:s4], s20  }
0x9e: {  	_ =	swait.ge [sflag:s22], s20  }
0x9f: {  	s3 =	ssub.s32 $0x0, s20;
	[sflag:s22] =	ssyncset.done $0x0  }
0xa0: {  	[sflag:s22] =	ssyncadd.s32 s3;
	_ =	sdelay $0x1  }
0xa1: {  	s23 =	simm.s32 $0x1B8B  }
0xa2: {  	_ =	swait.ge [sflag:s23], $0x1  }
0xa3: {  	[sflag:s23] =	ssyncset.done $0x0  }
0xa4: {  	s25 =	simm.s32 $0x1B8E;
	s24 =	sld [smem:$0x3FFE];
	[sflag:s23] =	ssyncadd.s32 $0xFFFFFFFF  }
0xa5: {  	s26 =	simm.s32 $execute0_lowered;
	[smem:$0x3FD2] =	sst s25  }
0xa6: {  	s4 =	sshll.u32 s26, $0x1;
	_ =	strace $0x80000052;
	[dreg:$0x1] =	wrdreg $0xFFFFFFFF  }
0xa7: {  	s28 =	simm.s32 $_size_execute0_lowered;
	s2 =	sadd.s32 s2, s4;
	[dreg:$0x0] =	wrdreg $0x0  }
0xa8: {  	s4 =	sshll.u32 s28, $0x1;
	[dreg:$0x2] =	wrdreg s2  }
0xa9: {  	[dreg:$0x3] =	wrdreg s4  }
0xaa: {  	[dreg:$0x4] =	wrdreg $0xC0  }
0xab: {  	_ =	task [dreg:s6], $0x5FFFF  }
0xac: {  	[dreg:$0x1] =	wrdreg $0xFFFFFFFF  }
0xad: {  	[dreg:$0x0] =	wrdreg $0x60  }
0xae: {  	[dreg:$0x2] =	wrdreg s24  }
0xaf: {  	[dreg:$0x3] =	wrdreg $0xB3000  }
0xb0: {  	[dreg:$0x4] =	wrdreg $0x9  }
0xb1: {  	_ =	task.clear_ibuf [dreg:s6], $0x5FFFF;
	_ =	strace $0x90000052  }
0xb2: {  	s29 =	simm.s32 $0x9;
	_ =	strace $0x80000054  }
0xb3: {  	_ =	swait.ge [sflag:s29], $0x1  }
0xb4: {  	[sflag:s29] =	ssyncadd.s32 $0xFFFFFFFF  }
0xb5: {  	_ =	strace $0x90000054  }
0xb6: {  	_ =	sfence  }
0xb7: {  	s30 =	sld [smem:$0x0];
	_ =	sdelay $0x2  }
0xb8: {  	s31 =	sshll.u32 s1, $0xD;
	s1 =	sshrl.u32 s1, $0x2  }
0xb9: {  	s3 =	sand.u32 $0x4000, s31;
	s1 =	sadd.s32 s1, s30  }
0xba: {  	s0 =	sor.u32 s3, s0;
	s1 =	sshll.u32 s1, $0x11  }
0xbb: {  	s0 =	sor.u32 s1, s0  }
0xbc: {  	s0 =	sadd.s32 $0x8F2B, s0  }
0xbd: {  	[sflag:s0] =	ssyncadd.remote.s32 $0x1  }
0xbe: {  	_ =	sfence.sel $0xFFFF  }
0xbf: {  	[dreg:$0x0] =	wrdreg $0xFFFFFFFF;
	(pc) =	sbr.abs _section_cstart, $3  }
0xc0: {  	[dreg:$0x1] =	wrdreg $0xFFFFFFFF  }
0xc1: {  	_ =	task.clear_ibuf [dreg:s6], $0x2FFFF;
	_ =	strace $0x9FFFFFFF  }
0xc2: {  	(tm) =	ssettm $0x7FFFFFFF  }
0xc3: {  	_ =	shalt  }
tec
execute0_lowered:
.L_overlay_start_1:
0x0: {  	(tag) =	ssettag $0x1  }
0x1: {  	s0 =	srdreg.scid  }
0x2: {  	s1 =	rddreg [dreg:$0x0];
	s10 =	stileid.u32  }
0x3: {  	s2 =	rddreg [dreg:$0x1];
	s14 =	simm.s32 $0x1;
	s15 =	simm.s32 $0x2  }
0x4: {  	s16 =	simm.s32 $0x3;
	s17 =	simm.s32 $0x28;
	s18 =	simm.s32 $0x4F00  }
0x5: {  	s19 =	simm.s32 $0x6300;
	s21 =	simm.s32 $0x7700;
	s23 =	simm.s32 $0x8B00  }
0x6: {  	s28 =	simm.s32 $0x5;
	s29 =	simm.s32 $0x6;
	s30 =	simm.s32 $0x7  }
0x7: {  	s31 =	simm.s32 $0x8;
	s20 =	simm.s32 $0xB;
	s6 =	smul.u32 $0x2800, s10  }
0x8: {  	s22 =	simm.s32 $0x0;
	s0 =	sand.u32 $0x1, s0;
	s24 =	smul.u32 $0x50000, s10  }
0x9: {  	s3 =	sshll.u32 s0, $0x4;
	s7 =	smul.u32 $0x28000, s0;
	s0 =	ssub.s32 $0x2, s0  }
0xa: {  	s4 =	sor.u32 s10, s3;
	s3 =	simm.s32 $0x0;
	s8 =	sadd.s32 s6, s1  }
0xb: {  	s25 =	sshrl.u32 s0, $0x1;
	s5 =	smul.u32 $0x4E2, s4;
	[smem:$0x7FF] =	sst s3  }
0xc: {  	s4 =	sadd.s32 $0x3F200, s1;
	s6 =	sadd.s32 s6, s7;
	s0 =	ssub.s32 s0, s25  }
0xd: {  	s26 =	sadd.s32 $0x17200, s8;
	s25 =	simm.s32 $0x9F00;
	_ =	strace $0x80000053  }
0xe: {  	[dreg:$0x3] =	wrdreg s26;
	s11 =	smax.u32 s0, $0x1;
	s26 =	simm.s32 $0x4  }
0xf: {  	s0 =	simm.s32 $0xA;
	s9 =	sadd.s32 s5, s1;
	s5 =	sshrl.u32 s24, $0x2  }
0x10: {  	s1 =	sadd.s32 s6, s1;
	s6 =	sshll.u32 s10, $0x6;
	s12 =	sadd.s32 s5, s2  }
0x11: {  	s7 =	sor.u32 $0x1C01, s6;
	s8 =	sadd.s32 $0x3600, s9;
	s9 =	sadd.s32 $0xD400, s9  }
0x12: {  	s10 =	sadd.s32 $0x67200, s1;
	s1 =	simm.s32 $0x9;
	s12 =	sshrl.u32 s12, $0x3  }
.LBB2_1:
0x13: {  	s5 =	rddreg [dreg:$0x3]  }
0x14: {  	[spmem:s12], [sflag:s7] =	dma.local [hbm:s5], $0x2800  }
0x15: {  	[tilespmem:s3], [sflag:$0x2] =	stream.linear.gather [hbm4b:s8+s3], $0x2710, $0x38;
	[tilespmem:$0x1F300] =	vst v63  }
0x16: {  	s13 =	simm.s32 $0x2780  }
0x17: {  	[tilespmem:s13], [sflag:$0x3] =	stream.linear.gather [hbm4b:s9+s3], $0x2710, $0x38;
	[tilespmem:$0x1F300] =	vst v63  }
0x18: {  	_ =	swait.ge [sflag:s14], $0x2800  }
0x19: {  	[sflag:s14] =	ssyncset.done $0x0  }
0x1a: {  	[sflag:s14] =	ssyncadd.s32 $0xFFFFD800  }
0x1b: {  	_ =	swait.ge [sflag:s15], $0x2710  }
0x1c: {  	[sflag:s15] =	ssyncset.done $0x0  }
0x1d: {  	[sflag:s15] =	ssyncadd.s32 $0xFFFFD8F0  }
0x1e: {  	_ =	swait.ge [sflag:s16], $0x2710  }
0x1f: {  	[sflag:s16] =	ssyncset.done $0x0  }
0x20: {  	[sflag:s16] =	ssyncadd.s32 $0xFFFFD8F0  }
0x21: {  	[bflag:$0x0] =	sbarrier.arrive $0xFFFF  }
0x22: {  	[tilespmem:s18], [sflag:$0x1] =	stream.indirect.gather [hbm4b:s4+s17], $0x80, s3, s17, $0xb8;
	[tilespmem:$0x1F300] =	vst v63  }
0x23: {  	_ = 	snop  }
0x24: {  	[tilespmem:s19], [sflag:$0x2] =	stream.indirect.gather [hbm4b:s4+s17], $0x80, s17, s17, $0xb8;
	[tilespmem:$0x1F300] =	vst v63  }
0x25: {  	s24 =	simm.s32 $0x50  }
0x26: {  	[tilespmem:s21], [sflag:$0x3] =	stream.indirect.gather [hbm4b:s4+s17], $0x80, s24, s17, $0xb8;
	[tilespmem:$0x1F300] =	vst v63  }
0x27: {  	s13 =	simm.s32 $0x78  }
0x28: {  	[tilespmem:s23], [sflag:$0x4] =	stream.indirect.gather [hbm4b:s4+s17], $0x80, s13, s17, $0xb8;
	[tilespmem:$0x1F300] =	vst v63  }
0x29: {  	s24 =	simm.s32 $0xA0  }
0x2a: {  	[tilespmem:s25], [sflag:$0x5] =	stream.indirect.gather [hbm4b:s4+s17], $0x80, s24, s17, $0xb8;
	[tilespmem:$0x1F300] =	vst v63  }
0x2b: {  	_ =	swait.ge [sflag:s14], $0x1400  }
0x2c: {  	[sflag:s14] =	ssyncset.done $0x0  }
0x2d: {  	s13 =	simm.s32 $0x2780;
	[sflag:s14] =	ssyncadd.s32 $0xFFFFEC00  }
0x2e: {  	[spmem:s2] =	stream.indirect.scatter.add.f32 [tilespmem:s18], [sflag:$0x6], $0x80, s13, s17, $0xb8;
	[tilespmem:$0x1F300] =	vst v63  }
0x2f: {  	_ =	swait.ge [sflag:s15], $0x1400  }
0x30: {  	[sflag:s15] =	ssyncset.done $0x0  }
0x31: {  	s5 =	simm.s32 $0x27A8;
	[sflag:s15] =	ssyncadd.s32 $0xFFFFEC00  }
0x32: {  	[spmem:s2] =	stream.indirect.scatter.add.f32 [tilespmem:s19], [sflag:$0x7], $0x80, s5, s17, $0xb8;
	[tilespmem:$0x1F300] =	vst v63  }
0x33: {  	_ =	swait.ge [sflag:s16], $0x1400  }
0x34: {  	[sflag:s16] =	ssyncset.done $0x0  }
0x35: {  	s24 =	simm.s32 $0x27D0;
	[sflag:s16] =	ssyncadd.s32 $0xFFFFEC00  }
0x36: {  	[spmem:s2] =	stream.indirect.scatter.add.f32 [tilespmem:s21], [sflag:$0x8], $0x80, s24, s17, $0xb8;
	[tilespmem:$0x1F300] =	vst v63  }
0x37: {  	_ =	swait.ge [sflag:s26], $0x1400  }
0x38: {  	[sflag:s26] =	ssyncset.done $0x0  }
0x39: {  	s5 =	simm.s32 $0x27F8;
	[sflag:s26] =	ssyncadd.s32 $0xFFFFEC00  }
0x3a: {  	[spmem:s2] =	stream.indirect.scatter.add.f32 [tilespmem:s23], [sflag:$0x9], $0x80, s5, s17, $0xb8;
	[tilespmem:$0x1F300] =	vst v63  }
0x3b: {  	_ =	swait.ge [sflag:s28], $0x1400  }
0x3c: {  	[sflag:s28] =	ssyncset.done $0x0  }
0x3d: {  	s24 =	simm.s32 $0x2820;
	[sflag:s28] =	ssyncadd.s32 $0xFFFFEC00  }
0x3e: {  	[spmem:s2] =	stream.indirect.scatter.add.f32 [tilespmem:s25], [sflag:$0xA], $0x80, s24, s17, $0xb8;
	[tilespmem:$0x1F300] =	vst v63  }
0x3f: {  	_ =	swait.ge [sflag:s29], $0x1400  }
0x40: {  	[sflag:s29] =	ssyncset.done $0x0  }
0x41: {  	s5 =	simm.s32 $0xC8;
	[sflag:s29] =	ssyncadd.s32 $0xFFFFEC00  }
0x42: {  	[tilespmem:s18], [sflag:$0x1] =	stream.indirect.gather [hbm4b:s4+s17], $0x80, s5, s17, $0xb8;
	[tilespmem:$0x1F300] =	vst v63  }
0x43: {  	_ =	swait.ge [sflag:s30], $0x1400  }
0x44: {  	[sflag:s30] =	ssyncset.done $0x0  }
0x45: {  	s24 =	simm.s32 $0xF0;
	[sflag:s30] =	ssyncadd.s32 $0xFFFFEC00  }
0x46: {  	[tilespmem:s19], [sflag:$0x2] =	stream.indirect.gather [hbm4b:s4+s17], $0x80, s24, s17, $0xb8;
	[tilespmem:$0x1F300] =	vst v63  }
0x47: {  	_ =	swait.ge [sflag:s31], $0x1400  }
0x48: {  	[sflag:s31] =	ssyncset.done $0x0  }
0x49: {  	s5 =	simm.s32 $0x118;
	[sflag:s31] =	ssyncadd.s32 $0xFFFFEC00  }
0x4a: {  	[tilespmem:s21], [sflag:$0x3] =	stream.indirect.gather [hbm4b:s4+s17], $0x80, s5, s17, $0xb8;
	[tilespmem:$0x1F300] =	vst v63  }
0x4b: {  	_ =	swait.ge [sflag:s1], $0x1400  }
0x4c: {  	[sflag:s1] =	ssyncset.done $0x0  }
0x4d: {  	s24 =	simm.s32 $0x140;
	[sflag:s1] =	ssyncadd.s32 $0xFFFFEC00  }
0x4e: {  	[tilespmem:s23], [sflag:$0x4] =	stream.indirect.gather [hbm4b:s4+s17], $0x80, s24, s17, $0xb8;
	[tilespmem:$0x1F300] =	vst v63  }
0x4f: {  	_ =	swait.ge [sflag:s0], $0x1400  }
0x50: {  	[sflag:s0] =	ssyncset.done $0x0  }
0x51: {  	s13 =	simm.s32 $0x168;
	s24 =	simm.s32 $0x320;
	[sflag:s0] =	ssyncadd.s32 $0xFFFFEC00  }
.LBB2_2:
0x52: {  	[tilespmem:s25], [sflag:$0x5] =	stream.indirect.gather [hbm4b:s4+s17], $0x80, s13, s17, $0xb8;
	[tilespmem:$0x1F300] =	vst v63  }
0x53: {  	s13 =	smov.u32 s24  }
0x54: {  	p0 =	sne.s32 s24, $0x9600;
	s24 =	sadd.s32 $0x320, s24;
	_ =	swait.ge [sflag:s14], $0x1400  }
0x55: {  	s13 =	sshra.s32 s13, $0x2;
	[sflag:s14] =	ssyncset.done $0x0  }
0x56: {  	s5 =	sadd.s32 $0x2780, s13;
	[sflag:s14] =	ssyncadd.s32 $0xFFFFEC00  }
0x57: {  	[spmem:s2] =	stream.indirect.scatter.add.f32 [tilespmem:s18], [sflag:$0x6], $0x80, s5, s17, $0xb8;
	[tilespmem:$0x1F300] =	vst v63  }
0x58: {  	_ =	swait.ge [sflag:s15], $0x1400  }
0x59: {  	[sflag:s15] =	ssyncset.done $0x0  }
0x5a: {  	s5 =	sadd.s32 $0x27A8, s13;
	[sflag:s15] =	ssyncadd.s32 $0xFFFFEC00  }
0x5b: {  	[spmem:s2] =	stream.indirect.scatter.add.f32 [tilespmem:s19], [sflag:$0x7], $0x80, s5, s17, $0xb8;
	[tilespmem:$0x1F300] =	vst v63  }
0x5c: {  	_ =	swait.ge [sflag:s16], $0x1400  }
0x5d: {  	[sflag:s16] =	ssyncset.done $0x0  }
0x5e: {  	s5 =	sadd.s32 $0x27D0, s13;
	[sflag:s16] =	ssyncadd.s32 $0xFFFFEC00  }
0x5f: {  	[spmem:s2] =	stream.indirect.scatter.add.f32 [tilespmem:s21], [sflag:$0x8], $0x80, s5, s17, $0xb8;
	[tilespmem:$0x1F300] =	vst v63  }
0x60: {  	_ =	swait.ge [sflag:s26], $0x1400  }
0x61: {  	[sflag:s26] =	ssyncset.done $0x0  }
0x62: {  	s5 =	sadd.s32 $0x27F8, s13;
	[sflag:s26] =	ssyncadd.s32 $0xFFFFEC00  }
0x63: {  	[spmem:s2] =	stream.indirect.scatter.add.f32 [tilespmem:s23], [sflag:$0x9], $0x80, s5, s17, $0xb8;
	[tilespmem:$0x1F300] =	vst v63  }
0x64: {  	_ =	swait.ge [sflag:s28], $0x1400  }
0x65: {  	[sflag:s28] =	ssyncset.done $0x0  }
0x66: {  	s5 =	sadd.s32 $0x2820, s13;
	[sflag:s28] =	ssyncadd.s32 $0xFFFFEC00  }
0x67: {  	[spmem:s2] =	stream.indirect.scatter.add.f32 [tilespmem:s25], [sflag:$0xA], $0x80, s5, s17, $0xb8;
	[tilespmem:$0x1F300] =	vst v63  }
0x68: {  	_ =	swait.ge [sflag:s29], $0x1400  }
0x69: {  	[sflag:s29] =	ssyncset.done $0x0  }
0x6a: {  	s5 =	sadd.s32 $0xC8, s13;
	[sflag:s29] =	ssyncadd.s32 $0xFFFFEC00  }
0x6b: {  	[tilespmem:s18], [sflag:$0x1] =	stream.indirect.gather [hbm4b:s4+s17], $0x80, s5, s17, $0xb8;
	[tilespmem:$0x1F300] =	vst v63  }
0x6c: {  	_ =	swait.ge [sflag:s30], $0x1400  }
0x6d: {  	[sflag:s30] =	ssyncset.done $0x0  }
0x6e: {  	s5 =	sadd.s32 $0xF0, s13;
	[sflag:s30] =	ssyncadd.s32 $0xFFFFEC00  }
0x6f: {  	[tilespmem:s19], [sflag:$0x2] =	stream.indirect.gather [hbm4b:s4+s17], $0x80, s5, s17, $0xb8;
	[tilespmem:$0x1F300] =	vst v63  }
0x70: {  	_ =	swait.ge [sflag:s31], $0x1400  }
0x71: {  	[sflag:s31] =	ssyncset.done $0x0  }
0x72: {  	s5 =	sadd.s32 $0x118, s13;
	[sflag:s31] =	ssyncadd.s32 $0xFFFFEC00  }
0x73: {  	[tilespmem:s21], [sflag:$0x3] =	stream.indirect.gather [hbm4b:s4+s17], $0x80, s5, s17, $0xb8;
	[tilespmem:$0x1F300] =	vst v63  }
0x74: {  	_ =	swait.ge [sflag:s1], $0x1400  }
0x75: {  	[sflag:s1] =	ssyncset.done $0x0  }
.Ltmp0:
0x76: {  	s5 =	sadd.s32 $0x140, s13;
	[sflag:s1] =	ssyncadd.s32 $0xFFFFEC00;
	(pc) =	sbr.rel @p0 .LBB2_2-.Ltmp0, $4  }
0x77: {  	[tilespmem:s23], [sflag:$0x4] =	stream.indirect.gather [hbm4b:s4+s17], $0x80, s5, s17, $0xb8;
	[tilespmem:$0x1F300] =	vst v63  }
0x78: {  	_ =	swait.ge [sflag:s0], $0x1400  }
0x79: {  	[sflag:s0] =	ssyncset.done $0x0  }
0x7a: {  	s13 =	sadd.s32 $0x168, s13;
	[sflag:s0] =	ssyncadd.s32 $0xFFFFEC00  }
0x7b: {  	[tilespmem:s25], [sflag:$0x5] =	stream.indirect.gather [hbm4b:s4+s17], $0x80, s13, s17, $0xb8;
	[tilespmem:$0x1F300] =	vst v63  }
0x7c: {  	_ =	swait.ge [sflag:s14], $0x1400  }
0x7d: {  	[sflag:s14] =	ssyncset.done $0x0  }
0x7e: {  	s5 =	simm.s32 $0x4DC8;
	[sflag:s14] =	ssyncadd.s32 $0xFFFFEC00  }
0x7f: {  	[spmem:s2] =	stream.indirect.scatter.add.f32 [tilespmem:s18], [sflag:$0x6], $0x80, s5, s17, $0xb8;
	[tilespmem:$0x1F300] =	vst v63  }
0x80: {  	_ =	swait.ge [sflag:s15], $0x1400  }
0x81: {  	[sflag:s15] =	ssyncset.done $0x0  }
0x82: {  	s24 =	simm.s32 $0x4DF0;
	[sflag:s15] =	ssyncadd.s32 $0xFFFFEC00  }
0x83: {  	[spmem:s2] =	stream.indirect.scatter.add.f32 [tilespmem:s19], [sflag:$0x7], $0x80, s24, s17, $0xb8;
	[tilespmem:$0x1F300] =	vst v63  }
0x84: {  	_ =	swait.ge [sflag:s16], $0x1400  }
0x85: {  	[sflag:s16] =	ssyncset.done $0x0  }
0x86: {  	s13 =	simm.s32 $0x4E18;
	[sflag:s16] =	ssyncadd.s32 $0xFFFFEC00  }
0x87: {  	[spmem:s2] =	stream.indirect.scatter.add.f32 [tilespmem:s21], [sflag:$0x8], $0x80, s13, s17, $0xb8;
	[tilespmem:$0x1F300] =	vst v63  }
0x88: {  	_ =	swait.ge [sflag:s26], $0x1400  }
0x89: {  	[sflag:s26] =	ssyncset.done $0x0  }
0x8a: {  	s24 =	simm.s32 $0x4E40;
	[sflag:s26] =	ssyncadd.s32 $0xFFFFEC00  }
0x8b: {  	[spmem:s2] =	stream.indirect.scatter.add.f32 [tilespmem:s23], [sflag:$0x9], $0x80, s24, s17, $0xb8;
	[tilespmem:$0x1F300] =	vst v63  }
0x8c: {  	_ =	swait.ge [sflag:s28], $0x1400  }
0x8d: {  	[sflag:s28] =	ssyncset.done $0x0  }
0x8e: {  	s13 =	simm.s32 $0x4E68;
	[sflag:s28] =	ssyncadd.s32 $0xFFFFEC00  }
0x8f: {  	[spmem:s2] =	stream.indirect.scatter.add.f32 [tilespmem:s25], [sflag:$0xA], $0x80, s13, s17, $0xb8;
	[tilespmem:$0x1F300] =	vst v63  }
0x90: {  	_ =	swait.ge [sflag:s29], $0x1400  }
0x91: {  	[sflag:s29] =	ssyncset.done $0x0  }
0x92: {  	[sflag:s29] =	ssyncadd.s32 $0xFFFFEC00  }
0x93: {  	_ =	swait.ge [sflag:s30], $0x1400  }
0x94: {  	[sflag:s30] =	ssyncset.done $0x0  }
0x95: {  	[sflag:s30] =	ssyncadd.s32 $0xFFFFEC00  }
0x96: {  	_ =	swait.ge [sflag:s31], $0x1400  }
0x97: {  	[sflag:s31] =	ssyncset.done $0x0  }
0x98: {  	[sflag:s31] =	ssyncadd.s32 $0xFFFFEC00  }
0x99: {  	_ =	swait.ge [sflag:s1], $0x1400  }
0x9a: {  	[sflag:s1] =	ssyncset.done $0x0  }
0x9b: {  	[sflag:s1] =	ssyncadd.s32 $0xFFFFEC00  }
0x9c: {  	_ =	swait.ge [sflag:s0], $0x1400  }
0x9d: {  	s22 =	sadd.s32 $0x1, s22;
	[sflag:s0] =	ssyncset.done $0x0  }
0x9e: {  	p0 =	sne.s32 s22, s11;
	[sflag:s0] =	ssyncadd.s32 $0xFFFFEC00  }
.Ltmp1:
0x9f: {  	s24 =	sor.u32 $0x1C0B, s6;
	[bflag:$0x0] =	sbarrier.arrive $0xFFFF;
	(pc) =	sbr.rel @p0 .LBB2_1-.Ltmp1, $4  }
0xa0: {  	[hbm:s10], [sflag:s24] =	dma.local [spmem:s12], $0x2800  }
0xa1: {  	_ =	swait.ge [sflag:s20], $0x2800  }
0xa2: {  	[sflag:s20] =	ssyncset.done $0x0  }
0xa3: {  	[sflag:s20] =	ssyncadd.s32 $0xFFFFD800  }
0xa4: {  	_ =	sfence.sel $0x180000  }
0xa5: {  	[bflag:$0x0] =	sbarrier.arrive $0xFFFF  }
0xa6: {  	_ =	strace $0x90000053  }
0xa7: {  	s0 =	stileid.u32;
	[bflag:$0x2] =	sbarrier.arrive $0xFFFF  }
0xa8: {  	p0 =	sne.s32 s0, $0x0;
	s0 =	rddreg [dreg:$0x2]  }
0xa9: {  	s0 =	sadd.s32 @!p0 $0x100000, s0  }
0xaa: {  	[sflag:s0] =	ssyncadd.tile.s32 @!p0 $0x1;
	_ =	shalt  }
.Lfunc_end2:
_tile_overlayer_lowered:
.L_overlay_start_2:
0xab: {  	(tag) =	ssettag $0x2  }
0xac: {  	s0 =	rddreg [dreg:$0x0];
	s2 =	stileid.u32  }
0xad: {  	s1 =	rddreg [dreg:$0x1];
	p0 =	sne.s32 s2, $0x0  }
0xae: {  	s3 =	rddreg [dreg:$0x2];
	[bflag:$0x3] =	sbarrier.arrive $0xFFFF;
	s2 =	simm.s32 @!p0 $0x1C0B  }
0xaf: {  	[timem:s3], [sflag:s2] =	dma.local @!p0 [hbm:s0], s1  }
0xb0: {  	s0 =	simm.s32 @!p0 $0xB  }
0xb1: {  	_ =	swait.ge @!p0 [sflag:s0], s1  }
0xb2: {  	s1 =	ssub.s32 @!p0 $0x0, s1;
	[sflag:s0] =	ssyncset.done @!p0 $0x0  }
0xb3: {  	[sflag:s0] =	ssyncadd.s32 @!p0 s1  }
0xb4: {  	[bflag:$0x3] =	sbarrier.arrive $0xFFFF  }
0xb5: {  	_ =	shalt  }

</sc_bundles>
